<compile_context>
chip_gen: v7x
topology: tpu7x:2x2x1
jax: 0.10.2.dev20260603
libtpu: 0.0.44.dev20260713+nightly
codegen_flags: <defaults>
</compile_context>

<pallas_src>
import functools

import jax
import jax.numpy as jnp
from jax import lax
from jax.experimental import pallas as pl
from jax.experimental.pallas import tpu as pltpu
from jax.experimental.pallas import tpu_sc as plsc

E = 320000
H = 128
HG = H // 16
V = 6
NT = V * V * V
NC = 2
NS = 16
NW = NC * NS
BPW = E // NW
CHUNK = 80
NCHUNK = BPW // CHUNK
GRP = CHUNK // 16
NPAIR = (NCHUNK - 1) // 2


def _sc_body(a0_hbm, a1_hbm, a2_hbm, w0_hbm, w1_hbm, w2_hbm, out_hbm,
             a0_v, a1_v, a2_v, w0_v, w1_v, w2_v, t12_v, tbl_v,
             r0, r1, sem, s1, s2, o0, o1):
    wid = lax.axis_index("s") * NC + lax.axis_index("c")
    ebase = wid * BPW

    pltpu.async_copy(a0_hbm.at[pl.ds(ebase, BPW)], a0_v, sem)
    pltpu.async_copy(a1_hbm.at[pl.ds(ebase, BPW)], a1_v, s1)
    pltpu.async_copy(a2_hbm.at[pl.ds(ebase, BPW)], a2_v, s2)
    pltpu.sync_copy(w0_hbm, w0_v)
    pltpu.sync_copy(w1_hbm, w1_v)
    pltpu.sync_copy(w2_hbm, w2_v)

    def t12_row(r, _):
        j = r // V
        k = r % V
        for c in range(HG):
            t12_v[r, pl.ds(c * 16, 16)] = (
                w1_v[j, pl.ds(c * 16, 16)] + w2_v[k, pl.ds(c * 16, 16)]
            )
        return 0

    lax.fori_loop(0, V * V, t12_row, 0)

    def tbl_row(r, _):
        i = r // (V * V)
        m = r % (V * V)
        for c in range(HG):
            tbl_v[r, pl.ds(c * 16, 16)] = (
                w0_v[i, pl.ds(c * 16, 16)] + t12_v[m, pl.ds(c * 16, 16)]
            )
        return 0

    lax.fori_loop(0, NT, tbl_row, 0)

    pltpu.make_async_copy(a0_hbm.at[pl.ds(0, BPW)], a0_v, sem).wait()
    pltpu.make_async_copy(a1_hbm.at[pl.ds(0, BPW)], a1_v, s1).wait()
    pltpu.make_async_copy(a2_hbm.at[pl.ds(0, BPW)], a2_v, s2).wait()

    def expand(k, rv):
        def group(g, _):
            b = k * CHUNK + g * 16
            idx16 = (
                a0_v[pl.ds(b, 16)] * 36
                + a1_v[pl.ds(b, 16)] * 6
                + a2_v[pl.ds(b, 16)]
            )
            e0 = g * 16
            for j in range(16):
                s = idx16[j]
                row = [tbl_v[s, pl.ds(c * 16, 16)] for c in range(HG)]
                for c in range(HG):
                    rv[e0 + j, pl.ds(c * 16, 16)] = row[c]
            return 0

        lax.fori_loop(0, GRP, group, 0)

    def out_start(k, rv, osem):
        return pltpu.async_copy(rv, out_hbm.at[pl.ds(ebase + k * CHUNK, CHUNK)], osem)

    def out_wait(rv, osem):
        pltpu.make_async_copy(rv, out_hbm.at[pl.ds(0, CHUNK)], osem).wait()

    expand(0, r0)
    out_start(0, r0, o0)

    def pair(i, _):
        a = 2 * i + 1
        b = 2 * i + 2

        @pl.when(i > 0)
        def _():
            out_wait(r1, o1)

        expand(a, r1)
        out_start(a, r1, o1)

        out_wait(r0, o0)
        expand(b, r0)
        out_start(b, r0, o0)
        return 0

    lax.fori_loop(0, NPAIR, pair, 0)
    out_wait(r1, o1)
    out_wait(r0, o0)


@functools.partial(jax.jit, donate_argnums=())
def kernel(edge_attr, W0, W1, W2):
    ea = edge_attr.astype(jnp.int32)
    a0 = ea[:, 0]
    a1 = ea[:, 1]
    a2 = ea[:, 2]

    sc = pl.kernel(
        _sc_body,
        out_type=jax.ShapeDtypeStruct((E, H), jnp.float32),
        mesh=plsc.VectorSubcoreMesh(core_axis_name="c", subcore_axis_name="s"),
        compiler_params=pltpu.CompilerParams(needs_layout_passes=False),
        scratch_types=[
            pltpu.VMEM((BPW,), jnp.int32),
            pltpu.VMEM((BPW,), jnp.int32),
            pltpu.VMEM((BPW,), jnp.int32),
            pltpu.VMEM((V, H), jnp.float32),
            pltpu.VMEM((V, H), jnp.float32),
            pltpu.VMEM((V, H), jnp.float32),
            pltpu.VMEM((V * V, H), jnp.float32),
            pltpu.VMEM((NT, H), jnp.float32),
            pltpu.VMEM((CHUNK, H), jnp.float32),
            pltpu.VMEM((CHUNK, H), jnp.float32),
            pltpu.SemaphoreType.DMA,
            pltpu.SemaphoreType.DMA,
            pltpu.SemaphoreType.DMA,
            pltpu.SemaphoreType.DMA,
            pltpu.SemaphoreType.DMA,
        ],
    )
    return sc(a0, a1, a2, W0, W1, W2)

# --- scband reference (transcript-rebuilt; emitter-appended) ---
"""Pipeline reference for scband-bond-encoder-14817637171210 (READ-ONLY COPY).

The authoritative reference and input builder live on the scoring server;
editing this copy changes nothing except your own understanding.
"""

import jax, jax.numpy as jnp
import numpy as np

E = 320000
H = 128
VOCAB = 6

def setup_inputs(seed: int = 0) -> dict:
    key = jax.random.key(seed)
    k0, k1, k2, k3 = jax.random.split(key, 4)
    edge_attr = jax.random.randint(k0, (E, 3), 0, VOCAB, dtype=jnp.int64)
    W0 = jax.random.normal(k1, (VOCAB, H), dtype=jnp.float32)
    W1 = jax.random.normal(k2, (VOCAB, H), dtype=jnp.float32)
    W2 = jax.random.normal(k3, (VOCAB, H), dtype=jnp.float32)
    return {"edge_attr": edge_attr, "W0": W0, "W1": W1, "W2": W2}

def reference(edge_attr, W0, W1, W2):
    # BondEncoder.forward: sum over 3 embedding lookups, one per edge feature column
    if edge_attr.ndim == 1:
        edge_attr = edge_attr[:, None]
    out = jnp.take(W0, edge_attr[:, 0], axis=0)
    out = out + jnp.take(W1, edge_attr[:, 1], axis=0)
    out = out + jnp.take(W2, edge_attr[:, 2], axis=0)
    return out

if __name__ == "__main__":
    import jax
    _d = setup_inputs()
    print(jax.jit(kernel)(*tuple(_d.values())))

</pallas_src>

<mosaic_0001>
#map = affine_map<(d0, d1) -> (0)>
#map1 = affine_map<(d0, d1) -> (0, 0)>
module attributes {stable_mosaic.version = 14 : i64} {
  func.func @_sc_body(%arg0: i32, %arg1: i32, %arg2: memref<320000xi32, #tpu.memory_space<hbm>>, %arg3: memref<320000xi32, #tpu.memory_space<hbm>>, %arg4: memref<320000xi32, #tpu.memory_space<hbm>>, %arg5: memref<6x128xf32, #tpu.memory_space<hbm>>, %arg6: memref<6x128xf32, #tpu.memory_space<hbm>>, %arg7: memref<6x128xf32, #tpu.memory_space<hbm>>, %arg8: memref<320000x128xf32, #tpu.memory_space<hbm>>, %arg9: memref<10000xi32, #tpu.memory_space<vmem>>, %arg10: memref<10000xi32, #tpu.memory_space<vmem>>, %arg11: memref<10000xi32, #tpu.memory_space<vmem>>, %arg12: memref<6x128xf32, #tpu.memory_space<vmem>>, %arg13: memref<6x128xf32, #tpu.memory_space<vmem>>, %arg14: memref<6x128xf32, #tpu.memory_space<vmem>>, %arg15: memref<36x128xf32, #tpu.memory_space<vmem>>, %arg16: memref<216x128xf32, #tpu.memory_space<vmem>>, %arg17: memref<80x128xf32, #tpu.memory_space<vmem>>, %arg18: memref<80x128xf32, #tpu.memory_space<vmem>>, %arg19: memref<!tpu.dma_semaphore, #tpu.memory_space<semaphore_mem>>, %arg20: memref<!tpu.dma_semaphore, #tpu.memory_space<semaphore_mem>>, %arg21: memref<!tpu.dma_semaphore, #tpu.memory_space<semaphore_mem>>, %arg22: memref<!tpu.dma_semaphore, #tpu.memory_space<semaphore_mem>>, %arg23: memref<!tpu.dma_semaphore, #tpu.memory_space<semaphore_mem>>) attributes {dimension_semantics = [#tpu.dimension_semantics<core_parallel>, #tpu.dimension_semantics<subcore_parallel>], iteration_bounds = array<i64: 2, 16>, scalar_prefetch = 0 : i64, scratch_operands = 15 : i64, tpu.core_type = #tpu.core_type<sc_vector_subcore>, window_params = [{transform_indices = #map}, {transform_indices = #map}, {transform_indices = #map}, {transform_indices = #map1}, {transform_indices = #map1}, {transform_indices = #map1}, {transform_indices = #map1}]} {
    %mul3A = arith.constant 2 : i32
    %mul3A_0 = arith.muli %arg1, %mul3A : i32
    %add3A = arith.addi %mul3A_0, %arg0 : i32
    %mul3A_1 = arith.constant 10000 : i32
    %mul3A_2 = arith.muli %add3A, %mul3A_1 : i32
    %dma_start3A = tpu.memref_slice %arg2[%mul3A_2] : memref<320000xi32, #tpu.memory_space<hbm>> -> memref<10000xi32, #tpu.memory_space<hbm>>
    %dma_start3A_3 = tpu.memref_slice %arg2[%mul3A_2] : memref<320000xi32, #tpu.memory_space<hbm>> -> memref<10000xi32, #tpu.memory_space<hbm>>
    tpu.enqueue_dma source(%dma_start3A_3 : memref<10000xi32, #tpu.memory_space<hbm>>) target(%arg9 : memref<10000xi32, #tpu.memory_space<vmem>>) target_semaphore(%arg19 : memref<!tpu.dma_semaphore, #tpu.memory_space<semaphore_mem>>)
    %dma_start3A_4 = tpu.memref_slice %arg3[%mul3A_2] : memref<320000xi32, #tpu.memory_space<hbm>> -> memref<10000xi32, #tpu.memory_space<hbm>>
    %dma_start3A_5 = tpu.memref_slice %arg3[%mul3A_2] : memref<320000xi32, #tpu.memory_space<hbm>> -> memref<10000xi32, #tpu.memory_space<hbm>>
    tpu.enqueue_dma source(%dma_start3A_5 : memref<10000xi32, #tpu.memory_space<hbm>>) target(%arg10 : memref<10000xi32, #tpu.memory_space<vmem>>) target_semaphore(%arg20 : memref<!tpu.dma_semaphore, #tpu.memory_space<semaphore_mem>>)
    %dma_start3A_6 = tpu.memref_slice %arg4[%mul3A_2] : memref<320000xi32, #tpu.memory_space<hbm>> -> memref<10000xi32, #tpu.memory_space<hbm>>
    %dma_start3A_7 = tpu.memref_slice %arg4[%mul3A_2] : memref<320000xi32, #tpu.memory_space<hbm>> -> memref<10000xi32, #tpu.memory_space<hbm>>
    tpu.enqueue_dma source(%dma_start3A_7 : memref<10000xi32, #tpu.memory_space<hbm>>) target(%arg11 : memref<10000xi32, #tpu.memory_space<vmem>>) target_semaphore(%arg21 : memref<!tpu.dma_semaphore, #tpu.memory_space<semaphore_mem>>)
    "tpu.region"() ({
      %run_scoped3A = tpu.sem_alloc : memref<!tpu.dma_semaphore, #tpu.memory_space<semaphore_mem>>
      tpu.enqueue_dma source(%arg5 : memref<6x128xf32, #tpu.memory_space<hbm>>) target(%arg12 : memref<6x128xf32, #tpu.memory_space<vmem>>) target_semaphore(%run_scoped3A : memref<!tpu.dma_semaphore, #tpu.memory_space<semaphore_mem>>)
      tpu.wait_dma2 semaphore(%run_scoped3A : memref<!tpu.dma_semaphore, #tpu.memory_space<semaphore_mem>>) src(%arg5 : memref<6x128xf32, #tpu.memory_space<hbm>>) dst(%arg12 : memref<6x128xf32, #tpu.memory_space<vmem>>)
      tpu.yield
    }) : () -> ()
    "tpu.region"() ({
      %run_scoped3A = tpu.sem_alloc : memref<!tpu.dma_semaphore, #tpu.memory_space<semaphore_mem>>
      tpu.enqueue_dma source(%arg6 : memref<6x128xf32, #tpu.memory_space<hbm>>) target(%arg13 : memref<6x128xf32, #tpu.memory_space<vmem>>) target_semaphore(%run_scoped3A : memref<!tpu.dma_semaphore, #tpu.memory_space<semaphore_mem>>)
      tpu.wait_dma2 semaphore(%run_scoped3A : memref<!tpu.dma_semaphore, #tpu.memory_space<semaphore_mem>>) src(%arg6 : memref<6x128xf32, #tpu.memory_space<hbm>>) dst(%arg13 : memref<6x128xf32, #tpu.memory_space<vmem>>)
      tpu.yield
    }) : () -> ()
    "tpu.region"() ({
      %run_scoped3A = tpu.sem_alloc : memref<!tpu.dma_semaphore, #tpu.memory_space<semaphore_mem>>
      tpu.enqueue_dma source(%arg7 : memref<6x128xf32, #tpu.memory_space<hbm>>) target(%arg14 : memref<6x128xf32, #tpu.memory_space<vmem>>) target_semaphore(%run_scoped3A : memref<!tpu.dma_semaphore, #tpu.memory_space<semaphore_mem>>)
      tpu.wait_dma2 semaphore(%run_scoped3A : memref<!tpu.dma_semaphore, #tpu.memory_space<semaphore_mem>>) src(%arg7 : memref<6x128xf32, #tpu.memory_space<hbm>>) dst(%arg14 : memref<6x128xf32, #tpu.memory_space<vmem>>)
      tpu.yield
    }) : () -> ()
    %scan3A = arith.constant 0 : i32
    %scan3A_8 = arith.constant 0 : i32
    %scan3A_9 = arith.constant 36 : i32
    %scan3A_10 = arith.addi %scan3A_8, %scan3A_9 : i32
    %scan3A_11 = arith.constant 1 : i32
    %scan3A_12 = scf.for %scan3A_64 = %scan3A_8 to %scan3A_10 step %scan3A_11 iter_args(%scan3A_65 = %scan3A) -> (i32)  : i32 {
      %jit3A = arith.constant 6 : i32
      %div3A = arith.divsi %scan3A_64, %jit3A : i32
      %sign3A = arith.constant 0 : i32
      %sign3A_66 = arith.cmpi sgt, %scan3A_64, %sign3A : i32
      %sign3A_67 = arith.extui %sign3A_66 : i1 to i32
      %sign3A_68 = arith.constant 0 : i32
      %sign3A_69 = arith.cmpi slt, %scan3A_64, %sign3A_68 : i32
      %sign3A_70 = arith.extui %sign3A_69 : i1 to i32
      %sign3A_71 = arith.subi %sign3A_67, %sign3A_70 : i32
      %sign3A_72 = arith.constant 0 : i32
      %sign3A_73 = arith.cmpi sgt, %jit3A, %sign3A_72 : i32
      %sign3A_74 = arith.extui %sign3A_73 : i1 to i32
      %sign3A_75 = arith.constant 0 : i32
      %sign3A_76 = arith.cmpi slt, %jit3A, %sign3A_75 : i32
      %sign3A_77 = arith.extui %sign3A_76 : i1 to i32
      %sign3A_78 = arith.subi %sign3A_74, %sign3A_77 : i32
      %ne3A = arith.cmpi ne, %sign3A_71, %sign3A_78 : i32
      %rem3A = arith.remsi %scan3A_64, %jit3A : i32
      %ne3A_79 = arith.constant 0 : i32
      %ne3A_80 = arith.cmpi ne, %rem3A, %ne3A_79 : i32
      %and3A = arith.andi %ne3A, %ne3A_80 : i1
      %sub3A = arith.constant 1 : i32
      %sub3A_81 = arith.subi %div3A, %sub3A : i32
      %select_n3A = arith.select %and3A, %sub3A_81, %div3A : i32
      %jit3A_82 = arith.constant 6 : i32
      %eq3A = arith.constant 0 : i32
      %eq3A_83 = arith.cmpi eq, %jit3A_82, %eq3A : i32
      %jit3A_84 = arith.constant 1 : i32
      %select_n3A_85 = arith.select %eq3A_83, %jit3A_84, %jit3A_82 : i32
      %rem3A_86 = arith.remsi %scan3A_64, %select_n3A_85 : i32
      %ne3A_87 = arith.constant 0 : i32
      %ne3A_88 = arith.cmpi ne, %rem3A_86, %ne3A_87 : i32
      %lt3A = arith.constant 0 : i32
      %lt3A_89 = arith.cmpi slt, %rem3A_86, %lt3A : i32
      %lt3A_90 = arith.constant 0 : i32
      %lt3A_91 = arith.cmpi slt, %select_n3A_85, %lt3A_90 : i32
      %ne3A_92 = arith.xori %lt3A_89, %lt3A_91 : i1
      %and3A_93 = arith.andi %ne3A_92, %ne3A_88 : i1
      %add3A_94 = arith.addi %rem3A_86, %select_n3A_85 : i32
      %select_n3A_95 = arith.select %and3A_93, %add3A_94, %rem3A_86 : i32
      %get3A = arith.index_cast %select_n3A : i32 to index
      %get3A_96 = arith.constant 0 : index
      %get3A_97 = tpu.vector_load %arg13[%get3A, %get3A_96] {strides = array<i32>} : memref<6x128xf32, #tpu.memory_space<vmem>>, vector<16xf32>,
      %get3A_98 = arith.index_cast %select_n3A_95 : i32 to index
      %get3A_99 = arith.constant 0 : index
      %get3A_100 = tpu.vector_load %arg14[%get3A_98, %get3A_99] {strides = array<i32>} : memref<6x128xf32, #tpu.memory_space<vmem>>, vector<16xf32>,
      %add3A_101 = arith.addf %get3A_97, %get3A_100 : vector<16xf32>
      %swap3A = arith.index_cast %scan3A_64 : i32 to index
      %swap3A_102 = arith.constant 0 : index
      %swap3A_103 = tpu.vector_load %arg15[%swap3A, %swap3A_102] {strides = array<i32>} : memref<36x128xf32, #tpu.memory_space<vmem>>, vector<16xf32>,
      tpu.vector_store %arg15[%swap3A, %swap3A_102], %add3A_101 {strides = array<i32>} : memref<36x128xf32, #tpu.memory_space<vmem>>, vector<16xf32>,
      %get3A_104 = arith.index_cast %select_n3A : i32 to index
      %get3A_105 = arith.constant 16 : index
      %get3A_106 = tpu.vector_load %arg13[%get3A_104, %get3A_105] {strides = array<i32>} : memref<6x128xf32, #tpu.memory_space<vmem>>, vector<16xf32>,
      %get3A_107 = arith.index_cast %select_n3A_95 : i32 to index
      %get3A_108 = arith.constant 16 : index
      %get3A_109 = tpu.vector_load %arg14[%get3A_107, %get3A_108] {strides = array<i32>} : memref<6x128xf32, #tpu.memory_space<vmem>>, vector<16xf32>,
      %add3A_110 = arith.addf %get3A_106, %get3A_109 : vector<16xf32>
      %swap3A_111 = arith.index_cast %scan3A_64 : i32 to index
      %swap3A_112 = arith.constant 16 : index
      %swap3A_113 = tpu.vector_load %arg15[%swap3A_111, %swap3A_112] {strides = array<i32>} : memref<36x128xf32, #tpu.memory_space<vmem>>, vector<16xf32>,
      tpu.vector_store %arg15[%swap3A_111, %swap3A_112], %add3A_110 {strides = array<i32>} : memref<36x128xf32, #tpu.memory_space<vmem>>, vector<16xf32>,
      %get3A_114 = arith.index_cast %select_n3A : i32 to index
      %get3A_115 = arith.constant 32 : index
      %get3A_116 = tpu.vector_load %arg13[%get3A_114, %get3A_115] {strides = array<i32>} : memref<6x128xf32, #tpu.memory_space<vmem>>, vector<16xf32>,
      %get3A_117 = arith.index_cast %select_n3A_95 : i32 to index
      %get3A_118 = arith.constant 32 : index
      %get3A_119 = tpu.vector_load %arg14[%get3A_117, %get3A_118] {strides = array<i32>} : memref<6x128xf32, #tpu.memory_space<vmem>>, vector<16xf32>,
      %add3A_120 = arith.addf %get3A_116, %get3A_119 : vector<16xf32>
      %swap3A_121 = arith.index_cast %scan3A_64 : i32 to index
      %swap3A_122 = arith.constant 32 : index
      %swap3A_123 = tpu.vector_load %arg15[%swap3A_121, %swap3A_122] {strides = array<i32>} : memref<36x128xf32, #tpu.memory_space<vmem>>, vector<16xf32>,
      tpu.vector_store %arg15[%swap3A_121, %swap3A_122], %add3A_120 {strides = array<i32>} : memref<36x128xf32, #tpu.memory_space<vmem>>, vector<16xf32>,
      %get3A_124 = arith.index_cast %select_n3A : i32 to index
      %get3A_125 = arith.constant 48 : index
      %get3A_126 = tpu.vector_load %arg13[%get3A_124, %get3A_125] {strides = array<i32>} : memref<6x128xf32, #tpu.memory_space<vmem>>, vector<16xf32>,
      %get3A_127 = arith.index_cast %select_n3A_95 : i32 to index
      %get3A_128 = arith.constant 48 : index
      %get3A_129 = tpu.vector_load %arg14[%get3A_127, %get3A_128] {strides = array<i32>} : memref<6x128xf32, #tpu.memory_space<vmem>>, vector<16xf32>,
      %add3A_130 = arith.addf %get3A_126, %get3A_129 : vector<16xf32>
      %swap3A_131 = arith.index_cast %scan3A_64 : i32 to index
      %swap3A_132 = arith.constant 48 : index
      %swap3A_133 = tpu.vector_load %arg15[%swap3A_131, %swap3A_132] {strides = array<i32>} : memref<36x128xf32, #tpu.memory_space<vmem>>, vector<16xf32>,
      tpu.vector_store %arg15[%swap3A_131, %swap3A_132], %add3A_130 {strides = array<i32>} : memref<36x128xf32, #tpu.memory_space<vmem>>, vector<16xf32>,
      %get3A_134 = arith.index_cast %select_n3A : i32 to index
      %get3A_135 = arith.constant 64 : index
      %get3A_136 = tpu.vector_load %arg13[%get3A_134, %get3A_135] {strides = array<i32>} : memref<6x128xf32, #tpu.memory_space<vmem>>, vector<16xf32>,
      %get3A_137 = arith.index_cast %select_n3A_95 : i32 to index
      %get3A_138 = arith.constant 64 : index
      %get3A_139 = tpu.vector_load %arg14[%get3A_137, %get3A_138] {strides = array<i32>} : memref<6x128xf32, #tpu.memory_space<vmem>>, vector<16xf32>,
      %add3A_140 = arith.addf %get3A_136, %get3A_139 : vector<16xf32>
      %swap3A_141 = arith.index_cast %scan3A_64 : i32 to index
      %swap3A_142 = arith.constant 64 : index
      %swap3A_143 = tpu.vector_load %arg15[%swap3A_141, %swap3A_142] {strides = array<i32>} : memref<36x128xf32, #tpu.memory_space<vmem>>, vector<16xf32>,
      tpu.vector_store %arg15[%swap3A_141, %swap3A_142], %add3A_140 {strides = array<i32>} : memref<36x128xf32, #tpu.memory_space<vmem>>, vector<16xf32>,
      %get3A_144 = arith.index_cast %select_n3A : i32 to index
      %get3A_145 = arith.constant 80 : index
      %get3A_146 = tpu.vector_load %arg13[%get3A_144, %get3A_145] {strides = array<i32>} : memref<6x128xf32, #tpu.memory_space<vmem>>, vector<16xf32>,
      %get3A_147 = arith.index_cast %select_n3A_95 : i32 to index
      %get3A_148 = arith.constant 80 : index
      %get3A_149 = tpu.vector_load %arg14[%get3A_147, %get3A_148] {strides = array<i32>} : memref<6x128xf32, #tpu.memory_space<vmem>>, vector<16xf32>,
      %add3A_150 = arith.addf %get3A_146, %get3A_149 : vector<16xf32>
      %swap3A_151 = arith.index_cast %scan3A_64 : i32 to index
      %swap3A_152 = arith.constant 80 : index
      %swap3A_153 = tpu.vector_load %arg15[%swap3A_151, %swap3A_152] {strides = array<i32>} : memref<36x128xf32, #tpu.memory_space<vmem>>, vector<16xf32>,
      tpu.vector_store %arg15[%swap3A_151, %swap3A_152], %add3A_150 {strides = array<i32>} : memref<36x128xf32, #tpu.memory_space<vmem>>, vector<16xf32>,
      %get3A_154 = arith.index_cast %select_n3A : i32 to index
      %get3A_155 = arith.constant 96 : index
      %get3A_156 = tpu.vector_load %arg13[%get3A_154, %get3A_155] {strides = array<i32>} : memref<6x128xf32, #tpu.memory_space<vmem>>, vector<16xf32>,
      %get3A_157 = arith.index_cast %select_n3A_95 : i32 to index
      %get3A_158 = arith.constant 96 : index
      %get3A_159 = tpu.vector_load %arg14[%get3A_157, %get3A_158] {strides = array<i32>} : memref<6x128xf32, #tpu.memory_space<vmem>>, vector<16xf32>,
      %add3A_160 = arith.addf %get3A_156, %get3A_159 : vector<16xf32>
      %swap3A_161 = arith.index_cast %scan3A_64 : i32 to index
      %swap3A_162 = arith.constant 96 : index
      %swap3A_163 = tpu.vector_load %arg15[%swap3A_161, %swap3A_162] {strides = array<i32>} : memref<36x128xf32, #tpu.memory_space<vmem>>, vector<16xf32>,
      tpu.vector_store %arg15[%swap3A_161, %swap3A_162], %add3A_160 {strides = array<i32>} : memref<36x128xf32, #tpu.memory_space<vmem>>, vector<16xf32>,
      %get3A_164 = arith.index_cast %select_n3A : i32 to index
      %get3A_165 = arith.constant 112 : index
      %get3A_166 = tpu.vector_load %arg13[%get3A_164, %get3A_165] {strides = array<i32>} : memref<6x128xf32, #tpu.memory_space<vmem>>, vector<16xf32>,
      %get3A_167 = arith.index_cast %select_n3A_95 : i32 to index
      %get3A_168 = arith.constant 112 : index
      %get3A_169 = tpu.vector_load %arg14[%get3A_167, %get3A_168] {strides = array<i32>} : memref<6x128xf32, #tpu.memory_space<vmem>>, vector<16xf32>,
      %add3A_170 = arith.addf %get3A_166, %get3A_169 : vector<16xf32>
      %swap3A_171 = arith.index_cast %scan3A_64 : i32 to index
      %swap3A_172 = arith.constant 112 : index
      %swap3A_173 = tpu.vector_load %arg15[%swap3A_171, %swap3A_172] {strides = array<i32>} : memref<36x128xf32, #tpu.memory_space<vmem>>, vector<16xf32>,
      tpu.vector_store %arg15[%swap3A_171, %swap3A_172], %add3A_170 {strides = array<i32>} : memref<36x128xf32, #tpu.memory_space<vmem>>, vector<16xf32>,
      %scan3A_174 = arith.constant 0 : i32
      scf.yield %scan3A_174 : i32
    }
    %scan3A_13 = arith.constant 36 : i32
    %scan3A_14 = arith.constant 0 : i32
    %scan3A_15 = arith.constant 0 : i32
    %scan3A_16 = arith.constant 216 : i32
    %scan3A_17 = arith.addi %scan3A_15, %scan3A_16 : i32
    %scan3A_18 = arith.constant 1 : i32
    %scan3A_19 = scf.for %scan3A_64 = %scan3A_15 to %scan3A_17 step %scan3A_18 iter_args(%scan3A_65 = %scan3A_14) -> (i32)  : i32 {
      %jit3A = arith.constant 36 : i32
      %div3A = arith.divsi %scan3A_64, %jit3A : i32
      %sign3A = arith.constant 0 : i32
      %sign3A_66 = arith.cmpi sgt, %scan3A_64, %sign3A : i32
      %sign3A_67 = arith.extui %sign3A_66 : i1 to i32
      %sign3A_68 = arith.constant 0 : i32
      %sign3A_69 = arith.cmpi slt, %scan3A_64, %sign3A_68 : i32
      %sign3A_70 = arith.extui %sign3A_69 : i1 to i32
      %sign3A_71 = arith.subi %sign3A_67, %sign3A_70 : i32
      %sign3A_72 = arith.constant 0 : i32
      %sign3A_73 = arith.cmpi sgt, %jit3A, %sign3A_72 : i32
      %sign3A_74 = arith.extui %sign3A_73 : i1 to i32
      %sign3A_75 = arith.constant 0 : i32
      %sign3A_76 = arith.cmpi slt, %jit3A, %sign3A_75 : i32
      %sign3A_77 = arith.extui %sign3A_76 : i1 to i32
      %sign3A_78 = arith.subi %sign3A_74, %sign3A_77 : i32
      %ne3A = arith.cmpi ne, %sign3A_71, %sign3A_78 : i32
      %rem3A = arith.remsi %scan3A_64, %jit3A : i32
      %ne3A_79 = arith.constant 0 : i32
      %ne3A_80 = arith.cmpi ne, %rem3A, %ne3A_79 : i32
      %and3A = arith.andi %ne3A, %ne3A_80 : i1
      %sub3A = arith.constant 1 : i32
      %sub3A_81 = arith.subi %div3A, %sub3A : i32
      %select_n3A = arith.select %and3A, %sub3A_81, %div3A : i32
      %jit3A_82 = arith.constant 36 : i32
      %eq3A = arith.constant 0 : i32
      %eq3A_83 = arith.cmpi eq, %jit3A_82, %eq3A : i32
      %jit3A_84 = arith.constant 1 : i32
      %select_n3A_85 = arith.select %eq3A_83, %jit3A_84, %jit3A_82 : i32
      %rem3A_86 = arith.remsi %scan3A_64, %select_n3A_85 : i32
      %ne3A_87 = arith.constant 0 : i32
      %ne3A_88 = arith.cmpi ne, %rem3A_86, %ne3A_87 : i32
      %lt3A = arith.constant 0 : i32
      %lt3A_89 = arith.cmpi slt, %rem3A_86, %lt3A : i32
      %lt3A_90 = arith.constant 0 : i32
      %lt3A_91 = arith.cmpi slt, %select_n3A_85, %lt3A_90 : i32
      %ne3A_92 = arith.xori %lt3A_89, %lt3A_91 : i1
      %and3A_93 = arith.andi %ne3A_92, %ne3A_88 : i1
      %add3A_94 = arith.addi %rem3A_86, %select_n3A_85 : i32
      %select_n3A_95 = arith.select %and3A_93, %add3A_94, %rem3A_86 : i32
      %get3A = arith.index_cast %select_n3A : i32 to index
      %get3A_96 = arith.constant 0 : index
      %get3A_97 = tpu.vector_load %arg12[%get3A, %get3A_96] {strides = array<i32>} : memref<6x128xf32, #tpu.memory_space<vmem>>, vector<16xf32>,
      %get3A_98 = arith.index_cast %select_n3A_95 : i32 to index
      %get3A_99 = arith.constant 0 : index
      %get3A_100 = tpu.vector_load %arg15[%get3A_98, %get3A_99] {strides = array<i32>} : memref<36x128xf32, #tpu.memory_space<vmem>>, vector<16xf32>,
      %add3A_101 = arith.addf %get3A_97, %get3A_100 : vector<16xf32>
      %swap3A = arith.index_cast %scan3A_64 : i32 to index
      %swap3A_102 = arith.constant 0 : index
      %swap3A_103 = tpu.vector_load %arg16[%swap3A, %swap3A_102] {strides = array<i32>} : memref<216x128xf32, #tpu.memory_space<vmem>>, vector<16xf32>,
      tpu.vector_store %arg16[%swap3A, %swap3A_102], %add3A_101 {strides = array<i32>} : memref<216x128xf32, #tpu.memory_space<vmem>>, vector<16xf32>,
      %get3A_104 = arith.index_cast %select_n3A : i32 to index
      %get3A_105 = arith.constant 16 : index
      %get3A_106 = tpu.vector_load %arg12[%get3A_104, %get3A_105] {strides = array<i32>} : memref<6x128xf32, #tpu.memory_space<vmem>>, vector<16xf32>,
      %get3A_107 = arith.index_cast %select_n3A_95 : i32 to index
      %get3A_108 = arith.constant 16 : index
      %get3A_109 = tpu.vector_load %arg15[%get3A_107, %get3A_108] {strides = array<i32>} : memref<36x128xf32, #tpu.memory_space<vmem>>, vector<16xf32>,
      %add3A_110 = arith.addf %get3A_106, %get3A_109 : vector<16xf32>
      %swap3A_111 = arith.index_cast %scan3A_64 : i32 to index
      %swap3A_112 = arith.constant 16 : index
      %swap3A_113 = tpu.vector_load %arg16[%swap3A_111, %swap3A_112] {strides = array<i32>} : memref<216x128xf32, #tpu.memory_space<vmem>>, vector<16xf32>,
      tpu.vector_store %arg16[%swap3A_111, %swap3A_112], %add3A_110 {strides = array<i32>} : memref<216x128xf32, #tpu.memory_space<vmem>>, vector<16xf32>,
      %get3A_114 = arith.index_cast %select_n3A : i32 to index
      %get3A_115 = arith.constant 32 : index
      %get3A_116 = tpu.vector_load %arg12[%get3A_114, %get3A_115] {strides = array<i32>} : memref<6x128xf32, #tpu.memory_space<vmem>>, vector<16xf32>,
      %get3A_117 = arith.index_cast %select_n3A_95 : i32 to index
      %get3A_118 = arith.constant 32 : index
      %get3A_119 = tpu.vector_load %arg15[%get3A_117, %get3A_118] {strides = array<i32>} : memref<36x128xf32, #tpu.memory_space<vmem>>, vector<16xf32>,
      %add3A_120 = arith.addf %get3A_116, %get3A_119 : vector<16xf32>
      %swap3A_121 = arith.index_cast %scan3A_64 : i32 to index
      %swap3A_122 = arith.constant 32 : index
      %swap3A_123 = tpu.vector_load %arg16[%swap3A_121, %swap3A_122] {strides = array<i32>} : memref<216x128xf32, #tpu.memory_space<vmem>>, vector<16xf32>,
      tpu.vector_store %arg16[%swap3A_121, %swap3A_122], %add3A_120 {strides = array<i32>} : memref<216x128xf32, #tpu.memory_space<vmem>>, vector<16xf32>,
      %get3A_124 = arith.index_cast %select_n3A : i32 to index
      %get3A_125 = arith.constant 48 : index
      %get3A_126 = tpu.vector_load %arg12[%get3A_124, %get3A_125] {strides = array<i32>} : memref<6x128xf32, #tpu.memory_space<vmem>>, vector<16xf32>,
      %get3A_127 = arith.index_cast %select_n3A_95 : i32 to index
      %get3A_128 = arith.constant 48 : index
      %get3A_129 = tpu.vector_load %arg15[%get3A_127, %get3A_128] {strides = array<i32>} : memref<36x128xf32, #tpu.memory_space<vmem>>, vector<16xf32>,
      %add3A_130 = arith.addf %get3A_126, %get3A_129 : vector<16xf32>
      %swap3A_131 = arith.index_cast %scan3A_64 : i32 to index
      %swap3A_132 = arith.constant 48 : index
      %swap3A_133 = tpu.vector_load %arg16[%swap3A_131, %swap3A_132] {strides = array<i32>} : memref<216x128xf32, #tpu.memory_space<vmem>>, vector<16xf32>,
      tpu.vector_store %arg16[%swap3A_131, %swap3A_132], %add3A_130 {strides = array<i32>} : memref<216x128xf32, #tpu.memory_space<vmem>>, vector<16xf32>,
      %get3A_134 = arith.index_cast %select_n3A : i32 to index
      %get3A_135 = arith.constant 64 : index
      %get3A_136 = tpu.vector_load %arg12[%get3A_134, %get3A_135] {strides = array<i32>} : memref<6x128xf32, #tpu.memory_space<vmem>>, vector<16xf32>,
      %get3A_137 = arith.index_cast %select_n3A_95 : i32 to index
      %get3A_138 = arith.constant 64 : index
      %get3A_139 = tpu.vector_load %arg15[%get3A_137, %get3A_138] {strides = array<i32>} : memref<36x128xf32, #tpu.memory_space<vmem>>, vector<16xf32>,
      %add3A_140 = arith.addf %get3A_136, %get3A_139 : vector<16xf32>
      %swap3A_141 = arith.index_cast %scan3A_64 : i32 to index
      %swap3A_142 = arith.constant 64 : index
      %swap3A_143 = tpu.vector_load %arg16[%swap3A_141, %swap3A_142] {strides = array<i32>} : memref<216x128xf32, #tpu.memory_space<vmem>>, vector<16xf32>,
      tpu.vector_store %arg16[%swap3A_141, %swap3A_142], %add3A_140 {strides = array<i32>} : memref<216x128xf32, #tpu.memory_space<vmem>>, vector<16xf32>,
      %get3A_144 = arith.index_cast %select_n3A : i32 to index
      %get3A_145 = arith.constant 80 : index
      %get3A_146 = tpu.vector_load %arg12[%get3A_144, %get3A_145] {strides = array<i32>} : memref<6x128xf32, #tpu.memory_space<vmem>>, vector<16xf32>,
      %get3A_147 = arith.index_cast %select_n3A_95 : i32 to index
      %get3A_148 = arith.constant 80 : index
      %get3A_149 = tpu.vector_load %arg15[%get3A_147, %get3A_148] {strides = array<i32>} : memref<36x128xf32, #tpu.memory_space<vmem>>, vector<16xf32>,
      %add3A_150 = arith.addf %get3A_146, %get3A_149 : vector<16xf32>
      %swap3A_151 = arith.index_cast %scan3A_64 : i32 to index
      %swap3A_152 = arith.constant 80 : index
      %swap3A_153 = tpu.vector_load %arg16[%swap3A_151, %swap3A_152] {strides = array<i32>} : memref<216x128xf32, #tpu.memory_space<vmem>>, vector<16xf32>,
      tpu.vector_store %arg16[%swap3A_151, %swap3A_152], %add3A_150 {strides = array<i32>} : memref<216x128xf32, #tpu.memory_space<vmem>>, vector<16xf32>,
      %get3A_154 = arith.index_cast %select_n3A : i32 to index
      %get3A_155 = arith.constant 96 : index
      %get3A_156 = tpu.vector_load %arg12[%get3A_154, %get3A_155] {strides = array<i32>} : memref<6x128xf32, #tpu.memory_space<vmem>>, vector<16xf32>,
      %get3A_157 = arith.index_cast %select_n3A_95 : i32 to index
      %get3A_158 = arith.constant 96 : index
      %get3A_159 = tpu.vector_load %arg15[%get3A_157, %get3A_158] {strides = array<i32>} : memref<36x128xf32, #tpu.memory_space<vmem>>, vector<16xf32>,
      %add3A_160 = arith.addf %get3A_156, %get3A_159 : vector<16xf32>
      %swap3A_161 = arith.index_cast %scan3A_64 : i32 to index
      %swap3A_162 = arith.constant 96 : index
      %swap3A_163 = tpu.vector_load %arg16[%swap3A_161, %swap3A_162] {strides = array<i32>} : memref<216x128xf32, #tpu.memory_space<vmem>>, vector<16xf32>,
      tpu.vector_store %arg16[%swap3A_161, %swap3A_162], %add3A_160 {strides = array<i32>} : memref<216x128xf32, #tpu.memory_space<vmem>>, vector<16xf32>,
      %get3A_164 = arith.index_cast %select_n3A : i32 to index
      %get3A_165 = arith.constant 112 : index
      %get3A_166 = tpu.vector_load %arg12[%get3A_164, %get3A_165] {strides = array<i32>} : memref<6x128xf32, #tpu.memory_space<vmem>>, vector<16xf32>,
      %get3A_167 = arith.index_cast %select_n3A_95 : i32 to index
      %get3A_168 = arith.constant 112 : index
      %get3A_169 = tpu.vector_load %arg15[%get3A_167, %get3A_168] {strides = array<i32>} : memref<36x128xf32, #tpu.memory_space<vmem>>, vector<16xf32>,
      %add3A_170 = arith.addf %get3A_166, %get3A_169 : vector<16xf32>
      %swap3A_171 = arith.index_cast %scan3A_64 : i32 to index
      %swap3A_172 = arith.constant 112 : index
      %swap3A_173 = tpu.vector_load %arg16[%swap3A_171, %swap3A_172] {strides = array<i32>} : memref<216x128xf32, #tpu.memory_space<vmem>>, vector<16xf32>,
      tpu.vector_store %arg16[%swap3A_171, %swap3A_172], %add3A_170 {strides = array<i32>} : memref<216x128xf32, #tpu.memory_space<vmem>>, vector<16xf32>,
      %scan3A_174 = arith.constant 0 : i32
      scf.yield %scan3A_174 : i32
    }
    %scan3A_20 = arith.constant 216 : i32
    %dma_wait3A = arith.constant 0 : i32
    %dma_wait3A_21 = tpu.memref_slice %arg2[%dma_wait3A] : memref<320000xi32, #tpu.memory_space<hbm>> -> memref<10000xi32, #tpu.memory_space<hbm>>
    %dma_wait3A_22 = arith.constant 0 : i32
    %dma_wait3A_23 = tpu.memref_slice %arg2[%dma_wait3A_22] : memref<320000xi32, #tpu.memory_space<hbm>> -> memref<10000xi32, #tpu.memory_space<hbm>>
    tpu.wait_dma2 semaphore(%arg19 : memref<!tpu.dma_semaphore, #tpu.memory_space<semaphore_mem>>) src(%dma_wait3A_23 : memref<10000xi32, #tpu.memory_space<hbm>>) dst(%arg9 : memref<10000xi32, #tpu.memory_space<vmem>>)
    %dma_wait3A_24 = arith.constant 0 : i32
    %dma_wait3A_25 = tpu.memref_slice %arg3[%dma_wait3A_24] : memref<320000xi32, #tpu.memory_space<hbm>> -> memref<10000xi32, #tpu.memory_space<hbm>>
    %dma_wait3A_26 = arith.constant 0 : i32
    %dma_wait3A_27 = tpu.memref_slice %arg3[%dma_wait3A_26] : memref<320000xi32, #tpu.memory_space<hbm>> -> memref<10000xi32, #tpu.memory_space<hbm>>
    tpu.wait_dma2 semaphore(%arg20 : memref<!tpu.dma_semaphore, #tpu.memory_space<semaphore_mem>>) src(%dma_wait3A_27 : memref<10000xi32, #tpu.memory_space<hbm>>) dst(%arg10 : memref<10000xi32, #tpu.memory_space<vmem>>)
    %dma_wait3A_28 = arith.constant 0 : i32
    %dma_wait3A_29 = tpu.memref_slice %arg4[%dma_wait3A_28] : memref<320000xi32, #tpu.memory_space<hbm>> -> memref<10000xi32, #tpu.memory_space<hbm>>
    %dma_wait3A_30 = arith.constant 0 : i32
    %dma_wait3A_31 = tpu.memref_slice %arg4[%dma_wait3A_30] : memref<320000xi32, #tpu.memory_space<hbm>> -> memref<10000xi32, #tpu.memory_space<hbm>>
    tpu.wait_dma2 semaphore(%arg21 : memref<!tpu.dma_semaphore, #tpu.memory_space<semaphore_mem>>) src(%dma_wait3A_31 : memref<10000xi32, #tpu.memory_space<hbm>>) dst(%arg11 : memref<10000xi32, #tpu.memory_space<vmem>>)
    %scan3A_32 = arith.constant 0 : i32
    %scan3A_33 = arith.constant 0 : i32
    %scan3A_34 = arith.constant 5 : i32
    %scan3A_35 = arith.addi %scan3A_33, %scan3A_34 : i32
    %scan3A_36 = arith.constant 1 : i32
    %scan3A_37 = scf.for %scan3A_64 = %scan3A_33 to %scan3A_35 step %scan3A_36 iter_args(%scan3A_65 = %scan3A_32) -> (i32)  : i32 {
      %mul3A_66 = arith.constant 16 : i32
      %mul3A_67 = arith.muli %scan3A_64, %mul3A_66 : i32
      %add3A_68 = arith.constant 0 : i32
      %add3A_69 = arith.addi %add3A_68, %mul3A_67 : i32
      %get3A = arith.index_cast %add3A_69 : i32 to index
      %get3A_70 = tpu.vector_load %arg9[%get3A] {strides = array<i32>} : memref<10000xi32, #tpu.memory_space<vmem>>, vector<16xi32>,
      %mul3A_71 = arith.constant 36 : i32
      %mul3A_72 = vector.broadcast %mul3A_71 : i32 to vector<16xi32>
      %mul3A_73 = arith.muli %get3A_70, %mul3A_72 : vector<16xi32>
      %get3A_74 = arith.index_cast %add3A_69 : i32 to index
      %get3A_75 = tpu.vector_load %arg10[%get3A_74] {strides = array<i32>} : memref<10000xi32, #tpu.memory_space<vmem>>, vector<16xi32>,
      %mul3A_76 = arith.constant 6 : i32
      %mul3A_77 = vector.broadcast %mul3A_76 : i32 to vector<16xi32>
      %mul3A_78 = arith.muli %get3A_75, %mul3A_77 : vector<16xi32>
      %add3A_79 = arith.addi %mul3A_73, %mul3A_78 : vector<16xi32>
      %get3A_80 = arith.index_cast %add3A_69 : i32 to index
      %get3A_81 = tpu.vector_load %arg11[%get3A_80] {strides = array<i32>} : memref<10000xi32, #tpu.memory_space<vmem>>, vector<16xi32>,
      %add3A_82 = arith.addi %add3A_79, %get3A_81 : vector<16xi32>
      %mul3A_83 = arith.constant 16 : i32
      %mul3A_84 = arith.muli %scan3A_64, %mul3A_83 : i32
      %slice3A = vector.extract_strided_slice %add3A_82 {offsets = [0], sizes = [1], strides = [1]} : vector<16xi32> to vector<1xi32>
      %squeeze3A = vector.extract %slice3A[0] : i32 from vector<1xi32>
      %get3A_85 = arith.index_cast %squeeze3A : i32 to index
      %get3A_86 = arith.constant 0 : index
      %get3A_87 = tpu.vector_load %arg16[%get3A_85, %get3A_86] {strides = array<i32>} : memref<216x128xf32, #tpu.memory_space<vmem>>, vector<16xf32>,
      %get3A_88 = arith.index_cast %squeeze3A : i32 to index
      %get3A_89 = arith.constant 16 : index
      %get3A_90 = tpu.vector_load %arg16[%get3A_88, %get3A_89] {strides = array<i32>} : memref<216x128xf32, #tpu.memory_space<vmem>>, vector<16xf32>,
      %get3A_91 = arith.index_cast %squeeze3A : i32 to index
      %get3A_92 = arith.constant 32 : index
      %get3A_93 = tpu.vector_load %arg16[%get3A_91, %get3A_92] {strides = array<i32>} : memref<216x128xf32, #tpu.memory_space<vmem>>, vector<16xf32>,
      %get3A_94 = arith.index_cast %squeeze3A : i32 to index
      %get3A_95 = arith.constant 48 : index
      %get3A_96 = tpu.vector_load %arg16[%get3A_94, %get3A_95] {strides = array<i32>} : memref<216x128xf32, #tpu.memory_space<vmem>>, vector<16xf32>,
      %get3A_97 = arith.index_cast %squeeze3A : i32 to index
      %get3A_98 = arith.constant 64 : index
      %get3A_99 = tpu.vector_load %arg16[%get3A_97, %get3A_98] {strides = array<i32>} : memref<216x128xf32, #tpu.memory_space<vmem>>, vector<16xf32>,
      %get3A_100 = arith.index_cast %squeeze3A : i32 to index
      %get3A_101 = arith.constant 80 : index
      %get3A_102 = tpu.vector_load %arg16[%get3A_100, %get3A_101] {strides = array<i32>} : memref<216x128xf32, #tpu.memory_space<vmem>>, vector<16xf32>,
      %get3A_103 = arith.index_cast %squeeze3A : i32 to index
      %get3A_104 = arith.constant 96 : index
      %get3A_105 = tpu.vector_load %arg16[%get3A_103, %get3A_104] {strides = array<i32>} : memref<216x128xf32, #tpu.memory_space<vmem>>, vector<16xf32>,
      %get3A_106 = arith.index_cast %squeeze3A : i32 to index
      %get3A_107 = arith.constant 112 : index
      %get3A_108 = tpu.vector_load %arg16[%get3A_106, %get3A_107] {strides = array<i32>} : memref<216x128xf32, #tpu.memory_space<vmem>>, vector<16xf32>,
      %add3A_109 = arith.constant 0 : i32
      %add3A_110 = arith.addi %mul3A_84, %add3A_109 : i32
      %swap3A = arith.index_cast %add3A_110 : i32 to index
      %swap3A_111 = arith.constant 0 : index
      %swap3A_112 = tpu.vector_load %arg17[%swap3A, %swap3A_111] {strides = array<i32>} : memref<80x128xf32, #tpu.memory_space<vmem>>, vector<16xf32>,
      tpu.vector_store %arg17[%swap3A, %swap3A_111], %get3A_87 {strides = array<i32>} : memref<80x128xf32, #tpu.memory_space<vmem>>, vector<16xf32>,
      %add3A_113 = arith.constant 0 : i32
      %add3A_114 = arith.addi %mul3A_84, %add3A_113 : i32
      %swap3A_115 = arith.index_cast %add3A_114 : i32 to index
      %swap3A_116 = arith.constant 16 : index
      %swap3A_117 = tpu.vector_load %arg17[%swap3A_115, %swap3A_116] {strides = array<i32>} : memref<80x128xf32, #tpu.memory_space<vmem>>, vector<16xf32>,
      tpu.vector_store %arg17[%swap3A_115, %swap3A_116], %get3A_90 {strides = array<i32>} : memref<80x128xf32, #tpu.memory_space<vmem>>, vector<16xf32>,
      %add3A_118 = arith.constant 0 : i32
      %add3A_119 = arith.addi %mul3A_84, %add3A_118 : i32
      %swap3A_120 = arith.index_cast %add3A_119 : i32 to index
      %swap3A_121 = arith.constant 32 : index
      %swap3A_122 = tpu.vector_load %arg17[%swap3A_120, %swap3A_121] {strides = array<i32>} : memref<80x128xf32, #tpu.memory_space<vmem>>, vector<16xf32>,
      tpu.vector_store %arg17[%swap3A_120, %swap3A_121], %get3A_93 {strides = array<i32>} : memref<80x128xf32, #tpu.memory_space<vmem>>, vector<16xf32>,
      %add3A_123 = arith.constant 0 : i32
      %add3A_124 = arith.addi %mul3A_84, %add3A_123 : i32
      %swap3A_125 = arith.index_cast %add3A_124 : i32 to index
      %swap3A_126 = arith.constant 48 : index
      %swap3A_127 = tpu.vector_load %arg17[%swap3A_125, %swap3A_126] {strides = array<i32>} : memref<80x128xf32, #tpu.memory_space<vmem>>, vector<16xf32>,
      tpu.vector_store %arg17[%swap3A_125, %swap3A_126], %get3A_96 {strides = array<i32>} : memref<80x128xf32, #tpu.memory_space<vmem>>, vector<16xf32>,
      %add3A_128 = arith.constant 0 : i32
      %add3A_129 = arith.addi %mul3A_84, %add3A_128 : i32
      %swap3A_130 = arith.index_cast %add3A_129 : i32 to index
      %swap3A_131 = arith.constant 64 : index
      %swap3A_132 = tpu.vector_load %arg17[%swap3A_130, %swap3A_131] {strides = array<i32>} : memref<80x128xf32, #tpu.memory_space<vmem>>, vector<16xf32>,
      tpu.vector_store %arg17[%swap3A_130, %swap3A_131], %get3A_99 {strides = array<i32>} : memref<80x128xf32, #tpu.memory_space<vmem>>, vector<16xf32>,
      %add3A_133 = arith.constant 0 : i32
      %add3A_134 = arith.addi %mul3A_84, %add3A_133 : i32
      %swap3A_135 = arith.index_cast %add3A_134 : i32 to index
      %swap3A_136 = arith.constant 80 : index
      %swap3A_137 = tpu.vector_load %arg17[%swap3A_135, %swap3A_136] {strides = array<i32>} : memref<80x128xf32, #tpu.memory_space<vmem>>, vector<16xf32>,
      tpu.vector_store %arg17[%swap3A_135, %swap3A_136], %get3A_102 {strides = array<i32>} : memref<80x128xf32, #tpu.memory_space<vmem>>, vector<16xf32>,
      %add3A_138 = arith.constant 0 : i32
      %add3A_139 = arith.addi %mul3A_84, %add3A_138 : i32
      %swap3A_140 = arith.index_cast %add3A_139 : i32 to index
      %swap3A_141 = arith.constant 96 : index
      %swap3A_142 = tpu.vector_load %arg17[%swap3A_140, %swap3A_141] {strides = array<i32>} : memref<80x128xf32, #tpu.memory_space<vmem>>, vector<16xf32>,
      tpu.vector_store %arg17[%swap3A_140, %swap3A_141], %get3A_105 {strides = array<i32>} : memref<80x128xf32, #tpu.memory_space<vmem>>, vector<16xf32>,
      %add3A_143 = arith.constant 0 : i32
      %add3A_144 = arith.addi %mul3A_84, %add3A_143 : i32
      %swap3A_145 = arith.index_cast %add3A_144 : i32 to index
      %swap3A_146 = arith.constant 112 : index
      %swap3A_147 = tpu.vector_load %arg17[%swap3A_145, %swap3A_146] {strides = array<i32>} : memref<80x128xf32, #tpu.memory_space<vmem>>, vector<16xf32>,
      tpu.vector_store %arg17[%swap3A_145, %swap3A_146], %get3A_108 {strides = array<i32>} : memref<80x128xf32, #tpu.memory_space<vmem>>, vector<16xf32>,
      %slice3A_148 = vector.extract_strided_slice %add3A_82 {offsets = [1], sizes = [1], strides = [1]} : vector<16xi32> to vector<1xi32>
      %squeeze3A_149 = vector.extract %slice3A_148[0] : i32 from vector<1xi32>
      %get3A_150 = arith.index_cast %squeeze3A_149 : i32 to index
      %get3A_151 = arith.constant 0 : index
      %get3A_152 = tpu.vector_load %arg16[%get3A_150, %get3A_151] {strides = array<i32>} : memref<216x128xf32, #tpu.memory_space<vmem>>, vector<16xf32>,
      %get3A_153 = arith.index_cast %squeeze3A_149 : i32 to index
      %get3A_154 = arith.constant 16 : index
      %get3A_155 = tpu.vector_load %arg16[%get3A_153, %get3A_154] {strides = array<i32>} : memref<216x128xf32, #tpu.memory_space<vmem>>, vector<16xf32>,
      %get3A_156 = arith.index_cast %squeeze3A_149 : i32 to index
      %get3A_157 = arith.constant 32 : index
      %get3A_158 = tpu.vector_load %arg16[%get3A_156, %get3A_157] {strides = array<i32>} : memref<216x128xf32, #tpu.memory_space<vmem>>, vector<16xf32>,
      %get3A_159 = arith.index_cast %squeeze3A_149 : i32 to index
      %get3A_160 = arith.constant 48 : index
      %get3A_161 = tpu.vector_load %arg16[%get3A_159, %get3A_160] {strides = array<i32>} : memref<216x128xf32, #tpu.memory_space<vmem>>, vector<16xf32>,
      %get3A_162 = arith.index_cast %squeeze3A_149 : i32 to index
      %get3A_163 = arith.constant 64 : index
      %get3A_164 = tpu.vector_load %arg16[%get3A_162, %get3A_163] {strides = array<i32>} : memref<216x128xf32, #tpu.memory_space<vmem>>, vector<16xf32>,
      %get3A_165 = arith.index_cast %squeeze3A_149 : i32 to index
      %get3A_166 = arith.constant 80 : index
      %get3A_167 = tpu.vector_load %arg16[%get3A_165, %get3A_166] {strides = array<i32>} : memref<216x128xf32, #tpu.memory_space<vmem>>, vector<16xf32>,
      %get3A_168 = arith.index_cast %squeeze3A_149 : i32 to index
      %get3A_169 = arith.constant 96 : index
      %get3A_170 = tpu.vector_load %arg16[%get3A_168, %get3A_169] {strides = array<i32>} : memref<216x128xf32, #tpu.memory_space<vmem>>, vector<16xf32>,
      %get3A_171 = arith.index_cast %squeeze3A_149 : i32 to index
      %get3A_172 = arith.constant 112 : index
      %get3A_173 = tpu.vector_load %arg16[%get3A_171, %get3A_172] {strides = array<i32>} : memref<216x128xf32, #tpu.memory_space<vmem>>, vector<16xf32>,
      %add3A_174 = arith.constant 1 : i32
      %add3A_175 = arith.addi %mul3A_84, %add3A_174 : i32
      %swap3A_176 = arith.index_cast %add3A_175 : i32 to index
      %swap3A_177 = arith.constant 0 : index
      %swap3A_178 = tpu.vector_load %arg17[%swap3A_176, %swap3A_177] {strides = array<i32>} : memref<80x128xf32, #tpu.memory_space<vmem>>, vector<16xf32>,
      tpu.vector_store %arg17[%swap3A_176, %swap3A_177], %get3A_152 {strides = array<i32>} : memref<80x128xf32, #tpu.memory_space<vmem>>, vector<16xf32>,
      %add3A_179 = arith.constant 1 : i32
      %add3A_180 = arith.addi %mul3A_84, %add3A_179 : i32
      %swap3A_181 = arith.index_cast %add3A_180 : i32 to index
      %swap3A_182 = arith.constant 16 : index
      %swap3A_183 = tpu.vector_load %arg17[%swap3A_181, %swap3A_182] {strides = array<i32>} : memref<80x128xf32, #tpu.memory_space<vmem>>, vector<16xf32>,
      tpu.vector_store %arg17[%swap3A_181, %swap3A_182], %get3A_155 {strides = array<i32>} : memref<80x128xf32, #tpu.memory_space<vmem>>, vector<16xf32>,
      %add3A_184 = arith.constant 1 : i32
      %add3A_185 = arith.addi %mul3A_84, %add3A_184 : i32
      %swap3A_186 = arith.index_cast %add3A_185 : i32 to index
      %swap3A_187 = arith.constant 32 : index
      %swap3A_188 = tpu.vector_load %arg17[%swap3A_186, %swap3A_187] {strides = array<i32>} : memref<80x128xf32, #tpu.memory_space<vmem>>, vector<16xf32>,
      tpu.vector_store %arg17[%swap3A_186, %swap3A_187], %get3A_158 {strides = array<i32>} : memref<80x128xf32, #tpu.memory_space<vmem>>, vector<16xf32>,
      %add3A_189 = arith.constant 1 : i32
      %add3A_190 = arith.addi %mul3A_84, %add3A_189 : i32
      %swap3A_191 = arith.index_cast %add3A_190 : i32 to index
      %swap3A_192 = arith.constant 48 : index
      %swap3A_193 = tpu.vector_load %arg17[%swap3A_191, %swap3A_192] {strides = array<i32>} : memref<80x128xf32, #tpu.memory_space<vmem>>, vector<16xf32>,
      tpu.vector_store %arg17[%swap3A_191, %swap3A_192], %get3A_161 {strides = array<i32>} : memref<80x128xf32, #tpu.memory_space<vmem>>, vector<16xf32>,
      %add3A_194 = arith.constant 1 : i32
      %add3A_195 = arith.addi %mul3A_84, %add3A_194 : i32
      %swap3A_196 = arith.index_cast %add3A_195 : i32 to index
      %swap3A_197 = arith.constant 64 : index
      %swap3A_198 = tpu.vector_load %arg17[%swap3A_196, %swap3A_197] {strides = array<i32>} : memref<80x128xf32, #tpu.memory_space<vmem>>, vector<16xf32>,
      tpu.vector_store %arg17[%swap3A_196, %swap3A_197], %get3A_164 {strides = array<i32>} : memref<80x128xf32, #tpu.memory_space<vmem>>, vector<16xf32>,
      %add3A_199 = arith.constant 1 : i32
      %add3A_200 = arith.addi %mul3A_84, %add3A_199 : i32
      %swap3A_201 = arith.index_cast %add3A_200 : i32 to index
      %swap3A_202 = arith.constant 80 : index
      %swap3A_203 = tpu.vector_load %arg17[%swap3A_201, %swap3A_202] {strides = array<i32>} : memref<80x128xf32, #tpu.memory_space<vmem>>, vector<16xf32>,
      tpu.vector_store %arg17[%swap3A_201, %swap3A_202], %get3A_167 {strides = array<i32>} : memref<80x128xf32, #tpu.memory_space<vmem>>, vector<16xf32>,
      %add3A_204 = arith.constant 1 : i32
      %add3A_205 = arith.addi %mul3A_84, %add3A_204 : i32
      %swap3A_206 = arith.index_cast %add3A_205 : i32 to index
      %swap3A_207 = arith.constant 96 : index
      %swap3A_208 = tpu.vector_load %arg17[%swap3A_206, %swap3A_207] {strides = array<i32>} : memref<80x128xf32, #tpu.memory_space<vmem>>, vector<16xf32>,
      tpu.vector_store %arg17[%swap3A_206, %swap3A_207], %get3A_170 {strides = array<i32>} : memref<80x128xf32, #tpu.memory_space<vmem>>, vector<16xf32>,
      %add3A_209 = arith.constant 1 : i32
      %add3A_210 = arith.addi %mul3A_84, %add3A_209 : i32
      %swap3A_211 = arith.index_cast %add3A_210 : i32 to index
      %swap3A_212 = arith.constant 112 : index
      %swap3A_213 = tpu.vector_load %arg17[%swap3A_211, %swap3A_212] {strides = array<i32>} : memref<80x128xf32, #tpu.memory_space<vmem>>, vector<16xf32>,
      tpu.vector_store %arg17[%swap3A_211, %swap3A_212], %get3A_173 {strides = array<i32>} : memref<80x128xf32, #tpu.memory_space<vmem>>, vector<16xf32>,
      %slice3A_214 = vector.extract_strided_slice %add3A_82 {offsets = [2], sizes = [1], strides = [1]} : vector<16xi32> to vector<1xi32>
      %squeeze3A_215 = vector.extract %slice3A_214[0] : i32 from vector<1xi32>
      %get3A_216 = arith.index_cast %squeeze3A_215 : i32 to index
      %get3A_217 = arith.constant 0 : index
      %get3A_218 = tpu.vector_load %arg16[%get3A_216, %get3A_217] {strides = array<i32>} : memref<216x128xf32, #tpu.memory_space<vmem>>, vector<16xf32>,
      %get3A_219 = arith.index_cast %squeeze3A_215 : i32 to index
      %get3A_220 = arith.constant 16 : index
      %get3A_221 = tpu.vector_load %arg16[%get3A_219, %get3A_220] {strides = array<i32>} : memref<216x128xf32, #tpu.memory_space<vmem>>, vector<16xf32>,
      %get3A_222 = arith.index_cast %squeeze3A_215 : i32 to index
      %get3A_223 = arith.constant 32 : index
      %get3A_224 = tpu.vector_load %arg16[%get3A_222, %get3A_223] {strides = array<i32>} : memref<216x128xf32, #tpu.memory_space<vmem>>, vector<16xf32>,
      %get3A_225 = arith.index_cast %squeeze3A_215 : i32 to index
      %get3A_226 = arith.constant 48 : index
      %get3A_227 = tpu.vector_load %arg16[%get3A_225, %get3A_226] {strides = array<i32>} : memref<216x128xf32, #tpu.memory_space<vmem>>, vector<16xf32>,
      %get3A_228 = arith.index_cast %squeeze3A_215 : i32 to index
      %get3A_229 = arith.constant 64 : index
      %get3A_230 = tpu.vector_load %arg16[%get3A_228, %get3A_229] {strides = array<i32>} : memref<216x128xf32, #tpu.memory_space<vmem>>, vector<16xf32>,
      %get3A_231 = arith.index_cast %squeeze3A_215 : i32 to index
      %get3A_232 = arith.constant 80 : index
      %get3A_233 = tpu.vector_load %arg16[%get3A_231, %get3A_232] {strides = array<i32>} : memref<216x128xf32, #tpu.memory_space<vmem>>, vector<16xf32>,
      %get3A_234 = arith.index_cast %squeeze3A_215 : i32 to index
      %get3A_235 = arith.constant 96 : index
      %get3A_236 = tpu.vector_load %arg16[%get3A_234, %get3A_235] {strides = array<i32>} : memref<216x128xf32, #tpu.memory_space<vmem>>, vector<16xf32>,
      %get3A_237 = arith.index_cast %squeeze3A_215 : i32 to index
      %get3A_238 = arith.constant 112 : index
      %get3A_239 = tpu.vector_load %arg16[%get3A_237, %get3A_238] {strides = array<i32>} : memref<216x128xf32, #tpu.memory_space<vmem>>, vector<16xf32>,
      %add3A_240 = arith.constant 2 : i32
      %add3A_241 = arith.addi %mul3A_84, %add3A_240 : i32
      %swap3A_242 = arith.index_cast %add3A_241 : i32 to index
      %swap3A_243 = arith.constant 0 : index
      %swap3A_244 = tpu.vector_load %arg17[%swap3A_242, %swap3A_243] {strides = array<i32>} : memref<80x128xf32, #tpu.memory_space<vmem>>, vector<16xf32>,
      tpu.vector_store %arg17[%swap3A_242, %swap3A_243], %get3A_218 {strides = array<i32>} : memref<80x128xf32, #tpu.memory_space<vmem>>, vector<16xf32>,
      %add3A_245 = arith.constant 2 : i32
      %add3A_246 = arith.addi %mul3A_84, %add3A_245 : i32
      %swap3A_247 = arith.index_cast %add3A_246 : i32 to index
      %swap3A_248 = arith.constant 16 : index
      %swap3A_249 = tpu.vector_load %arg17[%swap3A_247, %swap3A_248] {strides = array<i32>} : memref<80x128xf32, #tpu.memory_space<vmem>>, vector<16xf32>,
      tpu.vector_store %arg17[%swap3A_247, %swap3A_248], %get3A_221 {strides = array<i32>} : memref<80x128xf32, #tpu.memory_space<vmem>>, vector<16xf32>,
      %add3A_250 = arith.constant 2 : i32
      %add3A_251 = arith.addi %mul3A_84, %add3A_250 : i32
      %swap3A_252 = arith.index_cast %add3A_251 : i32 to index
      %swap3A_253 = arith.constant 32 : index
      %swap3A_254 = tpu.vector_load %arg17[%swap3A_252, %swap3A_253] {strides = array<i32>} : memref<80x128xf32, #tpu.memory_space<vmem>>, vector<16xf32>,
      tpu.vector_store %arg17[%swap3A_252, %swap3A_253], %get3A_224 {strides = array<i32>} : memref<80x128xf32, #tpu.memory_space<vmem>>, vector<16xf32>,
      %add3A_255 = arith.constant 2 : i32
      %add3A_256 = arith.addi %mul3A_84, %add3A_255 : i32
      %swap3A_257 = arith.index_cast %add3A_256 : i32 to index
      %swap3A_258 = arith.constant 48 : index
      %swap3A_259 = tpu.vector_load %arg17[%swap3A_257, %swap3A_258] {strides = array<i32>} : memref<80x128xf32, #tpu.memory_space<vmem>>, vector<16xf32>,
      tpu.vector_store %arg17[%swap3A_257, %swap3A_258], %get3A_227 {strides = array<i32>} : memref<80x128xf32, #tpu.memory_space<vmem>>, vector<16xf32>,
      %add3A_260 = arith.constant 2 : i32
      %add3A_261 = arith.addi %mul3A_84, %add3A_260 : i32
      %swap3A_262 = arith.index_cast %add3A_261 : i32 to index
      %swap3A_263 = arith.constant 64 : index
      %swap3A_264 = tpu.vector_load %arg17[%swap3A_262, %swap3A_263] {strides = array<i32>} : memref<80x128xf32, #tpu.memory_space<vmem>>, vector<16xf32>,
      tpu.vector_store %arg17[%swap3A_262, %swap3A_263], %get3A_230 {strides = array<i32>} : memref<80x128xf32, #tpu.memory_space<vmem>>, vector<16xf32>,
      %add3A_265 = arith.constant 2 : i32
      %add3A_266 = arith.addi %mul3A_84, %add3A_265 : i32
      %swap3A_267 = arith.index_cast %add3A_266 : i32 to index
      %swap3A_268 = arith.constant 80 : index
      %swap3A_269 = tpu.vector_load %arg17[%swap3A_267, %swap3A_268] {strides = array<i32>} : memref<80x128xf32, #tpu.memory_space<vmem>>, vector<16xf32>,
      tpu.vector_store %arg17[%swap3A_267, %swap3A_268], %get3A_233 {strides = array<i32>} : memref<80x128xf32, #tpu.memory_space<vmem>>, vector<16xf32>,
      %add3A_270 = arith.constant 2 : i32
      %add3A_271 = arith.addi %mul3A_84, %add3A_270 : i32
      %swap3A_272 = arith.index_cast %add3A_271 : i32 to index
      %swap3A_273 = arith.constant 96 : index
      %swap3A_274 = tpu.vector_load %arg17[%swap3A_272, %swap3A_273] {strides = array<i32>} : memref<80x128xf32, #tpu.memory_space<vmem>>, vector<16xf32>,
      tpu.vector_store %arg17[%swap3A_272, %swap3A_273], %get3A_236 {strides = array<i32>} : memref<80x128xf32, #tpu.memory_space<vmem>>, vector<16xf32>,
      %add3A_275 = arith.constant 2 : i32
      %add3A_276 = arith.addi %mul3A_84, %add3A_275 : i32
      %swap3A_277 = arith.index_cast %add3A_276 : i32 to index
      %swap3A_278 = arith.constant 112 : index
      %swap3A_279 = tpu.vector_load %arg17[%swap3A_277, %swap3A_278] {strides = array<i32>} : memref<80x128xf32, #tpu.memory_space<vmem>>, vector<16xf32>,
      tpu.vector_store %arg17[%swap3A_277, %swap3A_278], %get3A_239 {strides = array<i32>} : memref<80x128xf32, #tpu.memory_space<vmem>>, vector<16xf32>,
      %slice3A_280 = vector.extract_strided_slice %add3A_82 {offsets = [3], sizes = [1], strides = [1]} : vector<16xi32> to vector<1xi32>
      %squeeze3A_281 = vector.extract %slice3A_280[0] : i32 from vector<1xi32>
      %get3A_282 = arith.index_cast %squeeze3A_281 : i32 to index
      %get3A_283 = arith.constant 0 : index
      %get3A_284 = tpu.vector_load %arg16[%get3A_282, %get3A_283] {strides = array<i32>} : memref<216x128xf32, #tpu.memory_space<vmem>>, vector<16xf32>,
      %get3A_285 = arith.index_cast %squeeze3A_281 : i32 to index
      %get3A_286 = arith.constant 16 : index
      %get3A_287 = tpu.vector_load %arg16[%get3A_285, %get3A_286] {strides = array<i32>} : memref<216x128xf32, #tpu.memory_space<vmem>>, vector<16xf32>,
      %get3A_288 = arith.index_cast %squeeze3A_281 : i32 to index
      %get3A_289 = arith.constant 32 : index
      %get3A_290 = tpu.vector_load %arg16[%get3A_288, %get3A_289] {strides = array<i32>} : memref<216x128xf32, #tpu.memory_space<vmem>>, vector<16xf32>,
      %get3A_291 = arith.index_cast %squeeze3A_281 : i32 to index
      %get3A_292 = arith.constant 48 : index
      %get3A_293 = tpu.vector_load %arg16[%get3A_291, %get3A_292] {strides = array<i32>} : memref<216x128xf32, #tpu.memory_space<vmem>>, vector<16xf32>,
      %get3A_294 = arith.index_cast %squeeze3A_281 : i32 to index
      %get3A_295 = arith.constant 64 : index
      %get3A_296 = tpu.vector_load %arg16[%get3A_294, %get3A_295] {strides = array<i32>} : memref<216x128xf32, #tpu.memory_space<vmem>>, vector<16xf32>,
      %get3A_297 = arith.index_cast %squeeze3A_281 : i32 to index
      %get3A_298 = arith.constant 80 : index
      %get3A_299 = tpu.vector_load %arg16[%get3A_297, %get3A_298] {strides = array<i32>} : memref<216x128xf32, #tpu.memory_space<vmem>>, vector<16xf32>,
      %get3A_300 = arith.index_cast %squeeze3A_281 : i32 to index
      %get3A_301 = arith.constant 96 : index
      %get3A_302 = tpu.vector_load %arg16[%get3A_300, %get3A_301] {strides = array<i32>} : memref<216x128xf32, #tpu.memory_space<vmem>>, vector<16xf32>,
      %get3A_303 = arith.index_cast %squeeze3A_281 : i32 to index
      %get3A_304 = arith.constant 112 : index
      %get3A_305 = tpu.vector_load %arg16[%get3A_303, %get3A_304] {strides = array<i32>} : memref<216x128xf32, #tpu.memory_space<vmem>>, vector<16xf32>,
      %add3A_306 = arith.constant 3 : i32
      %add3A_307 = arith.addi %mul3A_84, %add3A_306 : i32
      %swap3A_308 = arith.index_cast %add3A_307 : i32 to index
      %swap3A_309 = arith.constant 0 : index
      %swap3A_310 = tpu.vector_load %arg17[%swap3A_308, %swap3A_309] {strides = array<i32>} : memref<80x128xf32, #tpu.memory_space<vmem>>, vector<16xf32>,
      tpu.vector_store %arg17[%swap3A_308, %swap3A_309], %get3A_284 {strides = array<i32>} : memref<80x128xf32, #tpu.memory_space<vmem>>, vector<16xf32>,
      %add3A_311 = arith.constant 3 : i32
      %add3A_312 = arith.addi %mul3A_84, %add3A_311 : i32
      %swap3A_313 = arith.index_cast %add3A_312 : i32 to index
      %swap3A_314 = arith.constant 16 : index
      %swap3A_315 = tpu.vector_load %arg17[%swap3A_313, %swap3A_314] {strides = array<i32>} : memref<80x128xf32, #tpu.memory_space<vmem>>, vector<16xf32>,
      tpu.vector_store %arg17[%swap3A_313, %swap3A_314], %get3A_287 {strides = array<i32>} : memref<80x128xf32, #tpu.memory_space<vmem>>, vector<16xf32>,
      %add3A_316 = arith.constant 3 : i32
      %add3A_317 = arith.addi %mul3A_84, %add3A_316 : i32
      %swap3A_318 = arith.index_cast %add3A_317 : i32 to index
      %swap3A_319 = arith.constant 32 : index
      %swap3A_320 = tpu.vector_load %arg17[%swap3A_318, %swap3A_319] {strides = array<i32>} : memref<80x128xf32, #tpu.memory_space<vmem>>, vector<16xf32>,
      tpu.vector_store %arg17[%swap3A_318, %swap3A_319], %get3A_290 {strides = array<i32>} : memref<80x128xf32, #tpu.memory_space<vmem>>, vector<16xf32>,
      %add3A_321 = arith.constant 3 : i32
      %add3A_322 = arith.addi %mul3A_84, %add3A_321 : i32
      %swap3A_323 = arith.index_cast %add3A_322 : i32 to index
      %swap3A_324 = arith.constant 48 : index
      %swap3A_325 = tpu.vector_load %arg17[%swap3A_323, %swap3A_324] {strides = array<i32>} : memref<80x128xf32, #tpu.memory_space<vmem>>, vector<16xf32>,
      tpu.vector_store %arg17[%swap3A_323, %swap3A_324], %get3A_293 {strides = array<i32>} : memref<80x128xf32, #tpu.memory_space<vmem>>, vector<16xf32>,
      %add3A_326 = arith.constant 3 : i32
      %add3A_327 = arith.addi %mul3A_84, %add3A_326 : i32
      %swap3A_328 = arith.index_cast %add3A_327 : i32 to index
      %swap3A_329 = arith.constant 64 : index
      %swap3A_330 = tpu.vector_load %arg17[%swap3A_328, %swap3A_329] {strides = array<i32>} : memref<80x128xf32, #tpu.memory_space<vmem>>, vector<16xf32>,
      tpu.vector_store %arg17[%swap3A_328, %swap3A_329], %get3A_296 {strides = array<i32>} : memref<80x128xf32, #tpu.memory_space<vmem>>, vector<16xf32>,
      %add3A_331 = arith.constant 3 : i32
      %add3A_332 = arith.addi %mul3A_84, %add3A_331 : i32
      %swap3A_333 = arith.index_cast %add3A_332 : i32 to index
      %swap3A_334 = arith.constant 80 : index
      %swap3A_335 = tpu.vector_load %arg17[%swap3A_333, %swap3A_334] {strides = array<i32>} : memref<80x128xf32, #tpu.memory_space<vmem>>, vector<16xf32>,
      tpu.vector_store %arg17[%swap3A_333, %swap3A_334], %get3A_299 {strides = array<i32>} : memref<80x128xf32, #tpu.memory_space<vmem>>, vector<16xf32>,
      %add3A_336 = arith.constant 3 : i32
      %add3A_337 = arith.addi %mul3A_84, %add3A_336 : i32
      %swap3A_338 = arith.index_cast %add3A_337 : i32 to index
      %swap3A_339 = arith.constant 96 : index
      %swap3A_340 = tpu.vector_load %arg17[%swap3A_338, %swap3A_339] {strides = array<i32>} : memref<80x128xf32, #tpu.memory_space<vmem>>, vector<16xf32>,
      tpu.vector_store %arg17[%swap3A_338, %swap3A_339], %get3A_302 {strides = array<i32>} : memref<80x128xf32, #tpu.memory_space<vmem>>, vector<16xf32>,
      %add3A_341 = arith.constant 3 : i32
      %add3A_342 = arith.addi %mul3A_84, %add3A_341 : i32
      %swap3A_343 = arith.index_cast %add3A_342 : i32 to index
      %swap3A_344 = arith.constant 112 : index
      %swap3A_345 = tpu.vector_load %arg17[%swap3A_343, %swap3A_344] {strides = array<i32>} : memref<80x128xf32, #tpu.memory_space<vmem>>, vector<16xf32>,
      tpu.vector_store %arg17[%swap3A_343, %swap3A_344], %get3A_305 {strides = array<i32>} : memref<80x128xf32, #tpu.memory_space<vmem>>, vector<16xf32>,
      %slice3A_346 = vector.extract_strided_slice %add3A_82 {offsets = [4], sizes = [1], strides = [1]} : vector<16xi32> to vector<1xi32>
      %squeeze3A_347 = vector.extract %slice3A_346[0] : i32 from vector<1xi32>
      %get3A_348 = arith.index_cast %squeeze3A_347 : i32 to index
      %get3A_349 = arith.constant 0 : index
      %get3A_350 = tpu.vector_load %arg16[%get3A_348, %get3A_349] {strides = array<i32>} : memref<216x128xf32, #tpu.memory_space<vmem>>, vector<16xf32>,
      %get3A_351 = arith.index_cast %squeeze3A_347 : i32 to index
      %get3A_352 = arith.constant 16 : index
      %get3A_353 = tpu.vector_load %arg16[%get3A_351, %get3A_352] {strides = array<i32>} : memref<216x128xf32, #tpu.memory_space<vmem>>, vector<16xf32>,
      %get3A_354 = arith.index_cast %squeeze3A_347 : i32 to index
      %get3A_355 = arith.constant 32 : index
      %get3A_356 = tpu.vector_load %arg16[%get3A_354, %get3A_355] {strides = array<i32>} : memref<216x128xf32, #tpu.memory_space<vmem>>, vector<16xf32>,
      %get3A_357 = arith.index_cast %squeeze3A_347 : i32 to index
      %get3A_358 = arith.constant 48 : index
      %get3A_359 = tpu.vector_load %arg16[%get3A_357, %get3A_358] {strides = array<i32>} : memref<216x128xf32, #tpu.memory_space<vmem>>, vector<16xf32>,
      %get3A_360 = arith.index_cast %squeeze3A_347 : i32 to index
      %get3A_361 = arith.constant 64 : index
      %get3A_362 = tpu.vector_load %arg16[%get3A_360, %get3A_361] {strides = array<i32>} : memref<216x128xf32, #tpu.memory_space<vmem>>, vector<16xf32>,
      %get3A_363 = arith.index_cast %squeeze3A_347 : i32 to index
      %get3A_364 = arith.constant 80 : index
      %get3A_365 = tpu.vector_load %arg16[%get3A_363, %get3A_364] {strides = array<i32>} : memref<216x128xf32, #tpu.memory_space<vmem>>, vector<16xf32>,
      %get3A_366 = arith.index_cast %squeeze3A_347 : i32 to index
      %get3A_367 = arith.constant 96 : index
      %get3A_368 = tpu.vector_load %arg16[%get3A_366, %get3A_367] {strides = array<i32>} : memref<216x128xf32, #tpu.memory_space<vmem>>, vector<16xf32>,
      %get3A_369 = arith.index_cast %squeeze3A_347 : i32 to index
      %get3A_370 = arith.constant 112 : index
      %get3A_371 = tpu.vector_load %arg16[%get3A_369, %get3A_370] {strides = array<i32>} : memref<216x128xf32, #tpu.memory_space<vmem>>, vector<16xf32>,
      %add3A_372 = arith.constant 4 : i32
      %add3A_373 = arith.addi %mul3A_84, %add3A_372 : i32
      %swap3A_374 = arith.index_cast %add3A_373 : i32 to index
      %swap3A_375 = arith.constant 0 : index
      %swap3A_376 = tpu.vector_load %arg17[%swap3A_374, %swap3A_375] {strides = array<i32>} : memref<80x128xf32, #tpu.memory_space<vmem>>, vector<16xf32>,
      tpu.vector_store %arg17[%swap3A_374, %swap3A_375], %get3A_350 {strides = array<i32>} : memref<80x128xf32, #tpu.memory_space<vmem>>, vector<16xf32>,
      %add3A_377 = arith.constant 4 : i32
      %add3A_378 = arith.addi %mul3A_84, %add3A_377 : i32
      %swap3A_379 = arith.index_cast %add3A_378 : i32 to index
      %swap3A_380 = arith.constant 16 : index
      %swap3A_381 = tpu.vector_load %arg17[%swap3A_379, %swap3A_380] {strides = array<i32>} : memref<80x128xf32, #tpu.memory_space<vmem>>, vector<16xf32>,
      tpu.vector_store %arg17[%swap3A_379, %swap3A_380], %get3A_353 {strides = array<i32>} : memref<80x128xf32, #tpu.memory_space<vmem>>, vector<16xf32>,
      %add3A_382 = arith.constant 4 : i32
      %add3A_383 = arith.addi %mul3A_84, %add3A_382 : i32
      %swap3A_384 = arith.index_cast %add3A_383 : i32 to index
      %swap3A_385 = arith.constant 32 : index
      %swap3A_386 = tpu.vector_load %arg17[%swap3A_384, %swap3A_385] {strides = array<i32>} : memref<80x128xf32, #tpu.memory_space<vmem>>, vector<16xf32>,
      tpu.vector_store %arg17[%swap3A_384, %swap3A_385], %get3A_356 {strides = array<i32>} : memref<80x128xf32, #tpu.memory_space<vmem>>, vector<16xf32>,
      %add3A_387 = arith.constant 4 : i32
      %add3A_388 = arith.addi %mul3A_84, %add3A_387 : i32
      %swap3A_389 = arith.index_cast %add3A_388 : i32 to index
      %swap3A_390 = arith.constant 48 : index
      %swap3A_391 = tpu.vector_load %arg17[%swap3A_389, %swap3A_390] {strides = array<i32>} : memref<80x128xf32, #tpu.memory_space<vmem>>, vector<16xf32>,
      tpu.vector_store %arg17[%swap3A_389, %swap3A_390], %get3A_359 {strides = array<i32>} : memref<80x128xf32, #tpu.memory_space<vmem>>, vector<16xf32>,
      %add3A_392 = arith.constant 4 : i32
      %add3A_393 = arith.addi %mul3A_84, %add3A_392 : i32
      %swap3A_394 = arith.index_cast %add3A_393 : i32 to index
      %swap3A_395 = arith.constant 64 : index
      %swap3A_396 = tpu.vector_load %arg17[%swap3A_394, %swap3A_395] {strides = array<i32>} : memref<80x128xf32, #tpu.memory_space<vmem>>, vector<16xf32>,
      tpu.vector_store %arg17[%swap3A_394, %swap3A_395], %get3A_362 {strides = array<i32>} : memref<80x128xf32, #tpu.memory_space<vmem>>, vector<16xf32>,
      %add3A_397 = arith.constant 4 : i32
      %add3A_398 = arith.addi %mul3A_84, %add3A_397 : i32
      %swap3A_399 = arith.index_cast %add3A_398 : i32 to index
      %swap3A_400 = arith.constant 80 : index
      %swap3A_401 = tpu.vector_load %arg17[%swap3A_399, %swap3A_400] {strides = array<i32>} : memref<80x128xf32, #tpu.memory_space<vmem>>, vector<16xf32>,
      tpu.vector_store %arg17[%swap3A_399, %swap3A_400], %get3A_365 {strides = array<i32>} : memref<80x128xf32, #tpu.memory_space<vmem>>, vector<16xf32>,
      %add3A_402 = arith.constant 4 : i32
      %add3A_403 = arith.addi %mul3A_84, %add3A_402 : i32
      %swap3A_404 = arith.index_cast %add3A_403 : i32 to index
      %swap3A_405 = arith.constant 96 : index
      %swap3A_406 = tpu.vector_load %arg17[%swap3A_404, %swap3A_405] {strides = array<i32>} : memref<80x128xf32, #tpu.memory_space<vmem>>, vector<16xf32>,
      tpu.vector_store %arg17[%swap3A_404, %swap3A_405], %get3A_368 {strides = array<i32>} : memref<80x128xf32, #tpu.memory_space<vmem>>, vector<16xf32>,
      %add3A_407 = arith.constant 4 : i32
      %add3A_408 = arith.addi %mul3A_84, %add3A_407 : i32
      %swap3A_409 = arith.index_cast %add3A_408 : i32 to index
      %swap3A_410 = arith.constant 112 : index
      %swap3A_411 = tpu.vector_load %arg17[%swap3A_409, %swap3A_410] {strides = array<i32>} : memref<80x128xf32, #tpu.memory_space<vmem>>, vector<16xf32>,
      tpu.vector_store %arg17[%swap3A_409, %swap3A_410], %get3A_371 {strides = array<i32>} : memref<80x128xf32, #tpu.memory_space<vmem>>, vector<16xf32>,
      %slice3A_412 = vector.extract_strided_slice %add3A_82 {offsets = [5], sizes = [1], strides = [1]} : vector<16xi32> to vector<1xi32>
      %squeeze3A_413 = vector.extract %slice3A_412[0] : i32 from vector<1xi32>
      %get3A_414 = arith.index_cast %squeeze3A_413 : i32 to index
      %get3A_415 = arith.constant 0 : index
      %get3A_416 = tpu.vector_load %arg16[%get3A_414, %get3A_415] {strides = array<i32>} : memref<216x128xf32, #tpu.memory_space<vmem>>, vector<16xf32>,
      %get3A_417 = arith.index_cast %squeeze3A_413 : i32 to index
      %get3A_418 = arith.constant 16 : index
      %get3A_419 = tpu.vector_load %arg16[%get3A_417, %get3A_418] {strides = array<i32>} : memref<216x128xf32, #tpu.memory_space<vmem>>, vector<16xf32>,
      %get3A_420 = arith.index_cast %squeeze3A_413 : i32 to index
      %get3A_421 = arith.constant 32 : index
      %get3A_422 = tpu.vector_load %arg16[%get3A_420, %get3A_421] {strides = array<i32>} : memref<216x128xf32, #tpu.memory_space<vmem>>, vector<16xf32>,
      %get3A_423 = arith.index_cast %squeeze3A_413 : i32 to index
      %get3A_424 = arith.constant 48 : index
      %get3A_425 = tpu.vector_load %arg16[%get3A_423, %get3A_424] {strides = array<i32>} : memref<216x128xf32, #tpu.memory_space<vmem>>, vector<16xf32>,
      %get3A_426 = arith.index_cast %squeeze3A_413 : i32 to index
      %get3A_427 = arith.constant 64 : index
      %get3A_428 = tpu.vector_load %arg16[%get3A_426, %get3A_427] {strides = array<i32>} : memref<216x128xf32, #tpu.memory_space<vmem>>, vector<16xf32>,
      %get3A_429 = arith.index_cast %squeeze3A_413 : i32 to index
      %get3A_430 = arith.constant 80 : index
      %get3A_431 = tpu.vector_load %arg16[%get3A_429, %get3A_430] {strides = array<i32>} : memref<216x128xf32, #tpu.memory_space<vmem>>, vector<16xf32>,
      %get3A_432 = arith.index_cast %squeeze3A_413 : i32 to index
      %get3A_433 = arith.constant 96 : index
      %get3A_434 = tpu.vector_load %arg16[%get3A_432, %get3A_433] {strides = array<i32>} : memref<216x128xf32, #tpu.memory_space<vmem>>, vector<16xf32>,
      %get3A_435 = arith.index_cast %squeeze3A_413 : i32 to index
      %get3A_436 = arith.constant 112 : index
      %get3A_437 = tpu.vector_load %arg16[%get3A_435, %get3A_436] {strides = array<i32>} : memref<216x128xf32, #tpu.memory_space<vmem>>, vector<16xf32>,
      %add3A_438 = arith.constant 5 : i32
      %add3A_439 = arith.addi %mul3A_84, %add3A_438 : i32
      %swap3A_440 = arith.index_cast %add3A_439 : i32 to index
      %swap3A_441 = arith.constant 0 : index
      %swap3A_442 = tpu.vector_load %arg17[%swap3A_440, %swap3A_441] {strides = array<i32>} : memref<80x128xf32, #tpu.memory_space<vmem>>, vector<16xf32>,
      tpu.vector_store %arg17[%swap3A_440, %swap3A_441], %get3A_416 {strides = array<i32>} : memref<80x128xf32, #tpu.memory_space<vmem>>, vector<16xf32>,
      %add3A_443 = arith.constant 5 : i32
      %add3A_444 = arith.addi %mul3A_84, %add3A_443 : i32
      %swap3A_445 = arith.index_cast %add3A_444 : i32 to index
      %swap3A_446 = arith.constant 16 : index
      %swap3A_447 = tpu.vector_load %arg17[%swap3A_445, %swap3A_446] {strides = array<i32>} : memref<80x128xf32, #tpu.memory_space<vmem>>, vector<16xf32>,
      tpu.vector_store %arg17[%swap3A_445, %swap3A_446], %get3A_419 {strides = array<i32>} : memref<80x128xf32, #tpu.memory_space<vmem>>, vector<16xf32>,
      %add3A_448 = arith.constant 5 : i32
      %add3A_449 = arith.addi %mul3A_84, %add3A_448 : i32
      %swap3A_450 = arith.index_cast %add3A_449 : i32 to index
      %swap3A_451 = arith.constant 32 : index
      %swap3A_452 = tpu.vector_load %arg17[%swap3A_450, %swap3A_451] {strides = array<i32>} : memref<80x128xf32, #tpu.memory_space<vmem>>, vector<16xf32>,
      tpu.vector_store %arg17[%swap3A_450, %swap3A_451], %get3A_422 {strides = array<i32>} : memref<80x128xf32, #tpu.memory_space<vmem>>, vector<16xf32>,
      %add3A_453 = arith.constant 5 : i32
      %add3A_454 = arith.addi %mul3A_84, %add3A_453 : i32
      %swap3A_455 = arith.index_cast %add3A_454 : i32 to index
      %swap3A_456 = arith.constant 48 : index
      %swap3A_457 = tpu.vector_load %arg17[%swap3A_455, %swap3A_456] {strides = array<i32>} : memref<80x128xf32, #tpu.memory_space<vmem>>, vector<16xf32>,
      tpu.vector_store %arg17[%swap3A_455, %swap3A_456], %get3A_425 {strides = array<i32>} : memref<80x128xf32, #tpu.memory_space<vmem>>, vector<16xf32>,
      %add3A_458 = arith.constant 5 : i32
      %add3A_459 = arith.addi %mul3A_84, %add3A_458 : i32
      %swap3A_460 = arith.index_cast %add3A_459 : i32 to index
      %swap3A_461 = arith.constant 64 : index
      %swap3A_462 = tpu.vector_load %arg17[%swap3A_460, %swap3A_461] {strides = array<i32>} : memref<80x128xf32, #tpu.memory_space<vmem>>, vector<16xf32>,
      tpu.vector_store %arg17[%swap3A_460, %swap3A_461], %get3A_428 {strides = array<i32>} : memref<80x128xf32, #tpu.memory_space<vmem>>, vector<16xf32>,
      %add3A_463 = arith.constant 5 : i32
      %add3A_464 = arith.addi %mul3A_84, %add3A_463 : i32
      %swap3A_465 = arith.index_cast %add3A_464 : i32 to index
      %swap3A_466 = arith.constant 80 : index
      %swap3A_467 = tpu.vector_load %arg17[%swap3A_465, %swap3A_466] {strides = array<i32>} : memref<80x128xf32, #tpu.memory_space<vmem>>, vector<16xf32>,
      tpu.vector_store %arg17[%swap3A_465, %swap3A_466], %get3A_431 {strides = array<i32>} : memref<80x128xf32, #tpu.memory_space<vmem>>, vector<16xf32>,
      %add3A_468 = arith.constant 5 : i32
      %add3A_469 = arith.addi %mul3A_84, %add3A_468 : i32
      %swap3A_470 = arith.index_cast %add3A_469 : i32 to index
      %swap3A_471 = arith.constant 96 : index
      %swap3A_472 = tpu.vector_load %arg17[%swap3A_470, %swap3A_471] {strides = array<i32>} : memref<80x128xf32, #tpu.memory_space<vmem>>, vector<16xf32>,
      tpu.vector_store %arg17[%swap3A_470, %swap3A_471], %get3A_434 {strides = array<i32>} : memref<80x128xf32, #tpu.memory_space<vmem>>, vector<16xf32>,
      %add3A_473 = arith.constant 5 : i32
      %add3A_474 = arith.addi %mul3A_84, %add3A_473 : i32
      %swap3A_475 = arith.index_cast %add3A_474 : i32 to index
      %swap3A_476 = arith.constant 112 : index
      %swap3A_477 = tpu.vector_load %arg17[%swap3A_475, %swap3A_476] {strides = array<i32>} : memref<80x128xf32, #tpu.memory_space<vmem>>, vector<16xf32>,
      tpu.vector_store %arg17[%swap3A_475, %swap3A_476], %get3A_437 {strides = array<i32>} : memref<80x128xf32, #tpu.memory_space<vmem>>, vector<16xf32>,
      %slice3A_478 = vector.extract_strided_slice %add3A_82 {offsets = [6], sizes = [1], strides = [1]} : vector<16xi32> to vector<1xi32>
      %squeeze3A_479 = vector.extract %slice3A_478[0] : i32 from vector<1xi32>
      %get3A_480 = arith.index_cast %squeeze3A_479 : i32 to index
      %get3A_481 = arith.constant 0 : index
      %get3A_482 = tpu.vector_load %arg16[%get3A_480, %get3A_481] {strides = array<i32>} : memref<216x128xf32, #tpu.memory_space<vmem>>, vector<16xf32>,
      %get3A_483 = arith.index_cast %squeeze3A_479 : i32 to index
      %get3A_484 = arith.constant 16 : index
      %get3A_485 = tpu.vector_load %arg16[%get3A_483, %get3A_484] {strides = array<i32>} : memref<216x128xf32, #tpu.memory_space<vmem>>, vector<16xf32>,
      %get3A_486 = arith.index_cast %squeeze3A_479 : i32 to index
      %get3A_487 = arith.constant 32 : index
      %get3A_488 = tpu.vector_load %arg16[%get3A_486, %get3A_487] {strides = array<i32>} : memref<216x128xf32, #tpu.memory_space<vmem>>, vector<16xf32>,
      %get3A_489 = arith.index_cast %squeeze3A_479 : i32 to index
      %get3A_490 = arith.constant 48 : index
      %get3A_491 = tpu.vector_load %arg16[%get3A_489, %get3A_490] {strides = array<i32>} : memref<216x128xf32, #tpu.memory_space<vmem>>, vector<16xf32>,
      %get3A_492 = arith.index_cast %squeeze3A_479 : i32 to index
      %get3A_493 = arith.constant 64 : index
      %get3A_494 = tpu.vector_load %arg16[%get3A_492, %get3A_493] {strides = array<i32>} : memref<216x128xf32, #tpu.memory_space<vmem>>, vector<16xf32>,
      %get3A_495 = arith.index_cast %squeeze3A_479 : i32 to index
      %get3A_496 = arith.constant 80 : index
      %get3A_497 = tpu.vector_load %arg16[%get3A_495, %get3A_496] {strides = array<i32>} : memref<216x128xf32, #tpu.memory_space<vmem>>, vector<16xf32>,
      %get3A_498 = arith.index_cast %squeeze3A_479 : i32 to index
      %get3A_499 = arith.constant 96 : index
      %get3A_500 = tpu.vector_load %arg16[%get3A_498, %get3A_499] {strides = array<i32>} : memref<216x128xf32, #tpu.memory_space<vmem>>, vector<16xf32>,
      %get3A_501 = arith.index_cast %squeeze3A_479 : i32 to index
      %get3A_502 = arith.constant 112 : index
      %get3A_503 = tpu.vector_load %arg16[%get3A_501, %get3A_502] {strides = array<i32>} : memref<216x128xf32, #tpu.memory_space<vmem>>, vector<16xf32>,
      %add3A_504 = arith.constant 6 : i32
      %add3A_505 = arith.addi %mul3A_84, %add3A_504 : i32
      %swap3A_506 = arith.index_cast %add3A_505 : i32 to index
      %swap3A_507 = arith.constant 0 : index
      %swap3A_508 = tpu.vector_load %arg17[%swap3A_506, %swap3A_507] {strides = array<i32>} : memref<80x128xf32, #tpu.memory_space<vmem>>, vector<16xf32>,
      tpu.vector_store %arg17[%swap3A_506, %swap3A_507], %get3A_482 {strides = array<i32>} : memref<80x128xf32, #tpu.memory_space<vmem>>, vector<16xf32>,
      %add3A_509 = arith.constant 6 : i32
      %add3A_510 = arith.addi %mul3A_84, %add3A_509 : i32
      %swap3A_511 = arith.index_cast %add3A_510 : i32 to index
      %swap3A_512 = arith.constant 16 : index
      %swap3A_513 = tpu.vector_load %arg17[%swap3A_511, %swap3A_512] {strides = array<i32>} : memref<80x128xf32, #tpu.memory_space<vmem>>, vector<16xf32>,
      tpu.vector_store %arg17[%swap3A_511, %swap3A_512], %get3A_485 {strides = array<i32>} : memref<80x128xf32, #tpu.memory_space<vmem>>, vector<16xf32>,
      %add3A_514 = arith.constant 6 : i32
      %add3A_515 = arith.addi %mul3A_84, %add3A_514 : i32
      %swap3A_516 = arith.index_cast %add3A_515 : i32 to index
      %swap3A_517 = arith.constant 32 : index
      %swap3A_518 = tpu.vector_load %arg17[%swap3A_516, %swap3A_517] {strides = array<i32>} : memref<80x128xf32, #tpu.memory_space<vmem>>, vector<16xf32>,
      tpu.vector_store %arg17[%swap3A_516, %swap3A_517], %get3A_488 {strides = array<i32>} : memref<80x128xf32, #tpu.memory_space<vmem>>, vector<16xf32>,
      %add3A_519 = arith.constant 6 : i32
      %add3A_520 = arith.addi %mul3A_84, %add3A_519 : i32
      %swap3A_521 = arith.index_cast %add3A_520 : i32 to index
      %swap3A_522 = arith.constant 48 : index
      %swap3A_523 = tpu.vector_load %arg17[%swap3A_521, %swap3A_522] {strides = array<i32>} : memref<80x128xf32, #tpu.memory_space<vmem>>, vector<16xf32>,
      tpu.vector_store %arg17[%swap3A_521, %swap3A_522], %get3A_491 {strides = array<i32>} : memref<80x128xf32, #tpu.memory_space<vmem>>, vector<16xf32>,
      %add3A_524 = arith.constant 6 : i32
      %add3A_525 = arith.addi %mul3A_84, %add3A_524 : i32
      %swap3A_526 = arith.index_cast %add3A_525 : i32 to index
      %swap3A_527 = arith.constant 64 : index
      %swap3A_528 = tpu.vector_load %arg17[%swap3A_526, %swap3A_527] {strides = array<i32>} : memref<80x128xf32, #tpu.memory_space<vmem>>, vector<16xf32>,
      tpu.vector_store %arg17[%swap3A_526, %swap3A_527], %get3A_494 {strides = array<i32>} : memref<80x128xf32, #tpu.memory_space<vmem>>, vector<16xf32>,
      %add3A_529 = arith.constant 6 : i32
      %add3A_530 = arith.addi %mul3A_84, %add3A_529 : i32
      %swap3A_531 = arith.index_cast %add3A_530 : i32 to index
      %swap3A_532 = arith.constant 80 : index
      %swap3A_533 = tpu.vector_load %arg17[%swap3A_531, %swap3A_532] {strides = array<i32>} : memref<80x128xf32, #tpu.memory_space<vmem>>, vector<16xf32>,
      tpu.vector_store %arg17[%swap3A_531, %swap3A_532], %get3A_497 {strides = array<i32>} : memref<80x128xf32, #tpu.memory_space<vmem>>, vector<16xf32>,
      %add3A_534 = arith.constant 6 : i32
      %add3A_535 = arith.addi %mul3A_84, %add3A_534 : i32
      %swap3A_536 = arith.index_cast %add3A_535 : i32 to index
      %swap3A_537 = arith.constant 96 : index
      %swap3A_538 = tpu.vector_load %arg17[%swap3A_536, %swap3A_537] {strides = array<i32>} : memref<80x128xf32, #tpu.memory_space<vmem>>, vector<16xf32>,
      tpu.vector_store %arg17[%swap3A_536, %swap3A_537], %get3A_500 {strides = array<i32>} : memref<80x128xf32, #tpu.memory_space<vmem>>, vector<16xf32>,
      %add3A_539 = arith.constant 6 : i32
      %add3A_540 = arith.addi %mul3A_84, %add3A_539 : i32
      %swap3A_541 = arith.index_cast %add3A_540 : i32 to index
      %swap3A_542 = arith.constant 112 : index
      %swap3A_543 = tpu.vector_load %arg17[%swap3A_541, %swap3A_542] {strides = array<i32>} : memref<80x128xf32, #tpu.memory_space<vmem>>, vector<16xf32>,
      tpu.vector_store %arg17[%swap3A_541, %swap3A_542], %get3A_503 {strides = array<i32>} : memref<80x128xf32, #tpu.memory_space<vmem>>, vector<16xf32>,
      %slice3A_544 = vector.extract_strided_slice %add3A_82 {offsets = [7], sizes = [1], strides = [1]} : vector<16xi32> to vector<1xi32>
      %squeeze3A_545 = vector.extract %slice3A_544[0] : i32 from vector<1xi32>
      %get3A_546 = arith.index_cast %squeeze3A_545 : i32 to index
      %get3A_547 = arith.constant 0 : index
      %get3A_548 = tpu.vector_load %arg16[%get3A_546, %get3A_547] {strides = array<i32>} : memref<216x128xf32, #tpu.memory_space<vmem>>, vector<16xf32>,
      %get3A_549 = arith.index_cast %squeeze3A_545 : i32 to index
      %get3A_550 = arith.constant 16 : index
      %get3A_551 = tpu.vector_load %arg16[%get3A_549, %get3A_550] {strides = array<i32>} : memref<216x128xf32, #tpu.memory_space<vmem>>, vector<16xf32>,
      %get3A_552 = arith.index_cast %squeeze3A_545 : i32 to index
      %get3A_553 = arith.constant 32 : index
      %get3A_554 = tpu.vector_load %arg16[%get3A_552, %get3A_553] {strides = array<i32>} : memref<216x128xf32, #tpu.memory_space<vmem>>, vector<16xf32>,
      %get3A_555 = arith.index_cast %squeeze3A_545 : i32 to index
      %get3A_556 = arith.constant 48 : index
      %get3A_557 = tpu.vector_load %arg16[%get3A_555, %get3A_556] {strides = array<i32>} : memref<216x128xf32, #tpu.memory_space<vmem>>, vector<16xf32>,
      %get3A_558 = arith.index_cast %squeeze3A_545 : i32 to index
      %get3A_559 = arith.constant 64 : index
      %get3A_560 = tpu.vector_load %arg16[%get3A_558, %get3A_559] {strides = array<i32>} : memref<216x128xf32, #tpu.memory_space<vmem>>, vector<16xf32>,
      %get3A_561 = arith.index_cast %squeeze3A_545 : i32 to index
      %get3A_562 = arith.constant 80 : index
      %get3A_563 = tpu.vector_load %arg16[%get3A_561, %get3A_562] {strides = array<i32>} : memref<216x128xf32, #tpu.memory_space<vmem>>, vector<16xf32>,
      %get3A_564 = arith.index_cast %squeeze3A_545 : i32 to index
      %get3A_565 = arith.constant 96 : index
      %get3A_566 = tpu.vector_load %arg16[%get3A_564, %get3A_565] {strides = array<i32>} : memref<216x128xf32, #tpu.memory_space<vmem>>, vector<16xf32>,
      %get3A_567 = arith.index_cast %squeeze3A_545 : i32 to index
      %get3A_568 = arith.constant 112 : index
      %get3A_569 = tpu.vector_load %arg16[%get3A_567, %get3A_568] {strides = array<i32>} : memref<216x128xf32, #tpu.memory_space<vmem>>, vector<16xf32>,
      %add3A_570 = arith.constant 7 : i32
      %add3A_571 = arith.addi %mul3A_84, %add3A_570 : i32
      %swap3A_572 = arith.index_cast %add3A_571 : i32 to index
      %swap3A_573 = arith.constant 0 : index
      %swap3A_574 = tpu.vector_load %arg17[%swap3A_572, %swap3A_573] {strides = array<i32>} : memref<80x128xf32, #tpu.memory_space<vmem>>, vector<16xf32>,
      tpu.vector_store %arg17[%swap3A_572, %swap3A_573], %get3A_548 {strides = array<i32>} : memref<80x128xf32, #tpu.memory_space<vmem>>, vector<16xf32>,
      %add3A_575 = arith.constant 7 : i32
      %add3A_576 = arith.addi %mul3A_84, %add3A_575 : i32
      %swap3A_577 = arith.index_cast %add3A_576 : i32 to index
      %swap3A_578 = arith.constant 16 : index
      %swap3A_579 = tpu.vector_load %arg17[%swap3A_577, %swap3A_578] {strides = array<i32>} : memref<80x128xf32, #tpu.memory_space<vmem>>, vector<16xf32>,
      tpu.vector_store %arg17[%swap3A_577, %swap3A_578], %get3A_551 {strides = array<i32>} : memref<80x128xf32, #tpu.memory_space<vmem>>, vector<16xf32>,
      %add3A_580 = arith.constant 7 : i32
      %add3A_581 = arith.addi %mul3A_84, %add3A_580 : i32
      %swap3A_582 = arith.index_cast %add3A_581 : i32 to index
      %swap3A_583 = arith.constant 32 : index
      %swap3A_584 = tpu.vector_load %arg17[%swap3A_582, %swap3A_583] {strides = array<i32>} : memref<80x128xf32, #tpu.memory_space<vmem>>, vector<16xf32>,
      tpu.vector_store %arg17[%swap3A_582, %swap3A_583], %get3A_554 {strides = array<i32>} : memref<80x128xf32, #tpu.memory_space<vmem>>, vector<16xf32>,
      %add3A_585 = arith.constant 7 : i32
      %add3A_586 = arith.addi %mul3A_84, %add3A_585 : i32
      %swap3A_587 = arith.index_cast %add3A_586 : i32 to index
      %swap3A_588 = arith.constant 48 : index
      %swap3A_589 = tpu.vector_load %arg17[%swap3A_587, %swap3A_588] {strides = array<i32>} : memref<80x128xf32, #tpu.memory_space<vmem>>, vector<16xf32>,
      tpu.vector_store %arg17[%swap3A_587, %swap3A_588], %get3A_557 {strides = array<i32>} : memref<80x128xf32, #tpu.memory_space<vmem>>, vector<16xf32>,
      %add3A_590 = arith.constant 7 : i32
      %add3A_591 = arith.addi %mul3A_84, %add3A_590 : i32
      %swap3A_592 = arith.index_cast %add3A_591 : i32 to index
      %swap3A_593 = arith.constant 64 : index
      %swap3A_594 = tpu.vector_load %arg17[%swap3A_592, %swap3A_593] {strides = array<i32>} : memref<80x128xf32, #tpu.memory_space<vmem>>, vector<16xf32>,
      tpu.vector_store %arg17[%swap3A_592, %swap3A_593], %get3A_560 {strides = array<i32>} : memref<80x128xf32, #tpu.memory_space<vmem>>, vector<16xf32>,
      %add3A_595 = arith.constant 7 : i32
      %add3A_596 = arith.addi %mul3A_84, %add3A_595 : i32
      %swap3A_597 = arith.index_cast %add3A_596 : i32 to index
      %swap3A_598 = arith.constant 80 : index
      %swap3A_599 = tpu.vector_load %arg17[%swap3A_597, %swap3A_598] {strides = array<i32>} : memref<80x128xf32, #tpu.memory_space<vmem>>, vector<16xf32>,
      tpu.vector_store %arg17[%swap3A_597, %swap3A_598], %get3A_563 {strides = array<i32>} : memref<80x128xf32, #tpu.memory_space<vmem>>, vector<16xf32>,
      %add3A_600 = arith.constant 7 : i32
      %add3A_601 = arith.addi %mul3A_84, %add3A_600 : i32
      %swap3A_602 = arith.index_cast %add3A_601 : i32 to index
      %swap3A_603 = arith.constant 96 : index
      %swap3A_604 = tpu.vector_load %arg17[%swap3A_602, %swap3A_603] {strides = array<i32>} : memref<80x128xf32, #tpu.memory_space<vmem>>, vector<16xf32>,
      tpu.vector_store %arg17[%swap3A_602, %swap3A_603], %get3A_566 {strides = array<i32>} : memref<80x128xf32, #tpu.memory_space<vmem>>, vector<16xf32>,
      %add3A_605 = arith.constant 7 : i32
      %add3A_606 = arith.addi %mul3A_84, %add3A_605 : i32
      %swap3A_607 = arith.index_cast %add3A_606 : i32 to index
      %swap3A_608 = arith.constant 112 : index
      %swap3A_609 = tpu.vector_load %arg17[%swap3A_607, %swap3A_608] {strides = array<i32>} : memref<80x128xf32, #tpu.memory_space<vmem>>, vector<16xf32>,
      tpu.vector_store %arg17[%swap3A_607, %swap3A_608], %get3A_569 {strides = array<i32>} : memref<80x128xf32, #tpu.memory_space<vmem>>, vector<16xf32>,
      %slice3A_610 = vector.extract_strided_slice %add3A_82 {offsets = [8], sizes = [1], strides = [1]} : vector<16xi32> to vector<1xi32>
      %squeeze3A_611 = vector.extract %slice3A_610[0] : i32 from vector<1xi32>
      %get3A_612 = arith.index_cast %squeeze3A_611 : i32 to index
      %get3A_613 = arith.constant 0 : index
      %get3A_614 = tpu.vector_load %arg16[%get3A_612, %get3A_613] {strides = array<i32>} : memref<216x128xf32, #tpu.memory_space<vmem>>, vector<16xf32>,
      %get3A_615 = arith.index_cast %squeeze3A_611 : i32 to index
      %get3A_616 = arith.constant 16 : index
      %get3A_617 = tpu.vector_load %arg16[%get3A_615, %get3A_616] {strides = array<i32>} : memref<216x128xf32, #tpu.memory_space<vmem>>, vector<16xf32>,
      %get3A_618 = arith.index_cast %squeeze3A_611 : i32 to index
      %get3A_619 = arith.constant 32 : index
      %get3A_620 = tpu.vector_load %arg16[%get3A_618, %get3A_619] {strides = array<i32>} : memref<216x128xf32, #tpu.memory_space<vmem>>, vector<16xf32>,
      %get3A_621 = arith.index_cast %squeeze3A_611 : i32 to index
      %get3A_622 = arith.constant 48 : index
      %get3A_623 = tpu.vector_load %arg16[%get3A_621, %get3A_622] {strides = array<i32>} : memref<216x128xf32, #tpu.memory_space<vmem>>, vector<16xf32>,
      %get3A_624 = arith.index_cast %squeeze3A_611 : i32 to index
      %get3A_625 = arith.constant 64 : index
      %get3A_626 = tpu.vector_load %arg16[%get3A_624, %get3A_625] {strides = array<i32>} : memref<216x128xf32, #tpu.memory_space<vmem>>, vector<16xf32>,
      %get3A_627 = arith.index_cast %squeeze3A_611 : i32 to index
      %get3A_628 = arith.constant 80 : index
      %get3A_629 = tpu.vector_load %arg16[%get3A_627, %get3A_628] {strides = array<i32>} : memref<216x128xf32, #tpu.memory_space<vmem>>, vector<16xf32>,
      %get3A_630 = arith.index_cast %squeeze3A_611 : i32 to index
      %get3A_631 = arith.constant 96 : index
      %get3A_632 = tpu.vector_load %arg16[%get3A_630, %get3A_631] {strides = array<i32>} : memref<216x128xf32, #tpu.memory_space<vmem>>, vector<16xf32>,
      %get3A_633 = arith.index_cast %squeeze3A_611 : i32 to index
      %get3A_634 = arith.constant 112 : index
      %get3A_635 = tpu.vector_load %arg16[%get3A_633, %get3A_634] {strides = array<i32>} : memref<216x128xf32, #tpu.memory_space<vmem>>, vector<16xf32>,
      %add3A_636 = arith.constant 8 : i32
      %add3A_637 = arith.addi %mul3A_84, %add3A_636 : i32
      %swap3A_638 = arith.index_cast %add3A_637 : i32 to index
      %swap3A_639 = arith.constant 0 : index
      %swap3A_640 = tpu.vector_load %arg17[%swap3A_638, %swap3A_639] {strides = array<i32>} : memref<80x128xf32, #tpu.memory_space<vmem>>, vector<16xf32>,
      tpu.vector_store %arg17[%swap3A_638, %swap3A_639], %get3A_614 {strides = array<i32>} : memref<80x128xf32, #tpu.memory_space<vmem>>, vector<16xf32>,
      %add3A_641 = arith.constant 8 : i32
      %add3A_642 = arith.addi %mul3A_84, %add3A_641 : i32
      %swap3A_643 = arith.index_cast %add3A_642 : i32 to index
      %swap3A_644 = arith.constant 16 : index
      %swap3A_645 = tpu.vector_load %arg17[%swap3A_643, %swap3A_644] {strides = array<i32>} : memref<80x128xf32, #tpu.memory_space<vmem>>, vector<16xf32>,
      tpu.vector_store %arg17[%swap3A_643, %swap3A_644], %get3A_617 {strides = array<i32>} : memref<80x128xf32, #tpu.memory_space<vmem>>, vector<16xf32>,
      %add3A_646 = arith.constant 8 : i32
      %add3A_647 = arith.addi %mul3A_84, %add3A_646 : i32
      %swap3A_648 = arith.index_cast %add3A_647 : i32 to index
      %swap3A_649 = arith.constant 32 : index
      %swap3A_650 = tpu.vector_load %arg17[%swap3A_648, %swap3A_649] {strides = array<i32>} : memref<80x128xf32, #tpu.memory_space<vmem>>, vector<16xf32>,
      tpu.vector_store %arg17[%swap3A_648, %swap3A_649], %get3A_620 {strides = array<i32>} : memref<80x128xf32, #tpu.memory_space<vmem>>, vector<16xf32>,
      %add3A_651 = arith.constant 8 : i32
      %add3A_652 = arith.addi %mul3A_84, %add3A_651 : i32
      %swap3A_653 = arith.index_cast %add3A_652 : i32 to index
      %swap3A_654 = arith.constant 48 : index
      %swap3A_655 = tpu.vector_load %arg17[%swap3A_653, %swap3A_654] {strides = array<i32>} : memref<80x128xf32, #tpu.memory_space<vmem>>, vector<16xf32>,
      tpu.vector_store %arg17[%swap3A_653, %swap3A_654], %get3A_623 {strides = array<i32>} : memref<80x128xf32, #tpu.memory_space<vmem>>, vector<16xf32>,
      %add3A_656 = arith.constant 8 : i32
      %add3A_657 = arith.addi %mul3A_84, %add3A_656 : i32
      %swap3A_658 = arith.index_cast %add3A_657 : i32 to index
      %swap3A_659 = arith.constant 64 : index
      %swap3A_660 = tpu.vector_load %arg17[%swap3A_658, %swap3A_659] {strides = array<i32>} : memref<80x128xf32, #tpu.memory_space<vmem>>, vector<16xf32>,
      tpu.vector_store %arg17[%swap3A_658, %swap3A_659], %get3A_626 {strides = array<i32>} : memref<80x128xf32, #tpu.memory_space<vmem>>, vector<16xf32>,
      %add3A_661 = arith.constant 8 : i32
      %add3A_662 = arith.addi %mul3A_84, %add3A_661 : i32
      %swap3A_663 = arith.index_cast %add3A_662 : i32 to index
      %swap3A_664 = arith.constant 80 : index
      %swap3A_665 = tpu.vector_load %arg17[%swap3A_663, %swap3A_664] {strides = array<i32>} : memref<80x128xf32, #tpu.memory_space<vmem>>, vector<16xf32>,
      tpu.vector_store %arg17[%swap3A_663, %swap3A_664], %get3A_629 {strides = array<i32>} : memref<80x128xf32, #tpu.memory_space<vmem>>, vector<16xf32>,
      %add3A_666 = arith.constant 8 : i32
      %add3A_667 = arith.addi %mul3A_84, %add3A_666 : i32
      %swap3A_668 = arith.index_cast %add3A_667 : i32 to index
      %swap3A_669 = arith.constant 96 : index
      %swap3A_670 = tpu.vector_load %arg17[%swap3A_668, %swap3A_669] {strides = array<i32>} : memref<80x128xf32, #tpu.memory_space<vmem>>, vector<16xf32>,
      tpu.vector_store %arg17[%swap3A_668, %swap3A_669], %get3A_632 {strides = array<i32>} : memref<80x128xf32, #tpu.memory_space<vmem>>, vector<16xf32>,
      %add3A_671 = arith.constant 8 : i32
      %add3A_672 = arith.addi %mul3A_84, %add3A_671 : i32
      %swap3A_673 = arith.index_cast %add3A_672 : i32 to index
      %swap3A_674 = arith.constant 112 : index
      %swap3A_675 = tpu.vector_load %arg17[%swap3A_673, %swap3A_674] {strides = array<i32>} : memref<80x128xf32, #tpu.memory_space<vmem>>, vector<16xf32>,
      tpu.vector_store %arg17[%swap3A_673, %swap3A_674], %get3A_635 {strides = array<i32>} : memref<80x128xf32, #tpu.memory_space<vmem>>, vector<16xf32>,
      %slice3A_676 = vector.extract_strided_slice %add3A_82 {offsets = [9], sizes = [1], strides = [1]} : vector<16xi32> to vector<1xi32>
      %squeeze3A_677 = vector.extract %slice3A_676[0] : i32 from vector<1xi32>
      %get3A_678 = arith.index_cast %squeeze3A_677 : i32 to index
      %get3A_679 = arith.constant 0 : index
      %get3A_680 = tpu.vector_load %arg16[%get3A_678, %get3A_679] {strides = array<i32>} : memref<216x128xf32, #tpu.memory_space<vmem>>, vector<16xf32>,
      %get3A_681 = arith.index_cast %squeeze3A_677 : i32 to index
      %get3A_682 = arith.constant 16 : index
      %get3A_683 = tpu.vector_load %arg16[%get3A_681, %get3A_682] {strides = array<i32>} : memref<216x128xf32, #tpu.memory_space<vmem>>, vector<16xf32>,
      %get3A_684 = arith.index_cast %squeeze3A_677 : i32 to index
      %get3A_685 = arith.constant 32 : index
      %get3A_686 = tpu.vector_load %arg16[%get3A_684, %get3A_685] {strides = array<i32>} : memref<216x128xf32, #tpu.memory_space<vmem>>, vector<16xf32>,
      %get3A_687 = arith.index_cast %squeeze3A_677 : i32 to index
      %get3A_688 = arith.constant 48 : index
      %get3A_689 = tpu.vector_load %arg16[%get3A_687, %get3A_688] {strides = array<i32>} : memref<216x128xf32, #tpu.memory_space<vmem>>, vector<16xf32>,
      %get3A_690 = arith.index_cast %squeeze3A_677 : i32 to index
      %get3A_691 = arith.constant 64 : index
      %get3A_692 = tpu.vector_load %arg16[%get3A_690, %get3A_691] {strides = array<i32>} : memref<216x128xf32, #tpu.memory_space<vmem>>, vector<16xf32>,
      %get3A_693 = arith.index_cast %squeeze3A_677 : i32 to index
      %get3A_694 = arith.constant 80 : index
      %get3A_695 = tpu.vector_load %arg16[%get3A_693, %get3A_694] {strides = array<i32>} : memref<216x128xf32, #tpu.memory_space<vmem>>, vector<16xf32>,
      %get3A_696 = arith.index_cast %squeeze3A_677 : i32 to index
      %get3A_697 = arith.constant 96 : index
      %get3A_698 = tpu.vector_load %arg16[%get3A_696, %get3A_697] {strides = array<i32>} : memref<216x128xf32, #tpu.memory_space<vmem>>, vector<16xf32>,
      %get3A_699 = arith.index_cast %squeeze3A_677 : i32 to index
      %get3A_700 = arith.constant 112 : index
      %get3A_701 = tpu.vector_load %arg16[%get3A_699, %get3A_700] {strides = array<i32>} : memref<216x128xf32, #tpu.memory_space<vmem>>, vector<16xf32>,
      %add3A_702 = arith.constant 9 : i32
      %add3A_703 = arith.addi %mul3A_84, %add3A_702 : i32
      %swap3A_704 = arith.index_cast %add3A_703 : i32 to index
      %swap3A_705 = arith.constant 0 : index
      %swap3A_706 = tpu.vector_load %arg17[%swap3A_704, %swap3A_705] {strides = array<i32>} : memref<80x128xf32, #tpu.memory_space<vmem>>, vector<16xf32>,
      tpu.vector_store %arg17[%swap3A_704, %swap3A_705], %get3A_680 {strides = array<i32>} : memref<80x128xf32, #tpu.memory_space<vmem>>, vector<16xf32>,
      %add3A_707 = arith.constant 9 : i32
      %add3A_708 = arith.addi %mul3A_84, %add3A_707 : i32
      %swap3A_709 = arith.index_cast %add3A_708 : i32 to index
      %swap3A_710 = arith.constant 16 : index
      %swap3A_711 = tpu.vector_load %arg17[%swap3A_709, %swap3A_710] {strides = array<i32>} : memref<80x128xf32, #tpu.memory_space<vmem>>, vector<16xf32>,
      tpu.vector_store %arg17[%swap3A_709, %swap3A_710], %get3A_683 {strides = array<i32>} : memref<80x128xf32, #tpu.memory_space<vmem>>, vector<16xf32>,
      %add3A_712 = arith.constant 9 : i32
      %add3A_713 = arith.addi %mul3A_84, %add3A_712 : i32
      %swap3A_714 = arith.index_cast %add3A_713 : i32 to index
      %swap3A_715 = arith.constant 32 : index
      %swap3A_716 = tpu.vector_load %arg17[%swap3A_714, %swap3A_715] {strides = array<i32>} : memref<80x128xf32, #tpu.memory_space<vmem>>, vector<16xf32>,
      tpu.vector_store %arg17[%swap3A_714, %swap3A_715], %get3A_686 {strides = array<i32>} : memref<80x128xf32, #tpu.memory_space<vmem>>, vector<16xf32>,
      %add3A_717 = arith.constant 9 : i32
      %add3A_718 = arith.addi %mul3A_84, %add3A_717 : i32
      %swap3A_719 = arith.index_cast %add3A_718 : i32 to index
      %swap3A_720 = arith.constant 48 : index
      %swap3A_721 = tpu.vector_load %arg17[%swap3A_719, %swap3A_720] {strides = array<i32>} : memref<80x128xf32, #tpu.memory_space<vmem>>, vector<16xf32>,
      tpu.vector_store %arg17[%swap3A_719, %swap3A_720], %get3A_689 {strides = array<i32>} : memref<80x128xf32, #tpu.memory_space<vmem>>, vector<16xf32>,
      %add3A_722 = arith.constant 9 : i32
      %add3A_723 = arith.addi %mul3A_84, %add3A_722 : i32
      %swap3A_724 = arith.index_cast %add3A_723 : i32 to index
      %swap3A_725 = arith.constant 64 : index
      %swap3A_726 = tpu.vector_load %arg17[%swap3A_724, %swap3A_725] {strides = array<i32>} : memref<80x128xf32, #tpu.memory_space<vmem>>, vector<16xf32>,
      tpu.vector_store %arg17[%swap3A_724, %swap3A_725], %get3A_692 {strides = array<i32>} : memref<80x128xf32, #tpu.memory_space<vmem>>, vector<16xf32>,
      %add3A_727 = arith.constant 9 : i32
      %add3A_728 = arith.addi %mul3A_84, %add3A_727 : i32
      %swap3A_729 = arith.index_cast %add3A_728 : i32 to index
      %swap3A_730 = arith.constant 80 : index
      %swap3A_731 = tpu.vector_load %arg17[%swap3A_729, %swap3A_730] {strides = array<i32>} : memref<80x128xf32, #tpu.memory_space<vmem>>, vector<16xf32>,
      tpu.vector_store %arg17[%swap3A_729, %swap3A_730], %get3A_695 {strides = array<i32>} : memref<80x128xf32, #tpu.memory_space<vmem>>, vector<16xf32>,
      %add3A_732 = arith.constant 9 : i32
      %add3A_733 = arith.addi %mul3A_84, %add3A_732 : i32
      %swap3A_734 = arith.index_cast %add3A_733 : i32 to index
      %swap3A_735 = arith.constant 96 : index
      %swap3A_736 = tpu.vector_load %arg17[%swap3A_734, %swap3A_735] {strides = array<i32>} : memref<80x128xf32, #tpu.memory_space<vmem>>, vector<16xf32>,
      tpu.vector_store %arg17[%swap3A_734, %swap3A_735], %get3A_698 {strides = array<i32>} : memref<80x128xf32, #tpu.memory_space<vmem>>, vector<16xf32>,
      %add3A_737 = arith.constant 9 : i32
      %add3A_738 = arith.addi %mul3A_84, %add3A_737 : i32
      %swap3A_739 = arith.index_cast %add3A_738 : i32 to index
      %swap3A_740 = arith.constant 112 : index
      %swap3A_741 = tpu.vector_load %arg17[%swap3A_739, %swap3A_740] {strides = array<i32>} : memref<80x128xf32, #tpu.memory_space<vmem>>, vector<16xf32>,
      tpu.vector_store %arg17[%swap3A_739, %swap3A_740], %get3A_701 {strides = array<i32>} : memref<80x128xf32, #tpu.memory_space<vmem>>, vector<16xf32>,
      %slice3A_742 = vector.extract_strided_slice %add3A_82 {offsets = [10], sizes = [1], strides = [1]} : vector<16xi32> to vector<1xi32>
      %squeeze3A_743 = vector.extract %slice3A_742[0] : i32 from vector<1xi32>
      %get3A_744 = arith.index_cast %squeeze3A_743 : i32 to index
      %get3A_745 = arith.constant 0 : index
      %get3A_746 = tpu.vector_load %arg16[%get3A_744, %get3A_745] {strides = array<i32>} : memref<216x128xf32, #tpu.memory_space<vmem>>, vector<16xf32>,
      %get3A_747 = arith.index_cast %squeeze3A_743 : i32 to index
      %get3A_748 = arith.constant 16 : index
      %get3A_749 = tpu.vector_load %arg16[%get3A_747, %get3A_748] {strides = array<i32>} : memref<216x128xf32, #tpu.memory_space<vmem>>, vector<16xf32>,
      %get3A_750 = arith.index_cast %squeeze3A_743 : i32 to index
      %get3A_751 = arith.constant 32 : index
      %get3A_752 = tpu.vector_load %arg16[%get3A_750, %get3A_751] {strides = array<i32>} : memref<216x128xf32, #tpu.memory_space<vmem>>, vector<16xf32>,
      %get3A_753 = arith.index_cast %squeeze3A_743 : i32 to index
      %get3A_754 = arith.constant 48 : index
      %get3A_755 = tpu.vector_load %arg16[%get3A_753, %get3A_754] {strides = array<i32>} : memref<216x128xf32, #tpu.memory_space<vmem>>, vector<16xf32>,
      %get3A_756 = arith.index_cast %squeeze3A_743 : i32 to index
      %get3A_757 = arith.constant 64 : index
      %get3A_758 = tpu.vector_load %arg16[%get3A_756, %get3A_757] {strides = array<i32>} : memref<216x128xf32, #tpu.memory_space<vmem>>, vector<16xf32>,
      %get3A_759 = arith.index_cast %squeeze3A_743 : i32 to index
      %get3A_760 = arith.constant 80 : index
      %get3A_761 = tpu.vector_load %arg16[%get3A_759, %get3A_760] {strides = array<i32>} : memref<216x128xf32, #tpu.memory_space<vmem>>, vector<16xf32>,
      %get3A_762 = arith.index_cast %squeeze3A_743 : i32 to index
      %get3A_763 = arith.constant 96 : index
      %get3A_764 = tpu.vector_load %arg16[%get3A_762, %get3A_763] {strides = array<i32>} : memref<216x128xf32, #tpu.memory_space<vmem>>, vector<16xf32>,
      %get3A_765 = arith.index_cast %squeeze3A_743 : i32 to index
      %get3A_766 = arith.constant 112 : index
      %get3A_767 = tpu.vector_load %arg16[%get3A_765, %get3A_766] {strides = array<i32>} : memref<216x128xf32, #tpu.memory_space<vmem>>, vector<16xf32>,
      %add3A_768 = arith.constant 10 : i32
      %add3A_769 = arith.addi %mul3A_84, %add3A_768 : i32
      %swap3A_770 = arith.index_cast %add3A_769 : i32 to index
      %swap3A_771 = arith.constant 0 : index
      %swap3A_772 = tpu.vector_load %arg17[%swap3A_770, %swap3A_771] {strides = array<i32>} : memref<80x128xf32, #tpu.memory_space<vmem>>, vector<16xf32>,
      tpu.vector_store %arg17[%swap3A_770, %swap3A_771], %get3A_746 {strides = array<i32>} : memref<80x128xf32, #tpu.memory_space<vmem>>, vector<16xf32>,
      %add3A_773 = arith.constant 10 : i32
      %add3A_774 = arith.addi %mul3A_84, %add3A_773 : i32
      %swap3A_775 = arith.index_cast %add3A_774 : i32 to index
      %swap3A_776 = arith.constant 16 : index
      %swap3A_777 = tpu.vector_load %arg17[%swap3A_775, %swap3A_776] {strides = array<i32>} : memref<80x128xf32, #tpu.memory_space<vmem>>, vector<16xf32>,
      tpu.vector_store %arg17[%swap3A_775, %swap3A_776], %get3A_749 {strides = array<i32>} : memref<80x128xf32, #tpu.memory_space<vmem>>, vector<16xf32>,
      %add3A_778 = arith.constant 10 : i32
      %add3A_779 = arith.addi %mul3A_84, %add3A_778 : i32
      %swap3A_780 = arith.index_cast %add3A_779 : i32 to index
      %swap3A_781 = arith.constant 32 : index
      %swap3A_782 = tpu.vector_load %arg17[%swap3A_780, %swap3A_781] {strides = array<i32>} : memref<80x128xf32, #tpu.memory_space<vmem>>, vector<16xf32>,
      tpu.vector_store %arg17[%swap3A_780, %swap3A_781], %get3A_752 {strides = array<i32>} : memref<80x128xf32, #tpu.memory_space<vmem>>, vector<16xf32>,
      %add3A_783 = arith.constant 10 : i32
      %add3A_784 = arith.addi %mul3A_84, %add3A_783 : i32
      %swap3A_785 = arith.index_cast %add3A_784 : i32 to index
      %swap3A_786 = arith.constant 48 : index
      %swap3A_787 = tpu.vector_load %arg17[%swap3A_785, %swap3A_786] {strides = array<i32>} : memref<80x128xf32, #tpu.memory_space<vmem>>, vector<16xf32>,
      tpu.vector_store %arg17[%swap3A_785, %swap3A_786], %get3A_755 {strides = array<i32>} : memref<80x128xf32, #tpu.memory_space<vmem>>, vector<16xf32>,
      %add3A_788 = arith.constant 10 : i32
      %add3A_789 = arith.addi %mul3A_84, %add3A_788 : i32
      %swap3A_790 = arith.index_cast %add3A_789 : i32 to index
      %swap3A_791 = arith.constant 64 : index
      %swap3A_792 = tpu.vector_load %arg17[%swap3A_790, %swap3A_791] {strides = array<i32>} : memref<80x128xf32, #tpu.memory_space<vmem>>, vector<16xf32>,
      tpu.vector_store %arg17[%swap3A_790, %swap3A_791], %get3A_758 {strides = array<i32>} : memref<80x128xf32, #tpu.memory_space<vmem>>, vector<16xf32>,
      %add3A_793 = arith.constant 10 : i32
      %add3A_794 = arith.addi %mul3A_84, %add3A_793 : i32
      %swap3A_795 = arith.index_cast %add3A_794 : i32 to index
      %swap3A_796 = arith.constant 80 : index
      %swap3A_797 = tpu.vector_load %arg17[%swap3A_795, %swap3A_796] {strides = array<i32>} : memref<80x128xf32, #tpu.memory_space<vmem>>, vector<16xf32>,
      tpu.vector_store %arg17[%swap3A_795, %swap3A_796], %get3A_761 {strides = array<i32>} : memref<80x128xf32, #tpu.memory_space<vmem>>, vector<16xf32>,
      %add3A_798 = arith.constant 10 : i32
      %add3A_799 = arith.addi %mul3A_84, %add3A_798 : i32
      %swap3A_800 = arith.index_cast %add3A_799 : i32 to index
      %swap3A_801 = arith.constant 96 : index
      %swap3A_802 = tpu.vector_load %arg17[%swap3A_800, %swap3A_801] {strides = array<i32>} : memref<80x128xf32, #tpu.memory_space<vmem>>, vector<16xf32>,
      tpu.vector_store %arg17[%swap3A_800, %swap3A_801], %get3A_764 {strides = array<i32>} : memref<80x128xf32, #tpu.memory_space<vmem>>, vector<16xf32>,
      %add3A_803 = arith.constant 10 : i32
      %add3A_804 = arith.addi %mul3A_84, %add3A_803 : i32
      %swap3A_805 = arith.index_cast %add3A_804 : i32 to index
      %swap3A_806 = arith.constant 112 : index
      %swap3A_807 = tpu.vector_load %arg17[%swap3A_805, %swap3A_806] {strides = array<i32>} : memref<80x128xf32, #tpu.memory_space<vmem>>, vector<16xf32>,
      tpu.vector_store %arg17[%swap3A_805, %swap3A_806], %get3A_767 {strides = array<i32>} : memref<80x128xf32, #tpu.memory_space<vmem>>, vector<16xf32>,
      %slice3A_808 = vector.extract_strided_slice %add3A_82 {offsets = [11], sizes = [1], strides = [1]} : vector<16xi32> to vector<1xi32>
      %squeeze3A_809 = vector.extract %slice3A_808[0] : i32 from vector<1xi32>
      %get3A_810 = arith.index_cast %squeeze3A_809 : i32 to index
      %get3A_811 = arith.constant 0 : index
      %get3A_812 = tpu.vector_load %arg16[%get3A_810, %get3A_811] {strides = array<i32>} : memref<216x128xf32, #tpu.memory_space<vmem>>, vector<16xf32>,
      %get3A_813 = arith.index_cast %squeeze3A_809 : i32 to index
      %get3A_814 = arith.constant 16 : index
      %get3A_815 = tpu.vector_load %arg16[%get3A_813, %get3A_814] {strides = array<i32>} : memref<216x128xf32, #tpu.memory_space<vmem>>, vector<16xf32>,
      %get3A_816 = arith.index_cast %squeeze3A_809 : i32 to index
      %get3A_817 = arith.constant 32 : index
      %get3A_818 = tpu.vector_load %arg16[%get3A_816, %get3A_817] {strides = array<i32>} : memref<216x128xf32, #tpu.memory_space<vmem>>, vector<16xf32>,
      %get3A_819 = arith.index_cast %squeeze3A_809 : i32 to index
      %get3A_820 = arith.constant 48 : index
      %get3A_821 = tpu.vector_load %arg16[%get3A_819, %get3A_820] {strides = array<i32>} : memref<216x128xf32, #tpu.memory_space<vmem>>, vector<16xf32>,
      %get3A_822 = arith.index_cast %squeeze3A_809 : i32 to index
      %get3A_823 = arith.constant 64 : index
      %get3A_824 = tpu.vector_load %arg16[%get3A_822, %get3A_823] {strides = array<i32>} : memref<216x128xf32, #tpu.memory_space<vmem>>, vector<16xf32>,
      %get3A_825 = arith.index_cast %squeeze3A_809 : i32 to index
      %get3A_826 = arith.constant 80 : index
      %get3A_827 = tpu.vector_load %arg16[%get3A_825, %get3A_826] {strides = array<i32>} : memref<216x128xf32, #tpu.memory_space<vmem>>, vector<16xf32>,
      %get3A_828 = arith.index_cast %squeeze3A_809 : i32 to index
      %get3A_829 = arith.constant 96 : index
      %get3A_830 = tpu.vector_load %arg16[%get3A_828, %get3A_829] {strides = array<i32>} : memref<216x128xf32, #tpu.memory_space<vmem>>, vector<16xf32>,
      %get3A_831 = arith.index_cast %squeeze3A_809 : i32 to index
      %get3A_832 = arith.constant 112 : index
      %get3A_833 = tpu.vector_load %arg16[%get3A_831, %get3A_832] {strides = array<i32>} : memref<216x128xf32, #tpu.memory_space<vmem>>, vector<16xf32>,
      %add3A_834 = arith.constant 11 : i32
      %add3A_835 = arith.addi %mul3A_84, %add3A_834 : i32
      %swap3A_836 = arith.index_cast %add3A_835 : i32 to index
      %swap3A_837 = arith.constant 0 : index
      %swap3A_838 = tpu.vector_load %arg17[%swap3A_836, %swap3A_837] {strides = array<i32>} : memref<80x128xf32, #tpu.memory_space<vmem>>, vector<16xf32>,
      tpu.vector_store %arg17[%swap3A_836, %swap3A_837], %get3A_812 {strides = array<i32>} : memref<80x128xf32, #tpu.memory_space<vmem>>, vector<16xf32>,
      %add3A_839 = arith.constant 11 : i32
      %add3A_840 = arith.addi %mul3A_84, %add3A_839 : i32
      %swap3A_841 = arith.index_cast %add3A_840 : i32 to index
      %swap3A_842 = arith.constant 16 : index
      %swap3A_843 = tpu.vector_load %arg17[%swap3A_841, %swap3A_842] {strides = array<i32>} : memref<80x128xf32, #tpu.memory_space<vmem>>, vector<16xf32>,
      tpu.vector_store %arg17[%swap3A_841, %swap3A_842], %get3A_815 {strides = array<i32>} : memref<80x128xf32, #tpu.memory_space<vmem>>, vector<16xf32>,
      %add3A_844 = arith.constant 11 : i32
      %add3A_845 = arith.addi %mul3A_84, %add3A_844 : i32
      %swap3A_846 = arith.index_cast %add3A_845 : i32 to index
      %swap3A_847 = arith.constant 32 : index
      %swap3A_848 = tpu.vector_load %arg17[%swap3A_846, %swap3A_847] {strides = array<i32>} : memref<80x128xf32, #tpu.memory_space<vmem>>, vector<16xf32>,
      tpu.vector_store %arg17[%swap3A_846, %swap3A_847], %get3A_818 {strides = array<i32>} : memref<80x128xf32, #tpu.memory_space<vmem>>, vector<16xf32>,
      %add3A_849 = arith.constant 11 : i32
      %add3A_850 = arith.addi %mul3A_84, %add3A_849 : i32
      %swap3A_851 = arith.index_cast %add3A_850 : i32 to index
      %swap3A_852 = arith.constant 48 : index
      %swap3A_853 = tpu.vector_load %arg17[%swap3A_851, %swap3A_852] {strides = array<i32>} : memref<80x128xf32, #tpu.memory_space<vmem>>, vector<16xf32>,
      tpu.vector_store %arg17[%swap3A_851, %swap3A_852], %get3A_821 {strides = array<i32>} : memref<80x128xf32, #tpu.memory_space<vmem>>, vector<16xf32>,
      %add3A_854 = arith.constant 11 : i32
      %add3A_855 = arith.addi %mul3A_84, %add3A_854 : i32
      %swap3A_856 = arith.index_cast %add3A_855 : i32 to index
      %swap3A_857 = arith.constant 64 : index
      %swap3A_858 = tpu.vector_load %arg17[%swap3A_856, %swap3A_857] {strides = array<i32>} : memref<80x128xf32, #tpu.memory_space<vmem>>, vector<16xf32>,
      tpu.vector_store %arg17[%swap3A_856, %swap3A_857], %get3A_824 {strides = array<i32>} : memref<80x128xf32, #tpu.memory_space<vmem>>, vector<16xf32>,
      %add3A_859 = arith.constant 11 : i32
      %add3A_860 = arith.addi %mul3A_84, %add3A_859 : i32
      %swap3A_861 = arith.index_cast %add3A_860 : i32 to index
      %swap3A_862 = arith.constant 80 : index
      %swap3A_863 = tpu.vector_load %arg17[%swap3A_861, %swap3A_862] {strides = array<i32>} : memref<80x128xf32, #tpu.memory_space<vmem>>, vector<16xf32>,
      tpu.vector_store %arg17[%swap3A_861, %swap3A_862], %get3A_827 {strides = array<i32>} : memref<80x128xf32, #tpu.memory_space<vmem>>, vector<16xf32>,
      %add3A_864 = arith.constant 11 : i32
      %add3A_865 = arith.addi %mul3A_84, %add3A_864 : i32
      %swap3A_866 = arith.index_cast %add3A_865 : i32 to index
      %swap3A_867 = arith.constant 96 : index
      %swap3A_868 = tpu.vector_load %arg17[%swap3A_866, %swap3A_867] {strides = array<i32>} : memref<80x128xf32, #tpu.memory_space<vmem>>, vector<16xf32>,
      tpu.vector_store %arg17[%swap3A_866, %swap3A_867], %get3A_830 {strides = array<i32>} : memref<80x128xf32, #tpu.memory_space<vmem>>, vector<16xf32>,
      %add3A_869 = arith.constant 11 : i32
      %add3A_870 = arith.addi %mul3A_84, %add3A_869 : i32
      %swap3A_871 = arith.index_cast %add3A_870 : i32 to index
      %swap3A_872 = arith.constant 112 : index
      %swap3A_873 = tpu.vector_load %arg17[%swap3A_871, %swap3A_872] {strides = array<i32>} : memref<80x128xf32, #tpu.memory_space<vmem>>, vector<16xf32>,
      tpu.vector_store %arg17[%swap3A_871, %swap3A_872], %get3A_833 {strides = array<i32>} : memref<80x128xf32, #tpu.memory_space<vmem>>, vector<16xf32>,
      %slice3A_874 = vector.extract_strided_slice %add3A_82 {offsets = [12], sizes = [1], strides = [1]} : vector<16xi32> to vector<1xi32>
      %squeeze3A_875 = vector.extract %slice3A_874[0] : i32 from vector<1xi32>
      %get3A_876 = arith.index_cast %squeeze3A_875 : i32 to index
      %get3A_877 = arith.constant 0 : index
      %get3A_878 = tpu.vector_load %arg16[%get3A_876, %get3A_877] {strides = array<i32>} : memref<216x128xf32, #tpu.memory_space<vmem>>, vector<16xf32>,
      %get3A_879 = arith.index_cast %squeeze3A_875 : i32 to index
      %get3A_880 = arith.constant 16 : index
      %get3A_881 = tpu.vector_load %arg16[%get3A_879, %get3A_880] {strides = array<i32>} : memref<216x128xf32, #tpu.memory_space<vmem>>, vector<16xf32>,
      %get3A_882 = arith.index_cast %squeeze3A_875 : i32 to index
      %get3A_883 = arith.constant 32 : index
      %get3A_884 = tpu.vector_load %arg16[%get3A_882, %get3A_883] {strides = array<i32>} : memref<216x128xf32, #tpu.memory_space<vmem>>, vector<16xf32>,
      %get3A_885 = arith.index_cast %squeeze3A_875 : i32 to index
      %get3A_886 = arith.constant 48 : index
      %get3A_887 = tpu.vector_load %arg16[%get3A_885, %get3A_886] {strides = array<i32>} : memref<216x128xf32, #tpu.memory_space<vmem>>, vector<16xf32>,
      %get3A_888 = arith.index_cast %squeeze3A_875 : i32 to index
      %get3A_889 = arith.constant 64 : index
      %get3A_890 = tpu.vector_load %arg16[%get3A_888, %get3A_889] {strides = array<i32>} : memref<216x128xf32, #tpu.memory_space<vmem>>, vector<16xf32>,
      %get3A_891 = arith.index_cast %squeeze3A_875 : i32 to index
      %get3A_892 = arith.constant 80 : index
      %get3A_893 = tpu.vector_load %arg16[%get3A_891, %get3A_892] {strides = array<i32>} : memref<216x128xf32, #tpu.memory_space<vmem>>, vector<16xf32>,
      %get3A_894 = arith.index_cast %squeeze3A_875 : i32 to index
      %get3A_895 = arith.constant 96 : index
      %get3A_896 = tpu.vector_load %arg16[%get3A_894, %get3A_895] {strides = array<i32>} : memref<216x128xf32, #tpu.memory_space<vmem>>, vector<16xf32>,
      %get3A_897 = arith.index_cast %squeeze3A_875 : i32 to index
      %get3A_898 = arith.constant 112 : index
      %get3A_899 = tpu.vector_load %arg16[%get3A_897, %get3A_898] {strides = array<i32>} : memref<216x128xf32, #tpu.memory_space<vmem>>, vector<16xf32>,
      %add3A_900 = arith.constant 12 : i32
      %add3A_901 = arith.addi %mul3A_84, %add3A_900 : i32
      %swap3A_902 = arith.index_cast %add3A_901 : i32 to index
      %swap3A_903 = arith.constant 0 : index
      %swap3A_904 = tpu.vector_load %arg17[%swap3A_902, %swap3A_903] {strides = array<i32>} : memref<80x128xf32, #tpu.memory_space<vmem>>, vector<16xf32>,
      tpu.vector_store %arg17[%swap3A_902, %swap3A_903], %get3A_878 {strides = array<i32>} : memref<80x128xf32, #tpu.memory_space<vmem>>, vector<16xf32>,
      %add3A_905 = arith.constant 12 : i32
      %add3A_906 = arith.addi %mul3A_84, %add3A_905 : i32
      %swap3A_907 = arith.index_cast %add3A_906 : i32 to index
      %swap3A_908 = arith.constant 16 : index
      %swap3A_909 = tpu.vector_load %arg17[%swap3A_907, %swap3A_908] {strides = array<i32>} : memref<80x128xf32, #tpu.memory_space<vmem>>, vector<16xf32>,
      tpu.vector_store %arg17[%swap3A_907, %swap3A_908], %get3A_881 {strides = array<i32>} : memref<80x128xf32, #tpu.memory_space<vmem>>, vector<16xf32>,
      %add3A_910 = arith.constant 12 : i32
      %add3A_911 = arith.addi %mul3A_84, %add3A_910 : i32
      %swap3A_912 = arith.index_cast %add3A_911 : i32 to index
      %swap3A_913 = arith.constant 32 : index
      %swap3A_914 = tpu.vector_load %arg17[%swap3A_912, %swap3A_913] {strides = array<i32>} : memref<80x128xf32, #tpu.memory_space<vmem>>, vector<16xf32>,
      tpu.vector_store %arg17[%swap3A_912, %swap3A_913], %get3A_884 {strides = array<i32>} : memref<80x128xf32, #tpu.memory_space<vmem>>, vector<16xf32>,
      %add3A_915 = arith.constant 12 : i32
      %add3A_916 = arith.addi %mul3A_84, %add3A_915 : i32
      %swap3A_917 = arith.index_cast %add3A_916 : i32 to index
      %swap3A_918 = arith.constant 48 : index
      %swap3A_919 = tpu.vector_load %arg17[%swap3A_917, %swap3A_918] {strides = array<i32>} : memref<80x128xf32, #tpu.memory_space<vmem>>, vector<16xf32>,
      tpu.vector_store %arg17[%swap3A_917, %swap3A_918], %get3A_887 {strides = array<i32>} : memref<80x128xf32, #tpu.memory_space<vmem>>, vector<16xf32>,
      %add3A_920 = arith.constant 12 : i32
      %add3A_921 = arith.addi %mul3A_84, %add3A_920 : i32
      %swap3A_922 = arith.index_cast %add3A_921 : i32 to index
      %swap3A_923 = arith.constant 64 : index
      %swap3A_924 = tpu.vector_load %arg17[%swap3A_922, %swap3A_923] {strides = array<i32>} : memref<80x128xf32, #tpu.memory_space<vmem>>, vector<16xf32>,
      tpu.vector_store %arg17[%swap3A_922, %swap3A_923], %get3A_890 {strides = array<i32>} : memref<80x128xf32, #tpu.memory_space<vmem>>, vector<16xf32>,
      %add3A_925 = arith.constant 12 : i32
      %add3A_926 = arith.addi %mul3A_84, %add3A_925 : i32
      %swap3A_927 = arith.index_cast %add3A_926 : i32 to index
      %swap3A_928 = arith.constant 80 : index
      %swap3A_929 = tpu.vector_load %arg17[%swap3A_927, %swap3A_928] {strides = array<i32>} : memref<80x128xf32, #tpu.memory_space<vmem>>, vector<16xf32>,
      tpu.vector_store %arg17[%swap3A_927, %swap3A_928], %get3A_893 {strides = array<i32>} : memref<80x128xf32, #tpu.memory_space<vmem>>, vector<16xf32>,
      %add3A_930 = arith.constant 12 : i32
      %add3A_931 = arith.addi %mul3A_84, %add3A_930 : i32
      %swap3A_932 = arith.index_cast %add3A_931 : i32 to index
      %swap3A_933 = arith.constant 96 : index
      %swap3A_934 = tpu.vector_load %arg17[%swap3A_932, %swap3A_933] {strides = array<i32>} : memref<80x128xf32, #tpu.memory_space<vmem>>, vector<16xf32>,
      tpu.vector_store %arg17[%swap3A_932, %swap3A_933], %get3A_896 {strides = array<i32>} : memref<80x128xf32, #tpu.memory_space<vmem>>, vector<16xf32>,
      %add3A_935 = arith.constant 12 : i32
      %add3A_936 = arith.addi %mul3A_84, %add3A_935 : i32
      %swap3A_937 = arith.index_cast %add3A_936 : i32 to index
      %swap3A_938 = arith.constant 112 : index
      %swap3A_939 = tpu.vector_load %arg17[%swap3A_937, %swap3A_938] {strides = array<i32>} : memref<80x128xf32, #tpu.memory_space<vmem>>, vector<16xf32>,
      tpu.vector_store %arg17[%swap3A_937, %swap3A_938], %get3A_899 {strides = array<i32>} : memref<80x128xf32, #tpu.memory_space<vmem>>, vector<16xf32>,
      %slice3A_940 = vector.extract_strided_slice %add3A_82 {offsets = [13], sizes = [1], strides = [1]} : vector<16xi32> to vector<1xi32>
      %squeeze3A_941 = vector.extract %slice3A_940[0] : i32 from vector<1xi32>
      %get3A_942 = arith.index_cast %squeeze3A_941 : i32 to index
      %get3A_943 = arith.constant 0 : index
      %get3A_944 = tpu.vector_load %arg16[%get3A_942, %get3A_943] {strides = array<i32>} : memref<216x128xf32, #tpu.memory_space<vmem>>, vector<16xf32>,
      %get3A_945 = arith.index_cast %squeeze3A_941 : i32 to index
      %get3A_946 = arith.constant 16 : index
      %get3A_947 = tpu.vector_load %arg16[%get3A_945, %get3A_946] {strides = array<i32>} : memref<216x128xf32, #tpu.memory_space<vmem>>, vector<16xf32>,
      %get3A_948 = arith.index_cast %squeeze3A_941 : i32 to index
      %get3A_949 = arith.constant 32 : index
      %get3A_950 = tpu.vector_load %arg16[%get3A_948, %get3A_949] {strides = array<i32>} : memref<216x128xf32, #tpu.memory_space<vmem>>, vector<16xf32>,
      %get3A_951 = arith.index_cast %squeeze3A_941 : i32 to index
      %get3A_952 = arith.constant 48 : index
      %get3A_953 = tpu.vector_load %arg16[%get3A_951, %get3A_952] {strides = array<i32>} : memref<216x128xf32, #tpu.memory_space<vmem>>, vector<16xf32>,
      %get3A_954 = arith.index_cast %squeeze3A_941 : i32 to index
      %get3A_955 = arith.constant 64 : index
      %get3A_956 = tpu.vector_load %arg16[%get3A_954, %get3A_955] {strides = array<i32>} : memref<216x128xf32, #tpu.memory_space<vmem>>, vector<16xf32>,
      %get3A_957 = arith.index_cast %squeeze3A_941 : i32 to index
      %get3A_958 = arith.constant 80 : index
      %get3A_959 = tpu.vector_load %arg16[%get3A_957, %get3A_958] {strides = array<i32>} : memref<216x128xf32, #tpu.memory_space<vmem>>, vector<16xf32>,
      %get3A_960 = arith.index_cast %squeeze3A_941 : i32 to index
      %get3A_961 = arith.constant 96 : index
      %get3A_962 = tpu.vector_load %arg16[%get3A_960, %get3A_961] {strides = array<i32>} : memref<216x128xf32, #tpu.memory_space<vmem>>, vector<16xf32>,
      %get3A_963 = arith.index_cast %squeeze3A_941 : i32 to index
      %get3A_964 = arith.constant 112 : index
      %get3A_965 = tpu.vector_load %arg16[%get3A_963, %get3A_964] {strides = array<i32>} : memref<216x128xf32, #tpu.memory_space<vmem>>, vector<16xf32>,
      %add3A_966 = arith.constant 13 : i32
      %add3A_967 = arith.addi %mul3A_84, %add3A_966 : i32
      %swap3A_968 = arith.index_cast %add3A_967 : i32 to index
      %swap3A_969 = arith.constant 0 : index
      %swap3A_970 = tpu.vector_load %arg17[%swap3A_968, %swap3A_969] {strides = array<i32>} : memref<80x128xf32, #tpu.memory_space<vmem>>, vector<16xf32>,
      tpu.vector_store %arg17[%swap3A_968, %swap3A_969], %get3A_944 {strides = array<i32>} : memref<80x128xf32, #tpu.memory_space<vmem>>, vector<16xf32>,
      %add3A_971 = arith.constant 13 : i32
      %add3A_972 = arith.addi %mul3A_84, %add3A_971 : i32
      %swap3A_973 = arith.index_cast %add3A_972 : i32 to index
      %swap3A_974 = arith.constant 16 : index
      %swap3A_975 = tpu.vector_load %arg17[%swap3A_973, %swap3A_974] {strides = array<i32>} : memref<80x128xf32, #tpu.memory_space<vmem>>, vector<16xf32>,
      tpu.vector_store %arg17[%swap3A_973, %swap3A_974], %get3A_947 {strides = array<i32>} : memref<80x128xf32, #tpu.memory_space<vmem>>, vector<16xf32>,
      %add3A_976 = arith.constant 13 : i32
      %add3A_977 = arith.addi %mul3A_84, %add3A_976 : i32
      %swap3A_978 = arith.index_cast %add3A_977 : i32 to index
      %swap3A_979 = arith.constant 32 : index
      %swap3A_980 = tpu.vector_load %arg17[%swap3A_978, %swap3A_979] {strides = array<i32>} : memref<80x128xf32, #tpu.memory_space<vmem>>, vector<16xf32>,
      tpu.vector_store %arg17[%swap3A_978, %swap3A_979], %get3A_950 {strides = array<i32>} : memref<80x128xf32, #tpu.memory_space<vmem>>, vector<16xf32>,
      %add3A_981 = arith.constant 13 : i32
      %add3A_982 = arith.addi %mul3A_84, %add3A_981 : i32
      %swap3A_983 = arith.index_cast %add3A_982 : i32 to index
      %swap3A_984 = arith.constant 48 : index
      %swap3A_985 = tpu.vector_load %arg17[%swap3A_983, %swap3A_984] {strides = array<i32>} : memref<80x128xf32, #tpu.memory_space<vmem>>, vector<16xf32>,
      tpu.vector_store %arg17[%swap3A_983, %swap3A_984], %get3A_953 {strides = array<i32>} : memref<80x128xf32, #tpu.memory_space<vmem>>, vector<16xf32>,
      %add3A_986 = arith.constant 13 : i32
      %add3A_987 = arith.addi %mul3A_84, %add3A_986 : i32
      %swap3A_988 = arith.index_cast %add3A_987 : i32 to index
      %swap3A_989 = arith.constant 64 : index
      %swap3A_990 = tpu.vector_load %arg17[%swap3A_988, %swap3A_989] {strides = array<i32>} : memref<80x128xf32, #tpu.memory_space<vmem>>, vector<16xf32>,
      tpu.vector_store %arg17[%swap3A_988, %swap3A_989], %get3A_956 {strides = array<i32>} : memref<80x128xf32, #tpu.memory_space<vmem>>, vector<16xf32>,
      %add3A_991 = arith.constant 13 : i32
      %add3A_992 = arith.addi %mul3A_84, %add3A_991 : i32
      %swap3A_993 = arith.index_cast %add3A_992 : i32 to index
      %swap3A_994 = arith.constant 80 : index
      %swap3A_995 = tpu.vector_load %arg17[%swap3A_993, %swap3A_994] {strides = array<i32>} : memref<80x128xf32, #tpu.memory_space<vmem>>, vector<16xf32>,
      tpu.vector_store %arg17[%swap3A_993, %swap3A_994], %get3A_959 {strides = array<i32>} : memref<80x128xf32, #tpu.memory_space<vmem>>, vector<16xf32>,
      %add3A_996 = arith.constant 13 : i32
      %add3A_997 = arith.addi %mul3A_84, %add3A_996 : i32
      %swap3A_998 = arith.index_cast %add3A_997 : i32 to index
      %swap3A_999 = arith.constant 96 : index
      %swap3A_1000 = tpu.vector_load %arg17[%swap3A_998, %swap3A_999] {strides = array<i32>} : memref<80x128xf32, #tpu.memory_space<vmem>>, vector<16xf32>,
      tpu.vector_store %arg17[%swap3A_998, %swap3A_999], %get3A_962 {strides = array<i32>} : memref<80x128xf32, #tpu.memory_space<vmem>>, vector<16xf32>,
      %add3A_1001 = arith.constant 13 : i32
      %add3A_1002 = arith.addi %mul3A_84, %add3A_1001 : i32
      %swap3A_1003 = arith.index_cast %add3A_1002 : i32 to index
      %swap3A_1004 = arith.constant 112 : index
      %swap3A_1005 = tpu.vector_load %arg17[%swap3A_1003, %swap3A_1004] {strides = array<i32>} : memref<80x128xf32, #tpu.memory_space<vmem>>, vector<16xf32>,
      tpu.vector_store %arg17[%swap3A_1003, %swap3A_1004], %get3A_965 {strides = array<i32>} : memref<80x128xf32, #tpu.memory_space<vmem>>, vector<16xf32>,
      %slice3A_1006 = vector.extract_strided_slice %add3A_82 {offsets = [14], sizes = [1], strides = [1]} : vector<16xi32> to vector<1xi32>
      %squeeze3A_1007 = vector.extract %slice3A_1006[0] : i32 from vector<1xi32>
      %get3A_1008 = arith.index_cast %squeeze3A_1007 : i32 to index
      %get3A_1009 = arith.constant 0 : index
      %get3A_1010 = tpu.vector_load %arg16[%get3A_1008, %get3A_1009] {strides = array<i32>} : memref<216x128xf32, #tpu.memory_space<vmem>>, vector<16xf32>,
      %get3A_1011 = arith.index_cast %squeeze3A_1007 : i32 to index
      %get3A_1012 = arith.constant 16 : index
      %get3A_1013 = tpu.vector_load %arg16[%get3A_1011, %get3A_1012] {strides = array<i32>} : memref<216x128xf32, #tpu.memory_space<vmem>>, vector<16xf32>,
      %get3A_1014 = arith.index_cast %squeeze3A_1007 : i32 to index
      %get3A_1015 = arith.constant 32 : index
      %get3A_1016 = tpu.vector_load %arg16[%get3A_1014, %get3A_1015] {strides = array<i32>} : memref<216x128xf32, #tpu.memory_space<vmem>>, vector<16xf32>,
      %get3A_1017 = arith.index_cast %squeeze3A_1007 : i32 to index
      %get3A_1018 = arith.constant 48 : index
      %get3A_1019 = tpu.vector_load %arg16[%get3A_1017, %get3A_1018] {strides = array<i32>} : memref<216x128xf32, #tpu.memory_space<vmem>>, vector<16xf32>,
      %get3A_1020 = arith.index_cast %squeeze3A_1007 : i32 to index
      %get3A_1021 = arith.constant 64 : index
      %get3A_1022 = tpu.vector_load %arg16[%get3A_1020, %get3A_1021] {strides = array<i32>} : memref<216x128xf32, #tpu.memory_space<vmem>>, vector<16xf32>,
      %get3A_1023 = arith.index_cast %squeeze3A_1007 : i32 to index
      %get3A_1024 = arith.constant 80 : index
      %get3A_1025 = tpu.vector_load %arg16[%get3A_1023, %get3A_1024] {strides = array<i32>} : memref<216x128xf32, #tpu.memory_space<vmem>>, vector<16xf32>,
      %get3A_1026 = arith.index_cast %squeeze3A_1007 : i32 to index
      %get3A_1027 = arith.constant 96 : index
      %get3A_1028 = tpu.vector_load %arg16[%get3A_1026, %get3A_1027] {strides = array<i32>} : memref<216x128xf32, #tpu.memory_space<vmem>>, vector<16xf32>,
      %get3A_1029 = arith.index_cast %squeeze3A_1007 : i32 to index
      %get3A_1030 = arith.constant 112 : index
      %get3A_1031 = tpu.vector_load %arg16[%get3A_1029, %get3A_1030] {strides = array<i32>} : memref<216x128xf32, #tpu.memory_space<vmem>>, vector<16xf32>,
      %add3A_1032 = arith.constant 14 : i32
      %add3A_1033 = arith.addi %mul3A_84, %add3A_1032 : i32
      %swap3A_1034 = arith.index_cast %add3A_1033 : i32 to index
      %swap3A_1035 = arith.constant 0 : index
      %swap3A_1036 = tpu.vector_load %arg17[%swap3A_1034, %swap3A_1035] {strides = array<i32>} : memref<80x128xf32, #tpu.memory_space<vmem>>, vector<16xf32>,
      tpu.vector_store %arg17[%swap3A_1034, %swap3A_1035], %get3A_1010 {strides = array<i32>} : memref<80x128xf32, #tpu.memory_space<vmem>>, vector<16xf32>,
      %add3A_1037 = arith.constant 14 : i32
      %add3A_1038 = arith.addi %mul3A_84, %add3A_1037 : i32
      %swap3A_1039 = arith.index_cast %add3A_1038 : i32 to index
      %swap3A_1040 = arith.constant 16 : index
      %swap3A_1041 = tpu.vector_load %arg17[%swap3A_1039, %swap3A_1040] {strides = array<i32>} : memref<80x128xf32, #tpu.memory_space<vmem>>, vector<16xf32>,
      tpu.vector_store %arg17[%swap3A_1039, %swap3A_1040], %get3A_1013 {strides = array<i32>} : memref<80x128xf32, #tpu.memory_space<vmem>>, vector<16xf32>,
      %add3A_1042 = arith.constant 14 : i32
      %add3A_1043 = arith.addi %mul3A_84, %add3A_1042 : i32
      %swap3A_1044 = arith.index_cast %add3A_1043 : i32 to index
      %swap3A_1045 = arith.constant 32 : index
      %swap3A_1046 = tpu.vector_load %arg17[%swap3A_1044, %swap3A_1045] {strides = array<i32>} : memref<80x128xf32, #tpu.memory_space<vmem>>, vector<16xf32>,
      tpu.vector_store %arg17[%swap3A_1044, %swap3A_1045], %get3A_1016 {strides = array<i32>} : memref<80x128xf32, #tpu.memory_space<vmem>>, vector<16xf32>,
      %add3A_1047 = arith.constant 14 : i32
      %add3A_1048 = arith.addi %mul3A_84, %add3A_1047 : i32
      %swap3A_1049 = arith.index_cast %add3A_1048 : i32 to index
      %swap3A_1050 = arith.constant 48 : index
      %swap3A_1051 = tpu.vector_load %arg17[%swap3A_1049, %swap3A_1050] {strides = array<i32>} : memref<80x128xf32, #tpu.memory_space<vmem>>, vector<16xf32>,
      tpu.vector_store %arg17[%swap3A_1049, %swap3A_1050], %get3A_1019 {strides = array<i32>} : memref<80x128xf32, #tpu.memory_space<vmem>>, vector<16xf32>,
      %add3A_1052 = arith.constant 14 : i32
      %add3A_1053 = arith.addi %mul3A_84, %add3A_1052 : i32
      %swap3A_1054 = arith.index_cast %add3A_1053 : i32 to index
      %swap3A_1055 = arith.constant 64 : index
      %swap3A_1056 = tpu.vector_load %arg17[%swap3A_1054, %swap3A_1055] {strides = array<i32>} : memref<80x128xf32, #tpu.memory_space<vmem>>, vector<16xf32>,
      tpu.vector_store %arg17[%swap3A_1054, %swap3A_1055], %get3A_1022 {strides = array<i32>} : memref<80x128xf32, #tpu.memory_space<vmem>>, vector<16xf32>,
      %add3A_1057 = arith.constant 14 : i32
      %add3A_1058 = arith.addi %mul3A_84, %add3A_1057 : i32
      %swap3A_1059 = arith.index_cast %add3A_1058 : i32 to index
      %swap3A_1060 = arith.constant 80 : index
      %swap3A_1061 = tpu.vector_load %arg17[%swap3A_1059, %swap3A_1060] {strides = array<i32>} : memref<80x128xf32, #tpu.memory_space<vmem>>, vector<16xf32>,
      tpu.vector_store %arg17[%swap3A_1059, %swap3A_1060], %get3A_1025 {strides = array<i32>} : memref<80x128xf32, #tpu.memory_space<vmem>>, vector<16xf32>,
      %add3A_1062 = arith.constant 14 : i32
      %add3A_1063 = arith.addi %mul3A_84, %add3A_1062 : i32
      %swap3A_1064 = arith.index_cast %add3A_1063 : i32 to index
      %swap3A_1065 = arith.constant 96 : index
      %swap3A_1066 = tpu.vector_load %arg17[%swap3A_1064, %swap3A_1065] {strides = array<i32>} : memref<80x128xf32, #tpu.memory_space<vmem>>, vector<16xf32>,
      tpu.vector_store %arg17[%swap3A_1064, %swap3A_1065], %get3A_1028 {strides = array<i32>} : memref<80x128xf32, #tpu.memory_space<vmem>>, vector<16xf32>,
      %add3A_1067 = arith.constant 14 : i32
      %add3A_1068 = arith.addi %mul3A_84, %add3A_1067 : i32
      %swap3A_1069 = arith.index_cast %add3A_1068 : i32 to index
      %swap3A_1070 = arith.constant 112 : index
      %swap3A_1071 = tpu.vector_load %arg17[%swap3A_1069, %swap3A_1070] {strides = array<i32>} : memref<80x128xf32, #tpu.memory_space<vmem>>, vector<16xf32>,
      tpu.vector_store %arg17[%swap3A_1069, %swap3A_1070], %get3A_1031 {strides = array<i32>} : memref<80x128xf32, #tpu.memory_space<vmem>>, vector<16xf32>,
      %slice3A_1072 = vector.extract_strided_slice %add3A_82 {offsets = [15], sizes = [1], strides = [1]} : vector<16xi32> to vector<1xi32>
      %squeeze3A_1073 = vector.extract %slice3A_1072[0] : i32 from vector<1xi32>
      %get3A_1074 = arith.index_cast %squeeze3A_1073 : i32 to index
      %get3A_1075 = arith.constant 0 : index
      %get3A_1076 = tpu.vector_load %arg16[%get3A_1074, %get3A_1075] {strides = array<i32>} : memref<216x128xf32, #tpu.memory_space<vmem>>, vector<16xf32>,
      %get3A_1077 = arith.index_cast %squeeze3A_1073 : i32 to index
      %get3A_1078 = arith.constant 16 : index
      %get3A_1079 = tpu.vector_load %arg16[%get3A_1077, %get3A_1078] {strides = array<i32>} : memref<216x128xf32, #tpu.memory_space<vmem>>, vector<16xf32>,
      %get3A_1080 = arith.index_cast %squeeze3A_1073 : i32 to index
      %get3A_1081 = arith.constant 32 : index
      %get3A_1082 = tpu.vector_load %arg16[%get3A_1080, %get3A_1081] {strides = array<i32>} : memref<216x128xf32, #tpu.memory_space<vmem>>, vector<16xf32>,
      %get3A_1083 = arith.index_cast %squeeze3A_1073 : i32 to index
      %get3A_1084 = arith.constant 48 : index
      %get3A_1085 = tpu.vector_load %arg16[%get3A_1083, %get3A_1084] {strides = array<i32>} : memref<216x128xf32, #tpu.memory_space<vmem>>, vector<16xf32>,
      %get3A_1086 = arith.index_cast %squeeze3A_1073 : i32 to index
      %get3A_1087 = arith.constant 64 : index
      %get3A_1088 = tpu.vector_load %arg16[%get3A_1086, %get3A_1087] {strides = array<i32>} : memref<216x128xf32, #tpu.memory_space<vmem>>, vector<16xf32>,
      %get3A_1089 = arith.index_cast %squeeze3A_1073 : i32 to index
      %get3A_1090 = arith.constant 80 : index
      %get3A_1091 = tpu.vector_load %arg16[%get3A_1089, %get3A_1090] {strides = array<i32>} : memref<216x128xf32, #tpu.memory_space<vmem>>, vector<16xf32>,
      %get3A_1092 = arith.index_cast %squeeze3A_1073 : i32 to index
      %get3A_1093 = arith.constant 96 : index
      %get3A_1094 = tpu.vector_load %arg16[%get3A_1092, %get3A_1093] {strides = array<i32>} : memref<216x128xf32, #tpu.memory_space<vmem>>, vector<16xf32>,
      %get3A_1095 = arith.index_cast %squeeze3A_1073 : i32 to index
      %get3A_1096 = arith.constant 112 : index
      %get3A_1097 = tpu.vector_load %arg16[%get3A_1095, %get3A_1096] {strides = array<i32>} : memref<216x128xf32, #tpu.memory_space<vmem>>, vector<16xf32>,
      %add3A_1098 = arith.constant 15 : i32
      %add3A_1099 = arith.addi %mul3A_84, %add3A_1098 : i32
      %swap3A_1100 = arith.index_cast %add3A_1099 : i32 to index
      %swap3A_1101 = arith.constant 0 : index
      %swap3A_1102 = tpu.vector_load %arg17[%swap3A_1100, %swap3A_1101] {strides = array<i32>} : memref<80x128xf32, #tpu.memory_space<vmem>>, vector<16xf32>,
      tpu.vector_store %arg17[%swap3A_1100, %swap3A_1101], %get3A_1076 {strides = array<i32>} : memref<80x128xf32, #tpu.memory_space<vmem>>, vector<16xf32>,
      %add3A_1103 = arith.constant 15 : i32
      %add3A_1104 = arith.addi %mul3A_84, %add3A_1103 : i32
      %swap3A_1105 = arith.index_cast %add3A_1104 : i32 to index
      %swap3A_1106 = arith.constant 16 : index
      %swap3A_1107 = tpu.vector_load %arg17[%swap3A_1105, %swap3A_1106] {strides = array<i32>} : memref<80x128xf32, #tpu.memory_space<vmem>>, vector<16xf32>,
      tpu.vector_store %arg17[%swap3A_1105, %swap3A_1106], %get3A_1079 {strides = array<i32>} : memref<80x128xf32, #tpu.memory_space<vmem>>, vector<16xf32>,
      %add3A_1108 = arith.constant 15 : i32
      %add3A_1109 = arith.addi %mul3A_84, %add3A_1108 : i32
      %swap3A_1110 = arith.index_cast %add3A_1109 : i32 to index
      %swap3A_1111 = arith.constant 32 : index
      %swap3A_1112 = tpu.vector_load %arg17[%swap3A_1110, %swap3A_1111] {strides = array<i32>} : memref<80x128xf32, #tpu.memory_space<vmem>>, vector<16xf32>,
      tpu.vector_store %arg17[%swap3A_1110, %swap3A_1111], %get3A_1082 {strides = array<i32>} : memref<80x128xf32, #tpu.memory_space<vmem>>, vector<16xf32>,
      %add3A_1113 = arith.constant 15 : i32
      %add3A_1114 = arith.addi %mul3A_84, %add3A_1113 : i32
      %swap3A_1115 = arith.index_cast %add3A_1114 : i32 to index
      %swap3A_1116 = arith.constant 48 : index
      %swap3A_1117 = tpu.vector_load %arg17[%swap3A_1115, %swap3A_1116] {strides = array<i32>} : memref<80x128xf32, #tpu.memory_space<vmem>>, vector<16xf32>,
      tpu.vector_store %arg17[%swap3A_1115, %swap3A_1116], %get3A_1085 {strides = array<i32>} : memref<80x128xf32, #tpu.memory_space<vmem>>, vector<16xf32>,
      %add3A_1118 = arith.constant 15 : i32
      %add3A_1119 = arith.addi %mul3A_84, %add3A_1118 : i32
      %swap3A_1120 = arith.index_cast %add3A_1119 : i32 to index
      %swap3A_1121 = arith.constant 64 : index
      %swap3A_1122 = tpu.vector_load %arg17[%swap3A_1120, %swap3A_1121] {strides = array<i32>} : memref<80x128xf32, #tpu.memory_space<vmem>>, vector<16xf32>,
      tpu.vector_store %arg17[%swap3A_1120, %swap3A_1121], %get3A_1088 {strides = array<i32>} : memref<80x128xf32, #tpu.memory_space<vmem>>, vector<16xf32>,
      %add3A_1123 = arith.constant 15 : i32
      %add3A_1124 = arith.addi %mul3A_84, %add3A_1123 : i32
      %swap3A_1125 = arith.index_cast %add3A_1124 : i32 to index
      %swap3A_1126 = arith.constant 80 : index
      %swap3A_1127 = tpu.vector_load %arg17[%swap3A_1125, %swap3A_1126] {strides = array<i32>} : memref<80x128xf32, #tpu.memory_space<vmem>>, vector<16xf32>,
      tpu.vector_store %arg17[%swap3A_1125, %swap3A_1126], %get3A_1091 {strides = array<i32>} : memref<80x128xf32, #tpu.memory_space<vmem>>, vector<16xf32>,
      %add3A_1128 = arith.constant 15 : i32
      %add3A_1129 = arith.addi %mul3A_84, %add3A_1128 : i32
      %swap3A_1130 = arith.index_cast %add3A_1129 : i32 to index
      %swap3A_1131 = arith.constant 96 : index
      %swap3A_1132 = tpu.vector_load %arg17[%swap3A_1130, %swap3A_1131] {strides = array<i32>} : memref<80x128xf32, #tpu.memory_space<vmem>>, vector<16xf32>,
      tpu.vector_store %arg17[%swap3A_1130, %swap3A_1131], %get3A_1094 {strides = array<i32>} : memref<80x128xf32, #tpu.memory_space<vmem>>, vector<16xf32>,
      %add3A_1133 = arith.constant 15 : i32
      %add3A_1134 = arith.addi %mul3A_84, %add3A_1133 : i32
      %swap3A_1135 = arith.index_cast %add3A_1134 : i32 to index
      %swap3A_1136 = arith.constant 112 : index
      %swap3A_1137 = tpu.vector_load %arg17[%swap3A_1135, %swap3A_1136] {strides = array<i32>} : memref<80x128xf32, #tpu.memory_space<vmem>>, vector<16xf32>,
      tpu.vector_store %arg17[%swap3A_1135, %swap3A_1136], %get3A_1097 {strides = array<i32>} : memref<80x128xf32, #tpu.memory_space<vmem>>, vector<16xf32>,
      %scan3A_1138 = arith.constant 0 : i32
      scf.yield %scan3A_1138 : i32
    }
    %scan3A_38 = arith.constant 5 : i32
    %add3A_39 = arith.constant 0 : i32
    %add3A_40 = arith.addi %mul3A_2, %add3A_39 : i32
    %dma_start3A_41 = arith.constant 0 : i32
    %dma_start3A_42 = tpu.memref_slice %arg8[%add3A_40, %dma_start3A_41] : memref<320000x128xf32, #tpu.memory_space<hbm>> -> memref<80x128xf32, #tpu.memory_space<hbm>>
    %dma_start3A_43 = arith.constant 0 : i32
    %dma_start3A_44 = tpu.memref_slice %arg8[%add3A_40, %dma_start3A_43] : memref<320000x128xf32, #tpu.memory_space<hbm>> -> memref<80x128xf32, #tpu.memory_space<hbm>>
    tpu.enqueue_dma source(%arg17 : memref<80x128xf32, #tpu.memory_space<vmem>>) target(%dma_start3A_44 : memref<80x128xf32, #tpu.memory_space<hbm>>) target_semaphore(%arg22 : memref<!tpu.dma_semaphore, #tpu.memory_space<semaphore_mem>>)
    %scan3A_45 = arith.constant 0 : i32
    %scan3A_46 = arith.constant 0 : i32
    %scan3A_47 = arith.constant 62 : i32
    %scan3A_48 = arith.addi %scan3A_46, %scan3A_47 : i32
    %scan3A_49 = arith.constant 1 : i32
    %scan3A_50 = scf.for %scan3A_64 = %scan3A_46 to %scan3A_48 step %scan3A_49 iter_args(%scan3A_65 = %scan3A_45) -> (i32)  : i32 {
      %mul3A_66 = arith.constant 2 : i32
      %mul3A_67 = arith.muli %mul3A_66, %scan3A_64 : i32
      %add3A_68 = arith.constant 1 : i32
      %add3A_69 = arith.addi %mul3A_67, %add3A_68 : i32
      %mul3A_70 = arith.constant 2 : i32
      %mul3A_71 = arith.muli %mul3A_70, %scan3A_64 : i32
      %add3A_72 = arith.constant 2 : i32
      %add3A_73 = arith.addi %mul3A_71, %add3A_72 : i32
      %gt3A = arith.constant 0 : i32
      %gt3A_74 = arith.cmpi sgt, %scan3A_64, %gt3A : i32
      %convert_element_type3A = arith.extui %gt3A_74 : i1 to i32
      %cond3A = arith.constant 0 : i32
      %cond3A_75 = arith.cmpi ne, %convert_element_type3A, %cond3A : i32
      scf.if %cond3A_75 {
        %dma_wait3A_111 = arith.constant 0 : i32
        %dma_wait3A_112 = arith.constant 0 : i32
        %dma_wait3A_113 = tpu.memref_slice %arg8[%dma_wait3A_111, %dma_wait3A_112] : memref<320000x128xf32, #tpu.memory_space<hbm>> -> memref<80x128xf32, #tpu.memory_space<hbm>>
        %dma_wait3A_114 = arith.constant 0 : i32
        %dma_wait3A_115 = arith.constant 0 : i32
        %dma_wait3A_116 = tpu.memref_slice %arg8[%dma_wait3A_114, %dma_wait3A_115] : memref<320000x128xf32, #tpu.memory_space<hbm>> -> memref<80x128xf32, #tpu.memory_space<hbm>>
        tpu.wait_dma2 semaphore(%arg23 : memref<!tpu.dma_semaphore, #tpu.memory_space<semaphore_mem>>) src(%arg18 : memref<80x128xf32, #tpu.memory_space<vmem>>) dst(%dma_wait3A_116 : memref<80x128xf32, #tpu.memory_space<hbm>>)
      } else {
      }
      %scan3A_76 = arith.constant 0 : i32
      %scan3A_77 = arith.constant 0 : i32
      %scan3A_78 = arith.constant 5 : i32
      %scan3A_79 = arith.addi %scan3A_77, %scan3A_78 : i32
      %scan3A_80 = arith.constant 1 : i32
      %scan3A_81 = scf.for %scan3A_111 = %scan3A_77 to %scan3A_79 step %scan3A_80 iter_args(%scan3A_112 = %scan3A_76) -> (i32)  : i32 {
        %mul3A_113 = arith.constant 80 : i32
        %mul3A_114 = arith.muli %add3A_69, %mul3A_113 : i32
        %mul3A_115 = arith.constant 16 : i32
        %mul3A_116 = arith.muli %scan3A_111, %mul3A_115 : i32
        %add3A_117 = arith.addi %mul3A_114, %mul3A_116 : i32
        %get3A = arith.index_cast %add3A_117 : i32 to index
        %get3A_118 = tpu.vector_load %arg9[%get3A] {strides = array<i32>} : memref<10000xi32, #tpu.memory_space<vmem>>, vector<16xi32>,
        %mul3A_119 = arith.constant 36 : i32
        %mul3A_120 = vector.broadcast %mul3A_119 : i32 to vector<16xi32>
        %mul3A_121 = arith.muli %get3A_118, %mul3A_120 : vector<16xi32>
        %get3A_122 = arith.index_cast %add3A_117 : i32 to index
        %get3A_123 = tpu.vector_load %arg10[%get3A_122] {strides = array<i32>} : memref<10000xi32, #tpu.memory_space<vmem>>, vector<16xi32>,
        %mul3A_124 = arith.constant 6 : i32
        %mul3A_125 = vector.broadcast %mul3A_124 : i32 to vector<16xi32>
        %mul3A_126 = arith.muli %get3A_123, %mul3A_125 : vector<16xi32>
        %add3A_127 = arith.addi %mul3A_121, %mul3A_126 : vector<16xi32>
        %get3A_128 = arith.index_cast %add3A_117 : i32 to index
        %get3A_129 = tpu.vector_load %arg11[%get3A_128] {strides = array<i32>} : memref<10000xi32, #tpu.memory_space<vmem>>, vector<16xi32>,
        %add3A_130 = arith.addi %add3A_127, %get3A_129 : vector<16xi32>
        %mul3A_131 = arith.constant 16 : i32
        %mul3A_132 = arith.muli %scan3A_111, %mul3A_131 : i32
        %slice3A = vector.extract_strided_slice %add3A_130 {offsets = [0], sizes = [1], strides = [1]} : vector<16xi32> to vector<1xi32>
        %squeeze3A = vector.extract %slice3A[0] : i32 from vector<1xi32>
        %get3A_133 = arith.index_cast %squeeze3A : i32 to index
        %get3A_134 = arith.constant 0 : index
        %get3A_135 = tpu.vector_load %arg16[%get3A_133, %get3A_134] {strides = array<i32>} : memref<216x128xf32, #tpu.memory_space<vmem>>, vector<16xf32>,
        %get3A_136 = arith.index_cast %squeeze3A : i32 to index
        %get3A_137 = arith.constant 16 : index
        %get3A_138 = tpu.vector_load %arg16[%get3A_136, %get3A_137] {strides = array<i32>} : memref<216x128xf32, #tpu.memory_space<vmem>>, vector<16xf32>,
        %get3A_139 = arith.index_cast %squeeze3A : i32 to index
        %get3A_140 = arith.constant 32 : index
        %get3A_141 = tpu.vector_load %arg16[%get3A_139, %get3A_140] {strides = array<i32>} : memref<216x128xf32, #tpu.memory_space<vmem>>, vector<16xf32>,
        %get3A_142 = arith.index_cast %squeeze3A : i32 to index
        %get3A_143 = arith.constant 48 : index
        %get3A_144 = tpu.vector_load %arg16[%get3A_142, %get3A_143] {strides = array<i32>} : memref<216x128xf32, #tpu.memory_space<vmem>>, vector<16xf32>,
        %get3A_145 = arith.index_cast %squeeze3A : i32 to index
        %get3A_146 = arith.constant 64 : index
        %get3A_147 = tpu.vector_load %arg16[%get3A_145, %get3A_146] {strides = array<i32>} : memref<216x128xf32, #tpu.memory_space<vmem>>, vector<16xf32>,
        %get3A_148 = arith.index_cast %squeeze3A : i32 to index
        %get3A_149 = arith.constant 80 : index
        %get3A_150 = tpu.vector_load %arg16[%get3A_148, %get3A_149] {strides = array<i32>} : memref<216x128xf32, #tpu.memory_space<vmem>>, vector<16xf32>,
        %get3A_151 = arith.index_cast %squeeze3A : i32 to index
        %get3A_152 = arith.constant 96 : index
        %get3A_153 = tpu.vector_load %arg16[%get3A_151, %get3A_152] {strides = array<i32>} : memref<216x128xf32, #tpu.memory_space<vmem>>, vector<16xf32>,
        %get3A_154 = arith.index_cast %squeeze3A : i32 to index
        %get3A_155 = arith.constant 112 : index
        %get3A_156 = tpu.vector_load %arg16[%get3A_154, %get3A_155] {strides = array<i32>} : memref<216x128xf32, #tpu.memory_space<vmem>>, vector<16xf32>,
        %add3A_157 = arith.constant 0 : i32
        %add3A_158 = arith.addi %mul3A_132, %add3A_157 : i32
        %swap3A = arith.index_cast %add3A_158 : i32 to index
        %swap3A_159 = arith.constant 0 : index
        %swap3A_160 = tpu.vector_load %arg18[%swap3A, %swap3A_159] {strides = array<i32>} : memref<80x128xf32, #tpu.memory_space<vmem>>, vector<16xf32>,
        tpu.vector_store %arg18[%swap3A, %swap3A_159], %get3A_135 {strides = array<i32>} : memref<80x128xf32, #tpu.memory_space<vmem>>, vector<16xf32>,
        %add3A_161 = arith.constant 0 : i32
        %add3A_162 = arith.addi %mul3A_132, %add3A_161 : i32
        %swap3A_163 = arith.index_cast %add3A_162 : i32 to index
        %swap3A_164 = arith.constant 16 : index
        %swap3A_165 = tpu.vector_load %arg18[%swap3A_163, %swap3A_164] {strides = array<i32>} : memref<80x128xf32, #tpu.memory_space<vmem>>, vector<16xf32>,
        tpu.vector_store %arg18[%swap3A_163, %swap3A_164], %get3A_138 {strides = array<i32>} : memref<80x128xf32, #tpu.memory_space<vmem>>, vector<16xf32>,
        %add3A_166 = arith.constant 0 : i32
        %add3A_167 = arith.addi %mul3A_132, %add3A_166 : i32
        %swap3A_168 = arith.index_cast %add3A_167 : i32 to index
        %swap3A_169 = arith.constant 32 : index
        %swap3A_170 = tpu.vector_load %arg18[%swap3A_168, %swap3A_169] {strides = array<i32>} : memref<80x128xf32, #tpu.memory_space<vmem>>, vector<16xf32>,
        tpu.vector_store %arg18[%swap3A_168, %swap3A_169], %get3A_141 {strides = array<i32>} : memref<80x128xf32, #tpu.memory_space<vmem>>, vector<16xf32>,
        %add3A_171 = arith.constant 0 : i32
        %add3A_172 = arith.addi %mul3A_132, %add3A_171 : i32
        %swap3A_173 = arith.index_cast %add3A_172 : i32 to index
        %swap3A_174 = arith.constant 48 : index
        %swap3A_175 = tpu.vector_load %arg18[%swap3A_173, %swap3A_174] {strides = array<i32>} : memref<80x128xf32, #tpu.memory_space<vmem>>, vector<16xf32>,
        tpu.vector_store %arg18[%swap3A_173, %swap3A_174], %get3A_144 {strides = array<i32>} : memref<80x128xf32, #tpu.memory_space<vmem>>, vector<16xf32>,
        %add3A_176 = arith.constant 0 : i32
        %add3A_177 = arith.addi %mul3A_132, %add3A_176 : i32
        %swap3A_178 = arith.index_cast %add3A_177 : i32 to index
        %swap3A_179 = arith.constant 64 : index
        %swap3A_180 = tpu.vector_load %arg18[%swap3A_178, %swap3A_179] {strides = array<i32>} : memref<80x128xf32, #tpu.memory_space<vmem>>, vector<16xf32>,
        tpu.vector_store %arg18[%swap3A_178, %swap3A_179], %get3A_147 {strides = array<i32>} : memref<80x128xf32, #tpu.memory_space<vmem>>, vector<16xf32>,
        %add3A_181 = arith.constant 0 : i32
        %add3A_182 = arith.addi %mul3A_132, %add3A_181 : i32
        %swap3A_183 = arith.index_cast %add3A_182 : i32 to index
        %swap3A_184 = arith.constant 80 : index
        %swap3A_185 = tpu.vector_load %arg18[%swap3A_183, %swap3A_184] {strides = array<i32>} : memref<80x128xf32, #tpu.memory_space<vmem>>, vector<16xf32>,
        tpu.vector_store %arg18[%swap3A_183, %swap3A_184], %get3A_150 {strides = array<i32>} : memref<80x128xf32, #tpu.memory_space<vmem>>, vector<16xf32>,
        %add3A_186 = arith.constant 0 : i32
        %add3A_187 = arith.addi %mul3A_132, %add3A_186 : i32
        %swap3A_188 = arith.index_cast %add3A_187 : i32 to index
        %swap3A_189 = arith.constant 96 : index
        %swap3A_190 = tpu.vector_load %arg18[%swap3A_188, %swap3A_189] {strides = array<i32>} : memref<80x128xf32, #tpu.memory_space<vmem>>, vector<16xf32>,
        tpu.vector_store %arg18[%swap3A_188, %swap3A_189], %get3A_153 {strides = array<i32>} : memref<80x128xf32, #tpu.memory_space<vmem>>, vector<16xf32>,
        %add3A_191 = arith.constant 0 : i32
        %add3A_192 = arith.addi %mul3A_132, %add3A_191 : i32
        %swap3A_193 = arith.index_cast %add3A_192 : i32 to index
        %swap3A_194 = arith.constant 112 : index
        %swap3A_195 = tpu.vector_load %arg18[%swap3A_193, %swap3A_194] {strides = array<i32>} : memref<80x128xf32, #tpu.memory_space<vmem>>, vector<16xf32>,
        tpu.vector_store %arg18[%swap3A_193, %swap3A_194], %get3A_156 {strides = array<i32>} : memref<80x128xf32, #tpu.memory_space<vmem>>, vector<16xf32>,
        %slice3A_196 = vector.extract_strided_slice %add3A_130 {offsets = [1], sizes = [1], strides = [1]} : vector<16xi32> to vector<1xi32>
        %squeeze3A_197 = vector.extract %slice3A_196[0] : i32 from vector<1xi32>
        %get3A_198 = arith.index_cast %squeeze3A_197 : i32 to index
        %get3A_199 = arith.constant 0 : index
        %get3A_200 = tpu.vector_load %arg16[%get3A_198, %get3A_199] {strides = array<i32>} : memref<216x128xf32, #tpu.memory_space<vmem>>, vector<16xf32>,
        %get3A_201 = arith.index_cast %squeeze3A_197 : i32 to index
        %get3A_202 = arith.constant 16 : index
        %get3A_203 = tpu.vector_load %arg16[%get3A_201, %get3A_202] {strides = array<i32>} : memref<216x128xf32, #tpu.memory_space<vmem>>, vector<16xf32>,
        %get3A_204 = arith.index_cast %squeeze3A_197 : i32 to index
        %get3A_205 = arith.constant 32 : index
        %get3A_206 = tpu.vector_load %arg16[%get3A_204, %get3A_205] {strides = array<i32>} : memref<216x128xf32, #tpu.memory_space<vmem>>, vector<16xf32>,
        %get3A_207 = arith.index_cast %squeeze3A_197 : i32 to index
        %get3A_208 = arith.constant 48 : index
        %get3A_209 = tpu.vector_load %arg16[%get3A_207, %get3A_208] {strides = array<i32>} : memref<216x128xf32, #tpu.memory_space<vmem>>, vector<16xf32>,
        %get3A_210 = arith.index_cast %squeeze3A_197 : i32 to index
        %get3A_211 = arith.constant 64 : index
        %get3A_212 = tpu.vector_load %arg16[%get3A_210, %get3A_211] {strides = array<i32>} : memref<216x128xf32, #tpu.memory_space<vmem>>, vector<16xf32>,
        %get3A_213 = arith.index_cast %squeeze3A_197 : i32 to index
        %get3A_214 = arith.constant 80 : index
        %get3A_215 = tpu.vector_load %arg16[%get3A_213, %get3A_214] {strides = array<i32>} : memref<216x128xf32, #tpu.memory_space<vmem>>, vector<16xf32>,
        %get3A_216 = arith.index_cast %squeeze3A_197 : i32 to index
        %get3A_217 = arith.constant 96 : index
        %get3A_218 = tpu.vector_load %arg16[%get3A_216, %get3A_217] {strides = array<i32>} : memref<216x128xf32, #tpu.memory_space<vmem>>, vector<16xf32>,
        %get3A_219 = arith.index_cast %squeeze3A_197 : i32 to index
        %get3A_220 = arith.constant 112 : index
        %get3A_221 = tpu.vector_load %arg16[%get3A_219, %get3A_220] {strides = array<i32>} : memref<216x128xf32, #tpu.memory_space<vmem>>, vector<16xf32>,
        %add3A_222 = arith.constant 1 : i32
        %add3A_223 = arith.addi %mul3A_132, %add3A_222 : i32
        %swap3A_224 = arith.index_cast %add3A_223 : i32 to index
        %swap3A_225 = arith.constant 0 : index
        %swap3A_226 = tpu.vector_load %arg18[%swap3A_224, %swap3A_225] {strides = array<i32>} : memref<80x128xf32, #tpu.memory_space<vmem>>, vector<16xf32>,
        tpu.vector_store %arg18[%swap3A_224, %swap3A_225], %get3A_200 {strides = array<i32>} : memref<80x128xf32, #tpu.memory_space<vmem>>, vector<16xf32>,
        %add3A_227 = arith.constant 1 : i32
        %add3A_228 = arith.addi %mul3A_132, %add3A_227 : i32
        %swap3A_229 = arith.index_cast %add3A_228 : i32 to index
        %swap3A_230 = arith.constant 16 : index
        %swap3A_231 = tpu.vector_load %arg18[%swap3A_229, %swap3A_230] {strides = array<i32>} : memref<80x128xf32, #tpu.memory_space<vmem>>, vector<16xf32>,
        tpu.vector_store %arg18[%swap3A_229, %swap3A_230], %get3A_203 {strides = array<i32>} : memref<80x128xf32, #tpu.memory_space<vmem>>, vector<16xf32>,
        %add3A_232 = arith.constant 1 : i32
        %add3A_233 = arith.addi %mul3A_132, %add3A_232 : i32
        %swap3A_234 = arith.index_cast %add3A_233 : i32 to index
        %swap3A_235 = arith.constant 32 : index
        %swap3A_236 = tpu.vector_load %arg18[%swap3A_234, %swap3A_235] {strides = array<i32>} : memref<80x128xf32, #tpu.memory_space<vmem>>, vector<16xf32>,
        tpu.vector_store %arg18[%swap3A_234, %swap3A_235], %get3A_206 {strides = array<i32>} : memref<80x128xf32, #tpu.memory_space<vmem>>, vector<16xf32>,
        %add3A_237 = arith.constant 1 : i32
        %add3A_238 = arith.addi %mul3A_132, %add3A_237 : i32
        %swap3A_239 = arith.index_cast %add3A_238 : i32 to index
        %swap3A_240 = arith.constant 48 : index
        %swap3A_241 = tpu.vector_load %arg18[%swap3A_239, %swap3A_240] {strides = array<i32>} : memref<80x128xf32, #tpu.memory_space<vmem>>, vector<16xf32>,
        tpu.vector_store %arg18[%swap3A_239, %swap3A_240], %get3A_209 {strides = array<i32>} : memref<80x128xf32, #tpu.memory_space<vmem>>, vector<16xf32>,
        %add3A_242 = arith.constant 1 : i32
        %add3A_243 = arith.addi %mul3A_132, %add3A_242 : i32
        %swap3A_244 = arith.index_cast %add3A_243 : i32 to index
        %swap3A_245 = arith.constant 64 : index
        %swap3A_246 = tpu.vector_load %arg18[%swap3A_244, %swap3A_245] {strides = array<i32>} : memref<80x128xf32, #tpu.memory_space<vmem>>, vector<16xf32>,
        tpu.vector_store %arg18[%swap3A_244, %swap3A_245], %get3A_212 {strides = array<i32>} : memref<80x128xf32, #tpu.memory_space<vmem>>, vector<16xf32>,
        %add3A_247 = arith.constant 1 : i32
        %add3A_248 = arith.addi %mul3A_132, %add3A_247 : i32
        %swap3A_249 = arith.index_cast %add3A_248 : i32 to index
        %swap3A_250 = arith.constant 80 : index
        %swap3A_251 = tpu.vector_load %arg18[%swap3A_249, %swap3A_250] {strides = array<i32>} : memref<80x128xf32, #tpu.memory_space<vmem>>, vector<16xf32>,
        tpu.vector_store %arg18[%swap3A_249, %swap3A_250], %get3A_215 {strides = array<i32>} : memref<80x128xf32, #tpu.memory_space<vmem>>, vector<16xf32>,
        %add3A_252 = arith.constant 1 : i32
        %add3A_253 = arith.addi %mul3A_132, %add3A_252 : i32
        %swap3A_254 = arith.index_cast %add3A_253 : i32 to index
        %swap3A_255 = arith.constant 96 : index
        %swap3A_256 = tpu.vector_load %arg18[%swap3A_254, %swap3A_255] {strides = array<i32>} : memref<80x128xf32, #tpu.memory_space<vmem>>, vector<16xf32>,
        tpu.vector_store %arg18[%swap3A_254, %swap3A_255], %get3A_218 {strides = array<i32>} : memref<80x128xf32, #tpu.memory_space<vmem>>, vector<16xf32>,
        %add3A_257 = arith.constant 1 : i32
        %add3A_258 = arith.addi %mul3A_132, %add3A_257 : i32
        %swap3A_259 = arith.index_cast %add3A_258 : i32 to index
        %swap3A_260 = arith.constant 112 : index
        %swap3A_261 = tpu.vector_load %arg18[%swap3A_259, %swap3A_260] {strides = array<i32>} : memref<80x128xf32, #tpu.memory_space<vmem>>, vector<16xf32>,
        tpu.vector_store %arg18[%swap3A_259, %swap3A_260], %get3A_221 {strides = array<i32>} : memref<80x128xf32, #tpu.memory_space<vmem>>, vector<16xf32>,
        %slice3A_262 = vector.extract_strided_slice %add3A_130 {offsets = [2], sizes = [1], strides = [1]} : vector<16xi32> to vector<1xi32>
        %squeeze3A_263 = vector.extract %slice3A_262[0] : i32 from vector<1xi32>
        %get3A_264 = arith.index_cast %squeeze3A_263 : i32 to index
        %get3A_265 = arith.constant 0 : index
        %get3A_266 = tpu.vector_load %arg16[%get3A_264, %get3A_265] {strides = array<i32>} : memref<216x128xf32, #tpu.memory_space<vmem>>, vector<16xf32>,
        %get3A_267 = arith.index_cast %squeeze3A_263 : i32 to index
        %get3A_268 = arith.constant 16 : index
        %get3A_269 = tpu.vector_load %arg16[%get3A_267, %get3A_268] {strides = array<i32>} : memref<216x128xf32, #tpu.memory_space<vmem>>, vector<16xf32>,
        %get3A_270 = arith.index_cast %squeeze3A_263 : i32 to index
        %get3A_271 = arith.constant 32 : index
        %get3A_272 = tpu.vector_load %arg16[%get3A_270, %get3A_271] {strides = array<i32>} : memref<216x128xf32, #tpu.memory_space<vmem>>, vector<16xf32>,
        %get3A_273 = arith.index_cast %squeeze3A_263 : i32 to index
        %get3A_274 = arith.constant 48 : index
        %get3A_275 = tpu.vector_load %arg16[%get3A_273, %get3A_274] {strides = array<i32>} : memref<216x128xf32, #tpu.memory_space<vmem>>, vector<16xf32>,
        %get3A_276 = arith.index_cast %squeeze3A_263 : i32 to index
        %get3A_277 = arith.constant 64 : index
        %get3A_278 = tpu.vector_load %arg16[%get3A_276, %get3A_277] {strides = array<i32>} : memref<216x128xf32, #tpu.memory_space<vmem>>, vector<16xf32>,
        %get3A_279 = arith.index_cast %squeeze3A_263 : i32 to index
        %get3A_280 = arith.constant 80 : index
        %get3A_281 = tpu.vector_load %arg16[%get3A_279, %get3A_280] {strides = array<i32>} : memref<216x128xf32, #tpu.memory_space<vmem>>, vector<16xf32>,
        %get3A_282 = arith.index_cast %squeeze3A_263 : i32 to index
        %get3A_283 = arith.constant 96 : index
        %get3A_284 = tpu.vector_load %arg16[%get3A_282, %get3A_283] {strides = array<i32>} : memref<216x128xf32, #tpu.memory_space<vmem>>, vector<16xf32>,
        %get3A_285 = arith.index_cast %squeeze3A_263 : i32 to index
        %get3A_286 = arith.constant 112 : index
        %get3A_287 = tpu.vector_load %arg16[%get3A_285, %get3A_286] {strides = array<i32>} : memref<216x128xf32, #tpu.memory_space<vmem>>, vector<16xf32>,
        %add3A_288 = arith.constant 2 : i32
        %add3A_289 = arith.addi %mul3A_132, %add3A_288 : i32
        %swap3A_290 = arith.index_cast %add3A_289 : i32 to index
        %swap3A_291 = arith.constant 0 : index
        %swap3A_292 = tpu.vector_load %arg18[%swap3A_290, %swap3A_291] {strides = array<i32>} : memref<80x128xf32, #tpu.memory_space<vmem>>, vector<16xf32>,
        tpu.vector_store %arg18[%swap3A_290, %swap3A_291], %get3A_266 {strides = array<i32>} : memref<80x128xf32, #tpu.memory_space<vmem>>, vector<16xf32>,
        %add3A_293 = arith.constant 2 : i32
        %add3A_294 = arith.addi %mul3A_132, %add3A_293 : i32
        %swap3A_295 = arith.index_cast %add3A_294 : i32 to index
        %swap3A_296 = arith.constant 16 : index
        %swap3A_297 = tpu.vector_load %arg18[%swap3A_295, %swap3A_296] {strides = array<i32>} : memref<80x128xf32, #tpu.memory_space<vmem>>, vector<16xf32>,
        tpu.vector_store %arg18[%swap3A_295, %swap3A_296], %get3A_269 {strides = array<i32>} : memref<80x128xf32, #tpu.memory_space<vmem>>, vector<16xf32>,
        %add3A_298 = arith.constant 2 : i32
        %add3A_299 = arith.addi %mul3A_132, %add3A_298 : i32
        %swap3A_300 = arith.index_cast %add3A_299 : i32 to index
        %swap3A_301 = arith.constant 32 : index
        %swap3A_302 = tpu.vector_load %arg18[%swap3A_300, %swap3A_301] {strides = array<i32>} : memref<80x128xf32, #tpu.memory_space<vmem>>, vector<16xf32>,
        tpu.vector_store %arg18[%swap3A_300, %swap3A_301], %get3A_272 {strides = array<i32>} : memref<80x128xf32, #tpu.memory_space<vmem>>, vector<16xf32>,
        %add3A_303 = arith.constant 2 : i32
        %add3A_304 = arith.addi %mul3A_132, %add3A_303 : i32
        %swap3A_305 = arith.index_cast %add3A_304 : i32 to index
        %swap3A_306 = arith.constant 48 : index
        %swap3A_307 = tpu.vector_load %arg18[%swap3A_305, %swap3A_306] {strides = array<i32>} : memref<80x128xf32, #tpu.memory_space<vmem>>, vector<16xf32>,
        tpu.vector_store %arg18[%swap3A_305, %swap3A_306], %get3A_275 {strides = array<i32>} : memref<80x128xf32, #tpu.memory_space<vmem>>, vector<16xf32>,
        %add3A_308 = arith.constant 2 : i32
        %add3A_309 = arith.addi %mul3A_132, %add3A_308 : i32
        %swap3A_310 = arith.index_cast %add3A_309 : i32 to index
        %swap3A_311 = arith.constant 64 : index
        %swap3A_312 = tpu.vector_load %arg18[%swap3A_310, %swap3A_311] {strides = array<i32>} : memref<80x128xf32, #tpu.memory_space<vmem>>, vector<16xf32>,
        tpu.vector_store %arg18[%swap3A_310, %swap3A_311], %get3A_278 {strides = array<i32>} : memref<80x128xf32, #tpu.memory_space<vmem>>, vector<16xf32>,
        %add3A_313 = arith.constant 2 : i32
        %add3A_314 = arith.addi %mul3A_132, %add3A_313 : i32
        %swap3A_315 = arith.index_cast %add3A_314 : i32 to index
        %swap3A_316 = arith.constant 80 : index
        %swap3A_317 = tpu.vector_load %arg18[%swap3A_315, %swap3A_316] {strides = array<i32>} : memref<80x128xf32, #tpu.memory_space<vmem>>, vector<16xf32>,
        tpu.vector_store %arg18[%swap3A_315, %swap3A_316], %get3A_281 {strides = array<i32>} : memref<80x128xf32, #tpu.memory_space<vmem>>, vector<16xf32>,
        %add3A_318 = arith.constant 2 : i32
        %add3A_319 = arith.addi %mul3A_132, %add3A_318 : i32
        %swap3A_320 = arith.index_cast %add3A_319 : i32 to index
        %swap3A_321 = arith.constant 96 : index
        %swap3A_322 = tpu.vector_load %arg18[%swap3A_320, %swap3A_321] {strides = array<i32>} : memref<80x128xf32, #tpu.memory_space<vmem>>, vector<16xf32>,
        tpu.vector_store %arg18[%swap3A_320, %swap3A_321], %get3A_284 {strides = array<i32>} : memref<80x128xf32, #tpu.memory_space<vmem>>, vector<16xf32>,
        %add3A_323 = arith.constant 2 : i32
        %add3A_324 = arith.addi %mul3A_132, %add3A_323 : i32
        %swap3A_325 = arith.index_cast %add3A_324 : i32 to index
        %swap3A_326 = arith.constant 112 : index
        %swap3A_327 = tpu.vector_load %arg18[%swap3A_325, %swap3A_326] {strides = array<i32>} : memref<80x128xf32, #tpu.memory_space<vmem>>, vector<16xf32>,
        tpu.vector_store %arg18[%swap3A_325, %swap3A_326], %get3A_287 {strides = array<i32>} : memref<80x128xf32, #tpu.memory_space<vmem>>, vector<16xf32>,
        %slice3A_328 = vector.extract_strided_slice %add3A_130 {offsets = [3], sizes = [1], strides = [1]} : vector<16xi32> to vector<1xi32>
        %squeeze3A_329 = vector.extract %slice3A_328[0] : i32 from vector<1xi32>
        %get3A_330 = arith.index_cast %squeeze3A_329 : i32 to index
        %get3A_331 = arith.constant 0 : index
        %get3A_332 = tpu.vector_load %arg16[%get3A_330, %get3A_331] {strides = array<i32>} : memref<216x128xf32, #tpu.memory_space<vmem>>, vector<16xf32>,
        %get3A_333 = arith.index_cast %squeeze3A_329 : i32 to index
        %get3A_334 = arith.constant 16 : index
        %get3A_335 = tpu.vector_load %arg16[%get3A_333, %get3A_334] {strides = array<i32>} : memref<216x128xf32, #tpu.memory_space<vmem>>, vector<16xf32>,
        %get3A_336 = arith.index_cast %squeeze3A_329 : i32 to index
        %get3A_337 = arith.constant 32 : index
        %get3A_338 = tpu.vector_load %arg16[%get3A_336, %get3A_337] {strides = array<i32>} : memref<216x128xf32, #tpu.memory_space<vmem>>, vector<16xf32>,
        %get3A_339 = arith.index_cast %squeeze3A_329 : i32 to index
        %get3A_340 = arith.constant 48 : index
        %get3A_341 = tpu.vector_load %arg16[%get3A_339, %get3A_340] {strides = array<i32>} : memref<216x128xf32, #tpu.memory_space<vmem>>, vector<16xf32>,
        %get3A_342 = arith.index_cast %squeeze3A_329 : i32 to index
        %get3A_343 = arith.constant 64 : index
        %get3A_344 = tpu.vector_load %arg16[%get3A_342, %get3A_343] {strides = array<i32>} : memref<216x128xf32, #tpu.memory_space<vmem>>, vector<16xf32>,
        %get3A_345 = arith.index_cast %squeeze3A_329 : i32 to index
        %get3A_346 = arith.constant 80 : index
        %get3A_347 = tpu.vector_load %arg16[%get3A_345, %get3A_346] {strides = array<i32>} : memref<216x128xf32, #tpu.memory_space<vmem>>, vector<16xf32>,
        %get3A_348 = arith.index_cast %squeeze3A_329 : i32 to index
        %get3A_349 = arith.constant 96 : index
        %get3A_350 = tpu.vector_load %arg16[%get3A_348, %get3A_349] {strides = array<i32>} : memref<216x128xf32, #tpu.memory_space<vmem>>, vector<16xf32>,
        %get3A_351 = arith.index_cast %squeeze3A_329 : i32 to index
        %get3A_352 = arith.constant 112 : index
        %get3A_353 = tpu.vector_load %arg16[%get3A_351, %get3A_352] {strides = array<i32>} : memref<216x128xf32, #tpu.memory_space<vmem>>, vector<16xf32>,
        %add3A_354 = arith.constant 3 : i32
        %add3A_355 = arith.addi %mul3A_132, %add3A_354 : i32
        %swap3A_356 = arith.index_cast %add3A_355 : i32 to index
        %swap3A_357 = arith.constant 0 : index
        %swap3A_358 = tpu.vector_load %arg18[%swap3A_356, %swap3A_357] {strides = array<i32>} : memref<80x128xf32, #tpu.memory_space<vmem>>, vector<16xf32>,
        tpu.vector_store %arg18[%swap3A_356, %swap3A_357], %get3A_332 {strides = array<i32>} : memref<80x128xf32, #tpu.memory_space<vmem>>, vector<16xf32>,
        %add3A_359 = arith.constant 3 : i32
        %add3A_360 = arith.addi %mul3A_132, %add3A_359 : i32
        %swap3A_361 = arith.index_cast %add3A_360 : i32 to index
        %swap3A_362 = arith.constant 16 : index
        %swap3A_363 = tpu.vector_load %arg18[%swap3A_361, %swap3A_362] {strides = array<i32>} : memref<80x128xf32, #tpu.memory_space<vmem>>, vector<16xf32>,
        tpu.vector_store %arg18[%swap3A_361, %swap3A_362], %get3A_335 {strides = array<i32>} : memref<80x128xf32, #tpu.memory_space<vmem>>, vector<16xf32>,
        %add3A_364 = arith.constant 3 : i32
        %add3A_365 = arith.addi %mul3A_132, %add3A_364 : i32
        %swap3A_366 = arith.index_cast %add3A_365 : i32 to index
        %swap3A_367 = arith.constant 32 : index
        %swap3A_368 = tpu.vector_load %arg18[%swap3A_366, %swap3A_367] {strides = array<i32>} : memref<80x128xf32, #tpu.memory_space<vmem>>, vector<16xf32>,
        tpu.vector_store %arg18[%swap3A_366, %swap3A_367], %get3A_338 {strides = array<i32>} : memref<80x128xf32, #tpu.memory_space<vmem>>, vector<16xf32>,
        %add3A_369 = arith.constant 3 : i32
        %add3A_370 = arith.addi %mul3A_132, %add3A_369 : i32
        %swap3A_371 = arith.index_cast %add3A_370 : i32 to index
        %swap3A_372 = arith.constant 48 : index
        %swap3A_373 = tpu.vector_load %arg18[%swap3A_371, %swap3A_372] {strides = array<i32>} : memref<80x128xf32, #tpu.memory_space<vmem>>, vector<16xf32>,
        tpu.vector_store %arg18[%swap3A_371, %swap3A_372], %get3A_341 {strides = array<i32>} : memref<80x128xf32, #tpu.memory_space<vmem>>, vector<16xf32>,
        %add3A_374 = arith.constant 3 : i32
        %add3A_375 = arith.addi %mul3A_132, %add3A_374 : i32
        %swap3A_376 = arith.index_cast %add3A_375 : i32 to index
        %swap3A_377 = arith.constant 64 : index
        %swap3A_378 = tpu.vector_load %arg18[%swap3A_376, %swap3A_377] {strides = array<i32>} : memref<80x128xf32, #tpu.memory_space<vmem>>, vector<16xf32>,
        tpu.vector_store %arg18[%swap3A_376, %swap3A_377], %get3A_344 {strides = array<i32>} : memref<80x128xf32, #tpu.memory_space<vmem>>, vector<16xf32>,
        %add3A_379 = arith.constant 3 : i32
        %add3A_380 = arith.addi %mul3A_132, %add3A_379 : i32
        %swap3A_381 = arith.index_cast %add3A_380 : i32 to index
        %swap3A_382 = arith.constant 80 : index
        %swap3A_383 = tpu.vector_load %arg18[%swap3A_381, %swap3A_382] {strides = array<i32>} : memref<80x128xf32, #tpu.memory_space<vmem>>, vector<16xf32>,
        tpu.vector_store %arg18[%swap3A_381, %swap3A_382], %get3A_347 {strides = array<i32>} : memref<80x128xf32, #tpu.memory_space<vmem>>, vector<16xf32>,
        %add3A_384 = arith.constant 3 : i32
        %add3A_385 = arith.addi %mul3A_132, %add3A_384 : i32
        %swap3A_386 = arith.index_cast %add3A_385 : i32 to index
        %swap3A_387 = arith.constant 96 : index
        %swap3A_388 = tpu.vector_load %arg18[%swap3A_386, %swap3A_387] {strides = array<i32>} : memref<80x128xf32, #tpu.memory_space<vmem>>, vector<16xf32>,
        tpu.vector_store %arg18[%swap3A_386, %swap3A_387], %get3A_350 {strides = array<i32>} : memref<80x128xf32, #tpu.memory_space<vmem>>, vector<16xf32>,
        %add3A_389 = arith.constant 3 : i32
        %add3A_390 = arith.addi %mul3A_132, %add3A_389 : i32
        %swap3A_391 = arith.index_cast %add3A_390 : i32 to index
        %swap3A_392 = arith.constant 112 : index
        %swap3A_393 = tpu.vector_load %arg18[%swap3A_391, %swap3A_392] {strides = array<i32>} : memref<80x128xf32, #tpu.memory_space<vmem>>, vector<16xf32>,
        tpu.vector_store %arg18[%swap3A_391, %swap3A_392], %get3A_353 {strides = array<i32>} : memref<80x128xf32, #tpu.memory_space<vmem>>, vector<16xf32>,
        %slice3A_394 = vector.extract_strided_slice %add3A_130 {offsets = [4], sizes = [1], strides = [1]} : vector<16xi32> to vector<1xi32>
        %squeeze3A_395 = vector.extract %slice3A_394[0] : i32 from vector<1xi32>
        %get3A_396 = arith.index_cast %squeeze3A_395 : i32 to index
        %get3A_397 = arith.constant 0 : index
        %get3A_398 = tpu.vector_load %arg16[%get3A_396, %get3A_397] {strides = array<i32>} : memref<216x128xf32, #tpu.memory_space<vmem>>, vector<16xf32>,
        %get3A_399 = arith.index_cast %squeeze3A_395 : i32 to index
        %get3A_400 = arith.constant 16 : index
        %get3A_401 = tpu.vector_load %arg16[%get3A_399, %get3A_400] {strides = array<i32>} : memref<216x128xf32, #tpu.memory_space<vmem>>, vector<16xf32>,
        %get3A_402 = arith.index_cast %squeeze3A_395 : i32 to index
        %get3A_403 = arith.constant 32 : index
        %get3A_404 = tpu.vector_load %arg16[%get3A_402, %get3A_403] {strides = array<i32>} : memref<216x128xf32, #tpu.memory_space<vmem>>, vector<16xf32>,
        %get3A_405 = arith.index_cast %squeeze3A_395 : i32 to index
        %get3A_406 = arith.constant 48 : index
        %get3A_407 = tpu.vector_load %arg16[%get3A_405, %get3A_406] {strides = array<i32>} : memref<216x128xf32, #tpu.memory_space<vmem>>, vector<16xf32>,
        %get3A_408 = arith.index_cast %squeeze3A_395 : i32 to index
        %get3A_409 = arith.constant 64 : index
        %get3A_410 = tpu.vector_load %arg16[%get3A_408, %get3A_409] {strides = array<i32>} : memref<216x128xf32, #tpu.memory_space<vmem>>, vector<16xf32>,
        %get3A_411 = arith.index_cast %squeeze3A_395 : i32 to index
        %get3A_412 = arith.constant 80 : index
        %get3A_413 = tpu.vector_load %arg16[%get3A_411, %get3A_412] {strides = array<i32>} : memref<216x128xf32, #tpu.memory_space<vmem>>, vector<16xf32>,
        %get3A_414 = arith.index_cast %squeeze3A_395 : i32 to index
        %get3A_415 = arith.constant 96 : index
        %get3A_416 = tpu.vector_load %arg16[%get3A_414, %get3A_415] {strides = array<i32>} : memref<216x128xf32, #tpu.memory_space<vmem>>, vector<16xf32>,
        %get3A_417 = arith.index_cast %squeeze3A_395 : i32 to index
        %get3A_418 = arith.constant 112 : index
        %get3A_419 = tpu.vector_load %arg16[%get3A_417, %get3A_418] {strides = array<i32>} : memref<216x128xf32, #tpu.memory_space<vmem>>, vector<16xf32>,
        %add3A_420 = arith.constant 4 : i32
        %add3A_421 = arith.addi %mul3A_132, %add3A_420 : i32
        %swap3A_422 = arith.index_cast %add3A_421 : i32 to index
        %swap3A_423 = arith.constant 0 : index
        %swap3A_424 = tpu.vector_load %arg18[%swap3A_422, %swap3A_423] {strides = array<i32>} : memref<80x128xf32, #tpu.memory_space<vmem>>, vector<16xf32>,
        tpu.vector_store %arg18[%swap3A_422, %swap3A_423], %get3A_398 {strides = array<i32>} : memref<80x128xf32, #tpu.memory_space<vmem>>, vector<16xf32>,
        %add3A_425 = arith.constant 4 : i32
        %add3A_426 = arith.addi %mul3A_132, %add3A_425 : i32
        %swap3A_427 = arith.index_cast %add3A_426 : i32 to index
        %swap3A_428 = arith.constant 16 : index
        %swap3A_429 = tpu.vector_load %arg18[%swap3A_427, %swap3A_428] {strides = array<i32>} : memref<80x128xf32, #tpu.memory_space<vmem>>, vector<16xf32>,
        tpu.vector_store %arg18[%swap3A_427, %swap3A_428], %get3A_401 {strides = array<i32>} : memref<80x128xf32, #tpu.memory_space<vmem>>, vector<16xf32>,
        %add3A_430 = arith.constant 4 : i32
        %add3A_431 = arith.addi %mul3A_132, %add3A_430 : i32
        %swap3A_432 = arith.index_cast %add3A_431 : i32 to index
        %swap3A_433 = arith.constant 32 : index
        %swap3A_434 = tpu.vector_load %arg18[%swap3A_432, %swap3A_433] {strides = array<i32>} : memref<80x128xf32, #tpu.memory_space<vmem>>, vector<16xf32>,
        tpu.vector_store %arg18[%swap3A_432, %swap3A_433], %get3A_404 {strides = array<i32>} : memref<80x128xf32, #tpu.memory_space<vmem>>, vector<16xf32>,
        %add3A_435 = arith.constant 4 : i32
        %add3A_436 = arith.addi %mul3A_132, %add3A_435 : i32
        %swap3A_437 = arith.index_cast %add3A_436 : i32 to index
        %swap3A_438 = arith.constant 48 : index
        %swap3A_439 = tpu.vector_load %arg18[%swap3A_437, %swap3A_438] {strides = array<i32>} : memref<80x128xf32, #tpu.memory_space<vmem>>, vector<16xf32>,
        tpu.vector_store %arg18[%swap3A_437, %swap3A_438], %get3A_407 {strides = array<i32>} : memref<80x128xf32, #tpu.memory_space<vmem>>, vector<16xf32>,
        %add3A_440 = arith.constant 4 : i32
        %add3A_441 = arith.addi %mul3A_132, %add3A_440 : i32
        %swap3A_442 = arith.index_cast %add3A_441 : i32 to index
        %swap3A_443 = arith.constant 64 : index
        %swap3A_444 = tpu.vector_load %arg18[%swap3A_442, %swap3A_443] {strides = array<i32>} : memref<80x128xf32, #tpu.memory_space<vmem>>, vector<16xf32>,
        tpu.vector_store %arg18[%swap3A_442, %swap3A_443], %get3A_410 {strides = array<i32>} : memref<80x128xf32, #tpu.memory_space<vmem>>, vector<16xf32>,
        %add3A_445 = arith.constant 4 : i32
        %add3A_446 = arith.addi %mul3A_132, %add3A_445 : i32
        %swap3A_447 = arith.index_cast %add3A_446 : i32 to index
        %swap3A_448 = arith.constant 80 : index
        %swap3A_449 = tpu.vector_load %arg18[%swap3A_447, %swap3A_448] {strides = array<i32>} : memref<80x128xf32, #tpu.memory_space<vmem>>, vector<16xf32>,
        tpu.vector_store %arg18[%swap3A_447, %swap3A_448], %get3A_413 {strides = array<i32>} : memref<80x128xf32, #tpu.memory_space<vmem>>, vector<16xf32>,
        %add3A_450 = arith.constant 4 : i32
        %add3A_451 = arith.addi %mul3A_132, %add3A_450 : i32
        %swap3A_452 = arith.index_cast %add3A_451 : i32 to index
        %swap3A_453 = arith.constant 96 : index
        %swap3A_454 = tpu.vector_load %arg18[%swap3A_452, %swap3A_453] {strides = array<i32>} : memref<80x128xf32, #tpu.memory_space<vmem>>, vector<16xf32>,
        tpu.vector_store %arg18[%swap3A_452, %swap3A_453], %get3A_416 {strides = array<i32>} : memref<80x128xf32, #tpu.memory_space<vmem>>, vector<16xf32>,
        %add3A_455 = arith.constant 4 : i32
        %add3A_456 = arith.addi %mul3A_132, %add3A_455 : i32
        %swap3A_457 = arith.index_cast %add3A_456 : i32 to index
        %swap3A_458 = arith.constant 112 : index
        %swap3A_459 = tpu.vector_load %arg18[%swap3A_457, %swap3A_458] {strides = array<i32>} : memref<80x128xf32, #tpu.memory_space<vmem>>, vector<16xf32>,
        tpu.vector_store %arg18[%swap3A_457, %swap3A_458], %get3A_419 {strides = array<i32>} : memref<80x128xf32, #tpu.memory_space<vmem>>, vector<16xf32>,
        %slice3A_460 = vector.extract_strided_slice %add3A_130 {offsets = [5], sizes = [1], strides = [1]} : vector<16xi32> to vector<1xi32>
        %squeeze3A_461 = vector.extract %slice3A_460[0] : i32 from vector<1xi32>
        %get3A_462 = arith.index_cast %squeeze3A_461 : i32 to index
        %get3A_463 = arith.constant 0 : index
        %get3A_464 = tpu.vector_load %arg16[%get3A_462, %get3A_463] {strides = array<i32>} : memref<216x128xf32, #tpu.memory_space<vmem>>, vector<16xf32>,
        %get3A_465 = arith.index_cast %squeeze3A_461 : i32 to index
        %get3A_466 = arith.constant 16 : index
        %get3A_467 = tpu.vector_load %arg16[%get3A_465, %get3A_466] {strides = array<i32>} : memref<216x128xf32, #tpu.memory_space<vmem>>, vector<16xf32>,
        %get3A_468 = arith.index_cast %squeeze3A_461 : i32 to index
        %get3A_469 = arith.constant 32 : index
        %get3A_470 = tpu.vector_load %arg16[%get3A_468, %get3A_469] {strides = array<i32>} : memref<216x128xf32, #tpu.memory_space<vmem>>, vector<16xf32>,
        %get3A_471 = arith.index_cast %squeeze3A_461 : i32 to index
        %get3A_472 = arith.constant 48 : index
        %get3A_473 = tpu.vector_load %arg16[%get3A_471, %get3A_472] {strides = array<i32>} : memref<216x128xf32, #tpu.memory_space<vmem>>, vector<16xf32>,
        %get3A_474 = arith.index_cast %squeeze3A_461 : i32 to index
        %get3A_475 = arith.constant 64 : index
        %get3A_476 = tpu.vector_load %arg16[%get3A_474, %get3A_475] {strides = array<i32>} : memref<216x128xf32, #tpu.memory_space<vmem>>, vector<16xf32>,
        %get3A_477 = arith.index_cast %squeeze3A_461 : i32 to index
        %get3A_478 = arith.constant 80 : index
        %get3A_479 = tpu.vector_load %arg16[%get3A_477, %get3A_478] {strides = array<i32>} : memref<216x128xf32, #tpu.memory_space<vmem>>, vector<16xf32>,
        %get3A_480 = arith.index_cast %squeeze3A_461 : i32 to index
        %get3A_481 = arith.constant 96 : index
        %get3A_482 = tpu.vector_load %arg16[%get3A_480, %get3A_481] {strides = array<i32>} : memref<216x128xf32, #tpu.memory_space<vmem>>, vector<16xf32>,
        %get3A_483 = arith.index_cast %squeeze3A_461 : i32 to index
        %get3A_484 = arith.constant 112 : index
        %get3A_485 = tpu.vector_load %arg16[%get3A_483, %get3A_484] {strides = array<i32>} : memref<216x128xf32, #tpu.memory_space<vmem>>, vector<16xf32>,
        %add3A_486 = arith.constant 5 : i32
        %add3A_487 = arith.addi %mul3A_132, %add3A_486 : i32
        %swap3A_488 = arith.index_cast %add3A_487 : i32 to index
        %swap3A_489 = arith.constant 0 : index
        %swap3A_490 = tpu.vector_load %arg18[%swap3A_488, %swap3A_489] {strides = array<i32>} : memref<80x128xf32, #tpu.memory_space<vmem>>, vector<16xf32>,
        tpu.vector_store %arg18[%swap3A_488, %swap3A_489], %get3A_464 {strides = array<i32>} : memref<80x128xf32, #tpu.memory_space<vmem>>, vector<16xf32>,
        %add3A_491 = arith.constant 5 : i32
        %add3A_492 = arith.addi %mul3A_132, %add3A_491 : i32
        %swap3A_493 = arith.index_cast %add3A_492 : i32 to index
        %swap3A_494 = arith.constant 16 : index
        %swap3A_495 = tpu.vector_load %arg18[%swap3A_493, %swap3A_494] {strides = array<i32>} : memref<80x128xf32, #tpu.memory_space<vmem>>, vector<16xf32>,
        tpu.vector_store %arg18[%swap3A_493, %swap3A_494], %get3A_467 {strides = array<i32>} : memref<80x128xf32, #tpu.memory_space<vmem>>, vector<16xf32>,
        %add3A_496 = arith.constant 5 : i32
        %add3A_497 = arith.addi %mul3A_132, %add3A_496 : i32
        %swap3A_498 = arith.index_cast %add3A_497 : i32 to index
        %swap3A_499 = arith.constant 32 : index
        %swap3A_500 = tpu.vector_load %arg18[%swap3A_498, %swap3A_499] {strides = array<i32>} : memref<80x128xf32, #tpu.memory_space<vmem>>, vector<16xf32>,
        tpu.vector_store %arg18[%swap3A_498, %swap3A_499], %get3A_470 {strides = array<i32>} : memref<80x128xf32, #tpu.memory_space<vmem>>, vector<16xf32>,
        %add3A_501 = arith.constant 5 : i32
        %add3A_502 = arith.addi %mul3A_132, %add3A_501 : i32
        %swap3A_503 = arith.index_cast %add3A_502 : i32 to index
        %swap3A_504 = arith.constant 48 : index
        %swap3A_505 = tpu.vector_load %arg18[%swap3A_503, %swap3A_504] {strides = array<i32>} : memref<80x128xf32, #tpu.memory_space<vmem>>, vector<16xf32>,
        tpu.vector_store %arg18[%swap3A_503, %swap3A_504], %get3A_473 {strides = array<i32>} : memref<80x128xf32, #tpu.memory_space<vmem>>, vector<16xf32>,
        %add3A_506 = arith.constant 5 : i32
        %add3A_507 = arith.addi %mul3A_132, %add3A_506 : i32
        %swap3A_508 = arith.index_cast %add3A_507 : i32 to index
        %swap3A_509 = arith.constant 64 : index
        %swap3A_510 = tpu.vector_load %arg18[%swap3A_508, %swap3A_509] {strides = array<i32>} : memref<80x128xf32, #tpu.memory_space<vmem>>, vector<16xf32>,
        tpu.vector_store %arg18[%swap3A_508, %swap3A_509], %get3A_476 {strides = array<i32>} : memref<80x128xf32, #tpu.memory_space<vmem>>, vector<16xf32>,
        %add3A_511 = arith.constant 5 : i32
        %add3A_512 = arith.addi %mul3A_132, %add3A_511 : i32
        %swap3A_513 = arith.index_cast %add3A_512 : i32 to index
        %swap3A_514 = arith.constant 80 : index
        %swap3A_515 = tpu.vector_load %arg18[%swap3A_513, %swap3A_514] {strides = array<i32>} : memref<80x128xf32, #tpu.memory_space<vmem>>, vector<16xf32>,
        tpu.vector_store %arg18[%swap3A_513, %swap3A_514], %get3A_479 {strides = array<i32>} : memref<80x128xf32, #tpu.memory_space<vmem>>, vector<16xf32>,
        %add3A_516 = arith.constant 5 : i32
        %add3A_517 = arith.addi %mul3A_132, %add3A_516 : i32
        %swap3A_518 = arith.index_cast %add3A_517 : i32 to index
        %swap3A_519 = arith.constant 96 : index
        %swap3A_520 = tpu.vector_load %arg18[%swap3A_518, %swap3A_519] {strides = array<i32>} : memref<80x128xf32, #tpu.memory_space<vmem>>, vector<16xf32>,
        tpu.vector_store %arg18[%swap3A_518, %swap3A_519], %get3A_482 {strides = array<i32>} : memref<80x128xf32, #tpu.memory_space<vmem>>, vector<16xf32>,
        %add3A_521 = arith.constant 5 : i32
        %add3A_522 = arith.addi %mul3A_132, %add3A_521 : i32
        %swap3A_523 = arith.index_cast %add3A_522 : i32 to index
        %swap3A_524 = arith.constant 112 : index
        %swap3A_525 = tpu.vector_load %arg18[%swap3A_523, %swap3A_524] {strides = array<i32>} : memref<80x128xf32, #tpu.memory_space<vmem>>, vector<16xf32>,
        tpu.vector_store %arg18[%swap3A_523, %swap3A_524], %get3A_485 {strides = array<i32>} : memref<80x128xf32, #tpu.memory_space<vmem>>, vector<16xf32>,
        %slice3A_526 = vector.extract_strided_slice %add3A_130 {offsets = [6], sizes = [1], strides = [1]} : vector<16xi32> to vector<1xi32>
        %squeeze3A_527 = vector.extract %slice3A_526[0] : i32 from vector<1xi32>
        %get3A_528 = arith.index_cast %squeeze3A_527 : i32 to index
        %get3A_529 = arith.constant 0 : index
        %get3A_530 = tpu.vector_load %arg16[%get3A_528, %get3A_529] {strides = array<i32>} : memref<216x128xf32, #tpu.memory_space<vmem>>, vector<16xf32>,
        %get3A_531 = arith.index_cast %squeeze3A_527 : i32 to index
        %get3A_532 = arith.constant 16 : index
        %get3A_533 = tpu.vector_load %arg16[%get3A_531, %get3A_532] {strides = array<i32>} : memref<216x128xf32, #tpu.memory_space<vmem>>, vector<16xf32>,
        %get3A_534 = arith.index_cast %squeeze3A_527 : i32 to index
        %get3A_535 = arith.constant 32 : index
        %get3A_536 = tpu.vector_load %arg16[%get3A_534, %get3A_535] {strides = array<i32>} : memref<216x128xf32, #tpu.memory_space<vmem>>, vector<16xf32>,
        %get3A_537 = arith.index_cast %squeeze3A_527 : i32 to index
        %get3A_538 = arith.constant 48 : index
        %get3A_539 = tpu.vector_load %arg16[%get3A_537, %get3A_538] {strides = array<i32>} : memref<216x128xf32, #tpu.memory_space<vmem>>, vector<16xf32>,
        %get3A_540 = arith.index_cast %squeeze3A_527 : i32 to index
        %get3A_541 = arith.constant 64 : index
        %get3A_542 = tpu.vector_load %arg16[%get3A_540, %get3A_541] {strides = array<i32>} : memref<216x128xf32, #tpu.memory_space<vmem>>, vector<16xf32>,
        %get3A_543 = arith.index_cast %squeeze3A_527 : i32 to index
        %get3A_544 = arith.constant 80 : index
        %get3A_545 = tpu.vector_load %arg16[%get3A_543, %get3A_544] {strides = array<i32>} : memref<216x128xf32, #tpu.memory_space<vmem>>, vector<16xf32>,
        %get3A_546 = arith.index_cast %squeeze3A_527 : i32 to index
        %get3A_547 = arith.constant 96 : index
        %get3A_548 = tpu.vector_load %arg16[%get3A_546, %get3A_547] {strides = array<i32>} : memref<216x128xf32, #tpu.memory_space<vmem>>, vector<16xf32>,
        %get3A_549 = arith.index_cast %squeeze3A_527 : i32 to index
        %get3A_550 = arith.constant 112 : index
        %get3A_551 = tpu.vector_load %arg16[%get3A_549, %get3A_550] {strides = array<i32>} : memref<216x128xf32, #tpu.memory_space<vmem>>, vector<16xf32>,
        %add3A_552 = arith.constant 6 : i32
        %add3A_553 = arith.addi %mul3A_132, %add3A_552 : i32
        %swap3A_554 = arith.index_cast %add3A_553 : i32 to index
        %swap3A_555 = arith.constant 0 : index
        %swap3A_556 = tpu.vector_load %arg18[%swap3A_554, %swap3A_555] {strides = array<i32>} : memref<80x128xf32, #tpu.memory_space<vmem>>, vector<16xf32>,
        tpu.vector_store %arg18[%swap3A_554, %swap3A_555], %get3A_530 {strides = array<i32>} : memref<80x128xf32, #tpu.memory_space<vmem>>, vector<16xf32>,
        %add3A_557 = arith.constant 6 : i32
        %add3A_558 = arith.addi %mul3A_132, %add3A_557 : i32
        %swap3A_559 = arith.index_cast %add3A_558 : i32 to index
        %swap3A_560 = arith.constant 16 : index
        %swap3A_561 = tpu.vector_load %arg18[%swap3A_559, %swap3A_560] {strides = array<i32>} : memref<80x128xf32, #tpu.memory_space<vmem>>, vector<16xf32>,
        tpu.vector_store %arg18[%swap3A_559, %swap3A_560], %get3A_533 {strides = array<i32>} : memref<80x128xf32, #tpu.memory_space<vmem>>, vector<16xf32>,
        %add3A_562 = arith.constant 6 : i32
        %add3A_563 = arith.addi %mul3A_132, %add3A_562 : i32
        %swap3A_564 = arith.index_cast %add3A_563 : i32 to index
        %swap3A_565 = arith.constant 32 : index
        %swap3A_566 = tpu.vector_load %arg18[%swap3A_564, %swap3A_565] {strides = array<i32>} : memref<80x128xf32, #tpu.memory_space<vmem>>, vector<16xf32>,
        tpu.vector_store %arg18[%swap3A_564, %swap3A_565], %get3A_536 {strides = array<i32>} : memref<80x128xf32, #tpu.memory_space<vmem>>, vector<16xf32>,
        %add3A_567 = arith.constant 6 : i32
        %add3A_568 = arith.addi %mul3A_132, %add3A_567 : i32
        %swap3A_569 = arith.index_cast %add3A_568 : i32 to index
        %swap3A_570 = arith.constant 48 : index
        %swap3A_571 = tpu.vector_load %arg18[%swap3A_569, %swap3A_570] {strides = array<i32>} : memref<80x128xf32, #tpu.memory_space<vmem>>, vector<16xf32>,
        tpu.vector_store %arg18[%swap3A_569, %swap3A_570], %get3A_539 {strides = array<i32>} : memref<80x128xf32, #tpu.memory_space<vmem>>, vector<16xf32>,
        %add3A_572 = arith.constant 6 : i32
        %add3A_573 = arith.addi %mul3A_132, %add3A_572 : i32
        %swap3A_574 = arith.index_cast %add3A_573 : i32 to index
        %swap3A_575 = arith.constant 64 : index
        %swap3A_576 = tpu.vector_load %arg18[%swap3A_574, %swap3A_575] {strides = array<i32>} : memref<80x128xf32, #tpu.memory_space<vmem>>, vector<16xf32>,
        tpu.vector_store %arg18[%swap3A_574, %swap3A_575], %get3A_542 {strides = array<i32>} : memref<80x128xf32, #tpu.memory_space<vmem>>, vector<16xf32>,
        %add3A_577 = arith.constant 6 : i32
        %add3A_578 = arith.addi %mul3A_132, %add3A_577 : i32
        %swap3A_579 = arith.index_cast %add3A_578 : i32 to index
        %swap3A_580 = arith.constant 80 : index
        %swap3A_581 = tpu.vector_load %arg18[%swap3A_579, %swap3A_580] {strides = array<i32>} : memref<80x128xf32, #tpu.memory_space<vmem>>, vector<16xf32>,
        tpu.vector_store %arg18[%swap3A_579, %swap3A_580], %get3A_545 {strides = array<i32>} : memref<80x128xf32, #tpu.memory_space<vmem>>, vector<16xf32>,
        %add3A_582 = arith.constant 6 : i32
        %add3A_583 = arith.addi %mul3A_132, %add3A_582 : i32
        %swap3A_584 = arith.index_cast %add3A_583 : i32 to index
        %swap3A_585 = arith.constant 96 : index
        %swap3A_586 = tpu.vector_load %arg18[%swap3A_584, %swap3A_585] {strides = array<i32>} : memref<80x128xf32, #tpu.memory_space<vmem>>, vector<16xf32>,
        tpu.vector_store %arg18[%swap3A_584, %swap3A_585], %get3A_548 {strides = array<i32>} : memref<80x128xf32, #tpu.memory_space<vmem>>, vector<16xf32>,
        %add3A_587 = arith.constant 6 : i32
        %add3A_588 = arith.addi %mul3A_132, %add3A_587 : i32
        %swap3A_589 = arith.index_cast %add3A_588 : i32 to index
        %swap3A_590 = arith.constant 112 : index
        %swap3A_591 = tpu.vector_load %arg18[%swap3A_589, %swap3A_590] {strides = array<i32>} : memref<80x128xf32, #tpu.memory_space<vmem>>, vector<16xf32>,
        tpu.vector_store %arg18[%swap3A_589, %swap3A_590], %get3A_551 {strides = array<i32>} : memref<80x128xf32, #tpu.memory_space<vmem>>, vector<16xf32>,
        %slice3A_592 = vector.extract_strided_slice %add3A_130 {offsets = [7], sizes = [1], strides = [1]} : vector<16xi32> to vector<1xi32>
        %squeeze3A_593 = vector.extract %slice3A_592[0] : i32 from vector<1xi32>
        %get3A_594 = arith.index_cast %squeeze3A_593 : i32 to index
        %get3A_595 = arith.constant 0 : index
        %get3A_596 = tpu.vector_load %arg16[%get3A_594, %get3A_595] {strides = array<i32>} : memref<216x128xf32, #tpu.memory_space<vmem>>, vector<16xf32>,
        %get3A_597 = arith.index_cast %squeeze3A_593 : i32 to index
        %get3A_598 = arith.constant 16 : index
        %get3A_599 = tpu.vector_load %arg16[%get3A_597, %get3A_598] {strides = array<i32>} : memref<216x128xf32, #tpu.memory_space<vmem>>, vector<16xf32>,
        %get3A_600 = arith.index_cast %squeeze3A_593 : i32 to index
        %get3A_601 = arith.constant 32 : index
        %get3A_602 = tpu.vector_load %arg16[%get3A_600, %get3A_601] {strides = array<i32>} : memref<216x128xf32, #tpu.memory_space<vmem>>, vector<16xf32>,
        %get3A_603 = arith.index_cast %squeeze3A_593 : i32 to index
        %get3A_604 = arith.constant 48 : index
        %get3A_605 = tpu.vector_load %arg16[%get3A_603, %get3A_604] {strides = array<i32>} : memref<216x128xf32, #tpu.memory_space<vmem>>, vector<16xf32>,
        %get3A_606 = arith.index_cast %squeeze3A_593 : i32 to index
        %get3A_607 = arith.constant 64 : index
        %get3A_608 = tpu.vector_load %arg16[%get3A_606, %get3A_607] {strides = array<i32>} : memref<216x128xf32, #tpu.memory_space<vmem>>, vector<16xf32>,
        %get3A_609 = arith.index_cast %squeeze3A_593 : i32 to index
        %get3A_610 = arith.constant 80 : index
        %get3A_611 = tpu.vector_load %arg16[%get3A_609, %get3A_610] {strides = array<i32>} : memref<216x128xf32, #tpu.memory_space<vmem>>, vector<16xf32>,
        %get3A_612 = arith.index_cast %squeeze3A_593 : i32 to index
        %get3A_613 = arith.constant 96 : index
        %get3A_614 = tpu.vector_load %arg16[%get3A_612, %get3A_613] {strides = array<i32>} : memref<216x128xf32, #tpu.memory_space<vmem>>, vector<16xf32>,
        %get3A_615 = arith.index_cast %squeeze3A_593 : i32 to index
        %get3A_616 = arith.constant 112 : index
        %get3A_617 = tpu.vector_load %arg16[%get3A_615, %get3A_616] {strides = array<i32>} : memref<216x128xf32, #tpu.memory_space<vmem>>, vector<16xf32>,
        %add3A_618 = arith.constant 7 : i32
        %add3A_619 = arith.addi %mul3A_132, %add3A_618 : i32
        %swap3A_620 = arith.index_cast %add3A_619 : i32 to index
        %swap3A_621 = arith.constant 0 : index
        %swap3A_622 = tpu.vector_load %arg18[%swap3A_620, %swap3A_621] {strides = array<i32>} : memref<80x128xf32, #tpu.memory_space<vmem>>, vector<16xf32>,
        tpu.vector_store %arg18[%swap3A_620, %swap3A_621], %get3A_596 {strides = array<i32>} : memref<80x128xf32, #tpu.memory_space<vmem>>, vector<16xf32>,
        %add3A_623 = arith.constant 7 : i32
        %add3A_624 = arith.addi %mul3A_132, %add3A_623 : i32
        %swap3A_625 = arith.index_cast %add3A_624 : i32 to index
        %swap3A_626 = arith.constant 16 : index
        %swap3A_627 = tpu.vector_load %arg18[%swap3A_625, %swap3A_626] {strides = array<i32>} : memref<80x128xf32, #tpu.memory_space<vmem>>, vector<16xf32>,
        tpu.vector_store %arg18[%swap3A_625, %swap3A_626], %get3A_599 {strides = array<i32>} : memref<80x128xf32, #tpu.memory_space<vmem>>, vector<16xf32>,
        %add3A_628 = arith.constant 7 : i32
        %add3A_629 = arith.addi %mul3A_132, %add3A_628 : i32
        %swap3A_630 = arith.index_cast %add3A_629 : i32 to index
        %swap3A_631 = arith.constant 32 : index
        %swap3A_632 = tpu.vector_load %arg18[%swap3A_630, %swap3A_631] {strides = array<i32>} : memref<80x128xf32, #tpu.memory_space<vmem>>, vector<16xf32>,
        tpu.vector_store %arg18[%swap3A_630, %swap3A_631], %get3A_602 {strides = array<i32>} : memref<80x128xf32, #tpu.memory_space<vmem>>, vector<16xf32>,
        %add3A_633 = arith.constant 7 : i32
        %add3A_634 = arith.addi %mul3A_132, %add3A_633 : i32
        %swap3A_635 = arith.index_cast %add3A_634 : i32 to index
        %swap3A_636 = arith.constant 48 : index
        %swap3A_637 = tpu.vector_load %arg18[%swap3A_635, %swap3A_636] {strides = array<i32>} : memref<80x128xf32, #tpu.memory_space<vmem>>, vector<16xf32>,
        tpu.vector_store %arg18[%swap3A_635, %swap3A_636], %get3A_605 {strides = array<i32>} : memref<80x128xf32, #tpu.memory_space<vmem>>, vector<16xf32>,
        %add3A_638 = arith.constant 7 : i32
        %add3A_639 = arith.addi %mul3A_132, %add3A_638 : i32
        %swap3A_640 = arith.index_cast %add3A_639 : i32 to index
        %swap3A_641 = arith.constant 64 : index
        %swap3A_642 = tpu.vector_load %arg18[%swap3A_640, %swap3A_641] {strides = array<i32>} : memref<80x128xf32, #tpu.memory_space<vmem>>, vector<16xf32>,
        tpu.vector_store %arg18[%swap3A_640, %swap3A_641], %get3A_608 {strides = array<i32>} : memref<80x128xf32, #tpu.memory_space<vmem>>, vector<16xf32>,
        %add3A_643 = arith.constant 7 : i32
        %add3A_644 = arith.addi %mul3A_132, %add3A_643 : i32
        %swap3A_645 = arith.index_cast %add3A_644 : i32 to index
        %swap3A_646 = arith.constant 80 : index
        %swap3A_647 = tpu.vector_load %arg18[%swap3A_645, %swap3A_646] {strides = array<i32>} : memref<80x128xf32, #tpu.memory_space<vmem>>, vector<16xf32>,
        tpu.vector_store %arg18[%swap3A_645, %swap3A_646], %get3A_611 {strides = array<i32>} : memref<80x128xf32, #tpu.memory_space<vmem>>, vector<16xf32>,
        %add3A_648 = arith.constant 7 : i32
        %add3A_649 = arith.addi %mul3A_132, %add3A_648 : i32
        %swap3A_650 = arith.index_cast %add3A_649 : i32 to index
        %swap3A_651 = arith.constant 96 : index
        %swap3A_652 = tpu.vector_load %arg18[%swap3A_650, %swap3A_651] {strides = array<i32>} : memref<80x128xf32, #tpu.memory_space<vmem>>, vector<16xf32>,
        tpu.vector_store %arg18[%swap3A_650, %swap3A_651], %get3A_614 {strides = array<i32>} : memref<80x128xf32, #tpu.memory_space<vmem>>, vector<16xf32>,
        %add3A_653 = arith.constant 7 : i32
        %add3A_654 = arith.addi %mul3A_132, %add3A_653 : i32
        %swap3A_655 = arith.index_cast %add3A_654 : i32 to index
        %swap3A_656 = arith.constant 112 : index
        %swap3A_657 = tpu.vector_load %arg18[%swap3A_655, %swap3A_656] {strides = array<i32>} : memref<80x128xf32, #tpu.memory_space<vmem>>, vector<16xf32>,
        tpu.vector_store %arg18[%swap3A_655, %swap3A_656], %get3A_617 {strides = array<i32>} : memref<80x128xf32, #tpu.memory_space<vmem>>, vector<16xf32>,
        %slice3A_658 = vector.extract_strided_slice %add3A_130 {offsets = [8], sizes = [1], strides = [1]} : vector<16xi32> to vector<1xi32>
        %squeeze3A_659 = vector.extract %slice3A_658[0] : i32 from vector<1xi32>
        %get3A_660 = arith.index_cast %squeeze3A_659 : i32 to index
        %get3A_661 = arith.constant 0 : index
        %get3A_662 = tpu.vector_load %arg16[%get3A_660, %get3A_661] {strides = array<i32>} : memref<216x128xf32, #tpu.memory_space<vmem>>, vector<16xf32>,
        %get3A_663 = arith.index_cast %squeeze3A_659 : i32 to index
        %get3A_664 = arith.constant 16 : index
        %get3A_665 = tpu.vector_load %arg16[%get3A_663, %get3A_664] {strides = array<i32>} : memref<216x128xf32, #tpu.memory_space<vmem>>, vector<16xf32>,
        %get3A_666 = arith.index_cast %squeeze3A_659 : i32 to index
        %get3A_667 = arith.constant 32 : index
        %get3A_668 = tpu.vector_load %arg16[%get3A_666, %get3A_667] {strides = array<i32>} : memref<216x128xf32, #tpu.memory_space<vmem>>, vector<16xf32>,
        %get3A_669 = arith.index_cast %squeeze3A_659 : i32 to index
        %get3A_670 = arith.constant 48 : index
        %get3A_671 = tpu.vector_load %arg16[%get3A_669, %get3A_670] {strides = array<i32>} : memref<216x128xf32, #tpu.memory_space<vmem>>, vector<16xf32>,
        %get3A_672 = arith.index_cast %squeeze3A_659 : i32 to index
        %get3A_673 = arith.constant 64 : index
        %get3A_674 = tpu.vector_load %arg16[%get3A_672, %get3A_673] {strides = array<i32>} : memref<216x128xf32, #tpu.memory_space<vmem>>, vector<16xf32>,
        %get3A_675 = arith.index_cast %squeeze3A_659 : i32 to index
        %get3A_676 = arith.constant 80 : index
        %get3A_677 = tpu.vector_load %arg16[%get3A_675, %get3A_676] {strides = array<i32>} : memref<216x128xf32, #tpu.memory_space<vmem>>, vector<16xf32>,
        %get3A_678 = arith.index_cast %squeeze3A_659 : i32 to index
        %get3A_679 = arith.constant 96 : index
        %get3A_680 = tpu.vector_load %arg16[%get3A_678, %get3A_679] {strides = array<i32>} : memref<216x128xf32, #tpu.memory_space<vmem>>, vector<16xf32>,
        %get3A_681 = arith.index_cast %squeeze3A_659 : i32 to index
        %get3A_682 = arith.constant 112 : index
        %get3A_683 = tpu.vector_load %arg16[%get3A_681, %get3A_682] {strides = array<i32>} : memref<216x128xf32, #tpu.memory_space<vmem>>, vector<16xf32>,
        %add3A_684 = arith.constant 8 : i32
        %add3A_685 = arith.addi %mul3A_132, %add3A_684 : i32
        %swap3A_686 = arith.index_cast %add3A_685 : i32 to index
        %swap3A_687 = arith.constant 0 : index
        %swap3A_688 = tpu.vector_load %arg18[%swap3A_686, %swap3A_687] {strides = array<i32>} : memref<80x128xf32, #tpu.memory_space<vmem>>, vector<16xf32>,
        tpu.vector_store %arg18[%swap3A_686, %swap3A_687], %get3A_662 {strides = array<i32>} : memref<80x128xf32, #tpu.memory_space<vmem>>, vector<16xf32>,
        %add3A_689 = arith.constant 8 : i32
        %add3A_690 = arith.addi %mul3A_132, %add3A_689 : i32
        %swap3A_691 = arith.index_cast %add3A_690 : i32 to index
        %swap3A_692 = arith.constant 16 : index
        %swap3A_693 = tpu.vector_load %arg18[%swap3A_691, %swap3A_692] {strides = array<i32>} : memref<80x128xf32, #tpu.memory_space<vmem>>, vector<16xf32>,
        tpu.vector_store %arg18[%swap3A_691, %swap3A_692], %get3A_665 {strides = array<i32>} : memref<80x128xf32, #tpu.memory_space<vmem>>, vector<16xf32>,
        %add3A_694 = arith.constant 8 : i32
        %add3A_695 = arith.addi %mul3A_132, %add3A_694 : i32
        %swap3A_696 = arith.index_cast %add3A_695 : i32 to index
        %swap3A_697 = arith.constant 32 : index
        %swap3A_698 = tpu.vector_load %arg18[%swap3A_696, %swap3A_697] {strides = array<i32>} : memref<80x128xf32, #tpu.memory_space<vmem>>, vector<16xf32>,
        tpu.vector_store %arg18[%swap3A_696, %swap3A_697], %get3A_668 {strides = array<i32>} : memref<80x128xf32, #tpu.memory_space<vmem>>, vector<16xf32>,
        %add3A_699 = arith.constant 8 : i32
        %add3A_700 = arith.addi %mul3A_132, %add3A_699 : i32
        %swap3A_701 = arith.index_cast %add3A_700 : i32 to index
        %swap3A_702 = arith.constant 48 : index
        %swap3A_703 = tpu.vector_load %arg18[%swap3A_701, %swap3A_702] {strides = array<i32>} : memref<80x128xf32, #tpu.memory_space<vmem>>, vector<16xf32>,
        tpu.vector_store %arg18[%swap3A_701, %swap3A_702], %get3A_671 {strides = array<i32>} : memref<80x128xf32, #tpu.memory_space<vmem>>, vector<16xf32>,
        %add3A_704 = arith.constant 8 : i32
        %add3A_705 = arith.addi %mul3A_132, %add3A_704 : i32
        %swap3A_706 = arith.index_cast %add3A_705 : i32 to index
        %swap3A_707 = arith.constant 64 : index
        %swap3A_708 = tpu.vector_load %arg18[%swap3A_706, %swap3A_707] {strides = array<i32>} : memref<80x128xf32, #tpu.memory_space<vmem>>, vector<16xf32>,
        tpu.vector_store %arg18[%swap3A_706, %swap3A_707], %get3A_674 {strides = array<i32>} : memref<80x128xf32, #tpu.memory_space<vmem>>, vector<16xf32>,
        %add3A_709 = arith.constant 8 : i32
        %add3A_710 = arith.addi %mul3A_132, %add3A_709 : i32
        %swap3A_711 = arith.index_cast %add3A_710 : i32 to index
        %swap3A_712 = arith.constant 80 : index
        %swap3A_713 = tpu.vector_load %arg18[%swap3A_711, %swap3A_712] {strides = array<i32>} : memref<80x128xf32, #tpu.memory_space<vmem>>, vector<16xf32>,
        tpu.vector_store %arg18[%swap3A_711, %swap3A_712], %get3A_677 {strides = array<i32>} : memref<80x128xf32, #tpu.memory_space<vmem>>, vector<16xf32>,
        %add3A_714 = arith.constant 8 : i32
        %add3A_715 = arith.addi %mul3A_132, %add3A_714 : i32
        %swap3A_716 = arith.index_cast %add3A_715 : i32 to index
        %swap3A_717 = arith.constant 96 : index
        %swap3A_718 = tpu.vector_load %arg18[%swap3A_716, %swap3A_717] {strides = array<i32>} : memref<80x128xf32, #tpu.memory_space<vmem>>, vector<16xf32>,
        tpu.vector_store %arg18[%swap3A_716, %swap3A_717], %get3A_680 {strides = array<i32>} : memref<80x128xf32, #tpu.memory_space<vmem>>, vector<16xf32>,
        %add3A_719 = arith.constant 8 : i32
        %add3A_720 = arith.addi %mul3A_132, %add3A_719 : i32
        %swap3A_721 = arith.index_cast %add3A_720 : i32 to index
        %swap3A_722 = arith.constant 112 : index
        %swap3A_723 = tpu.vector_load %arg18[%swap3A_721, %swap3A_722] {strides = array<i32>} : memref<80x128xf32, #tpu.memory_space<vmem>>, vector<16xf32>,
        tpu.vector_store %arg18[%swap3A_721, %swap3A_722], %get3A_683 {strides = array<i32>} : memref<80x128xf32, #tpu.memory_space<vmem>>, vector<16xf32>,
        %slice3A_724 = vector.extract_strided_slice %add3A_130 {offsets = [9], sizes = [1], strides = [1]} : vector<16xi32> to vector<1xi32>
        %squeeze3A_725 = vector.extract %slice3A_724[0] : i32 from vector<1xi32>
        %get3A_726 = arith.index_cast %squeeze3A_725 : i32 to index
        %get3A_727 = arith.constant 0 : index
        %get3A_728 = tpu.vector_load %arg16[%get3A_726, %get3A_727] {strides = array<i32>} : memref<216x128xf32, #tpu.memory_space<vmem>>, vector<16xf32>,
        %get3A_729 = arith.index_cast %squeeze3A_725 : i32 to index
        %get3A_730 = arith.constant 16 : index
        %get3A_731 = tpu.vector_load %arg16[%get3A_729, %get3A_730] {strides = array<i32>} : memref<216x128xf32, #tpu.memory_space<vmem>>, vector<16xf32>,
        %get3A_732 = arith.index_cast %squeeze3A_725 : i32 to index
        %get3A_733 = arith.constant 32 : index
        %get3A_734 = tpu.vector_load %arg16[%get3A_732, %get3A_733] {strides = array<i32>} : memref<216x128xf32, #tpu.memory_space<vmem>>, vector<16xf32>,
        %get3A_735 = arith.index_cast %squeeze3A_725 : i32 to index
        %get3A_736 = arith.constant 48 : index
        %get3A_737 = tpu.vector_load %arg16[%get3A_735, %get3A_736] {strides = array<i32>} : memref<216x128xf32, #tpu.memory_space<vmem>>, vector<16xf32>,
        %get3A_738 = arith.index_cast %squeeze3A_725 : i32 to index
        %get3A_739 = arith.constant 64 : index
        %get3A_740 = tpu.vector_load %arg16[%get3A_738, %get3A_739] {strides = array<i32>} : memref<216x128xf32, #tpu.memory_space<vmem>>, vector<16xf32>,
        %get3A_741 = arith.index_cast %squeeze3A_725 : i32 to index
        %get3A_742 = arith.constant 80 : index
        %get3A_743 = tpu.vector_load %arg16[%get3A_741, %get3A_742] {strides = array<i32>} : memref<216x128xf32, #tpu.memory_space<vmem>>, vector<16xf32>,
        %get3A_744 = arith.index_cast %squeeze3A_725 : i32 to index
        %get3A_745 = arith.constant 96 : index
        %get3A_746 = tpu.vector_load %arg16[%get3A_744, %get3A_745] {strides = array<i32>} : memref<216x128xf32, #tpu.memory_space<vmem>>, vector<16xf32>,
        %get3A_747 = arith.index_cast %squeeze3A_725 : i32 to index
        %get3A_748 = arith.constant 112 : index
        %get3A_749 = tpu.vector_load %arg16[%get3A_747, %get3A_748] {strides = array<i32>} : memref<216x128xf32, #tpu.memory_space<vmem>>, vector<16xf32>,
        %add3A_750 = arith.constant 9 : i32
        %add3A_751 = arith.addi %mul3A_132, %add3A_750 : i32
        %swap3A_752 = arith.index_cast %add3A_751 : i32 to index
        %swap3A_753 = arith.constant 0 : index
        %swap3A_754 = tpu.vector_load %arg18[%swap3A_752, %swap3A_753] {strides = array<i32>} : memref<80x128xf32, #tpu.memory_space<vmem>>, vector<16xf32>,
        tpu.vector_store %arg18[%swap3A_752, %swap3A_753], %get3A_728 {strides = array<i32>} : memref<80x128xf32, #tpu.memory_space<vmem>>, vector<16xf32>,
        %add3A_755 = arith.constant 9 : i32
        %add3A_756 = arith.addi %mul3A_132, %add3A_755 : i32
        %swap3A_757 = arith.index_cast %add3A_756 : i32 to index
        %swap3A_758 = arith.constant 16 : index
        %swap3A_759 = tpu.vector_load %arg18[%swap3A_757, %swap3A_758] {strides = array<i32>} : memref<80x128xf32, #tpu.memory_space<vmem>>, vector<16xf32>,
        tpu.vector_store %arg18[%swap3A_757, %swap3A_758], %get3A_731 {strides = array<i32>} : memref<80x128xf32, #tpu.memory_space<vmem>>, vector<16xf32>,
        %add3A_760 = arith.constant 9 : i32
        %add3A_761 = arith.addi %mul3A_132, %add3A_760 : i32
        %swap3A_762 = arith.index_cast %add3A_761 : i32 to index
        %swap3A_763 = arith.constant 32 : index
        %swap3A_764 = tpu.vector_load %arg18[%swap3A_762, %swap3A_763] {strides = array<i32>} : memref<80x128xf32, #tpu.memory_space<vmem>>, vector<16xf32>,
        tpu.vector_store %arg18[%swap3A_762, %swap3A_763], %get3A_734 {strides = array<i32>} : memref<80x128xf32, #tpu.memory_space<vmem>>, vector<16xf32>,
        %add3A_765 = arith.constant 9 : i32
        %add3A_766 = arith.addi %mul3A_132, %add3A_765 : i32
        %swap3A_767 = arith.index_cast %add3A_766 : i32 to index
        %swap3A_768 = arith.constant 48 : index
        %swap3A_769 = tpu.vector_load %arg18[%swap3A_767, %swap3A_768] {strides = array<i32>} : memref<80x128xf32, #tpu.memory_space<vmem>>, vector<16xf32>,
        tpu.vector_store %arg18[%swap3A_767, %swap3A_768], %get3A_737 {strides = array<i32>} : memref<80x128xf32, #tpu.memory_space<vmem>>, vector<16xf32>,
        %add3A_770 = arith.constant 9 : i32
        %add3A_771 = arith.addi %mul3A_132, %add3A_770 : i32
        %swap3A_772 = arith.index_cast %add3A_771 : i32 to index
        %swap3A_773 = arith.constant 64 : index
        %swap3A_774 = tpu.vector_load %arg18[%swap3A_772, %swap3A_773] {strides = array<i32>} : memref<80x128xf32, #tpu.memory_space<vmem>>, vector<16xf32>,
        tpu.vector_store %arg18[%swap3A_772, %swap3A_773], %get3A_740 {strides = array<i32>} : memref<80x128xf32, #tpu.memory_space<vmem>>, vector<16xf32>,
        %add3A_775 = arith.constant 9 : i32
        %add3A_776 = arith.addi %mul3A_132, %add3A_775 : i32
        %swap3A_777 = arith.index_cast %add3A_776 : i32 to index
        %swap3A_778 = arith.constant 80 : index
        %swap3A_779 = tpu.vector_load %arg18[%swap3A_777, %swap3A_778] {strides = array<i32>} : memref<80x128xf32, #tpu.memory_space<vmem>>, vector<16xf32>,
        tpu.vector_store %arg18[%swap3A_777, %swap3A_778], %get3A_743 {strides = array<i32>} : memref<80x128xf32, #tpu.memory_space<vmem>>, vector<16xf32>,
        %add3A_780 = arith.constant 9 : i32
        %add3A_781 = arith.addi %mul3A_132, %add3A_780 : i32
        %swap3A_782 = arith.index_cast %add3A_781 : i32 to index
        %swap3A_783 = arith.constant 96 : index
        %swap3A_784 = tpu.vector_load %arg18[%swap3A_782, %swap3A_783] {strides = array<i32>} : memref<80x128xf32, #tpu.memory_space<vmem>>, vector<16xf32>,
        tpu.vector_store %arg18[%swap3A_782, %swap3A_783], %get3A_746 {strides = array<i32>} : memref<80x128xf32, #tpu.memory_space<vmem>>, vector<16xf32>,
        %add3A_785 = arith.constant 9 : i32
        %add3A_786 = arith.addi %mul3A_132, %add3A_785 : i32
        %swap3A_787 = arith.index_cast %add3A_786 : i32 to index
        %swap3A_788 = arith.constant 112 : index
        %swap3A_789 = tpu.vector_load %arg18[%swap3A_787, %swap3A_788] {strides = array<i32>} : memref<80x128xf32, #tpu.memory_space<vmem>>, vector<16xf32>,
        tpu.vector_store %arg18[%swap3A_787, %swap3A_788], %get3A_749 {strides = array<i32>} : memref<80x128xf32, #tpu.memory_space<vmem>>, vector<16xf32>,
        %slice3A_790 = vector.extract_strided_slice %add3A_130 {offsets = [10], sizes = [1], strides = [1]} : vector<16xi32> to vector<1xi32>
        %squeeze3A_791 = vector.extract %slice3A_790[0] : i32 from vector<1xi32>
        %get3A_792 = arith.index_cast %squeeze3A_791 : i32 to index
        %get3A_793 = arith.constant 0 : index
        %get3A_794 = tpu.vector_load %arg16[%get3A_792, %get3A_793] {strides = array<i32>} : memref<216x128xf32, #tpu.memory_space<vmem>>, vector<16xf32>,
        %get3A_795 = arith.index_cast %squeeze3A_791 : i32 to index
        %get3A_796 = arith.constant 16 : index
        %get3A_797 = tpu.vector_load %arg16[%get3A_795, %get3A_796] {strides = array<i32>} : memref<216x128xf32, #tpu.memory_space<vmem>>, vector<16xf32>,
        %get3A_798 = arith.index_cast %squeeze3A_791 : i32 to index
        %get3A_799 = arith.constant 32 : index
        %get3A_800 = tpu.vector_load %arg16[%get3A_798, %get3A_799] {strides = array<i32>} : memref<216x128xf32, #tpu.memory_space<vmem>>, vector<16xf32>,
        %get3A_801 = arith.index_cast %squeeze3A_791 : i32 to index
        %get3A_802 = arith.constant 48 : index
        %get3A_803 = tpu.vector_load %arg16[%get3A_801, %get3A_802] {strides = array<i32>} : memref<216x128xf32, #tpu.memory_space<vmem>>, vector<16xf32>,
        %get3A_804 = arith.index_cast %squeeze3A_791 : i32 to index
        %get3A_805 = arith.constant 64 : index
        %get3A_806 = tpu.vector_load %arg16[%get3A_804, %get3A_805] {strides = array<i32>} : memref<216x128xf32, #tpu.memory_space<vmem>>, vector<16xf32>,
        %get3A_807 = arith.index_cast %squeeze3A_791 : i32 to index
        %get3A_808 = arith.constant 80 : index
        %get3A_809 = tpu.vector_load %arg16[%get3A_807, %get3A_808] {strides = array<i32>} : memref<216x128xf32, #tpu.memory_space<vmem>>, vector<16xf32>,
        %get3A_810 = arith.index_cast %squeeze3A_791 : i32 to index
        %get3A_811 = arith.constant 96 : index
        %get3A_812 = tpu.vector_load %arg16[%get3A_810, %get3A_811] {strides = array<i32>} : memref<216x128xf32, #tpu.memory_space<vmem>>, vector<16xf32>,
        %get3A_813 = arith.index_cast %squeeze3A_791 : i32 to index
        %get3A_814 = arith.constant 112 : index
        %get3A_815 = tpu.vector_load %arg16[%get3A_813, %get3A_814] {strides = array<i32>} : memref<216x128xf32, #tpu.memory_space<vmem>>, vector<16xf32>,
        %add3A_816 = arith.constant 10 : i32
        %add3A_817 = arith.addi %mul3A_132, %add3A_816 : i32
        %swap3A_818 = arith.index_cast %add3A_817 : i32 to index
        %swap3A_819 = arith.constant 0 : index
        %swap3A_820 = tpu.vector_load %arg18[%swap3A_818, %swap3A_819] {strides = array<i32>} : memref<80x128xf32, #tpu.memory_space<vmem>>, vector<16xf32>,
        tpu.vector_store %arg18[%swap3A_818, %swap3A_819], %get3A_794 {strides = array<i32>} : memref<80x128xf32, #tpu.memory_space<vmem>>, vector<16xf32>,
        %add3A_821 = arith.constant 10 : i32
        %add3A_822 = arith.addi %mul3A_132, %add3A_821 : i32
        %swap3A_823 = arith.index_cast %add3A_822 : i32 to index
        %swap3A_824 = arith.constant 16 : index
        %swap3A_825 = tpu.vector_load %arg18[%swap3A_823, %swap3A_824] {strides = array<i32>} : memref<80x128xf32, #tpu.memory_space<vmem>>, vector<16xf32>,
        tpu.vector_store %arg18[%swap3A_823, %swap3A_824], %get3A_797 {strides = array<i32>} : memref<80x128xf32, #tpu.memory_space<vmem>>, vector<16xf32>,
        %add3A_826 = arith.constant 10 : i32
        %add3A_827 = arith.addi %mul3A_132, %add3A_826 : i32
        %swap3A_828 = arith.index_cast %add3A_827 : i32 to index
        %swap3A_829 = arith.constant 32 : index
        %swap3A_830 = tpu.vector_load %arg18[%swap3A_828, %swap3A_829] {strides = array<i32>} : memref<80x128xf32, #tpu.memory_space<vmem>>, vector<16xf32>,
        tpu.vector_store %arg18[%swap3A_828, %swap3A_829], %get3A_800 {strides = array<i32>} : memref<80x128xf32, #tpu.memory_space<vmem>>, vector<16xf32>,
        %add3A_831 = arith.constant 10 : i32
        %add3A_832 = arith.addi %mul3A_132, %add3A_831 : i32
        %swap3A_833 = arith.index_cast %add3A_832 : i32 to index
        %swap3A_834 = arith.constant 48 : index
        %swap3A_835 = tpu.vector_load %arg18[%swap3A_833, %swap3A_834] {strides = array<i32>} : memref<80x128xf32, #tpu.memory_space<vmem>>, vector<16xf32>,
        tpu.vector_store %arg18[%swap3A_833, %swap3A_834], %get3A_803 {strides = array<i32>} : memref<80x128xf32, #tpu.memory_space<vmem>>, vector<16xf32>,
        %add3A_836 = arith.constant 10 : i32
        %add3A_837 = arith.addi %mul3A_132, %add3A_836 : i32
        %swap3A_838 = arith.index_cast %add3A_837 : i32 to index
        %swap3A_839 = arith.constant 64 : index
        %swap3A_840 = tpu.vector_load %arg18[%swap3A_838, %swap3A_839] {strides = array<i32>} : memref<80x128xf32, #tpu.memory_space<vmem>>, vector<16xf32>,
        tpu.vector_store %arg18[%swap3A_838, %swap3A_839], %get3A_806 {strides = array<i32>} : memref<80x128xf32, #tpu.memory_space<vmem>>, vector<16xf32>,
        %add3A_841 = arith.constant 10 : i32
        %add3A_842 = arith.addi %mul3A_132, %add3A_841 : i32
        %swap3A_843 = arith.index_cast %add3A_842 : i32 to index
        %swap3A_844 = arith.constant 80 : index
        %swap3A_845 = tpu.vector_load %arg18[%swap3A_843, %swap3A_844] {strides = array<i32>} : memref<80x128xf32, #tpu.memory_space<vmem>>, vector<16xf32>,
        tpu.vector_store %arg18[%swap3A_843, %swap3A_844], %get3A_809 {strides = array<i32>} : memref<80x128xf32, #tpu.memory_space<vmem>>, vector<16xf32>,
        %add3A_846 = arith.constant 10 : i32
        %add3A_847 = arith.addi %mul3A_132, %add3A_846 : i32
        %swap3A_848 = arith.index_cast %add3A_847 : i32 to index
        %swap3A_849 = arith.constant 96 : index
        %swap3A_850 = tpu.vector_load %arg18[%swap3A_848, %swap3A_849] {strides = array<i32>} : memref<80x128xf32, #tpu.memory_space<vmem>>, vector<16xf32>,
        tpu.vector_store %arg18[%swap3A_848, %swap3A_849], %get3A_812 {strides = array<i32>} : memref<80x128xf32, #tpu.memory_space<vmem>>, vector<16xf32>,
        %add3A_851 = arith.constant 10 : i32
        %add3A_852 = arith.addi %mul3A_132, %add3A_851 : i32
        %swap3A_853 = arith.index_cast %add3A_852 : i32 to index
        %swap3A_854 = arith.constant 112 : index
        %swap3A_855 = tpu.vector_load %arg18[%swap3A_853, %swap3A_854] {strides = array<i32>} : memref<80x128xf32, #tpu.memory_space<vmem>>, vector<16xf32>,
        tpu.vector_store %arg18[%swap3A_853, %swap3A_854], %get3A_815 {strides = array<i32>} : memref<80x128xf32, #tpu.memory_space<vmem>>, vector<16xf32>,
        %slice3A_856 = vector.extract_strided_slice %add3A_130 {offsets = [11], sizes = [1], strides = [1]} : vector<16xi32> to vector<1xi32>
        %squeeze3A_857 = vector.extract %slice3A_856[0] : i32 from vector<1xi32>
        %get3A_858 = arith.index_cast %squeeze3A_857 : i32 to index
        %get3A_859 = arith.constant 0 : index
        %get3A_860 = tpu.vector_load %arg16[%get3A_858, %get3A_859] {strides = array<i32>} : memref<216x128xf32, #tpu.memory_space<vmem>>, vector<16xf32>,
        %get3A_861 = arith.index_cast %squeeze3A_857 : i32 to index
        %get3A_862 = arith.constant 16 : index
        %get3A_863 = tpu.vector_load %arg16[%get3A_861, %get3A_862] {strides = array<i32>} : memref<216x128xf32, #tpu.memory_space<vmem>>, vector<16xf32>,
        %get3A_864 = arith.index_cast %squeeze3A_857 : i32 to index
        %get3A_865 = arith.constant 32 : index
        %get3A_866 = tpu.vector_load %arg16[%get3A_864, %get3A_865] {strides = array<i32>} : memref<216x128xf32, #tpu.memory_space<vmem>>, vector<16xf32>,
        %get3A_867 = arith.index_cast %squeeze3A_857 : i32 to index
        %get3A_868 = arith.constant 48 : index
        %get3A_869 = tpu.vector_load %arg16[%get3A_867, %get3A_868] {strides = array<i32>} : memref<216x128xf32, #tpu.memory_space<vmem>>, vector<16xf32>,
        %get3A_870 = arith.index_cast %squeeze3A_857 : i32 to index
        %get3A_871 = arith.constant 64 : index
        %get3A_872 = tpu.vector_load %arg16[%get3A_870, %get3A_871] {strides = array<i32>} : memref<216x128xf32, #tpu.memory_space<vmem>>, vector<16xf32>,
        %get3A_873 = arith.index_cast %squeeze3A_857 : i32 to index
        %get3A_874 = arith.constant 80 : index
        %get3A_875 = tpu.vector_load %arg16[%get3A_873, %get3A_874] {strides = array<i32>} : memref<216x128xf32, #tpu.memory_space<vmem>>, vector<16xf32>,
        %get3A_876 = arith.index_cast %squeeze3A_857 : i32 to index
        %get3A_877 = arith.constant 96 : index
        %get3A_878 = tpu.vector_load %arg16[%get3A_876, %get3A_877] {strides = array<i32>} : memref<216x128xf32, #tpu.memory_space<vmem>>, vector<16xf32>,
        %get3A_879 = arith.index_cast %squeeze3A_857 : i32 to index
        %get3A_880 = arith.constant 112 : index
        %get3A_881 = tpu.vector_load %arg16[%get3A_879, %get3A_880] {strides = array<i32>} : memref<216x128xf32, #tpu.memory_space<vmem>>, vector<16xf32>,
        %add3A_882 = arith.constant 11 : i32
        %add3A_883 = arith.addi %mul3A_132, %add3A_882 : i32
        %swap3A_884 = arith.index_cast %add3A_883 : i32 to index
        %swap3A_885 = arith.constant 0 : index
        %swap3A_886 = tpu.vector_load %arg18[%swap3A_884, %swap3A_885] {strides = array<i32>} : memref<80x128xf32, #tpu.memory_space<vmem>>, vector<16xf32>,
        tpu.vector_store %arg18[%swap3A_884, %swap3A_885], %get3A_860 {strides = array<i32>} : memref<80x128xf32, #tpu.memory_space<vmem>>, vector<16xf32>,
        %add3A_887 = arith.constant 11 : i32
        %add3A_888 = arith.addi %mul3A_132, %add3A_887 : i32
        %swap3A_889 = arith.index_cast %add3A_888 : i32 to index
        %swap3A_890 = arith.constant 16 : index
        %swap3A_891 = tpu.vector_load %arg18[%swap3A_889, %swap3A_890] {strides = array<i32>} : memref<80x128xf32, #tpu.memory_space<vmem>>, vector<16xf32>,
        tpu.vector_store %arg18[%swap3A_889, %swap3A_890], %get3A_863 {strides = array<i32>} : memref<80x128xf32, #tpu.memory_space<vmem>>, vector<16xf32>,
        %add3A_892 = arith.constant 11 : i32
        %add3A_893 = arith.addi %mul3A_132, %add3A_892 : i32
        %swap3A_894 = arith.index_cast %add3A_893 : i32 to index
        %swap3A_895 = arith.constant 32 : index
        %swap3A_896 = tpu.vector_load %arg18[%swap3A_894, %swap3A_895] {strides = array<i32>} : memref<80x128xf32, #tpu.memory_space<vmem>>, vector<16xf32>,
        tpu.vector_store %arg18[%swap3A_894, %swap3A_895], %get3A_866 {strides = array<i32>} : memref<80x128xf32, #tpu.memory_space<vmem>>, vector<16xf32>,
        %add3A_897 = arith.constant 11 : i32
        %add3A_898 = arith.addi %mul3A_132, %add3A_897 : i32
        %swap3A_899 = arith.index_cast %add3A_898 : i32 to index
        %swap3A_900 = arith.constant 48 : index
        %swap3A_901 = tpu.vector_load %arg18[%swap3A_899, %swap3A_900] {strides = array<i32>} : memref<80x128xf32, #tpu.memory_space<vmem>>, vector<16xf32>,
        tpu.vector_store %arg18[%swap3A_899, %swap3A_900], %get3A_869 {strides = array<i32>} : memref<80x128xf32, #tpu.memory_space<vmem>>, vector<16xf32>,
        %add3A_902 = arith.constant 11 : i32
        %add3A_903 = arith.addi %mul3A_132, %add3A_902 : i32
        %swap3A_904 = arith.index_cast %add3A_903 : i32 to index
        %swap3A_905 = arith.constant 64 : index
        %swap3A_906 = tpu.vector_load %arg18[%swap3A_904, %swap3A_905] {strides = array<i32>} : memref<80x128xf32, #tpu.memory_space<vmem>>, vector<16xf32>,
        tpu.vector_store %arg18[%swap3A_904, %swap3A_905], %get3A_872 {strides = array<i32>} : memref<80x128xf32, #tpu.memory_space<vmem>>, vector<16xf32>,
        %add3A_907 = arith.constant 11 : i32
        %add3A_908 = arith.addi %mul3A_132, %add3A_907 : i32
        %swap3A_909 = arith.index_cast %add3A_908 : i32 to index
        %swap3A_910 = arith.constant 80 : index
        %swap3A_911 = tpu.vector_load %arg18[%swap3A_909, %swap3A_910] {strides = array<i32>} : memref<80x128xf32, #tpu.memory_space<vmem>>, vector<16xf32>,
        tpu.vector_store %arg18[%swap3A_909, %swap3A_910], %get3A_875 {strides = array<i32>} : memref<80x128xf32, #tpu.memory_space<vmem>>, vector<16xf32>,
        %add3A_912 = arith.constant 11 : i32
        %add3A_913 = arith.addi %mul3A_132, %add3A_912 : i32
        %swap3A_914 = arith.index_cast %add3A_913 : i32 to index
        %swap3A_915 = arith.constant 96 : index
        %swap3A_916 = tpu.vector_load %arg18[%swap3A_914, %swap3A_915] {strides = array<i32>} : memref<80x128xf32, #tpu.memory_space<vmem>>, vector<16xf32>,
        tpu.vector_store %arg18[%swap3A_914, %swap3A_915], %get3A_878 {strides = array<i32>} : memref<80x128xf32, #tpu.memory_space<vmem>>, vector<16xf32>,
        %add3A_917 = arith.constant 11 : i32
        %add3A_918 = arith.addi %mul3A_132, %add3A_917 : i32
        %swap3A_919 = arith.index_cast %add3A_918 : i32 to index
        %swap3A_920 = arith.constant 112 : index
        %swap3A_921 = tpu.vector_load %arg18[%swap3A_919, %swap3A_920] {strides = array<i32>} : memref<80x128xf32, #tpu.memory_space<vmem>>, vector<16xf32>,
        tpu.vector_store %arg18[%swap3A_919, %swap3A_920], %get3A_881 {strides = array<i32>} : memref<80x128xf32, #tpu.memory_space<vmem>>, vector<16xf32>,
        %slice3A_922 = vector.extract_strided_slice %add3A_130 {offsets = [12], sizes = [1], strides = [1]} : vector<16xi32> to vector<1xi32>
        %squeeze3A_923 = vector.extract %slice3A_922[0] : i32 from vector<1xi32>
        %get3A_924 = arith.index_cast %squeeze3A_923 : i32 to index
        %get3A_925 = arith.constant 0 : index
        %get3A_926 = tpu.vector_load %arg16[%get3A_924, %get3A_925] {strides = array<i32>} : memref<216x128xf32, #tpu.memory_space<vmem>>, vector<16xf32>,
        %get3A_927 = arith.index_cast %squeeze3A_923 : i32 to index
        %get3A_928 = arith.constant 16 : index
        %get3A_929 = tpu.vector_load %arg16[%get3A_927, %get3A_928] {strides = array<i32>} : memref<216x128xf32, #tpu.memory_space<vmem>>, vector<16xf32>,
        %get3A_930 = arith.index_cast %squeeze3A_923 : i32 to index
        %get3A_931 = arith.constant 32 : index
        %get3A_932 = tpu.vector_load %arg16[%get3A_930, %get3A_931] {strides = array<i32>} : memref<216x128xf32, #tpu.memory_space<vmem>>, vector<16xf32>,
        %get3A_933 = arith.index_cast %squeeze3A_923 : i32 to index
        %get3A_934 = arith.constant 48 : index
        %get3A_935 = tpu.vector_load %arg16[%get3A_933, %get3A_934] {strides = array<i32>} : memref<216x128xf32, #tpu.memory_space<vmem>>, vector<16xf32>,
        %get3A_936 = arith.index_cast %squeeze3A_923 : i32 to index
        %get3A_937 = arith.constant 64 : index
        %get3A_938 = tpu.vector_load %arg16[%get3A_936, %get3A_937] {strides = array<i32>} : memref<216x128xf32, #tpu.memory_space<vmem>>, vector<16xf32>,
        %get3A_939 = arith.index_cast %squeeze3A_923 : i32 to index
        %get3A_940 = arith.constant 80 : index
        %get3A_941 = tpu.vector_load %arg16[%get3A_939, %get3A_940] {strides = array<i32>} : memref<216x128xf32, #tpu.memory_space<vmem>>, vector<16xf32>,
        %get3A_942 = arith.index_cast %squeeze3A_923 : i32 to index
        %get3A_943 = arith.constant 96 : index
        %get3A_944 = tpu.vector_load %arg16[%get3A_942, %get3A_943] {strides = array<i32>} : memref<216x128xf32, #tpu.memory_space<vmem>>, vector<16xf32>,
        %get3A_945 = arith.index_cast %squeeze3A_923 : i32 to index
        %get3A_946 = arith.constant 112 : index
        %get3A_947 = tpu.vector_load %arg16[%get3A_945, %get3A_946] {strides = array<i32>} : memref<216x128xf32, #tpu.memory_space<vmem>>, vector<16xf32>,
        %add3A_948 = arith.constant 12 : i32
        %add3A_949 = arith.addi %mul3A_132, %add3A_948 : i32
        %swap3A_950 = arith.index_cast %add3A_949 : i32 to index
        %swap3A_951 = arith.constant 0 : index
        %swap3A_952 = tpu.vector_load %arg18[%swap3A_950, %swap3A_951] {strides = array<i32>} : memref<80x128xf32, #tpu.memory_space<vmem>>, vector<16xf32>,
        tpu.vector_store %arg18[%swap3A_950, %swap3A_951], %get3A_926 {strides = array<i32>} : memref<80x128xf32, #tpu.memory_space<vmem>>, vector<16xf32>,
        %add3A_953 = arith.constant 12 : i32
        %add3A_954 = arith.addi %mul3A_132, %add3A_953 : i32
        %swap3A_955 = arith.index_cast %add3A_954 : i32 to index
        %swap3A_956 = arith.constant 16 : index
        %swap3A_957 = tpu.vector_load %arg18[%swap3A_955, %swap3A_956] {strides = array<i32>} : memref<80x128xf32, #tpu.memory_space<vmem>>, vector<16xf32>,
        tpu.vector_store %arg18[%swap3A_955, %swap3A_956], %get3A_929 {strides = array<i32>} : memref<80x128xf32, #tpu.memory_space<vmem>>, vector<16xf32>,
        %add3A_958 = arith.constant 12 : i32
        %add3A_959 = arith.addi %mul3A_132, %add3A_958 : i32
        %swap3A_960 = arith.index_cast %add3A_959 : i32 to index
        %swap3A_961 = arith.constant 32 : index
        %swap3A_962 = tpu.vector_load %arg18[%swap3A_960, %swap3A_961] {strides = array<i32>} : memref<80x128xf32, #tpu.memory_space<vmem>>, vector<16xf32>,
        tpu.vector_store %arg18[%swap3A_960, %swap3A_961], %get3A_932 {strides = array<i32>} : memref<80x128xf32, #tpu.memory_space<vmem>>, vector<16xf32>,
        %add3A_963 = arith.constant 12 : i32
        %add3A_964 = arith.addi %mul3A_132, %add3A_963 : i32
        %swap3A_965 = arith.index_cast %add3A_964 : i32 to index
        %swap3A_966 = arith.constant 48 : index
        %swap3A_967 = tpu.vector_load %arg18[%swap3A_965, %swap3A_966] {strides = array<i32>} : memref<80x128xf32, #tpu.memory_space<vmem>>, vector<16xf32>,
        tpu.vector_store %arg18[%swap3A_965, %swap3A_966], %get3A_935 {strides = array<i32>} : memref<80x128xf32, #tpu.memory_space<vmem>>, vector<16xf32>,
        %add3A_968 = arith.constant 12 : i32
        %add3A_969 = arith.addi %mul3A_132, %add3A_968 : i32
        %swap3A_970 = arith.index_cast %add3A_969 : i32 to index
        %swap3A_971 = arith.constant 64 : index
        %swap3A_972 = tpu.vector_load %arg18[%swap3A_970, %swap3A_971] {strides = array<i32>} : memref<80x128xf32, #tpu.memory_space<vmem>>, vector<16xf32>,
        tpu.vector_store %arg18[%swap3A_970, %swap3A_971], %get3A_938 {strides = array<i32>} : memref<80x128xf32, #tpu.memory_space<vmem>>, vector<16xf32>,
        %add3A_973 = arith.constant 12 : i32
        %add3A_974 = arith.addi %mul3A_132, %add3A_973 : i32
        %swap3A_975 = arith.index_cast %add3A_974 : i32 to index
        %swap3A_976 = arith.constant 80 : index
        %swap3A_977 = tpu.vector_load %arg18[%swap3A_975, %swap3A_976] {strides = array<i32>} : memref<80x128xf32, #tpu.memory_space<vmem>>, vector<16xf32>,
        tpu.vector_store %arg18[%swap3A_975, %swap3A_976], %get3A_941 {strides = array<i32>} : memref<80x128xf32, #tpu.memory_space<vmem>>, vector<16xf32>,
        %add3A_978 = arith.constant 12 : i32
        %add3A_979 = arith.addi %mul3A_132, %add3A_978 : i32
        %swap3A_980 = arith.index_cast %add3A_979 : i32 to index
        %swap3A_981 = arith.constant 96 : index
        %swap3A_982 = tpu.vector_load %arg18[%swap3A_980, %swap3A_981] {strides = array<i32>} : memref<80x128xf32, #tpu.memory_space<vmem>>, vector<16xf32>,
        tpu.vector_store %arg18[%swap3A_980, %swap3A_981], %get3A_944 {strides = array<i32>} : memref<80x128xf32, #tpu.memory_space<vmem>>, vector<16xf32>,
        %add3A_983 = arith.constant 12 : i32
        %add3A_984 = arith.addi %mul3A_132, %add3A_983 : i32
        %swap3A_985 = arith.index_cast %add3A_984 : i32 to index
        %swap3A_986 = arith.constant 112 : index
        %swap3A_987 = tpu.vector_load %arg18[%swap3A_985, %swap3A_986] {strides = array<i32>} : memref<80x128xf32, #tpu.memory_space<vmem>>, vector<16xf32>,
        tpu.vector_store %arg18[%swap3A_985, %swap3A_986], %get3A_947 {strides = array<i32>} : memref<80x128xf32, #tpu.memory_space<vmem>>, vector<16xf32>,
        %slice3A_988 = vector.extract_strided_slice %add3A_130 {offsets = [13], sizes = [1], strides = [1]} : vector<16xi32> to vector<1xi32>
        %squeeze3A_989 = vector.extract %slice3A_988[0] : i32 from vector<1xi32>
        %get3A_990 = arith.index_cast %squeeze3A_989 : i32 to index
        %get3A_991 = arith.constant 0 : index
        %get3A_992 = tpu.vector_load %arg16[%get3A_990, %get3A_991] {strides = array<i32>} : memref<216x128xf32, #tpu.memory_space<vmem>>, vector<16xf32>,
        %get3A_993 = arith.index_cast %squeeze3A_989 : i32 to index
        %get3A_994 = arith.constant 16 : index
        %get3A_995 = tpu.vector_load %arg16[%get3A_993, %get3A_994] {strides = array<i32>} : memref<216x128xf32, #tpu.memory_space<vmem>>, vector<16xf32>,
        %get3A_996 = arith.index_cast %squeeze3A_989 : i32 to index
        %get3A_997 = arith.constant 32 : index
        %get3A_998 = tpu.vector_load %arg16[%get3A_996, %get3A_997] {strides = array<i32>} : memref<216x128xf32, #tpu.memory_space<vmem>>, vector<16xf32>,
        %get3A_999 = arith.index_cast %squeeze3A_989 : i32 to index
        %get3A_1000 = arith.constant 48 : index
        %get3A_1001 = tpu.vector_load %arg16[%get3A_999, %get3A_1000] {strides = array<i32>} : memref<216x128xf32, #tpu.memory_space<vmem>>, vector<16xf32>,
        %get3A_1002 = arith.index_cast %squeeze3A_989 : i32 to index
        %get3A_1003 = arith.constant 64 : index
        %get3A_1004 = tpu.vector_load %arg16[%get3A_1002, %get3A_1003] {strides = array<i32>} : memref<216x128xf32, #tpu.memory_space<vmem>>, vector<16xf32>,
        %get3A_1005 = arith.index_cast %squeeze3A_989 : i32 to index
        %get3A_1006 = arith.constant 80 : index
        %get3A_1007 = tpu.vector_load %arg16[%get3A_1005, %get3A_1006] {strides = array<i32>} : memref<216x128xf32, #tpu.memory_space<vmem>>, vector<16xf32>,
        %get3A_1008 = arith.index_cast %squeeze3A_989 : i32 to index
        %get3A_1009 = arith.constant 96 : index
        %get3A_1010 = tpu.vector_load %arg16[%get3A_1008, %get3A_1009] {strides = array<i32>} : memref<216x128xf32, #tpu.memory_space<vmem>>, vector<16xf32>,
        %get3A_1011 = arith.index_cast %squeeze3A_989 : i32 to index
        %get3A_1012 = arith.constant 112 : index
        %get3A_1013 = tpu.vector_load %arg16[%get3A_1011, %get3A_1012] {strides = array<i32>} : memref<216x128xf32, #tpu.memory_space<vmem>>, vector<16xf32>,
        %add3A_1014 = arith.constant 13 : i32
        %add3A_1015 = arith.addi %mul3A_132, %add3A_1014 : i32
        %swap3A_1016 = arith.index_cast %add3A_1015 : i32 to index
        %swap3A_1017 = arith.constant 0 : index
        %swap3A_1018 = tpu.vector_load %arg18[%swap3A_1016, %swap3A_1017] {strides = array<i32>} : memref<80x128xf32, #tpu.memory_space<vmem>>, vector<16xf32>,
        tpu.vector_store %arg18[%swap3A_1016, %swap3A_1017], %get3A_992 {strides = array<i32>} : memref<80x128xf32, #tpu.memory_space<vmem>>, vector<16xf32>,
        %add3A_1019 = arith.constant 13 : i32
        %add3A_1020 = arith.addi %mul3A_132, %add3A_1019 : i32
        %swap3A_1021 = arith.index_cast %add3A_1020 : i32 to index
        %swap3A_1022 = arith.constant 16 : index
        %swap3A_1023 = tpu.vector_load %arg18[%swap3A_1021, %swap3A_1022] {strides = array<i32>} : memref<80x128xf32, #tpu.memory_space<vmem>>, vector<16xf32>,
        tpu.vector_store %arg18[%swap3A_1021, %swap3A_1022], %get3A_995 {strides = array<i32>} : memref<80x128xf32, #tpu.memory_space<vmem>>, vector<16xf32>,
        %add3A_1024 = arith.constant 13 : i32
        %add3A_1025 = arith.addi %mul3A_132, %add3A_1024 : i32
        %swap3A_1026 = arith.index_cast %add3A_1025 : i32 to index
        %swap3A_1027 = arith.constant 32 : index
        %swap3A_1028 = tpu.vector_load %arg18[%swap3A_1026, %swap3A_1027] {strides = array<i32>} : memref<80x128xf32, #tpu.memory_space<vmem>>, vector<16xf32>,
        tpu.vector_store %arg18[%swap3A_1026, %swap3A_1027], %get3A_998 {strides = array<i32>} : memref<80x128xf32, #tpu.memory_space<vmem>>, vector<16xf32>,
        %add3A_1029 = arith.constant 13 : i32
        %add3A_1030 = arith.addi %mul3A_132, %add3A_1029 : i32
        %swap3A_1031 = arith.index_cast %add3A_1030 : i32 to index
        %swap3A_1032 = arith.constant 48 : index
        %swap3A_1033 = tpu.vector_load %arg18[%swap3A_1031, %swap3A_1032] {strides = array<i32>} : memref<80x128xf32, #tpu.memory_space<vmem>>, vector<16xf32>,
        tpu.vector_store %arg18[%swap3A_1031, %swap3A_1032], %get3A_1001 {strides = array<i32>} : memref<80x128xf32, #tpu.memory_space<vmem>>, vector<16xf32>,
        %add3A_1034 = arith.constant 13 : i32
        %add3A_1035 = arith.addi %mul3A_132, %add3A_1034 : i32
        %swap3A_1036 = arith.index_cast %add3A_1035 : i32 to index
        %swap3A_1037 = arith.constant 64 : index
        %swap3A_1038 = tpu.vector_load %arg18[%swap3A_1036, %swap3A_1037] {strides = array<i32>} : memref<80x128xf32, #tpu.memory_space<vmem>>, vector<16xf32>,
        tpu.vector_store %arg18[%swap3A_1036, %swap3A_1037], %get3A_1004 {strides = array<i32>} : memref<80x128xf32, #tpu.memory_space<vmem>>, vector<16xf32>,
        %add3A_1039 = arith.constant 13 : i32
        %add3A_1040 = arith.addi %mul3A_132, %add3A_1039 : i32
        %swap3A_1041 = arith.index_cast %add3A_1040 : i32 to index
        %swap3A_1042 = arith.constant 80 : index
        %swap3A_1043 = tpu.vector_load %arg18[%swap3A_1041, %swap3A_1042] {strides = array<i32>} : memref<80x128xf32, #tpu.memory_space<vmem>>, vector<16xf32>,
        tpu.vector_store %arg18[%swap3A_1041, %swap3A_1042], %get3A_1007 {strides = array<i32>} : memref<80x128xf32, #tpu.memory_space<vmem>>, vector<16xf32>,
        %add3A_1044 = arith.constant 13 : i32
        %add3A_1045 = arith.addi %mul3A_132, %add3A_1044 : i32
        %swap3A_1046 = arith.index_cast %add3A_1045 : i32 to index
        %swap3A_1047 = arith.constant 96 : index
        %swap3A_1048 = tpu.vector_load %arg18[%swap3A_1046, %swap3A_1047] {strides = array<i32>} : memref<80x128xf32, #tpu.memory_space<vmem>>, vector<16xf32>,
        tpu.vector_store %arg18[%swap3A_1046, %swap3A_1047], %get3A_1010 {strides = array<i32>} : memref<80x128xf32, #tpu.memory_space<vmem>>, vector<16xf32>,
        %add3A_1049 = arith.constant 13 : i32
        %add3A_1050 = arith.addi %mul3A_132, %add3A_1049 : i32
        %swap3A_1051 = arith.index_cast %add3A_1050 : i32 to index
        %swap3A_1052 = arith.constant 112 : index
        %swap3A_1053 = tpu.vector_load %arg18[%swap3A_1051, %swap3A_1052] {strides = array<i32>} : memref<80x128xf32, #tpu.memory_space<vmem>>, vector<16xf32>,
        tpu.vector_store %arg18[%swap3A_1051, %swap3A_1052], %get3A_1013 {strides = array<i32>} : memref<80x128xf32, #tpu.memory_space<vmem>>, vector<16xf32>,
        %slice3A_1054 = vector.extract_strided_slice %add3A_130 {offsets = [14], sizes = [1], strides = [1]} : vector<16xi32> to vector<1xi32>
        %squeeze3A_1055 = vector.extract %slice3A_1054[0] : i32 from vector<1xi32>
        %get3A_1056 = arith.index_cast %squeeze3A_1055 : i32 to index
        %get3A_1057 = arith.constant 0 : index
        %get3A_1058 = tpu.vector_load %arg16[%get3A_1056, %get3A_1057] {strides = array<i32>} : memref<216x128xf32, #tpu.memory_space<vmem>>, vector<16xf32>,
        %get3A_1059 = arith.index_cast %squeeze3A_1055 : i32 to index
        %get3A_1060 = arith.constant 16 : index
        %get3A_1061 = tpu.vector_load %arg16[%get3A_1059, %get3A_1060] {strides = array<i32>} : memref<216x128xf32, #tpu.memory_space<vmem>>, vector<16xf32>,
        %get3A_1062 = arith.index_cast %squeeze3A_1055 : i32 to index
        %get3A_1063 = arith.constant 32 : index
        %get3A_1064 = tpu.vector_load %arg16[%get3A_1062, %get3A_1063] {strides = array<i32>} : memref<216x128xf32, #tpu.memory_space<vmem>>, vector<16xf32>,
        %get3A_1065 = arith.index_cast %squeeze3A_1055 : i32 to index
        %get3A_1066 = arith.constant 48 : index
        %get3A_1067 = tpu.vector_load %arg16[%get3A_1065, %get3A_1066] {strides = array<i32>} : memref<216x128xf32, #tpu.memory_space<vmem>>, vector<16xf32>,
        %get3A_1068 = arith.index_cast %squeeze3A_1055 : i32 to index
        %get3A_1069 = arith.constant 64 : index
        %get3A_1070 = tpu.vector_load %arg16[%get3A_1068, %get3A_1069] {strides = array<i32>} : memref<216x128xf32, #tpu.memory_space<vmem>>, vector<16xf32>,
        %get3A_1071 = arith.index_cast %squeeze3A_1055 : i32 to index
        %get3A_1072 = arith.constant 80 : index
        %get3A_1073 = tpu.vector_load %arg16[%get3A_1071, %get3A_1072] {strides = array<i32>} : memref<216x128xf32, #tpu.memory_space<vmem>>, vector<16xf32>,
        %get3A_1074 = arith.index_cast %squeeze3A_1055 : i32 to index
        %get3A_1075 = arith.constant 96 : index
        %get3A_1076 = tpu.vector_load %arg16[%get3A_1074, %get3A_1075] {strides = array<i32>} : memref<216x128xf32, #tpu.memory_space<vmem>>, vector<16xf32>,
        %get3A_1077 = arith.index_cast %squeeze3A_1055 : i32 to index
        %get3A_1078 = arith.constant 112 : index
        %get3A_1079 = tpu.vector_load %arg16[%get3A_1077, %get3A_1078] {strides = array<i32>} : memref<216x128xf32, #tpu.memory_space<vmem>>, vector<16xf32>,
        %add3A_1080 = arith.constant 14 : i32
        %add3A_1081 = arith.addi %mul3A_132, %add3A_1080 : i32
        %swap3A_1082 = arith.index_cast %add3A_1081 : i32 to index
        %swap3A_1083 = arith.constant 0 : index
        %swap3A_1084 = tpu.vector_load %arg18[%swap3A_1082, %swap3A_1083] {strides = array<i32>} : memref<80x128xf32, #tpu.memory_space<vmem>>, vector<16xf32>,
        tpu.vector_store %arg18[%swap3A_1082, %swap3A_1083], %get3A_1058 {strides = array<i32>} : memref<80x128xf32, #tpu.memory_space<vmem>>, vector<16xf32>,
        %add3A_1085 = arith.constant 14 : i32
        %add3A_1086 = arith.addi %mul3A_132, %add3A_1085 : i32
        %swap3A_1087 = arith.index_cast %add3A_1086 : i32 to index
        %swap3A_1088 = arith.constant 16 : index
        %swap3A_1089 = tpu.vector_load %arg18[%swap3A_1087, %swap3A_1088] {strides = array<i32>} : memref<80x128xf32, #tpu.memory_space<vmem>>, vector<16xf32>,
        tpu.vector_store %arg18[%swap3A_1087, %swap3A_1088], %get3A_1061 {strides = array<i32>} : memref<80x128xf32, #tpu.memory_space<vmem>>, vector<16xf32>,
        %add3A_1090 = arith.constant 14 : i32
        %add3A_1091 = arith.addi %mul3A_132, %add3A_1090 : i32
        %swap3A_1092 = arith.index_cast %add3A_1091 : i32 to index
        %swap3A_1093 = arith.constant 32 : index
        %swap3A_1094 = tpu.vector_load %arg18[%swap3A_1092, %swap3A_1093] {strides = array<i32>} : memref<80x128xf32, #tpu.memory_space<vmem>>, vector<16xf32>,
        tpu.vector_store %arg18[%swap3A_1092, %swap3A_1093], %get3A_1064 {strides = array<i32>} : memref<80x128xf32, #tpu.memory_space<vmem>>, vector<16xf32>,
        %add3A_1095 = arith.constant 14 : i32
        %add3A_1096 = arith.addi %mul3A_132, %add3A_1095 : i32
        %swap3A_1097 = arith.index_cast %add3A_1096 : i32 to index
        %swap3A_1098 = arith.constant 48 : index
        %swap3A_1099 = tpu.vector_load %arg18[%swap3A_1097, %swap3A_1098] {strides = array<i32>} : memref<80x128xf32, #tpu.memory_space<vmem>>, vector<16xf32>,
        tpu.vector_store %arg18[%swap3A_1097, %swap3A_1098], %get3A_1067 {strides = array<i32>} : memref<80x128xf32, #tpu.memory_space<vmem>>, vector<16xf32>,
        %add3A_1100 = arith.constant 14 : i32
        %add3A_1101 = arith.addi %mul3A_132, %add3A_1100 : i32
        %swap3A_1102 = arith.index_cast %add3A_1101 : i32 to index
        %swap3A_1103 = arith.constant 64 : index
        %swap3A_1104 = tpu.vector_load %arg18[%swap3A_1102, %swap3A_1103] {strides = array<i32>} : memref<80x128xf32, #tpu.memory_space<vmem>>, vector<16xf32>,
        tpu.vector_store %arg18[%swap3A_1102, %swap3A_1103], %get3A_1070 {strides = array<i32>} : memref<80x128xf32, #tpu.memory_space<vmem>>, vector<16xf32>,
        %add3A_1105 = arith.constant 14 : i32
        %add3A_1106 = arith.addi %mul3A_132, %add3A_1105 : i32
        %swap3A_1107 = arith.index_cast %add3A_1106 : i32 to index
        %swap3A_1108 = arith.constant 80 : index
        %swap3A_1109 = tpu.vector_load %arg18[%swap3A_1107, %swap3A_1108] {strides = array<i32>} : memref<80x128xf32, #tpu.memory_space<vmem>>, vector<16xf32>,
        tpu.vector_store %arg18[%swap3A_1107, %swap3A_1108], %get3A_1073 {strides = array<i32>} : memref<80x128xf32, #tpu.memory_space<vmem>>, vector<16xf32>,
        %add3A_1110 = arith.constant 14 : i32
        %add3A_1111 = arith.addi %mul3A_132, %add3A_1110 : i32
        %swap3A_1112 = arith.index_cast %add3A_1111 : i32 to index
        %swap3A_1113 = arith.constant 96 : index
        %swap3A_1114 = tpu.vector_load %arg18[%swap3A_1112, %swap3A_1113] {strides = array<i32>} : memref<80x128xf32, #tpu.memory_space<vmem>>, vector<16xf32>,
        tpu.vector_store %arg18[%swap3A_1112, %swap3A_1113], %get3A_1076 {strides = array<i32>} : memref<80x128xf32, #tpu.memory_space<vmem>>, vector<16xf32>,
        %add3A_1115 = arith.constant 14 : i32
        %add3A_1116 = arith.addi %mul3A_132, %add3A_1115 : i32
        %swap3A_1117 = arith.index_cast %add3A_1116 : i32 to index
        %swap3A_1118 = arith.constant 112 : index
        %swap3A_1119 = tpu.vector_load %arg18[%swap3A_1117, %swap3A_1118] {strides = array<i32>} : memref<80x128xf32, #tpu.memory_space<vmem>>, vector<16xf32>,
        tpu.vector_store %arg18[%swap3A_1117, %swap3A_1118], %get3A_1079 {strides = array<i32>} : memref<80x128xf32, #tpu.memory_space<vmem>>, vector<16xf32>,
        %slice3A_1120 = vector.extract_strided_slice %add3A_130 {offsets = [15], sizes = [1], strides = [1]} : vector<16xi32> to vector<1xi32>
        %squeeze3A_1121 = vector.extract %slice3A_1120[0] : i32 from vector<1xi32>
        %get3A_1122 = arith.index_cast %squeeze3A_1121 : i32 to index
        %get3A_1123 = arith.constant 0 : index
        %get3A_1124 = tpu.vector_load %arg16[%get3A_1122, %get3A_1123] {strides = array<i32>} : memref<216x128xf32, #tpu.memory_space<vmem>>, vector<16xf32>,
        %get3A_1125 = arith.index_cast %squeeze3A_1121 : i32 to index
        %get3A_1126 = arith.constant 16 : index
        %get3A_1127 = tpu.vector_load %arg16[%get3A_1125, %get3A_1126] {strides = array<i32>} : memref<216x128xf32, #tpu.memory_space<vmem>>, vector<16xf32>,
        %get3A_1128 = arith.index_cast %squeeze3A_1121 : i32 to index
        %get3A_1129 = arith.constant 32 : index
        %get3A_1130 = tpu.vector_load %arg16[%get3A_1128, %get3A_1129] {strides = array<i32>} : memref<216x128xf32, #tpu.memory_space<vmem>>, vector<16xf32>,
        %get3A_1131 = arith.index_cast %squeeze3A_1121 : i32 to index
        %get3A_1132 = arith.constant 48 : index
        %get3A_1133 = tpu.vector_load %arg16[%get3A_1131, %get3A_1132] {strides = array<i32>} : memref<216x128xf32, #tpu.memory_space<vmem>>, vector<16xf32>,
        %get3A_1134 = arith.index_cast %squeeze3A_1121 : i32 to index
        %get3A_1135 = arith.constant 64 : index
        %get3A_1136 = tpu.vector_load %arg16[%get3A_1134, %get3A_1135] {strides = array<i32>} : memref<216x128xf32, #tpu.memory_space<vmem>>, vector<16xf32>,
        %get3A_1137 = arith.index_cast %squeeze3A_1121 : i32 to index
        %get3A_1138 = arith.constant 80 : index
        %get3A_1139 = tpu.vector_load %arg16[%get3A_1137, %get3A_1138] {strides = array<i32>} : memref<216x128xf32, #tpu.memory_space<vmem>>, vector<16xf32>,
        %get3A_1140 = arith.index_cast %squeeze3A_1121 : i32 to index
        %get3A_1141 = arith.constant 96 : index
        %get3A_1142 = tpu.vector_load %arg16[%get3A_1140, %get3A_1141] {strides = array<i32>} : memref<216x128xf32, #tpu.memory_space<vmem>>, vector<16xf32>,
        %get3A_1143 = arith.index_cast %squeeze3A_1121 : i32 to index
        %get3A_1144 = arith.constant 112 : index
        %get3A_1145 = tpu.vector_load %arg16[%get3A_1143, %get3A_1144] {strides = array<i32>} : memref<216x128xf32, #tpu.memory_space<vmem>>, vector<16xf32>,
        %add3A_1146 = arith.constant 15 : i32
        %add3A_1147 = arith.addi %mul3A_132, %add3A_1146 : i32
        %swap3A_1148 = arith.index_cast %add3A_1147 : i32 to index
        %swap3A_1149 = arith.constant 0 : index
        %swap3A_1150 = tpu.vector_load %arg18[%swap3A_1148, %swap3A_1149] {strides = array<i32>} : memref<80x128xf32, #tpu.memory_space<vmem>>, vector<16xf32>,
        tpu.vector_store %arg18[%swap3A_1148, %swap3A_1149], %get3A_1124 {strides = array<i32>} : memref<80x128xf32, #tpu.memory_space<vmem>>, vector<16xf32>,
        %add3A_1151 = arith.constant 15 : i32
        %add3A_1152 = arith.addi %mul3A_132, %add3A_1151 : i32
        %swap3A_1153 = arith.index_cast %add3A_1152 : i32 to index
        %swap3A_1154 = arith.constant 16 : index
        %swap3A_1155 = tpu.vector_load %arg18[%swap3A_1153, %swap3A_1154] {strides = array<i32>} : memref<80x128xf32, #tpu.memory_space<vmem>>, vector<16xf32>,
        tpu.vector_store %arg18[%swap3A_1153, %swap3A_1154], %get3A_1127 {strides = array<i32>} : memref<80x128xf32, #tpu.memory_space<vmem>>, vector<16xf32>,
        %add3A_1156 = arith.constant 15 : i32
        %add3A_1157 = arith.addi %mul3A_132, %add3A_1156 : i32
        %swap3A_1158 = arith.index_cast %add3A_1157 : i32 to index
        %swap3A_1159 = arith.constant 32 : index
        %swap3A_1160 = tpu.vector_load %arg18[%swap3A_1158, %swap3A_1159] {strides = array<i32>} : memref<80x128xf32, #tpu.memory_space<vmem>>, vector<16xf32>,
        tpu.vector_store %arg18[%swap3A_1158, %swap3A_1159], %get3A_1130 {strides = array<i32>} : memref<80x128xf32, #tpu.memory_space<vmem>>, vector<16xf32>,
        %add3A_1161 = arith.constant 15 : i32
        %add3A_1162 = arith.addi %mul3A_132, %add3A_1161 : i32
        %swap3A_1163 = arith.index_cast %add3A_1162 : i32 to index
        %swap3A_1164 = arith.constant 48 : index
        %swap3A_1165 = tpu.vector_load %arg18[%swap3A_1163, %swap3A_1164] {strides = array<i32>} : memref<80x128xf32, #tpu.memory_space<vmem>>, vector<16xf32>,
        tpu.vector_store %arg18[%swap3A_1163, %swap3A_1164], %get3A_1133 {strides = array<i32>} : memref<80x128xf32, #tpu.memory_space<vmem>>, vector<16xf32>,
        %add3A_1166 = arith.constant 15 : i32
        %add3A_1167 = arith.addi %mul3A_132, %add3A_1166 : i32
        %swap3A_1168 = arith.index_cast %add3A_1167 : i32 to index
        %swap3A_1169 = arith.constant 64 : index
        %swap3A_1170 = tpu.vector_load %arg18[%swap3A_1168, %swap3A_1169] {strides = array<i32>} : memref<80x128xf32, #tpu.memory_space<vmem>>, vector<16xf32>,
        tpu.vector_store %arg18[%swap3A_1168, %swap3A_1169], %get3A_1136 {strides = array<i32>} : memref<80x128xf32, #tpu.memory_space<vmem>>, vector<16xf32>,
        %add3A_1171 = arith.constant 15 : i32
        %add3A_1172 = arith.addi %mul3A_132, %add3A_1171 : i32
        %swap3A_1173 = arith.index_cast %add3A_1172 : i32 to index
        %swap3A_1174 = arith.constant 80 : index
        %swap3A_1175 = tpu.vector_load %arg18[%swap3A_1173, %swap3A_1174] {strides = array<i32>} : memref<80x128xf32, #tpu.memory_space<vmem>>, vector<16xf32>,
        tpu.vector_store %arg18[%swap3A_1173, %swap3A_1174], %get3A_1139 {strides = array<i32>} : memref<80x128xf32, #tpu.memory_space<vmem>>, vector<16xf32>,
        %add3A_1176 = arith.constant 15 : i32
        %add3A_1177 = arith.addi %mul3A_132, %add3A_1176 : i32
        %swap3A_1178 = arith.index_cast %add3A_1177 : i32 to index
        %swap3A_1179 = arith.constant 96 : index
        %swap3A_1180 = tpu.vector_load %arg18[%swap3A_1178, %swap3A_1179] {strides = array<i32>} : memref<80x128xf32, #tpu.memory_space<vmem>>, vector<16xf32>,
        tpu.vector_store %arg18[%swap3A_1178, %swap3A_1179], %get3A_1142 {strides = array<i32>} : memref<80x128xf32, #tpu.memory_space<vmem>>, vector<16xf32>,
        %add3A_1181 = arith.constant 15 : i32
        %add3A_1182 = arith.addi %mul3A_132, %add3A_1181 : i32
        %swap3A_1183 = arith.index_cast %add3A_1182 : i32 to index
        %swap3A_1184 = arith.constant 112 : index
        %swap3A_1185 = tpu.vector_load %arg18[%swap3A_1183, %swap3A_1184] {strides = array<i32>} : memref<80x128xf32, #tpu.memory_space<vmem>>, vector<16xf32>,
        tpu.vector_store %arg18[%swap3A_1183, %swap3A_1184], %get3A_1145 {strides = array<i32>} : memref<80x128xf32, #tpu.memory_space<vmem>>, vector<16xf32>,
        %scan3A_1186 = arith.constant 0 : i32
        scf.yield %scan3A_1186 : i32
      }
      %scan3A_82 = arith.constant 5 : i32
      %mul3A_83 = arith.constant 80 : i32
      %mul3A_84 = arith.muli %add3A_69, %mul3A_83 : i32
      %add3A_85 = arith.addi %mul3A_2, %mul3A_84 : i32
      %dma_start3A_86 = arith.constant 0 : i32
      %dma_start3A_87 = tpu.memref_slice %arg8[%add3A_85, %dma_start3A_86] : memref<320000x128xf32, #tpu.memory_space<hbm>> -> memref<80x128xf32, #tpu.memory_space<hbm>>
      %dma_start3A_88 = arith.constant 0 : i32
      %dma_start3A_89 = tpu.memref_slice %arg8[%add3A_85, %dma_start3A_88] : memref<320000x128xf32, #tpu.memory_space<hbm>> -> memref<80x128xf32, #tpu.memory_space<hbm>>
      tpu.enqueue_dma source(%arg18 : memref<80x128xf32, #tpu.memory_space<vmem>>) target(%dma_start3A_89 : memref<80x128xf32, #tpu.memory_space<hbm>>) target_semaphore(%arg23 : memref<!tpu.dma_semaphore, #tpu.memory_space<semaphore_mem>>)
      %dma_wait3A_90 = arith.constant 0 : i32
      %dma_wait3A_91 = arith.constant 0 : i32
      %dma_wait3A_92 = tpu.memref_slice %arg8[%dma_wait3A_90, %dma_wait3A_91] : memref<320000x128xf32, #tpu.memory_space<hbm>> -> memref<80x128xf32, #tpu.memory_space<hbm>>
      %dma_wait3A_93 = arith.constant 0 : i32
      %dma_wait3A_94 = arith.constant 0 : i32
      %dma_wait3A_95 = tpu.memref_slice %arg8[%dma_wait3A_93, %dma_wait3A_94] : memref<320000x128xf32, #tpu.memory_space<hbm>> -> memref<80x128xf32, #tpu.memory_space<hbm>>
      tpu.wait_dma2 semaphore(%arg22 : memref<!tpu.dma_semaphore, #tpu.memory_space<semaphore_mem>>) src(%arg17 : memref<80x128xf32, #tpu.memory_space<vmem>>) dst(%dma_wait3A_95 : memref<80x128xf32, #tpu.memory_space<hbm>>)
      %scan3A_96 = arith.constant 0 : i32
      %scan3A_97 = arith.constant 0 : i32
      %scan3A_98 = arith.constant 5 : i32
      %scan3A_99 = arith.addi %scan3A_97, %scan3A_98 : i32
      %scan3A_100 = arith.constant 1 : i32
      %scan3A_101 = scf.for %scan3A_111 = %scan3A_97 to %scan3A_99 step %scan3A_100 iter_args(%scan3A_112 = %scan3A_96) -> (i32)  : i32 {
        %mul3A_113 = arith.constant 80 : i32
        %mul3A_114 = arith.muli %add3A_73, %mul3A_113 : i32
        %mul3A_115 = arith.constant 16 : i32
        %mul3A_116 = arith.muli %scan3A_111, %mul3A_115 : i32
        %add3A_117 = arith.addi %mul3A_114, %mul3A_116 : i32
        %get3A = arith.index_cast %add3A_117 : i32 to index
        %get3A_118 = tpu.vector_load %arg9[%get3A] {strides = array<i32>} : memref<10000xi32, #tpu.memory_space<vmem>>, vector<16xi32>,
        %mul3A_119 = arith.constant 36 : i32
        %mul3A_120 = vector.broadcast %mul3A_119 : i32 to vector<16xi32>
        %mul3A_121 = arith.muli %get3A_118, %mul3A_120 : vector<16xi32>
        %get3A_122 = arith.index_cast %add3A_117 : i32 to index
        %get3A_123 = tpu.vector_load %arg10[%get3A_122] {strides = array<i32>} : memref<10000xi32, #tpu.memory_space<vmem>>, vector<16xi32>,
        %mul3A_124 = arith.constant 6 : i32
        %mul3A_125 = vector.broadcast %mul3A_124 : i32 to vector<16xi32>
        %mul3A_126 = arith.muli %get3A_123, %mul3A_125 : vector<16xi32>
        %add3A_127 = arith.addi %mul3A_121, %mul3A_126 : vector<16xi32>
        %get3A_128 = arith.index_cast %add3A_117 : i32 to index
        %get3A_129 = tpu.vector_load %arg11[%get3A_128] {strides = array<i32>} : memref<10000xi32, #tpu.memory_space<vmem>>, vector<16xi32>,
        %add3A_130 = arith.addi %add3A_127, %get3A_129 : vector<16xi32>
        %mul3A_131 = arith.constant 16 : i32
        %mul3A_132 = arith.muli %scan3A_111, %mul3A_131 : i32
        %slice3A = vector.extract_strided_slice %add3A_130 {offsets = [0], sizes = [1], strides = [1]} : vector<16xi32> to vector<1xi32>
        %squeeze3A = vector.extract %slice3A[0] : i32 from vector<1xi32>
        %get3A_133 = arith.index_cast %squeeze3A : i32 to index
        %get3A_134 = arith.constant 0 : index
        %get3A_135 = tpu.vector_load %arg16[%get3A_133, %get3A_134] {strides = array<i32>} : memref<216x128xf32, #tpu.memory_space<vmem>>, vector<16xf32>,
        %get3A_136 = arith.index_cast %squeeze3A : i32 to index
        %get3A_137 = arith.constant 16 : index
        %get3A_138 = tpu.vector_load %arg16[%get3A_136, %get3A_137] {strides = array<i32>} : memref<216x128xf32, #tpu.memory_space<vmem>>, vector<16xf32>,
        %get3A_139 = arith.index_cast %squeeze3A : i32 to index
        %get3A_140 = arith.constant 32 : index
        %get3A_141 = tpu.vector_load %arg16[%get3A_139, %get3A_140] {strides = array<i32>} : memref<216x128xf32, #tpu.memory_space<vmem>>, vector<16xf32>,
        %get3A_142 = arith.index_cast %squeeze3A : i32 to index
        %get3A_143 = arith.constant 48 : index
        %get3A_144 = tpu.vector_load %arg16[%get3A_142, %get3A_143] {strides = array<i32>} : memref<216x128xf32, #tpu.memory_space<vmem>>, vector<16xf32>,
        %get3A_145 = arith.index_cast %squeeze3A : i32 to index
        %get3A_146 = arith.constant 64 : index
        %get3A_147 = tpu.vector_load %arg16[%get3A_145, %get3A_146] {strides = array<i32>} : memref<216x128xf32, #tpu.memory_space<vmem>>, vector<16xf32>,
        %get3A_148 = arith.index_cast %squeeze3A : i32 to index
        %get3A_149 = arith.constant 80 : index
        %get3A_150 = tpu.vector_load %arg16[%get3A_148, %get3A_149] {strides = array<i32>} : memref<216x128xf32, #tpu.memory_space<vmem>>, vector<16xf32>,
        %get3A_151 = arith.index_cast %squeeze3A : i32 to index
        %get3A_152 = arith.constant 96 : index
        %get3A_153 = tpu.vector_load %arg16[%get3A_151, %get3A_152] {strides = array<i32>} : memref<216x128xf32, #tpu.memory_space<vmem>>, vector<16xf32>,
        %get3A_154 = arith.index_cast %squeeze3A : i32 to index
        %get3A_155 = arith.constant 112 : index
        %get3A_156 = tpu.vector_load %arg16[%get3A_154, %get3A_155] {strides = array<i32>} : memref<216x128xf32, #tpu.memory_space<vmem>>, vector<16xf32>,
        %add3A_157 = arith.constant 0 : i32
        %add3A_158 = arith.addi %mul3A_132, %add3A_157 : i32
        %swap3A = arith.index_cast %add3A_158 : i32 to index
        %swap3A_159 = arith.constant 0 : index
        %swap3A_160 = tpu.vector_load %arg17[%swap3A, %swap3A_159] {strides = array<i32>} : memref<80x128xf32, #tpu.memory_space<vmem>>, vector<16xf32>,
        tpu.vector_store %arg17[%swap3A, %swap3A_159], %get3A_135 {strides = array<i32>} : memref<80x128xf32, #tpu.memory_space<vmem>>, vector<16xf32>,
        %add3A_161 = arith.constant 0 : i32
        %add3A_162 = arith.addi %mul3A_132, %add3A_161 : i32
        %swap3A_163 = arith.index_cast %add3A_162 : i32 to index
        %swap3A_164 = arith.constant 16 : index
        %swap3A_165 = tpu.vector_load %arg17[%swap3A_163, %swap3A_164] {strides = array<i32>} : memref<80x128xf32, #tpu.memory_space<vmem>>, vector<16xf32>,
        tpu.vector_store %arg17[%swap3A_163, %swap3A_164], %get3A_138 {strides = array<i32>} : memref<80x128xf32, #tpu.memory_space<vmem>>, vector<16xf32>,
        %add3A_166 = arith.constant 0 : i32
        %add3A_167 = arith.addi %mul3A_132, %add3A_166 : i32
        %swap3A_168 = arith.index_cast %add3A_167 : i32 to index
        %swap3A_169 = arith.constant 32 : index
        %swap3A_170 = tpu.vector_load %arg17[%swap3A_168, %swap3A_169] {strides = array<i32>} : memref<80x128xf32, #tpu.memory_space<vmem>>, vector<16xf32>,
        tpu.vector_store %arg17[%swap3A_168, %swap3A_169], %get3A_141 {strides = array<i32>} : memref<80x128xf32, #tpu.memory_space<vmem>>, vector<16xf32>,
        %add3A_171 = arith.constant 0 : i32
        %add3A_172 = arith.addi %mul3A_132, %add3A_171 : i32
        %swap3A_173 = arith.index_cast %add3A_172 : i32 to index
        %swap3A_174 = arith.constant 48 : index
        %swap3A_175 = tpu.vector_load %arg17[%swap3A_173, %swap3A_174] {strides = array<i32>} : memref<80x128xf32, #tpu.memory_space<vmem>>, vector<16xf32>,
        tpu.vector_store %arg17[%swap3A_173, %swap3A_174], %get3A_144 {strides = array<i32>} : memref<80x128xf32, #tpu.memory_space<vmem>>, vector<16xf32>,
        %add3A_176 = arith.constant 0 : i32
        %add3A_177 = arith.addi %mul3A_132, %add3A_176 : i32
        %swap3A_178 = arith.index_cast %add3A_177 : i32 to index
        %swap3A_179 = arith.constant 64 : index
        %swap3A_180 = tpu.vector_load %arg17[%swap3A_178, %swap3A_179] {strides = array<i32>} : memref<80x128xf32, #tpu.memory_space<vmem>>, vector<16xf32>,
        tpu.vector_store %arg17[%swap3A_178, %swap3A_179], %get3A_147 {strides = array<i32>} : memref<80x128xf32, #tpu.memory_space<vmem>>, vector<16xf32>,
        %add3A_181 = arith.constant 0 : i32
        %add3A_182 = arith.addi %mul3A_132, %add3A_181 : i32
        %swap3A_183 = arith.index_cast %add3A_182 : i32 to index
        %swap3A_184 = arith.constant 80 : index
        %swap3A_185 = tpu.vector_load %arg17[%swap3A_183, %swap3A_184] {strides = array<i32>} : memref<80x128xf32, #tpu.memory_space<vmem>>, vector<16xf32>,
        tpu.vector_store %arg17[%swap3A_183, %swap3A_184], %get3A_150 {strides = array<i32>} : memref<80x128xf32, #tpu.memory_space<vmem>>, vector<16xf32>,
        %add3A_186 = arith.constant 0 : i32
        %add3A_187 = arith.addi %mul3A_132, %add3A_186 : i32
        %swap3A_188 = arith.index_cast %add3A_187 : i32 to index
        %swap3A_189 = arith.constant 96 : index
        %swap3A_190 = tpu.vector_load %arg17[%swap3A_188, %swap3A_189] {strides = array<i32>} : memref<80x128xf32, #tpu.memory_space<vmem>>, vector<16xf32>,
        tpu.vector_store %arg17[%swap3A_188, %swap3A_189], %get3A_153 {strides = array<i32>} : memref<80x128xf32, #tpu.memory_space<vmem>>, vector<16xf32>,
        %add3A_191 = arith.constant 0 : i32
        %add3A_192 = arith.addi %mul3A_132, %add3A_191 : i32
        %swap3A_193 = arith.index_cast %add3A_192 : i32 to index
        %swap3A_194 = arith.constant 112 : index
        %swap3A_195 = tpu.vector_load %arg17[%swap3A_193, %swap3A_194] {strides = array<i32>} : memref<80x128xf32, #tpu.memory_space<vmem>>, vector<16xf32>,
        tpu.vector_store %arg17[%swap3A_193, %swap3A_194], %get3A_156 {strides = array<i32>} : memref<80x128xf32, #tpu.memory_space<vmem>>, vector<16xf32>,
        %slice3A_196 = vector.extract_strided_slice %add3A_130 {offsets = [1], sizes = [1], strides = [1]} : vector<16xi32> to vector<1xi32>
        %squeeze3A_197 = vector.extract %slice3A_196[0] : i32 from vector<1xi32>
        %get3A_198 = arith.index_cast %squeeze3A_197 : i32 to index
        %get3A_199 = arith.constant 0 : index
        %get3A_200 = tpu.vector_load %arg16[%get3A_198, %get3A_199] {strides = array<i32>} : memref<216x128xf32, #tpu.memory_space<vmem>>, vector<16xf32>,
        %get3A_201 = arith.index_cast %squeeze3A_197 : i32 to index
        %get3A_202 = arith.constant 16 : index
        %get3A_203 = tpu.vector_load %arg16[%get3A_201, %get3A_202] {strides = array<i32>} : memref<216x128xf32, #tpu.memory_space<vmem>>, vector<16xf32>,
        %get3A_204 = arith.index_cast %squeeze3A_197 : i32 to index
        %get3A_205 = arith.constant 32 : index
        %get3A_206 = tpu.vector_load %arg16[%get3A_204, %get3A_205] {strides = array<i32>} : memref<216x128xf32, #tpu.memory_space<vmem>>, vector<16xf32>,
        %get3A_207 = arith.index_cast %squeeze3A_197 : i32 to index
        %get3A_208 = arith.constant 48 : index
        %get3A_209 = tpu.vector_load %arg16[%get3A_207, %get3A_208] {strides = array<i32>} : memref<216x128xf32, #tpu.memory_space<vmem>>, vector<16xf32>,
        %get3A_210 = arith.index_cast %squeeze3A_197 : i32 to index
        %get3A_211 = arith.constant 64 : index
        %get3A_212 = tpu.vector_load %arg16[%get3A_210, %get3A_211] {strides = array<i32>} : memref<216x128xf32, #tpu.memory_space<vmem>>, vector<16xf32>,
        %get3A_213 = arith.index_cast %squeeze3A_197 : i32 to index
        %get3A_214 = arith.constant 80 : index
        %get3A_215 = tpu.vector_load %arg16[%get3A_213, %get3A_214] {strides = array<i32>} : memref<216x128xf32, #tpu.memory_space<vmem>>, vector<16xf32>,
        %get3A_216 = arith.index_cast %squeeze3A_197 : i32 to index
        %get3A_217 = arith.constant 96 : index
        %get3A_218 = tpu.vector_load %arg16[%get3A_216, %get3A_217] {strides = array<i32>} : memref<216x128xf32, #tpu.memory_space<vmem>>, vector<16xf32>,
        %get3A_219 = arith.index_cast %squeeze3A_197 : i32 to index
        %get3A_220 = arith.constant 112 : index
        %get3A_221 = tpu.vector_load %arg16[%get3A_219, %get3A_220] {strides = array<i32>} : memref<216x128xf32, #tpu.memory_space<vmem>>, vector<16xf32>,
        %add3A_222 = arith.constant 1 : i32
        %add3A_223 = arith.addi %mul3A_132, %add3A_222 : i32
        %swap3A_224 = arith.index_cast %add3A_223 : i32 to index
        %swap3A_225 = arith.constant 0 : index
        %swap3A_226 = tpu.vector_load %arg17[%swap3A_224, %swap3A_225] {strides = array<i32>} : memref<80x128xf32, #tpu.memory_space<vmem>>, vector<16xf32>,
        tpu.vector_store %arg17[%swap3A_224, %swap3A_225], %get3A_200 {strides = array<i32>} : memref<80x128xf32, #tpu.memory_space<vmem>>, vector<16xf32>,
        %add3A_227 = arith.constant 1 : i32
        %add3A_228 = arith.addi %mul3A_132, %add3A_227 : i32
        %swap3A_229 = arith.index_cast %add3A_228 : i32 to index
        %swap3A_230 = arith.constant 16 : index
        %swap3A_231 = tpu.vector_load %arg17[%swap3A_229, %swap3A_230] {strides = array<i32>} : memref<80x128xf32, #tpu.memory_space<vmem>>, vector<16xf32>,
        tpu.vector_store %arg17[%swap3A_229, %swap3A_230], %get3A_203 {strides = array<i32>} : memref<80x128xf32, #tpu.memory_space<vmem>>, vector<16xf32>,
        %add3A_232 = arith.constant 1 : i32
        %add3A_233 = arith.addi %mul3A_132, %add3A_232 : i32
        %swap3A_234 = arith.index_cast %add3A_233 : i32 to index
        %swap3A_235 = arith.constant 32 : index
        %swap3A_236 = tpu.vector_load %arg17[%swap3A_234, %swap3A_235] {strides = array<i32>} : memref<80x128xf32, #tpu.memory_space<vmem>>, vector<16xf32>,
        tpu.vector_store %arg17[%swap3A_234, %swap3A_235], %get3A_206 {strides = array<i32>} : memref<80x128xf32, #tpu.memory_space<vmem>>, vector<16xf32>,
        %add3A_237 = arith.constant 1 : i32
        %add3A_238 = arith.addi %mul3A_132, %add3A_237 : i32
        %swap3A_239 = arith.index_cast %add3A_238 : i32 to index
        %swap3A_240 = arith.constant 48 : index
        %swap3A_241 = tpu.vector_load %arg17[%swap3A_239, %swap3A_240] {strides = array<i32>} : memref<80x128xf32, #tpu.memory_space<vmem>>, vector<16xf32>,
        tpu.vector_store %arg17[%swap3A_239, %swap3A_240], %get3A_209 {strides = array<i32>} : memref<80x128xf32, #tpu.memory_space<vmem>>, vector<16xf32>,
        %add3A_242 = arith.constant 1 : i32
        %add3A_243 = arith.addi %mul3A_132, %add3A_242 : i32
        %swap3A_244 = arith.index_cast %add3A_243 : i32 to index
        %swap3A_245 = arith.constant 64 : index
        %swap3A_246 = tpu.vector_load %arg17[%swap3A_244, %swap3A_245] {strides = array<i32>} : memref<80x128xf32, #tpu.memory_space<vmem>>, vector<16xf32>,
        tpu.vector_store %arg17[%swap3A_244, %swap3A_245], %get3A_212 {strides = array<i32>} : memref<80x128xf32, #tpu.memory_space<vmem>>, vector<16xf32>,
        %add3A_247 = arith.constant 1 : i32
        %add3A_248 = arith.addi %mul3A_132, %add3A_247 : i32
        %swap3A_249 = arith.index_cast %add3A_248 : i32 to index
        %swap3A_250 = arith.constant 80 : index
        %swap3A_251 = tpu.vector_load %arg17[%swap3A_249, %swap3A_250] {strides = array<i32>} : memref<80x128xf32, #tpu.memory_space<vmem>>, vector<16xf32>,
        tpu.vector_store %arg17[%swap3A_249, %swap3A_250], %get3A_215 {strides = array<i32>} : memref<80x128xf32, #tpu.memory_space<vmem>>, vector<16xf32>,
        %add3A_252 = arith.constant 1 : i32
        %add3A_253 = arith.addi %mul3A_132, %add3A_252 : i32
        %swap3A_254 = arith.index_cast %add3A_253 : i32 to index
        %swap3A_255 = arith.constant 96 : index
        %swap3A_256 = tpu.vector_load %arg17[%swap3A_254, %swap3A_255] {strides = array<i32>} : memref<80x128xf32, #tpu.memory_space<vmem>>, vector<16xf32>,
        tpu.vector_store %arg17[%swap3A_254, %swap3A_255], %get3A_218 {strides = array<i32>} : memref<80x128xf32, #tpu.memory_space<vmem>>, vector<16xf32>,
        %add3A_257 = arith.constant 1 : i32
        %add3A_258 = arith.addi %mul3A_132, %add3A_257 : i32
        %swap3A_259 = arith.index_cast %add3A_258 : i32 to index
        %swap3A_260 = arith.constant 112 : index
        %swap3A_261 = tpu.vector_load %arg17[%swap3A_259, %swap3A_260] {strides = array<i32>} : memref<80x128xf32, #tpu.memory_space<vmem>>, vector<16xf32>,
        tpu.vector_store %arg17[%swap3A_259, %swap3A_260], %get3A_221 {strides = array<i32>} : memref<80x128xf32, #tpu.memory_space<vmem>>, vector<16xf32>,
        %slice3A_262 = vector.extract_strided_slice %add3A_130 {offsets = [2], sizes = [1], strides = [1]} : vector<16xi32> to vector<1xi32>
        %squeeze3A_263 = vector.extract %slice3A_262[0] : i32 from vector<1xi32>
        %get3A_264 = arith.index_cast %squeeze3A_263 : i32 to index
        %get3A_265 = arith.constant 0 : index
        %get3A_266 = tpu.vector_load %arg16[%get3A_264, %get3A_265] {strides = array<i32>} : memref<216x128xf32, #tpu.memory_space<vmem>>, vector<16xf32>,
        %get3A_267 = arith.index_cast %squeeze3A_263 : i32 to index
        %get3A_268 = arith.constant 16 : index
        %get3A_269 = tpu.vector_load %arg16[%get3A_267, %get3A_268] {strides = array<i32>} : memref<216x128xf32, #tpu.memory_space<vmem>>, vector<16xf32>,
        %get3A_270 = arith.index_cast %squeeze3A_263 : i32 to index
        %get3A_271 = arith.constant 32 : index
        %get3A_272 = tpu.vector_load %arg16[%get3A_270, %get3A_271] {strides = array<i32>} : memref<216x128xf32, #tpu.memory_space<vmem>>, vector<16xf32>,
        %get3A_273 = arith.index_cast %squeeze3A_263 : i32 to index
        %get3A_274 = arith.constant 48 : index
        %get3A_275 = tpu.vector_load %arg16[%get3A_273, %get3A_274] {strides = array<i32>} : memref<216x128xf32, #tpu.memory_space<vmem>>, vector<16xf32>,
        %get3A_276 = arith.index_cast %squeeze3A_263 : i32 to index
        %get3A_277 = arith.constant 64 : index
        %get3A_278 = tpu.vector_load %arg16[%get3A_276, %get3A_277] {strides = array<i32>} : memref<216x128xf32, #tpu.memory_space<vmem>>, vector<16xf32>,
        %get3A_279 = arith.index_cast %squeeze3A_263 : i32 to index
        %get3A_280 = arith.constant 80 : index
        %get3A_281 = tpu.vector_load %arg16[%get3A_279, %get3A_280] {strides = array<i32>} : memref<216x128xf32, #tpu.memory_space<vmem>>, vector<16xf32>,
        %get3A_282 = arith.index_cast %squeeze3A_263 : i32 to index
        %get3A_283 = arith.constant 96 : index
        %get3A_284 = tpu.vector_load %arg16[%get3A_282, %get3A_283] {strides = array<i32>} : memref<216x128xf32, #tpu.memory_space<vmem>>, vector<16xf32>,
        %get3A_285 = arith.index_cast %squeeze3A_263 : i32 to index
        %get3A_286 = arith.constant 112 : index
        %get3A_287 = tpu.vector_load %arg16[%get3A_285, %get3A_286] {strides = array<i32>} : memref<216x128xf32, #tpu.memory_space<vmem>>, vector<16xf32>,
        %add3A_288 = arith.constant 2 : i32
        %add3A_289 = arith.addi %mul3A_132, %add3A_288 : i32
        %swap3A_290 = arith.index_cast %add3A_289 : i32 to index
        %swap3A_291 = arith.constant 0 : index
        %swap3A_292 = tpu.vector_load %arg17[%swap3A_290, %swap3A_291] {strides = array<i32>} : memref<80x128xf32, #tpu.memory_space<vmem>>, vector<16xf32>,
        tpu.vector_store %arg17[%swap3A_290, %swap3A_291], %get3A_266 {strides = array<i32>} : memref<80x128xf32, #tpu.memory_space<vmem>>, vector<16xf32>,
        %add3A_293 = arith.constant 2 : i32
        %add3A_294 = arith.addi %mul3A_132, %add3A_293 : i32
        %swap3A_295 = arith.index_cast %add3A_294 : i32 to index
        %swap3A_296 = arith.constant 16 : index
        %swap3A_297 = tpu.vector_load %arg17[%swap3A_295, %swap3A_296] {strides = array<i32>} : memref<80x128xf32, #tpu.memory_space<vmem>>, vector<16xf32>,
        tpu.vector_store %arg17[%swap3A_295, %swap3A_296], %get3A_269 {strides = array<i32>} : memref<80x128xf32, #tpu.memory_space<vmem>>, vector<16xf32>,
        %add3A_298 = arith.constant 2 : i32
        %add3A_299 = arith.addi %mul3A_132, %add3A_298 : i32
        %swap3A_300 = arith.index_cast %add3A_299 : i32 to index
        %swap3A_301 = arith.constant 32 : index
        %swap3A_302 = tpu.vector_load %arg17[%swap3A_300, %swap3A_301] {strides = array<i32>} : memref<80x128xf32, #tpu.memory_space<vmem>>, vector<16xf32>,
        tpu.vector_store %arg17[%swap3A_300, %swap3A_301], %get3A_272 {strides = array<i32>} : memref<80x128xf32, #tpu.memory_space<vmem>>, vector<16xf32>,
        %add3A_303 = arith.constant 2 : i32
        %add3A_304 = arith.addi %mul3A_132, %add3A_303 : i32
        %swap3A_305 = arith.index_cast %add3A_304 : i32 to index
        %swap3A_306 = arith.constant 48 : index
        %swap3A_307 = tpu.vector_load %arg17[%swap3A_305, %swap3A_306] {strides = array<i32>} : memref<80x128xf32, #tpu.memory_space<vmem>>, vector<16xf32>,
        tpu.vector_store %arg17[%swap3A_305, %swap3A_306], %get3A_275 {strides = array<i32>} : memref<80x128xf32, #tpu.memory_space<vmem>>, vector<16xf32>,
        %add3A_308 = arith.constant 2 : i32
        %add3A_309 = arith.addi %mul3A_132, %add3A_308 : i32
        %swap3A_310 = arith.index_cast %add3A_309 : i32 to index
        %swap3A_311 = arith.constant 64 : index
        %swap3A_312 = tpu.vector_load %arg17[%swap3A_310, %swap3A_311] {strides = array<i32>} : memref<80x128xf32, #tpu.memory_space<vmem>>, vector<16xf32>,
        tpu.vector_store %arg17[%swap3A_310, %swap3A_311], %get3A_278 {strides = array<i32>} : memref<80x128xf32, #tpu.memory_space<vmem>>, vector<16xf32>,
        %add3A_313 = arith.constant 2 : i32
        %add3A_314 = arith.addi %mul3A_132, %add3A_313 : i32
        %swap3A_315 = arith.index_cast %add3A_314 : i32 to index
        %swap3A_316 = arith.constant 80 : index
        %swap3A_317 = tpu.vector_load %arg17[%swap3A_315, %swap3A_316] {strides = array<i32>} : memref<80x128xf32, #tpu.memory_space<vmem>>, vector<16xf32>,
        tpu.vector_store %arg17[%swap3A_315, %swap3A_316], %get3A_281 {strides = array<i32>} : memref<80x128xf32, #tpu.memory_space<vmem>>, vector<16xf32>,
        %add3A_318 = arith.constant 2 : i32
        %add3A_319 = arith.addi %mul3A_132, %add3A_318 : i32
        %swap3A_320 = arith.index_cast %add3A_319 : i32 to index
        %swap3A_321 = arith.constant 96 : index
        %swap3A_322 = tpu.vector_load %arg17[%swap3A_320, %swap3A_321] {strides = array<i32>} : memref<80x128xf32, #tpu.memory_space<vmem>>, vector<16xf32>,
        tpu.vector_store %arg17[%swap3A_320, %swap3A_321], %get3A_284 {strides = array<i32>} : memref<80x128xf32, #tpu.memory_space<vmem>>, vector<16xf32>,
        %add3A_323 = arith.constant 2 : i32
        %add3A_324 = arith.addi %mul3A_132, %add3A_323 : i32
        %swap3A_325 = arith.index_cast %add3A_324 : i32 to index
        %swap3A_326 = arith.constant 112 : index
        %swap3A_327 = tpu.vector_load %arg17[%swap3A_325, %swap3A_326] {strides = array<i32>} : memref<80x128xf32, #tpu.memory_space<vmem>>, vector<16xf32>,
        tpu.vector_store %arg17[%swap3A_325, %swap3A_326], %get3A_287 {strides = array<i32>} : memref<80x128xf32, #tpu.memory_space<vmem>>, vector<16xf32>,
        %slice3A_328 = vector.extract_strided_slice %add3A_130 {offsets = [3], sizes = [1], strides = [1]} : vector<16xi32> to vector<1xi32>
        %squeeze3A_329 = vector.extract %slice3A_328[0] : i32 from vector<1xi32>
        %get3A_330 = arith.index_cast %squeeze3A_329 : i32 to index
        %get3A_331 = arith.constant 0 : index
        %get3A_332 = tpu.vector_load %arg16[%get3A_330, %get3A_331] {strides = array<i32>} : memref<216x128xf32, #tpu.memory_space<vmem>>, vector<16xf32>,
        %get3A_333 = arith.index_cast %squeeze3A_329 : i32 to index
        %get3A_334 = arith.constant 16 : index
        %get3A_335 = tpu.vector_load %arg16[%get3A_333, %get3A_334] {strides = array<i32>} : memref<216x128xf32, #tpu.memory_space<vmem>>, vector<16xf32>,
        %get3A_336 = arith.index_cast %squeeze3A_329 : i32 to index
        %get3A_337 = arith.constant 32 : index
        %get3A_338 = tpu.vector_load %arg16[%get3A_336, %get3A_337] {strides = array<i32>} : memref<216x128xf32, #tpu.memory_space<vmem>>, vector<16xf32>,
        %get3A_339 = arith.index_cast %squeeze3A_329 : i32 to index
        %get3A_340 = arith.constant 48 : index
        %get3A_341 = tpu.vector_load %arg16[%get3A_339, %get3A_340] {strides = array<i32>} : memref<216x128xf32, #tpu.memory_space<vmem>>, vector<16xf32>,
        %get3A_342 = arith.index_cast %squeeze3A_329 : i32 to index
        %get3A_343 = arith.constant 64 : index
        %get3A_344 = tpu.vector_load %arg16[%get3A_342, %get3A_343] {strides = array<i32>} : memref<216x128xf32, #tpu.memory_space<vmem>>, vector<16xf32>,
        %get3A_345 = arith.index_cast %squeeze3A_329 : i32 to index
        %get3A_346 = arith.constant 80 : index
        %get3A_347 = tpu.vector_load %arg16[%get3A_345, %get3A_346] {strides = array<i32>} : memref<216x128xf32, #tpu.memory_space<vmem>>, vector<16xf32>,
        %get3A_348 = arith.index_cast %squeeze3A_329 : i32 to index
        %get3A_349 = arith.constant 96 : index
        %get3A_350 = tpu.vector_load %arg16[%get3A_348, %get3A_349] {strides = array<i32>} : memref<216x128xf32, #tpu.memory_space<vmem>>, vector<16xf32>,
        %get3A_351 = arith.index_cast %squeeze3A_329 : i32 to index
        %get3A_352 = arith.constant 112 : index
        %get3A_353 = tpu.vector_load %arg16[%get3A_351, %get3A_352] {strides = array<i32>} : memref<216x128xf32, #tpu.memory_space<vmem>>, vector<16xf32>,
        %add3A_354 = arith.constant 3 : i32
        %add3A_355 = arith.addi %mul3A_132, %add3A_354 : i32
        %swap3A_356 = arith.index_cast %add3A_355 : i32 to index
        %swap3A_357 = arith.constant 0 : index
        %swap3A_358 = tpu.vector_load %arg17[%swap3A_356, %swap3A_357] {strides = array<i32>} : memref<80x128xf32, #tpu.memory_space<vmem>>, vector<16xf32>,
        tpu.vector_store %arg17[%swap3A_356, %swap3A_357], %get3A_332 {strides = array<i32>} : memref<80x128xf32, #tpu.memory_space<vmem>>, vector<16xf32>,
        %add3A_359 = arith.constant 3 : i32
        %add3A_360 = arith.addi %mul3A_132, %add3A_359 : i32
        %swap3A_361 = arith.index_cast %add3A_360 : i32 to index
        %swap3A_362 = arith.constant 16 : index
        %swap3A_363 = tpu.vector_load %arg17[%swap3A_361, %swap3A_362] {strides = array<i32>} : memref<80x128xf32, #tpu.memory_space<vmem>>, vector<16xf32>,
        tpu.vector_store %arg17[%swap3A_361, %swap3A_362], %get3A_335 {strides = array<i32>} : memref<80x128xf32, #tpu.memory_space<vmem>>, vector<16xf32>,
        %add3A_364 = arith.constant 3 : i32
        %add3A_365 = arith.addi %mul3A_132, %add3A_364 : i32
        %swap3A_366 = arith.index_cast %add3A_365 : i32 to index
        %swap3A_367 = arith.constant 32 : index
        %swap3A_368 = tpu.vector_load %arg17[%swap3A_366, %swap3A_367] {strides = array<i32>} : memref<80x128xf32, #tpu.memory_space<vmem>>, vector<16xf32>,
        tpu.vector_store %arg17[%swap3A_366, %swap3A_367], %get3A_338 {strides = array<i32>} : memref<80x128xf32, #tpu.memory_space<vmem>>, vector<16xf32>,
        %add3A_369 = arith.constant 3 : i32
        %add3A_370 = arith.addi %mul3A_132, %add3A_369 : i32
        %swap3A_371 = arith.index_cast %add3A_370 : i32 to index
        %swap3A_372 = arith.constant 48 : index
        %swap3A_373 = tpu.vector_load %arg17[%swap3A_371, %swap3A_372] {strides = array<i32>} : memref<80x128xf32, #tpu.memory_space<vmem>>, vector<16xf32>,
        tpu.vector_store %arg17[%swap3A_371, %swap3A_372], %get3A_341 {strides = array<i32>} : memref<80x128xf32, #tpu.memory_space<vmem>>, vector<16xf32>,
        %add3A_374 = arith.constant 3 : i32
        %add3A_375 = arith.addi %mul3A_132, %add3A_374 : i32
        %swap3A_376 = arith.index_cast %add3A_375 : i32 to index
        %swap3A_377 = arith.constant 64 : index
        %swap3A_378 = tpu.vector_load %arg17[%swap3A_376, %swap3A_377] {strides = array<i32>} : memref<80x128xf32, #tpu.memory_space<vmem>>, vector<16xf32>,
        tpu.vector_store %arg17[%swap3A_376, %swap3A_377], %get3A_344 {strides = array<i32>} : memref<80x128xf32, #tpu.memory_space<vmem>>, vector<16xf32>,
        %add3A_379 = arith.constant 3 : i32
        %add3A_380 = arith.addi %mul3A_132, %add3A_379 : i32
        %swap3A_381 = arith.index_cast %add3A_380 : i32 to index
        %swap3A_382 = arith.constant 80 : index
        %swap3A_383 = tpu.vector_load %arg17[%swap3A_381, %swap3A_382] {strides = array<i32>} : memref<80x128xf32, #tpu.memory_space<vmem>>, vector<16xf32>,
        tpu.vector_store %arg17[%swap3A_381, %swap3A_382], %get3A_347 {strides = array<i32>} : memref<80x128xf32, #tpu.memory_space<vmem>>, vector<16xf32>,
        %add3A_384 = arith.constant 3 : i32
        %add3A_385 = arith.addi %mul3A_132, %add3A_384 : i32
        %swap3A_386 = arith.index_cast %add3A_385 : i32 to index
        %swap3A_387 = arith.constant 96 : index
        %swap3A_388 = tpu.vector_load %arg17[%swap3A_386, %swap3A_387] {strides = array<i32>} : memref<80x128xf32, #tpu.memory_space<vmem>>, vector<16xf32>,
        tpu.vector_store %arg17[%swap3A_386, %swap3A_387], %get3A_350 {strides = array<i32>} : memref<80x128xf32, #tpu.memory_space<vmem>>, vector<16xf32>,
        %add3A_389 = arith.constant 3 : i32
        %add3A_390 = arith.addi %mul3A_132, %add3A_389 : i32
        %swap3A_391 = arith.index_cast %add3A_390 : i32 to index
        %swap3A_392 = arith.constant 112 : index
        %swap3A_393 = tpu.vector_load %arg17[%swap3A_391, %swap3A_392] {strides = array<i32>} : memref<80x128xf32, #tpu.memory_space<vmem>>, vector<16xf32>,
        tpu.vector_store %arg17[%swap3A_391, %swap3A_392], %get3A_353 {strides = array<i32>} : memref<80x128xf32, #tpu.memory_space<vmem>>, vector<16xf32>,
        %slice3A_394 = vector.extract_strided_slice %add3A_130 {offsets = [4], sizes = [1], strides = [1]} : vector<16xi32> to vector<1xi32>
        %squeeze3A_395 = vector.extract %slice3A_394[0] : i32 from vector<1xi32>
        %get3A_396 = arith.index_cast %squeeze3A_395 : i32 to index
        %get3A_397 = arith.constant 0 : index
        %get3A_398 = tpu.vector_load %arg16[%get3A_396, %get3A_397] {strides = array<i32>} : memref<216x128xf32, #tpu.memory_space<vmem>>, vector<16xf32>,
        %get3A_399 = arith.index_cast %squeeze3A_395 : i32 to index
        %get3A_400 = arith.constant 16 : index
        %get3A_401 = tpu.vector_load %arg16[%get3A_399, %get3A_400] {strides = array<i32>} : memref<216x128xf32, #tpu.memory_space<vmem>>, vector<16xf32>,
        %get3A_402 = arith.index_cast %squeeze3A_395 : i32 to index
        %get3A_403 = arith.constant 32 : index
        %get3A_404 = tpu.vector_load %arg16[%get3A_402, %get3A_403] {strides = array<i32>} : memref<216x128xf32, #tpu.memory_space<vmem>>, vector<16xf32>,
        %get3A_405 = arith.index_cast %squeeze3A_395 : i32 to index
        %get3A_406 = arith.constant 48 : index
        %get3A_407 = tpu.vector_load %arg16[%get3A_405, %get3A_406] {strides = array<i32>} : memref<216x128xf32, #tpu.memory_space<vmem>>, vector<16xf32>,
        %get3A_408 = arith.index_cast %squeeze3A_395 : i32 to index
        %get3A_409 = arith.constant 64 : index
        %get3A_410 = tpu.vector_load %arg16[%get3A_408, %get3A_409] {strides = array<i32>} : memref<216x128xf32, #tpu.memory_space<vmem>>, vector<16xf32>,
        %get3A_411 = arith.index_cast %squeeze3A_395 : i32 to index
        %get3A_412 = arith.constant 80 : index
        %get3A_413 = tpu.vector_load %arg16[%get3A_411, %get3A_412] {strides = array<i32>} : memref<216x128xf32, #tpu.memory_space<vmem>>, vector<16xf32>,
        %get3A_414 = arith.index_cast %squeeze3A_395 : i32 to index
        %get3A_415 = arith.constant 96 : index
        %get3A_416 = tpu.vector_load %arg16[%get3A_414, %get3A_415] {strides = array<i32>} : memref<216x128xf32, #tpu.memory_space<vmem>>, vector<16xf32>,
        %get3A_417 = arith.index_cast %squeeze3A_395 : i32 to index
        %get3A_418 = arith.constant 112 : index
        %get3A_419 = tpu.vector_load %arg16[%get3A_417, %get3A_418] {strides = array<i32>} : memref<216x128xf32, #tpu.memory_space<vmem>>, vector<16xf32>,
        %add3A_420 = arith.constant 4 : i32
        %add3A_421 = arith.addi %mul3A_132, %add3A_420 : i32
        %swap3A_422 = arith.index_cast %add3A_421 : i32 to index
        %swap3A_423 = arith.constant 0 : index
        %swap3A_424 = tpu.vector_load %arg17[%swap3A_422, %swap3A_423] {strides = array<i32>} : memref<80x128xf32, #tpu.memory_space<vmem>>, vector<16xf32>,
        tpu.vector_store %arg17[%swap3A_422, %swap3A_423], %get3A_398 {strides = array<i32>} : memref<80x128xf32, #tpu.memory_space<vmem>>, vector<16xf32>,
        %add3A_425 = arith.constant 4 : i32
        %add3A_426 = arith.addi %mul3A_132, %add3A_425 : i32
        %swap3A_427 = arith.index_cast %add3A_426 : i32 to index
        %swap3A_428 = arith.constant 16 : index
        %swap3A_429 = tpu.vector_load %arg17[%swap3A_427, %swap3A_428] {strides = array<i32>} : memref<80x128xf32, #tpu.memory_space<vmem>>, vector<16xf32>,
        tpu.vector_store %arg17[%swap3A_427, %swap3A_428], %get3A_401 {strides = array<i32>} : memref<80x128xf32, #tpu.memory_space<vmem>>, vector<16xf32>,
        %add3A_430 = arith.constant 4 : i32
        %add3A_431 = arith.addi %mul3A_132, %add3A_430 : i32
        %swap3A_432 = arith.index_cast %add3A_431 : i32 to index
        %swap3A_433 = arith.constant 32 : index
        %swap3A_434 = tpu.vector_load %arg17[%swap3A_432, %swap3A_433] {strides = array<i32>} : memref<80x128xf32, #tpu.memory_space<vmem>>, vector<16xf32>,
        tpu.vector_store %arg17[%swap3A_432, %swap3A_433], %get3A_404 {strides = array<i32>} : memref<80x128xf32, #tpu.memory_space<vmem>>, vector<16xf32>,
        %add3A_435 = arith.constant 4 : i32
        %add3A_436 = arith.addi %mul3A_132, %add3A_435 : i32
        %swap3A_437 = arith.index_cast %add3A_436 : i32 to index
        %swap3A_438 = arith.constant 48 : index
        %swap3A_439 = tpu.vector_load %arg17[%swap3A_437, %swap3A_438] {strides = array<i32>} : memref<80x128xf32, #tpu.memory_space<vmem>>, vector<16xf32>,
        tpu.vector_store %arg17[%swap3A_437, %swap3A_438], %get3A_407 {strides = array<i32>} : memref<80x128xf32, #tpu.memory_space<vmem>>, vector<16xf32>,
        %add3A_440 = arith.constant 4 : i32
        %add3A_441 = arith.addi %mul3A_132, %add3A_440 : i32
        %swap3A_442 = arith.index_cast %add3A_441 : i32 to index
        %swap3A_443 = arith.constant 64 : index
        %swap3A_444 = tpu.vector_load %arg17[%swap3A_442, %swap3A_443] {strides = array<i32>} : memref<80x128xf32, #tpu.memory_space<vmem>>, vector<16xf32>,
        tpu.vector_store %arg17[%swap3A_442, %swap3A_443], %get3A_410 {strides = array<i32>} : memref<80x128xf32, #tpu.memory_space<vmem>>, vector<16xf32>,
        %add3A_445 = arith.constant 4 : i32
        %add3A_446 = arith.addi %mul3A_132, %add3A_445 : i32
        %swap3A_447 = arith.index_cast %add3A_446 : i32 to index
        %swap3A_448 = arith.constant 80 : index
        %swap3A_449 = tpu.vector_load %arg17[%swap3A_447, %swap3A_448] {strides = array<i32>} : memref<80x128xf32, #tpu.memory_space<vmem>>, vector<16xf32>,
        tpu.vector_store %arg17[%swap3A_447, %swap3A_448], %get3A_413 {strides = array<i32>} : memref<80x128xf32, #tpu.memory_space<vmem>>, vector<16xf32>,
        %add3A_450 = arith.constant 4 : i32
        %add3A_451 = arith.addi %mul3A_132, %add3A_450 : i32
        %swap3A_452 = arith.index_cast %add3A_451 : i32 to index
        %swap3A_453 = arith.constant 96 : index
        %swap3A_454 = tpu.vector_load %arg17[%swap3A_452, %swap3A_453] {strides = array<i32>} : memref<80x128xf32, #tpu.memory_space<vmem>>, vector<16xf32>,
        tpu.vector_store %arg17[%swap3A_452, %swap3A_453], %get3A_416 {strides = array<i32>} : memref<80x128xf32, #tpu.memory_space<vmem>>, vector<16xf32>,
        %add3A_455 = arith.constant 4 : i32
        %add3A_456 = arith.addi %mul3A_132, %add3A_455 : i32
        %swap3A_457 = arith.index_cast %add3A_456 : i32 to index
        %swap3A_458 = arith.constant 112 : index
        %swap3A_459 = tpu.vector_load %arg17[%swap3A_457, %swap3A_458] {strides = array<i32>} : memref<80x128xf32, #tpu.memory_space<vmem>>, vector<16xf32>,
        tpu.vector_store %arg17[%swap3A_457, %swap3A_458], %get3A_419 {strides = array<i32>} : memref<80x128xf32, #tpu.memory_space<vmem>>, vector<16xf32>,
        %slice3A_460 = vector.extract_strided_slice %add3A_130 {offsets = [5], sizes = [1], strides = [1]} : vector<16xi32> to vector<1xi32>
        %squeeze3A_461 = vector.extract %slice3A_460[0] : i32 from vector<1xi32>
        %get3A_462 = arith.index_cast %squeeze3A_461 : i32 to index
        %get3A_463 = arith.constant 0 : index
        %get3A_464 = tpu.vector_load %arg16[%get3A_462, %get3A_463] {strides = array<i32>} : memref<216x128xf32, #tpu.memory_space<vmem>>, vector<16xf32>,
        %get3A_465 = arith.index_cast %squeeze3A_461 : i32 to index
        %get3A_466 = arith.constant 16 : index
        %get3A_467 = tpu.vector_load %arg16[%get3A_465, %get3A_466] {strides = array<i32>} : memref<216x128xf32, #tpu.memory_space<vmem>>, vector<16xf32>,
        %get3A_468 = arith.index_cast %squeeze3A_461 : i32 to index
        %get3A_469 = arith.constant 32 : index
        %get3A_470 = tpu.vector_load %arg16[%get3A_468, %get3A_469] {strides = array<i32>} : memref<216x128xf32, #tpu.memory_space<vmem>>, vector<16xf32>,
        %get3A_471 = arith.index_cast %squeeze3A_461 : i32 to index
        %get3A_472 = arith.constant 48 : index
        %get3A_473 = tpu.vector_load %arg16[%get3A_471, %get3A_472] {strides = array<i32>} : memref<216x128xf32, #tpu.memory_space<vmem>>, vector<16xf32>,
        %get3A_474 = arith.index_cast %squeeze3A_461 : i32 to index
        %get3A_475 = arith.constant 64 : index
        %get3A_476 = tpu.vector_load %arg16[%get3A_474, %get3A_475] {strides = array<i32>} : memref<216x128xf32, #tpu.memory_space<vmem>>, vector<16xf32>,
        %get3A_477 = arith.index_cast %squeeze3A_461 : i32 to index
        %get3A_478 = arith.constant 80 : index
        %get3A_479 = tpu.vector_load %arg16[%get3A_477, %get3A_478] {strides = array<i32>} : memref<216x128xf32, #tpu.memory_space<vmem>>, vector<16xf32>,
        %get3A_480 = arith.index_cast %squeeze3A_461 : i32 to index
        %get3A_481 = arith.constant 96 : index
        %get3A_482 = tpu.vector_load %arg16[%get3A_480, %get3A_481] {strides = array<i32>} : memref<216x128xf32, #tpu.memory_space<vmem>>, vector<16xf32>,
        %get3A_483 = arith.index_cast %squeeze3A_461 : i32 to index
        %get3A_484 = arith.constant 112 : index
        %get3A_485 = tpu.vector_load %arg16[%get3A_483, %get3A_484] {strides = array<i32>} : memref<216x128xf32, #tpu.memory_space<vmem>>, vector<16xf32>,
        %add3A_486 = arith.constant 5 : i32
        %add3A_487 = arith.addi %mul3A_132, %add3A_486 : i32
        %swap3A_488 = arith.index_cast %add3A_487 : i32 to index
        %swap3A_489 = arith.constant 0 : index
        %swap3A_490 = tpu.vector_load %arg17[%swap3A_488, %swap3A_489] {strides = array<i32>} : memref<80x128xf32, #tpu.memory_space<vmem>>, vector<16xf32>,
        tpu.vector_store %arg17[%swap3A_488, %swap3A_489], %get3A_464 {strides = array<i32>} : memref<80x128xf32, #tpu.memory_space<vmem>>, vector<16xf32>,
        %add3A_491 = arith.constant 5 : i32
        %add3A_492 = arith.addi %mul3A_132, %add3A_491 : i32
        %swap3A_493 = arith.index_cast %add3A_492 : i32 to index
        %swap3A_494 = arith.constant 16 : index
        %swap3A_495 = tpu.vector_load %arg17[%swap3A_493, %swap3A_494] {strides = array<i32>} : memref<80x128xf32, #tpu.memory_space<vmem>>, vector<16xf32>,
        tpu.vector_store %arg17[%swap3A_493, %swap3A_494], %get3A_467 {strides = array<i32>} : memref<80x128xf32, #tpu.memory_space<vmem>>, vector<16xf32>,
        %add3A_496 = arith.constant 5 : i32
        %add3A_497 = arith.addi %mul3A_132, %add3A_496 : i32
        %swap3A_498 = arith.index_cast %add3A_497 : i32 to index
        %swap3A_499 = arith.constant 32 : index
        %swap3A_500 = tpu.vector_load %arg17[%swap3A_498, %swap3A_499] {strides = array<i32>} : memref<80x128xf32, #tpu.memory_space<vmem>>, vector<16xf32>,
        tpu.vector_store %arg17[%swap3A_498, %swap3A_499], %get3A_470 {strides = array<i32>} : memref<80x128xf32, #tpu.memory_space<vmem>>, vector<16xf32>,
        %add3A_501 = arith.constant 5 : i32
        %add3A_502 = arith.addi %mul3A_132, %add3A_501 : i32
        %swap3A_503 = arith.index_cast %add3A_502 : i32 to index
        %swap3A_504 = arith.constant 48 : index
        %swap3A_505 = tpu.vector_load %arg17[%swap3A_503, %swap3A_504] {strides = array<i32>} : memref<80x128xf32, #tpu.memory_space<vmem>>, vector<16xf32>,
        tpu.vector_store %arg17[%swap3A_503, %swap3A_504], %get3A_473 {strides = array<i32>} : memref<80x128xf32, #tpu.memory_space<vmem>>, vector<16xf32>,
        %add3A_506 = arith.constant 5 : i32
        %add3A_507 = arith.addi %mul3A_132, %add3A_506 : i32
        %swap3A_508 = arith.index_cast %add3A_507 : i32 to index
        %swap3A_509 = arith.constant 64 : index
        %swap3A_510 = tpu.vector_load %arg17[%swap3A_508, %swap3A_509] {strides = array<i32>} : memref<80x128xf32, #tpu.memory_space<vmem>>, vector<16xf32>,
        tpu.vector_store %arg17[%swap3A_508, %swap3A_509], %get3A_476 {strides = array<i32>} : memref<80x128xf32, #tpu.memory_space<vmem>>, vector<16xf32>,
        %add3A_511 = arith.constant 5 : i32
        %add3A_512 = arith.addi %mul3A_132, %add3A_511 : i32
        %swap3A_513 = arith.index_cast %add3A_512 : i32 to index
        %swap3A_514 = arith.constant 80 : index
        %swap3A_515 = tpu.vector_load %arg17[%swap3A_513, %swap3A_514] {strides = array<i32>} : memref<80x128xf32, #tpu.memory_space<vmem>>, vector<16xf32>,
        tpu.vector_store %arg17[%swap3A_513, %swap3A_514], %get3A_479 {strides = array<i32>} : memref<80x128xf32, #tpu.memory_space<vmem>>, vector<16xf32>,
        %add3A_516 = arith.constant 5 : i32
        %add3A_517 = arith.addi %mul3A_132, %add3A_516 : i32
        %swap3A_518 = arith.index_cast %add3A_517 : i32 to index
        %swap3A_519 = arith.constant 96 : index
        %swap3A_520 = tpu.vector_load %arg17[%swap3A_518, %swap3A_519] {strides = array<i32>} : memref<80x128xf32, #tpu.memory_space<vmem>>, vector<16xf32>,
        tpu.vector_store %arg17[%swap3A_518, %swap3A_519], %get3A_482 {strides = array<i32>} : memref<80x128xf32, #tpu.memory_space<vmem>>, vector<16xf32>,
        %add3A_521 = arith.constant 5 : i32
        %add3A_522 = arith.addi %mul3A_132, %add3A_521 : i32
        %swap3A_523 = arith.index_cast %add3A_522 : i32 to index
        %swap3A_524 = arith.constant 112 : index
        %swap3A_525 = tpu.vector_load %arg17[%swap3A_523, %swap3A_524] {strides = array<i32>} : memref<80x128xf32, #tpu.memory_space<vmem>>, vector<16xf32>,
        tpu.vector_store %arg17[%swap3A_523, %swap3A_524], %get3A_485 {strides = array<i32>} : memref<80x128xf32, #tpu.memory_space<vmem>>, vector<16xf32>,
        %slice3A_526 = vector.extract_strided_slice %add3A_130 {offsets = [6], sizes = [1], strides = [1]} : vector<16xi32> to vector<1xi32>
        %squeeze3A_527 = vector.extract %slice3A_526[0] : i32 from vector<1xi32>
        %get3A_528 = arith.index_cast %squeeze3A_527 : i32 to index
        %get3A_529 = arith.constant 0 : index
        %get3A_530 = tpu.vector_load %arg16[%get3A_528, %get3A_529] {strides = array<i32>} : memref<216x128xf32, #tpu.memory_space<vmem>>, vector<16xf32>,
        %get3A_531 = arith.index_cast %squeeze3A_527 : i32 to index
        %get3A_532 = arith.constant 16 : index
        %get3A_533 = tpu.vector_load %arg16[%get3A_531, %get3A_532] {strides = array<i32>} : memref<216x128xf32, #tpu.memory_space<vmem>>, vector<16xf32>,
        %get3A_534 = arith.index_cast %squeeze3A_527 : i32 to index
        %get3A_535 = arith.constant 32 : index
        %get3A_536 = tpu.vector_load %arg16[%get3A_534, %get3A_535] {strides = array<i32>} : memref<216x128xf32, #tpu.memory_space<vmem>>, vector<16xf32>,
        %get3A_537 = arith.index_cast %squeeze3A_527 : i32 to index
        %get3A_538 = arith.constant 48 : index
        %get3A_539 = tpu.vector_load %arg16[%get3A_537, %get3A_538] {strides = array<i32>} : memref<216x128xf32, #tpu.memory_space<vmem>>, vector<16xf32>,
        %get3A_540 = arith.index_cast %squeeze3A_527 : i32 to index
        %get3A_541 = arith.constant 64 : index
        %get3A_542 = tpu.vector_load %arg16[%get3A_540, %get3A_541] {strides = array<i32>} : memref<216x128xf32, #tpu.memory_space<vmem>>, vector<16xf32>,
        %get3A_543 = arith.index_cast %squeeze3A_527 : i32 to index
        %get3A_544 = arith.constant 80 : index
        %get3A_545 = tpu.vector_load %arg16[%get3A_543, %get3A_544] {strides = array<i32>} : memref<216x128xf32, #tpu.memory_space<vmem>>, vector<16xf32>,
        %get3A_546 = arith.index_cast %squeeze3A_527 : i32 to index
        %get3A_547 = arith.constant 96 : index
        %get3A_548 = tpu.vector_load %arg16[%get3A_546, %get3A_547] {strides = array<i32>} : memref<216x128xf32, #tpu.memory_space<vmem>>, vector<16xf32>,
        %get3A_549 = arith.index_cast %squeeze3A_527 : i32 to index
        %get3A_550 = arith.constant 112 : index
        %get3A_551 = tpu.vector_load %arg16[%get3A_549, %get3A_550] {strides = array<i32>} : memref<216x128xf32, #tpu.memory_space<vmem>>, vector<16xf32>,
        %add3A_552 = arith.constant 6 : i32
        %add3A_553 = arith.addi %mul3A_132, %add3A_552 : i32
        %swap3A_554 = arith.index_cast %add3A_553 : i32 to index
        %swap3A_555 = arith.constant 0 : index
        %swap3A_556 = tpu.vector_load %arg17[%swap3A_554, %swap3A_555] {strides = array<i32>} : memref<80x128xf32, #tpu.memory_space<vmem>>, vector<16xf32>,
        tpu.vector_store %arg17[%swap3A_554, %swap3A_555], %get3A_530 {strides = array<i32>} : memref<80x128xf32, #tpu.memory_space<vmem>>, vector<16xf32>,
        %add3A_557 = arith.constant 6 : i32
        %add3A_558 = arith.addi %mul3A_132, %add3A_557 : i32
        %swap3A_559 = arith.index_cast %add3A_558 : i32 to index
        %swap3A_560 = arith.constant 16 : index
        %swap3A_561 = tpu.vector_load %arg17[%swap3A_559, %swap3A_560] {strides = array<i32>} : memref<80x128xf32, #tpu.memory_space<vmem>>, vector<16xf32>,
        tpu.vector_store %arg17[%swap3A_559, %swap3A_560], %get3A_533 {strides = array<i32>} : memref<80x128xf32, #tpu.memory_space<vmem>>, vector<16xf32>,
        %add3A_562 = arith.constant 6 : i32
        %add3A_563 = arith.addi %mul3A_132, %add3A_562 : i32
        %swap3A_564 = arith.index_cast %add3A_563 : i32 to index
        %swap3A_565 = arith.constant 32 : index
        %swap3A_566 = tpu.vector_load %arg17[%swap3A_564, %swap3A_565] {strides = array<i32>} : memref<80x128xf32, #tpu.memory_space<vmem>>, vector<16xf32>,
        tpu.vector_store %arg17[%swap3A_564, %swap3A_565], %get3A_536 {strides = array<i32>} : memref<80x128xf32, #tpu.memory_space<vmem>>, vector<16xf32>,
        %add3A_567 = arith.constant 6 : i32
        %add3A_568 = arith.addi %mul3A_132, %add3A_567 : i32
        %swap3A_569 = arith.index_cast %add3A_568 : i32 to index
        %swap3A_570 = arith.constant 48 : index
        %swap3A_571 = tpu.vector_load %arg17[%swap3A_569, %swap3A_570] {strides = array<i32>} : memref<80x128xf32, #tpu.memory_space<vmem>>, vector<16xf32>,
        tpu.vector_store %arg17[%swap3A_569, %swap3A_570], %get3A_539 {strides = array<i32>} : memref<80x128xf32, #tpu.memory_space<vmem>>, vector<16xf32>,
        %add3A_572 = arith.constant 6 : i32
        %add3A_573 = arith.addi %mul3A_132, %add3A_572 : i32
        %swap3A_574 = arith.index_cast %add3A_573 : i32 to index
        %swap3A_575 = arith.constant 64 : index
        %swap3A_576 = tpu.vector_load %arg17[%swap3A_574, %swap3A_575] {strides = array<i32>} : memref<80x128xf32, #tpu.memory_space<vmem>>, vector<16xf32>,
        tpu.vector_store %arg17[%swap3A_574, %swap3A_575], %get3A_542 {strides = array<i32>} : memref<80x128xf32, #tpu.memory_space<vmem>>, vector<16xf32>,
        %add3A_577 = arith.constant 6 : i32
        %add3A_578 = arith.addi %mul3A_132, %add3A_577 : i32
        %swap3A_579 = arith.index_cast %add3A_578 : i32 to index
        %swap3A_580 = arith.constant 80 : index
        %swap3A_581 = tpu.vector_load %arg17[%swap3A_579, %swap3A_580] {strides = array<i32>} : memref<80x128xf32, #tpu.memory_space<vmem>>, vector<16xf32>,
        tpu.vector_store %arg17[%swap3A_579, %swap3A_580], %get3A_545 {strides = array<i32>} : memref<80x128xf32, #tpu.memory_space<vmem>>, vector<16xf32>,
        %add3A_582 = arith.constant 6 : i32
        %add3A_583 = arith.addi %mul3A_132, %add3A_582 : i32
        %swap3A_584 = arith.index_cast %add3A_583 : i32 to index
        %swap3A_585 = arith.constant 96 : index
        %swap3A_586 = tpu.vector_load %arg17[%swap3A_584, %swap3A_585] {strides = array<i32>} : memref<80x128xf32, #tpu.memory_space<vmem>>, vector<16xf32>,
        tpu.vector_store %arg17[%swap3A_584, %swap3A_585], %get3A_548 {strides = array<i32>} : memref<80x128xf32, #tpu.memory_space<vmem>>, vector<16xf32>,
        %add3A_587 = arith.constant 6 : i32
        %add3A_588 = arith.addi %mul3A_132, %add3A_587 : i32
        %swap3A_589 = arith.index_cast %add3A_588 : i32 to index
        %swap3A_590 = arith.constant 112 : index
        %swap3A_591 = tpu.vector_load %arg17[%swap3A_589, %swap3A_590] {strides = array<i32>} : memref<80x128xf32, #tpu.memory_space<vmem>>, vector<16xf32>,
        tpu.vector_store %arg17[%swap3A_589, %swap3A_590], %get3A_551 {strides = array<i32>} : memref<80x128xf32, #tpu.memory_space<vmem>>, vector<16xf32>,
        %slice3A_592 = vector.extract_strided_slice %add3A_130 {offsets = [7], sizes = [1], strides = [1]} : vector<16xi32> to vector<1xi32>
        %squeeze3A_593 = vector.extract %slice3A_592[0] : i32 from vector<1xi32>
        %get3A_594 = arith.index_cast %squeeze3A_593 : i32 to index
        %get3A_595 = arith.constant 0 : index
        %get3A_596 = tpu.vector_load %arg16[%get3A_594, %get3A_595] {strides = array<i32>} : memref<216x128xf32, #tpu.memory_space<vmem>>, vector<16xf32>,
        %get3A_597 = arith.index_cast %squeeze3A_593 : i32 to index
        %get3A_598 = arith.constant 16 : index
        %get3A_599 = tpu.vector_load %arg16[%get3A_597, %get3A_598] {strides = array<i32>} : memref<216x128xf32, #tpu.memory_space<vmem>>, vector<16xf32>,
        %get3A_600 = arith.index_cast %squeeze3A_593 : i32 to index
        %get3A_601 = arith.constant 32 : index
        %get3A_602 = tpu.vector_load %arg16[%get3A_600, %get3A_601] {strides = array<i32>} : memref<216x128xf32, #tpu.memory_space<vmem>>, vector<16xf32>,
        %get3A_603 = arith.index_cast %squeeze3A_593 : i32 to index
        %get3A_604 = arith.constant 48 : index
        %get3A_605 = tpu.vector_load %arg16[%get3A_603, %get3A_604] {strides = array<i32>} : memref<216x128xf32, #tpu.memory_space<vmem>>, vector<16xf32>,
        %get3A_606 = arith.index_cast %squeeze3A_593 : i32 to index
        %get3A_607 = arith.constant 64 : index
        %get3A_608 = tpu.vector_load %arg16[%get3A_606, %get3A_607] {strides = array<i32>} : memref<216x128xf32, #tpu.memory_space<vmem>>, vector<16xf32>,
        %get3A_609 = arith.index_cast %squeeze3A_593 : i32 to index
        %get3A_610 = arith.constant 80 : index
        %get3A_611 = tpu.vector_load %arg16[%get3A_609, %get3A_610] {strides = array<i32>} : memref<216x128xf32, #tpu.memory_space<vmem>>, vector<16xf32>,
        %get3A_612 = arith.index_cast %squeeze3A_593 : i32 to index
        %get3A_613 = arith.constant 96 : index
        %get3A_614 = tpu.vector_load %arg16[%get3A_612, %get3A_613] {strides = array<i32>} : memref<216x128xf32, #tpu.memory_space<vmem>>, vector<16xf32>,
        %get3A_615 = arith.index_cast %squeeze3A_593 : i32 to index
        %get3A_616 = arith.constant 112 : index
        %get3A_617 = tpu.vector_load %arg16[%get3A_615, %get3A_616] {strides = array<i32>} : memref<216x128xf32, #tpu.memory_space<vmem>>, vector<16xf32>,
        %add3A_618 = arith.constant 7 : i32
        %add3A_619 = arith.addi %mul3A_132, %add3A_618 : i32
        %swap3A_620 = arith.index_cast %add3A_619 : i32 to index
        %swap3A_621 = arith.constant 0 : index
        %swap3A_622 = tpu.vector_load %arg17[%swap3A_620, %swap3A_621] {strides = array<i32>} : memref<80x128xf32, #tpu.memory_space<vmem>>, vector<16xf32>,
        tpu.vector_store %arg17[%swap3A_620, %swap3A_621], %get3A_596 {strides = array<i32>} : memref<80x128xf32, #tpu.memory_space<vmem>>, vector<16xf32>,
        %add3A_623 = arith.constant 7 : i32
        %add3A_624 = arith.addi %mul3A_132, %add3A_623 : i32
        %swap3A_625 = arith.index_cast %add3A_624 : i32 to index
        %swap3A_626 = arith.constant 16 : index
        %swap3A_627 = tpu.vector_load %arg17[%swap3A_625, %swap3A_626] {strides = array<i32>} : memref<80x128xf32, #tpu.memory_space<vmem>>, vector<16xf32>,
        tpu.vector_store %arg17[%swap3A_625, %swap3A_626], %get3A_599 {strides = array<i32>} : memref<80x128xf32, #tpu.memory_space<vmem>>, vector<16xf32>,
        %add3A_628 = arith.constant 7 : i32
        %add3A_629 = arith.addi %mul3A_132, %add3A_628 : i32
        %swap3A_630 = arith.index_cast %add3A_629 : i32 to index
        %swap3A_631 = arith.constant 32 : index
        %swap3A_632 = tpu.vector_load %arg17[%swap3A_630, %swap3A_631] {strides = array<i32>} : memref<80x128xf32, #tpu.memory_space<vmem>>, vector<16xf32>,
        tpu.vector_store %arg17[%swap3A_630, %swap3A_631], %get3A_602 {strides = array<i32>} : memref<80x128xf32, #tpu.memory_space<vmem>>, vector<16xf32>,
        %add3A_633 = arith.constant 7 : i32
        %add3A_634 = arith.addi %mul3A_132, %add3A_633 : i32
        %swap3A_635 = arith.index_cast %add3A_634 : i32 to index
        %swap3A_636 = arith.constant 48 : index
        %swap3A_637 = tpu.vector_load %arg17[%swap3A_635, %swap3A_636] {strides = array<i32>} : memref<80x128xf32, #tpu.memory_space<vmem>>, vector<16xf32>,
        tpu.vector_store %arg17[%swap3A_635, %swap3A_636], %get3A_605 {strides = array<i32>} : memref<80x128xf32, #tpu.memory_space<vmem>>, vector<16xf32>,
        %add3A_638 = arith.constant 7 : i32
        %add3A_639 = arith.addi %mul3A_132, %add3A_638 : i32
        %swap3A_640 = arith.index_cast %add3A_639 : i32 to index
        %swap3A_641 = arith.constant 64 : index
        %swap3A_642 = tpu.vector_load %arg17[%swap3A_640, %swap3A_641] {strides = array<i32>} : memref<80x128xf32, #tpu.memory_space<vmem>>, vector<16xf32>,
        tpu.vector_store %arg17[%swap3A_640, %swap3A_641], %get3A_608 {strides = array<i32>} : memref<80x128xf32, #tpu.memory_space<vmem>>, vector<16xf32>,
        %add3A_643 = arith.constant 7 : i32
        %add3A_644 = arith.addi %mul3A_132, %add3A_643 : i32
        %swap3A_645 = arith.index_cast %add3A_644 : i32 to index
        %swap3A_646 = arith.constant 80 : index
        %swap3A_647 = tpu.vector_load %arg17[%swap3A_645, %swap3A_646] {strides = array<i32>} : memref<80x128xf32, #tpu.memory_space<vmem>>, vector<16xf32>,
        tpu.vector_store %arg17[%swap3A_645, %swap3A_646], %get3A_611 {strides = array<i32>} : memref<80x128xf32, #tpu.memory_space<vmem>>, vector<16xf32>,
        %add3A_648 = arith.constant 7 : i32
        %add3A_649 = arith.addi %mul3A_132, %add3A_648 : i32
        %swap3A_650 = arith.index_cast %add3A_649 : i32 to index
        %swap3A_651 = arith.constant 96 : index
        %swap3A_652 = tpu.vector_load %arg17[%swap3A_650, %swap3A_651] {strides = array<i32>} : memref<80x128xf32, #tpu.memory_space<vmem>>, vector<16xf32>,
        tpu.vector_store %arg17[%swap3A_650, %swap3A_651], %get3A_614 {strides = array<i32>} : memref<80x128xf32, #tpu.memory_space<vmem>>, vector<16xf32>,
        %add3A_653 = arith.constant 7 : i32
        %add3A_654 = arith.addi %mul3A_132, %add3A_653 : i32
        %swap3A_655 = arith.index_cast %add3A_654 : i32 to index
        %swap3A_656 = arith.constant 112 : index
        %swap3A_657 = tpu.vector_load %arg17[%swap3A_655, %swap3A_656] {strides = array<i32>} : memref<80x128xf32, #tpu.memory_space<vmem>>, vector<16xf32>,
        tpu.vector_store %arg17[%swap3A_655, %swap3A_656], %get3A_617 {strides = array<i32>} : memref<80x128xf32, #tpu.memory_space<vmem>>, vector<16xf32>,
        %slice3A_658 = vector.extract_strided_slice %add3A_130 {offsets = [8], sizes = [1], strides = [1]} : vector<16xi32> to vector<1xi32>
        %squeeze3A_659 = vector.extract %slice3A_658[0] : i32 from vector<1xi32>
        %get3A_660 = arith.index_cast %squeeze3A_659 : i32 to index
        %get3A_661 = arith.constant 0 : index
        %get3A_662 = tpu.vector_load %arg16[%get3A_660, %get3A_661] {strides = array<i32>} : memref<216x128xf32, #tpu.memory_space<vmem>>, vector<16xf32>,
        %get3A_663 = arith.index_cast %squeeze3A_659 : i32 to index
        %get3A_664 = arith.constant 16 : index
        %get3A_665 = tpu.vector_load %arg16[%get3A_663, %get3A_664] {strides = array<i32>} : memref<216x128xf32, #tpu.memory_space<vmem>>, vector<16xf32>,
        %get3A_666 = arith.index_cast %squeeze3A_659 : i32 to index
        %get3A_667 = arith.constant 32 : index
        %get3A_668 = tpu.vector_load %arg16[%get3A_666, %get3A_667] {strides = array<i32>} : memref<216x128xf32, #tpu.memory_space<vmem>>, vector<16xf32>,
        %get3A_669 = arith.index_cast %squeeze3A_659 : i32 to index
        %get3A_670 = arith.constant 48 : index
        %get3A_671 = tpu.vector_load %arg16[%get3A_669, %get3A_670] {strides = array<i32>} : memref<216x128xf32, #tpu.memory_space<vmem>>, vector<16xf32>,
        %get3A_672 = arith.index_cast %squeeze3A_659 : i32 to index
        %get3A_673 = arith.constant 64 : index
        %get3A_674 = tpu.vector_load %arg16[%get3A_672, %get3A_673] {strides = array<i32>} : memref<216x128xf32, #tpu.memory_space<vmem>>, vector<16xf32>,
        %get3A_675 = arith.index_cast %squeeze3A_659 : i32 to index
        %get3A_676 = arith.constant 80 : index
        %get3A_677 = tpu.vector_load %arg16[%get3A_675, %get3A_676] {strides = array<i32>} : memref<216x128xf32, #tpu.memory_space<vmem>>, vector<16xf32>,
        %get3A_678 = arith.index_cast %squeeze3A_659 : i32 to index
        %get3A_679 = arith.constant 96 : index
        %get3A_680 = tpu.vector_load %arg16[%get3A_678, %get3A_679] {strides = array<i32>} : memref<216x128xf32, #tpu.memory_space<vmem>>, vector<16xf32>,
        %get3A_681 = arith.index_cast %squeeze3A_659 : i32 to index
        %get3A_682 = arith.constant 112 : index
        %get3A_683 = tpu.vector_load %arg16[%get3A_681, %get3A_682] {strides = array<i32>} : memref<216x128xf32, #tpu.memory_space<vmem>>, vector<16xf32>,
        %add3A_684 = arith.constant 8 : i32
        %add3A_685 = arith.addi %mul3A_132, %add3A_684 : i32
        %swap3A_686 = arith.index_cast %add3A_685 : i32 to index
        %swap3A_687 = arith.constant 0 : index
        %swap3A_688 = tpu.vector_load %arg17[%swap3A_686, %swap3A_687] {strides = array<i32>} : memref<80x128xf32, #tpu.memory_space<vmem>>, vector<16xf32>,
        tpu.vector_store %arg17[%swap3A_686, %swap3A_687], %get3A_662 {strides = array<i32>} : memref<80x128xf32, #tpu.memory_space<vmem>>, vector<16xf32>,
        %add3A_689 = arith.constant 8 : i32
        %add3A_690 = arith.addi %mul3A_132, %add3A_689 : i32
        %swap3A_691 = arith.index_cast %add3A_690 : i32 to index
        %swap3A_692 = arith.constant 16 : index
        %swap3A_693 = tpu.vector_load %arg17[%swap3A_691, %swap3A_692] {strides = array<i32>} : memref<80x128xf32, #tpu.memory_space<vmem>>, vector<16xf32>,
        tpu.vector_store %arg17[%swap3A_691, %swap3A_692], %get3A_665 {strides = array<i32>} : memref<80x128xf32, #tpu.memory_space<vmem>>, vector<16xf32>,
        %add3A_694 = arith.constant 8 : i32
        %add3A_695 = arith.addi %mul3A_132, %add3A_694 : i32
        %swap3A_696 = arith.index_cast %add3A_695 : i32 to index
        %swap3A_697 = arith.constant 32 : index
        %swap3A_698 = tpu.vector_load %arg17[%swap3A_696, %swap3A_697] {strides = array<i32>} : memref<80x128xf32, #tpu.memory_space<vmem>>, vector<16xf32>,
        tpu.vector_store %arg17[%swap3A_696, %swap3A_697], %get3A_668 {strides = array<i32>} : memref<80x128xf32, #tpu.memory_space<vmem>>, vector<16xf32>,
        %add3A_699 = arith.constant 8 : i32
        %add3A_700 = arith.addi %mul3A_132, %add3A_699 : i32
        %swap3A_701 = arith.index_cast %add3A_700 : i32 to index
        %swap3A_702 = arith.constant 48 : index
        %swap3A_703 = tpu.vector_load %arg17[%swap3A_701, %swap3A_702] {strides = array<i32>} : memref<80x128xf32, #tpu.memory_space<vmem>>, vector<16xf32>,
        tpu.vector_store %arg17[%swap3A_701, %swap3A_702], %get3A_671 {strides = array<i32>} : memref<80x128xf32, #tpu.memory_space<vmem>>, vector<16xf32>,
        %add3A_704 = arith.constant 8 : i32
        %add3A_705 = arith.addi %mul3A_132, %add3A_704 : i32
        %swap3A_706 = arith.index_cast %add3A_705 : i32 to index
        %swap3A_707 = arith.constant 64 : index
        %swap3A_708 = tpu.vector_load %arg17[%swap3A_706, %swap3A_707] {strides = array<i32>} : memref<80x128xf32, #tpu.memory_space<vmem>>, vector<16xf32>,
        tpu.vector_store %arg17[%swap3A_706, %swap3A_707], %get3A_674 {strides = array<i32>} : memref<80x128xf32, #tpu.memory_space<vmem>>, vector<16xf32>,
        %add3A_709 = arith.constant 8 : i32
        %add3A_710 = arith.addi %mul3A_132, %add3A_709 : i32
        %swap3A_711 = arith.index_cast %add3A_710 : i32 to index
        %swap3A_712 = arith.constant 80 : index
        %swap3A_713 = tpu.vector_load %arg17[%swap3A_711, %swap3A_712] {strides = array<i32>} : memref<80x128xf32, #tpu.memory_space<vmem>>, vector<16xf32>,
        tpu.vector_store %arg17[%swap3A_711, %swap3A_712], %get3A_677 {strides = array<i32>} : memref<80x128xf32, #tpu.memory_space<vmem>>, vector<16xf32>,
        %add3A_714 = arith.constant 8 : i32
        %add3A_715 = arith.addi %mul3A_132, %add3A_714 : i32
        %swap3A_716 = arith.index_cast %add3A_715 : i32 to index
        %swap3A_717 = arith.constant 96 : index
        %swap3A_718 = tpu.vector_load %arg17[%swap3A_716, %swap3A_717] {strides = array<i32>} : memref<80x128xf32, #tpu.memory_space<vmem>>, vector<16xf32>,
        tpu.vector_store %arg17[%swap3A_716, %swap3A_717], %get3A_680 {strides = array<i32>} : memref<80x128xf32, #tpu.memory_space<vmem>>, vector<16xf32>,
        %add3A_719 = arith.constant 8 : i32
        %add3A_720 = arith.addi %mul3A_132, %add3A_719 : i32
        %swap3A_721 = arith.index_cast %add3A_720 : i32 to index
        %swap3A_722 = arith.constant 112 : index
        %swap3A_723 = tpu.vector_load %arg17[%swap3A_721, %swap3A_722] {strides = array<i32>} : memref<80x128xf32, #tpu.memory_space<vmem>>, vector<16xf32>,
        tpu.vector_store %arg17[%swap3A_721, %swap3A_722], %get3A_683 {strides = array<i32>} : memref<80x128xf32, #tpu.memory_space<vmem>>, vector<16xf32>,
        %slice3A_724 = vector.extract_strided_slice %add3A_130 {offsets = [9], sizes = [1], strides = [1]} : vector<16xi32> to vector<1xi32>
        %squeeze3A_725 = vector.extract %slice3A_724[0] : i32 from vector<1xi32>
        %get3A_726 = arith.index_cast %squeeze3A_725 : i32 to index
        %get3A_727 = arith.constant 0 : index
        %get3A_728 = tpu.vector_load %arg16[%get3A_726, %get3A_727] {strides = array<i32>} : memref<216x128xf32, #tpu.memory_space<vmem>>, vector<16xf32>,
        %get3A_729 = arith.index_cast %squeeze3A_725 : i32 to index
        %get3A_730 = arith.constant 16 : index
        %get3A_731 = tpu.vector_load %arg16[%get3A_729, %get3A_730] {strides = array<i32>} : memref<216x128xf32, #tpu.memory_space<vmem>>, vector<16xf32>,
        %get3A_732 = arith.index_cast %squeeze3A_725 : i32 to index
        %get3A_733 = arith.constant 32 : index
        %get3A_734 = tpu.vector_load %arg16[%get3A_732, %get3A_733] {strides = array<i32>} : memref<216x128xf32, #tpu.memory_space<vmem>>, vector<16xf32>,
        %get3A_735 = arith.index_cast %squeeze3A_725 : i32 to index
        %get3A_736 = arith.constant 48 : index
        %get3A_737 = tpu.vector_load %arg16[%get3A_735, %get3A_736] {strides = array<i32>} : memref<216x128xf32, #tpu.memory_space<vmem>>, vector<16xf32>,
        %get3A_738 = arith.index_cast %squeeze3A_725 : i32 to index
        %get3A_739 = arith.constant 64 : index
        %get3A_740 = tpu.vector_load %arg16[%get3A_738, %get3A_739] {strides = array<i32>} : memref<216x128xf32, #tpu.memory_space<vmem>>, vector<16xf32>,
        %get3A_741 = arith.index_cast %squeeze3A_725 : i32 to index
        %get3A_742 = arith.constant 80 : index
        %get3A_743 = tpu.vector_load %arg16[%get3A_741, %get3A_742] {strides = array<i32>} : memref<216x128xf32, #tpu.memory_space<vmem>>, vector<16xf32>,
        %get3A_744 = arith.index_cast %squeeze3A_725 : i32 to index
        %get3A_745 = arith.constant 96 : index
        %get3A_746 = tpu.vector_load %arg16[%get3A_744, %get3A_745] {strides = array<i32>} : memref<216x128xf32, #tpu.memory_space<vmem>>, vector<16xf32>,
        %get3A_747 = arith.index_cast %squeeze3A_725 : i32 to index
        %get3A_748 = arith.constant 112 : index
        %get3A_749 = tpu.vector_load %arg16[%get3A_747, %get3A_748] {strides = array<i32>} : memref<216x128xf32, #tpu.memory_space<vmem>>, vector<16xf32>,
        %add3A_750 = arith.constant 9 : i32
        %add3A_751 = arith.addi %mul3A_132, %add3A_750 : i32
        %swap3A_752 = arith.index_cast %add3A_751 : i32 to index
        %swap3A_753 = arith.constant 0 : index
        %swap3A_754 = tpu.vector_load %arg17[%swap3A_752, %swap3A_753] {strides = array<i32>} : memref<80x128xf32, #tpu.memory_space<vmem>>, vector<16xf32>,
        tpu.vector_store %arg17[%swap3A_752, %swap3A_753], %get3A_728 {strides = array<i32>} : memref<80x128xf32, #tpu.memory_space<vmem>>, vector<16xf32>,
        %add3A_755 = arith.constant 9 : i32
        %add3A_756 = arith.addi %mul3A_132, %add3A_755 : i32
        %swap3A_757 = arith.index_cast %add3A_756 : i32 to index
        %swap3A_758 = arith.constant 16 : index
        %swap3A_759 = tpu.vector_load %arg17[%swap3A_757, %swap3A_758] {strides = array<i32>} : memref<80x128xf32, #tpu.memory_space<vmem>>, vector<16xf32>,
        tpu.vector_store %arg17[%swap3A_757, %swap3A_758], %get3A_731 {strides = array<i32>} : memref<80x128xf32, #tpu.memory_space<vmem>>, vector<16xf32>,
        %add3A_760 = arith.constant 9 : i32
        %add3A_761 = arith.addi %mul3A_132, %add3A_760 : i32
        %swap3A_762 = arith.index_cast %add3A_761 : i32 to index
        %swap3A_763 = arith.constant 32 : index
        %swap3A_764 = tpu.vector_load %arg17[%swap3A_762, %swap3A_763] {strides = array<i32>} : memref<80x128xf32, #tpu.memory_space<vmem>>, vector<16xf32>,
        tpu.vector_store %arg17[%swap3A_762, %swap3A_763], %get3A_734 {strides = array<i32>} : memref<80x128xf32, #tpu.memory_space<vmem>>, vector<16xf32>,
        %add3A_765 = arith.constant 9 : i32
        %add3A_766 = arith.addi %mul3A_132, %add3A_765 : i32
        %swap3A_767 = arith.index_cast %add3A_766 : i32 to index
        %swap3A_768 = arith.constant 48 : index
        %swap3A_769 = tpu.vector_load %arg17[%swap3A_767, %swap3A_768] {strides = array<i32>} : memref<80x128xf32, #tpu.memory_space<vmem>>, vector<16xf32>,
        tpu.vector_store %arg17[%swap3A_767, %swap3A_768], %get3A_737 {strides = array<i32>} : memref<80x128xf32, #tpu.memory_space<vmem>>, vector<16xf32>,
        %add3A_770 = arith.constant 9 : i32
        %add3A_771 = arith.addi %mul3A_132, %add3A_770 : i32
        %swap3A_772 = arith.index_cast %add3A_771 : i32 to index
        %swap3A_773 = arith.constant 64 : index
        %swap3A_774 = tpu.vector_load %arg17[%swap3A_772, %swap3A_773] {strides = array<i32>} : memref<80x128xf32, #tpu.memory_space<vmem>>, vector<16xf32>,
        tpu.vector_store %arg17[%swap3A_772, %swap3A_773], %get3A_740 {strides = array<i32>} : memref<80x128xf32, #tpu.memory_space<vmem>>, vector<16xf32>,
        %add3A_775 = arith.constant 9 : i32
        %add3A_776 = arith.addi %mul3A_132, %add3A_775 : i32
        %swap3A_777 = arith.index_cast %add3A_776 : i32 to index
        %swap3A_778 = arith.constant 80 : index
        %swap3A_779 = tpu.vector_load %arg17[%swap3A_777, %swap3A_778] {strides = array<i32>} : memref<80x128xf32, #tpu.memory_space<vmem>>, vector<16xf32>,
        tpu.vector_store %arg17[%swap3A_777, %swap3A_778], %get3A_743 {strides = array<i32>} : memref<80x128xf32, #tpu.memory_space<vmem>>, vector<16xf32>,
        %add3A_780 = arith.constant 9 : i32
        %add3A_781 = arith.addi %mul3A_132, %add3A_780 : i32
        %swap3A_782 = arith.index_cast %add3A_781 : i32 to index
        %swap3A_783 = arith.constant 96 : index
        %swap3A_784 = tpu.vector_load %arg17[%swap3A_782, %swap3A_783] {strides = array<i32>} : memref<80x128xf32, #tpu.memory_space<vmem>>, vector<16xf32>,
        tpu.vector_store %arg17[%swap3A_782, %swap3A_783], %get3A_746 {strides = array<i32>} : memref<80x128xf32, #tpu.memory_space<vmem>>, vector<16xf32>,
        %add3A_785 = arith.constant 9 : i32
        %add3A_786 = arith.addi %mul3A_132, %add3A_785 : i32
        %swap3A_787 = arith.index_cast %add3A_786 : i32 to index
        %swap3A_788 = arith.constant 112 : index
        %swap3A_789 = tpu.vector_load %arg17[%swap3A_787, %swap3A_788] {strides = array<i32>} : memref<80x128xf32, #tpu.memory_space<vmem>>, vector<16xf32>,
        tpu.vector_store %arg17[%swap3A_787, %swap3A_788], %get3A_749 {strides = array<i32>} : memref<80x128xf32, #tpu.memory_space<vmem>>, vector<16xf32>,
        %slice3A_790 = vector.extract_strided_slice %add3A_130 {offsets = [10], sizes = [1], strides = [1]} : vector<16xi32> to vector<1xi32>
        %squeeze3A_791 = vector.extract %slice3A_790[0] : i32 from vector<1xi32>
        %get3A_792 = arith.index_cast %squeeze3A_791 : i32 to index
        %get3A_793 = arith.constant 0 : index
        %get3A_794 = tpu.vector_load %arg16[%get3A_792, %get3A_793] {strides = array<i32>} : memref<216x128xf32, #tpu.memory_space<vmem>>, vector<16xf32>,
        %get3A_795 = arith.index_cast %squeeze3A_791 : i32 to index
        %get3A_796 = arith.constant 16 : index
        %get3A_797 = tpu.vector_load %arg16[%get3A_795, %get3A_796] {strides = array<i32>} : memref<216x128xf32, #tpu.memory_space<vmem>>, vector<16xf32>,
        %get3A_798 = arith.index_cast %squeeze3A_791 : i32 to index
        %get3A_799 = arith.constant 32 : index
        %get3A_800 = tpu.vector_load %arg16[%get3A_798, %get3A_799] {strides = array<i32>} : memref<216x128xf32, #tpu.memory_space<vmem>>, vector<16xf32>,
        %get3A_801 = arith.index_cast %squeeze3A_791 : i32 to index
        %get3A_802 = arith.constant 48 : index
        %get3A_803 = tpu.vector_load %arg16[%get3A_801, %get3A_802] {strides = array<i32>} : memref<216x128xf32, #tpu.memory_space<vmem>>, vector<16xf32>,
        %get3A_804 = arith.index_cast %squeeze3A_791 : i32 to index
        %get3A_805 = arith.constant 64 : index
        %get3A_806 = tpu.vector_load %arg16[%get3A_804, %get3A_805] {strides = array<i32>} : memref<216x128xf32, #tpu.memory_space<vmem>>, vector<16xf32>,
        %get3A_807 = arith.index_cast %squeeze3A_791 : i32 to index
        %get3A_808 = arith.constant 80 : index
        %get3A_809 = tpu.vector_load %arg16[%get3A_807, %get3A_808] {strides = array<i32>} : memref<216x128xf32, #tpu.memory_space<vmem>>, vector<16xf32>,
        %get3A_810 = arith.index_cast %squeeze3A_791 : i32 to index
        %get3A_811 = arith.constant 96 : index
        %get3A_812 = tpu.vector_load %arg16[%get3A_810, %get3A_811] {strides = array<i32>} : memref<216x128xf32, #tpu.memory_space<vmem>>, vector<16xf32>,
        %get3A_813 = arith.index_cast %squeeze3A_791 : i32 to index
        %get3A_814 = arith.constant 112 : index
        %get3A_815 = tpu.vector_load %arg16[%get3A_813, %get3A_814] {strides = array<i32>} : memref<216x128xf32, #tpu.memory_space<vmem>>, vector<16xf32>,
        %add3A_816 = arith.constant 10 : i32
        %add3A_817 = arith.addi %mul3A_132, %add3A_816 : i32
        %swap3A_818 = arith.index_cast %add3A_817 : i32 to index
        %swap3A_819 = arith.constant 0 : index
        %swap3A_820 = tpu.vector_load %arg17[%swap3A_818, %swap3A_819] {strides = array<i32>} : memref<80x128xf32, #tpu.memory_space<vmem>>, vector<16xf32>,
        tpu.vector_store %arg17[%swap3A_818, %swap3A_819], %get3A_794 {strides = array<i32>} : memref<80x128xf32, #tpu.memory_space<vmem>>, vector<16xf32>,
        %add3A_821 = arith.constant 10 : i32
        %add3A_822 = arith.addi %mul3A_132, %add3A_821 : i32
        %swap3A_823 = arith.index_cast %add3A_822 : i32 to index
        %swap3A_824 = arith.constant 16 : index
        %swap3A_825 = tpu.vector_load %arg17[%swap3A_823, %swap3A_824] {strides = array<i32>} : memref<80x128xf32, #tpu.memory_space<vmem>>, vector<16xf32>,
        tpu.vector_store %arg17[%swap3A_823, %swap3A_824], %get3A_797 {strides = array<i32>} : memref<80x128xf32, #tpu.memory_space<vmem>>, vector<16xf32>,
        %add3A_826 = arith.constant 10 : i32
        %add3A_827 = arith.addi %mul3A_132, %add3A_826 : i32
        %swap3A_828 = arith.index_cast %add3A_827 : i32 to index
        %swap3A_829 = arith.constant 32 : index
        %swap3A_830 = tpu.vector_load %arg17[%swap3A_828, %swap3A_829] {strides = array<i32>} : memref<80x128xf32, #tpu.memory_space<vmem>>, vector<16xf32>,
        tpu.vector_store %arg17[%swap3A_828, %swap3A_829], %get3A_800 {strides = array<i32>} : memref<80x128xf32, #tpu.memory_space<vmem>>, vector<16xf32>,
        %add3A_831 = arith.constant 10 : i32
        %add3A_832 = arith.addi %mul3A_132, %add3A_831 : i32
        %swap3A_833 = arith.index_cast %add3A_832 : i32 to index
        %swap3A_834 = arith.constant 48 : index
        %swap3A_835 = tpu.vector_load %arg17[%swap3A_833, %swap3A_834] {strides = array<i32>} : memref<80x128xf32, #tpu.memory_space<vmem>>, vector<16xf32>,
        tpu.vector_store %arg17[%swap3A_833, %swap3A_834], %get3A_803 {strides = array<i32>} : memref<80x128xf32, #tpu.memory_space<vmem>>, vector<16xf32>,
        %add3A_836 = arith.constant 10 : i32
        %add3A_837 = arith.addi %mul3A_132, %add3A_836 : i32
        %swap3A_838 = arith.index_cast %add3A_837 : i32 to index
        %swap3A_839 = arith.constant 64 : index
        %swap3A_840 = tpu.vector_load %arg17[%swap3A_838, %swap3A_839] {strides = array<i32>} : memref<80x128xf32, #tpu.memory_space<vmem>>, vector<16xf32>,
        tpu.vector_store %arg17[%swap3A_838, %swap3A_839], %get3A_806 {strides = array<i32>} : memref<80x128xf32, #tpu.memory_space<vmem>>, vector<16xf32>,
        %add3A_841 = arith.constant 10 : i32
        %add3A_842 = arith.addi %mul3A_132, %add3A_841 : i32
        %swap3A_843 = arith.index_cast %add3A_842 : i32 to index
        %swap3A_844 = arith.constant 80 : index
        %swap3A_845 = tpu.vector_load %arg17[%swap3A_843, %swap3A_844] {strides = array<i32>} : memref<80x128xf32, #tpu.memory_space<vmem>>, vector<16xf32>,
        tpu.vector_store %arg17[%swap3A_843, %swap3A_844], %get3A_809 {strides = array<i32>} : memref<80x128xf32, #tpu.memory_space<vmem>>, vector<16xf32>,
        %add3A_846 = arith.constant 10 : i32
        %add3A_847 = arith.addi %mul3A_132, %add3A_846 : i32
        %swap3A_848 = arith.index_cast %add3A_847 : i32 to index
        %swap3A_849 = arith.constant 96 : index
        %swap3A_850 = tpu.vector_load %arg17[%swap3A_848, %swap3A_849] {strides = array<i32>} : memref<80x128xf32, #tpu.memory_space<vmem>>, vector<16xf32>,
        tpu.vector_store %arg17[%swap3A_848, %swap3A_849], %get3A_812 {strides = array<i32>} : memref<80x128xf32, #tpu.memory_space<vmem>>, vector<16xf32>,
        %add3A_851 = arith.constant 10 : i32
        %add3A_852 = arith.addi %mul3A_132, %add3A_851 : i32
        %swap3A_853 = arith.index_cast %add3A_852 : i32 to index
        %swap3A_854 = arith.constant 112 : index
        %swap3A_855 = tpu.vector_load %arg17[%swap3A_853, %swap3A_854] {strides = array<i32>} : memref<80x128xf32, #tpu.memory_space<vmem>>, vector<16xf32>,
        tpu.vector_store %arg17[%swap3A_853, %swap3A_854], %get3A_815 {strides = array<i32>} : memref<80x128xf32, #tpu.memory_space<vmem>>, vector<16xf32>,
        %slice3A_856 = vector.extract_strided_slice %add3A_130 {offsets = [11], sizes = [1], strides = [1]} : vector<16xi32> to vector<1xi32>
        %squeeze3A_857 = vector.extract %slice3A_856[0] : i32 from vector<1xi32>
        %get3A_858 = arith.index_cast %squeeze3A_857 : i32 to index
        %get3A_859 = arith.constant 0 : index
        %get3A_860 = tpu.vector_load %arg16[%get3A_858, %get3A_859] {strides = array<i32>} : memref<216x128xf32, #tpu.memory_space<vmem>>, vector<16xf32>,
        %get3A_861 = arith.index_cast %squeeze3A_857 : i32 to index
        %get3A_862 = arith.constant 16 : index
        %get3A_863 = tpu.vector_load %arg16[%get3A_861, %get3A_862] {strides = array<i32>} : memref<216x128xf32, #tpu.memory_space<vmem>>, vector<16xf32>,
        %get3A_864 = arith.index_cast %squeeze3A_857 : i32 to index
        %get3A_865 = arith.constant 32 : index
        %get3A_866 = tpu.vector_load %arg16[%get3A_864, %get3A_865] {strides = array<i32>} : memref<216x128xf32, #tpu.memory_space<vmem>>, vector<16xf32>,
        %get3A_867 = arith.index_cast %squeeze3A_857 : i32 to index
        %get3A_868 = arith.constant 48 : index
        %get3A_869 = tpu.vector_load %arg16[%get3A_867, %get3A_868] {strides = array<i32>} : memref<216x128xf32, #tpu.memory_space<vmem>>, vector<16xf32>,
        %get3A_870 = arith.index_cast %squeeze3A_857 : i32 to index
        %get3A_871 = arith.constant 64 : index
        %get3A_872 = tpu.vector_load %arg16[%get3A_870, %get3A_871] {strides = array<i32>} : memref<216x128xf32, #tpu.memory_space<vmem>>, vector<16xf32>,
        %get3A_873 = arith.index_cast %squeeze3A_857 : i32 to index
        %get3A_874 = arith.constant 80 : index
        %get3A_875 = tpu.vector_load %arg16[%get3A_873, %get3A_874] {strides = array<i32>} : memref<216x128xf32, #tpu.memory_space<vmem>>, vector<16xf32>,
        %get3A_876 = arith.index_cast %squeeze3A_857 : i32 to index
        %get3A_877 = arith.constant 96 : index
        %get3A_878 = tpu.vector_load %arg16[%get3A_876, %get3A_877] {strides = array<i32>} : memref<216x128xf32, #tpu.memory_space<vmem>>, vector<16xf32>,
        %get3A_879 = arith.index_cast %squeeze3A_857 : i32 to index
        %get3A_880 = arith.constant 112 : index
        %get3A_881 = tpu.vector_load %arg16[%get3A_879, %get3A_880] {strides = array<i32>} : memref<216x128xf32, #tpu.memory_space<vmem>>, vector<16xf32>,
        %add3A_882 = arith.constant 11 : i32
        %add3A_883 = arith.addi %mul3A_132, %add3A_882 : i32
        %swap3A_884 = arith.index_cast %add3A_883 : i32 to index
        %swap3A_885 = arith.constant 0 : index
        %swap3A_886 = tpu.vector_load %arg17[%swap3A_884, %swap3A_885] {strides = array<i32>} : memref<80x128xf32, #tpu.memory_space<vmem>>, vector<16xf32>,
        tpu.vector_store %arg17[%swap3A_884, %swap3A_885], %get3A_860 {strides = array<i32>} : memref<80x128xf32, #tpu.memory_space<vmem>>, vector<16xf32>,
        %add3A_887 = arith.constant 11 : i32
        %add3A_888 = arith.addi %mul3A_132, %add3A_887 : i32
        %swap3A_889 = arith.index_cast %add3A_888 : i32 to index
        %swap3A_890 = arith.constant 16 : index
        %swap3A_891 = tpu.vector_load %arg17[%swap3A_889, %swap3A_890] {strides = array<i32>} : memref<80x128xf32, #tpu.memory_space<vmem>>, vector<16xf32>,
        tpu.vector_store %arg17[%swap3A_889, %swap3A_890], %get3A_863 {strides = array<i32>} : memref<80x128xf32, #tpu.memory_space<vmem>>, vector<16xf32>,
        %add3A_892 = arith.constant 11 : i32
        %add3A_893 = arith.addi %mul3A_132, %add3A_892 : i32
        %swap3A_894 = arith.index_cast %add3A_893 : i32 to index
        %swap3A_895 = arith.constant 32 : index
        %swap3A_896 = tpu.vector_load %arg17[%swap3A_894, %swap3A_895] {strides = array<i32>} : memref<80x128xf32, #tpu.memory_space<vmem>>, vector<16xf32>,
        tpu.vector_store %arg17[%swap3A_894, %swap3A_895], %get3A_866 {strides = array<i32>} : memref<80x128xf32, #tpu.memory_space<vmem>>, vector<16xf32>,
        %add3A_897 = arith.constant 11 : i32
        %add3A_898 = arith.addi %mul3A_132, %add3A_897 : i32
        %swap3A_899 = arith.index_cast %add3A_898 : i32 to index
        %swap3A_900 = arith.constant 48 : index
        %swap3A_901 = tpu.vector_load %arg17[%swap3A_899, %swap3A_900] {strides = array<i32>} : memref<80x128xf32, #tpu.memory_space<vmem>>, vector<16xf32>,
        tpu.vector_store %arg17[%swap3A_899, %swap3A_900], %get3A_869 {strides = array<i32>} : memref<80x128xf32, #tpu.memory_space<vmem>>, vector<16xf32>,
        %add3A_902 = arith.constant 11 : i32
        %add3A_903 = arith.addi %mul3A_132, %add3A_902 : i32
        %swap3A_904 = arith.index_cast %add3A_903 : i32 to index
        %swap3A_905 = arith.constant 64 : index
        %swap3A_906 = tpu.vector_load %arg17[%swap3A_904, %swap3A_905] {strides = array<i32>} : memref<80x128xf32, #tpu.memory_space<vmem>>, vector<16xf32>,
        tpu.vector_store %arg17[%swap3A_904, %swap3A_905], %get3A_872 {strides = array<i32>} : memref<80x128xf32, #tpu.memory_space<vmem>>, vector<16xf32>,
        %add3A_907 = arith.constant 11 : i32
        %add3A_908 = arith.addi %mul3A_132, %add3A_907 : i32
        %swap3A_909 = arith.index_cast %add3A_908 : i32 to index
        %swap3A_910 = arith.constant 80 : index
        %swap3A_911 = tpu.vector_load %arg17[%swap3A_909, %swap3A_910] {strides = array<i32>} : memref<80x128xf32, #tpu.memory_space<vmem>>, vector<16xf32>,
        tpu.vector_store %arg17[%swap3A_909, %swap3A_910], %get3A_875 {strides = array<i32>} : memref<80x128xf32, #tpu.memory_space<vmem>>, vector<16xf32>,
        %add3A_912 = arith.constant 11 : i32
        %add3A_913 = arith.addi %mul3A_132, %add3A_912 : i32
        %swap3A_914 = arith.index_cast %add3A_913 : i32 to index
        %swap3A_915 = arith.constant 96 : index
        %swap3A_916 = tpu.vector_load %arg17[%swap3A_914, %swap3A_915] {strides = array<i32>} : memref<80x128xf32, #tpu.memory_space<vmem>>, vector<16xf32>,
        tpu.vector_store %arg17[%swap3A_914, %swap3A_915], %get3A_878 {strides = array<i32>} : memref<80x128xf32, #tpu.memory_space<vmem>>, vector<16xf32>,
        %add3A_917 = arith.constant 11 : i32
        %add3A_918 = arith.addi %mul3A_132, %add3A_917 : i32
        %swap3A_919 = arith.index_cast %add3A_918 : i32 to index
        %swap3A_920 = arith.constant 112 : index
        %swap3A_921 = tpu.vector_load %arg17[%swap3A_919, %swap3A_920] {strides = array<i32>} : memref<80x128xf32, #tpu.memory_space<vmem>>, vector<16xf32>,
        tpu.vector_store %arg17[%swap3A_919, %swap3A_920], %get3A_881 {strides = array<i32>} : memref<80x128xf32, #tpu.memory_space<vmem>>, vector<16xf32>,
        %slice3A_922 = vector.extract_strided_slice %add3A_130 {offsets = [12], sizes = [1], strides = [1]} : vector<16xi32> to vector<1xi32>
        %squeeze3A_923 = vector.extract %slice3A_922[0] : i32 from vector<1xi32>
        %get3A_924 = arith.index_cast %squeeze3A_923 : i32 to index
        %get3A_925 = arith.constant 0 : index
        %get3A_926 = tpu.vector_load %arg16[%get3A_924, %get3A_925] {strides = array<i32>} : memref<216x128xf32, #tpu.memory_space<vmem>>, vector<16xf32>,
        %get3A_927 = arith.index_cast %squeeze3A_923 : i32 to index
        %get3A_928 = arith.constant 16 : index
        %get3A_929 = tpu.vector_load %arg16[%get3A_927, %get3A_928] {strides = array<i32>} : memref<216x128xf32, #tpu.memory_space<vmem>>, vector<16xf32>,
        %get3A_930 = arith.index_cast %squeeze3A_923 : i32 to index
        %get3A_931 = arith.constant 32 : index
        %get3A_932 = tpu.vector_load %arg16[%get3A_930, %get3A_931] {strides = array<i32>} : memref<216x128xf32, #tpu.memory_space<vmem>>, vector<16xf32>,
        %get3A_933 = arith.index_cast %squeeze3A_923 : i32 to index
        %get3A_934 = arith.constant 48 : index
        %get3A_935 = tpu.vector_load %arg16[%get3A_933, %get3A_934] {strides = array<i32>} : memref<216x128xf32, #tpu.memory_space<vmem>>, vector<16xf32>,
        %get3A_936 = arith.index_cast %squeeze3A_923 : i32 to index
        %get3A_937 = arith.constant 64 : index
        %get3A_938 = tpu.vector_load %arg16[%get3A_936, %get3A_937] {strides = array<i32>} : memref<216x128xf32, #tpu.memory_space<vmem>>, vector<16xf32>,
        %get3A_939 = arith.index_cast %squeeze3A_923 : i32 to index
        %get3A_940 = arith.constant 80 : index
        %get3A_941 = tpu.vector_load %arg16[%get3A_939, %get3A_940] {strides = array<i32>} : memref<216x128xf32, #tpu.memory_space<vmem>>, vector<16xf32>,
        %get3A_942 = arith.index_cast %squeeze3A_923 : i32 to index
        %get3A_943 = arith.constant 96 : index
        %get3A_944 = tpu.vector_load %arg16[%get3A_942, %get3A_943] {strides = array<i32>} : memref<216x128xf32, #tpu.memory_space<vmem>>, vector<16xf32>,
        %get3A_945 = arith.index_cast %squeeze3A_923 : i32 to index
        %get3A_946 = arith.constant 112 : index
        %get3A_947 = tpu.vector_load %arg16[%get3A_945, %get3A_946] {strides = array<i32>} : memref<216x128xf32, #tpu.memory_space<vmem>>, vector<16xf32>,
        %add3A_948 = arith.constant 12 : i32
        %add3A_949 = arith.addi %mul3A_132, %add3A_948 : i32
        %swap3A_950 = arith.index_cast %add3A_949 : i32 to index
        %swap3A_951 = arith.constant 0 : index
        %swap3A_952 = tpu.vector_load %arg17[%swap3A_950, %swap3A_951] {strides = array<i32>} : memref<80x128xf32, #tpu.memory_space<vmem>>, vector<16xf32>,
        tpu.vector_store %arg17[%swap3A_950, %swap3A_951], %get3A_926 {strides = array<i32>} : memref<80x128xf32, #tpu.memory_space<vmem>>, vector<16xf32>,
        %add3A_953 = arith.constant 12 : i32
        %add3A_954 = arith.addi %mul3A_132, %add3A_953 : i32
        %swap3A_955 = arith.index_cast %add3A_954 : i32 to index
        %swap3A_956 = arith.constant 16 : index
        %swap3A_957 = tpu.vector_load %arg17[%swap3A_955, %swap3A_956] {strides = array<i32>} : memref<80x128xf32, #tpu.memory_space<vmem>>, vector<16xf32>,
        tpu.vector_store %arg17[%swap3A_955, %swap3A_956], %get3A_929 {strides = array<i32>} : memref<80x128xf32, #tpu.memory_space<vmem>>, vector<16xf32>,
        %add3A_958 = arith.constant 12 : i32
        %add3A_959 = arith.addi %mul3A_132, %add3A_958 : i32
        %swap3A_960 = arith.index_cast %add3A_959 : i32 to index
        %swap3A_961 = arith.constant 32 : index
        %swap3A_962 = tpu.vector_load %arg17[%swap3A_960, %swap3A_961] {strides = array<i32>} : memref<80x128xf32, #tpu.memory_space<vmem>>, vector<16xf32>,
        tpu.vector_store %arg17[%swap3A_960, %swap3A_961], %get3A_932 {strides = array<i32>} : memref<80x128xf32, #tpu.memory_space<vmem>>, vector<16xf32>,
        %add3A_963 = arith.constant 12 : i32
        %add3A_964 = arith.addi %mul3A_132, %add3A_963 : i32
        %swap3A_965 = arith.index_cast %add3A_964 : i32 to index
        %swap3A_966 = arith.constant 48 : index
        %swap3A_967 = tpu.vector_load %arg17[%swap3A_965, %swap3A_966] {strides = array<i32>} : memref<80x128xf32, #tpu.memory_space<vmem>>, vector<16xf32>,
        tpu.vector_store %arg17[%swap3A_965, %swap3A_966], %get3A_935 {strides = array<i32>} : memref<80x128xf32, #tpu.memory_space<vmem>>, vector<16xf32>,
        %add3A_968 = arith.constant 12 : i32
        %add3A_969 = arith.addi %mul3A_132, %add3A_968 : i32
        %swap3A_970 = arith.index_cast %add3A_969 : i32 to index
        %swap3A_971 = arith.constant 64 : index
        %swap3A_972 = tpu.vector_load %arg17[%swap3A_970, %swap3A_971] {strides = array<i32>} : memref<80x128xf32, #tpu.memory_space<vmem>>, vector<16xf32>,
        tpu.vector_store %arg17[%swap3A_970, %swap3A_971], %get3A_938 {strides = array<i32>} : memref<80x128xf32, #tpu.memory_space<vmem>>, vector<16xf32>,
        %add3A_973 = arith.constant 12 : i32
        %add3A_974 = arith.addi %mul3A_132, %add3A_973 : i32
        %swap3A_975 = arith.index_cast %add3A_974 : i32 to index
        %swap3A_976 = arith.constant 80 : index
        %swap3A_977 = tpu.vector_load %arg17[%swap3A_975, %swap3A_976] {strides = array<i32>} : memref<80x128xf32, #tpu.memory_space<vmem>>, vector<16xf32>,
        tpu.vector_store %arg17[%swap3A_975, %swap3A_976], %get3A_941 {strides = array<i32>} : memref<80x128xf32, #tpu.memory_space<vmem>>, vector<16xf32>,
        %add3A_978 = arith.constant 12 : i32
        %add3A_979 = arith.addi %mul3A_132, %add3A_978 : i32
        %swap3A_980 = arith.index_cast %add3A_979 : i32 to index
        %swap3A_981 = arith.constant 96 : index
        %swap3A_982 = tpu.vector_load %arg17[%swap3A_980, %swap3A_981] {strides = array<i32>} : memref<80x128xf32, #tpu.memory_space<vmem>>, vector<16xf32>,
        tpu.vector_store %arg17[%swap3A_980, %swap3A_981], %get3A_944 {strides = array<i32>} : memref<80x128xf32, #tpu.memory_space<vmem>>, vector<16xf32>,
        %add3A_983 = arith.constant 12 : i32
        %add3A_984 = arith.addi %mul3A_132, %add3A_983 : i32
        %swap3A_985 = arith.index_cast %add3A_984 : i32 to index
        %swap3A_986 = arith.constant 112 : index
        %swap3A_987 = tpu.vector_load %arg17[%swap3A_985, %swap3A_986] {strides = array<i32>} : memref<80x128xf32, #tpu.memory_space<vmem>>, vector<16xf32>,
        tpu.vector_store %arg17[%swap3A_985, %swap3A_986], %get3A_947 {strides = array<i32>} : memref<80x128xf32, #tpu.memory_space<vmem>>, vector<16xf32>,
        %slice3A_988 = vector.extract_strided_slice %add3A_130 {offsets = [13], sizes = [1], strides = [1]} : vector<16xi32> to vector<1xi32>
        %squeeze3A_989 = vector.extract %slice3A_988[0] : i32 from vector<1xi32>
        %get3A_990 = arith.index_cast %squeeze3A_989 : i32 to index
        %get3A_991 = arith.constant 0 : index
        %get3A_992 = tpu.vector_load %arg16[%get3A_990, %get3A_991] {strides = array<i32>} : memref<216x128xf32, #tpu.memory_space<vmem>>, vector<16xf32>,
        %get3A_993 = arith.index_cast %squeeze3A_989 : i32 to index
        %get3A_994 = arith.constant 16 : index
        %get3A_995 = tpu.vector_load %arg16[%get3A_993, %get3A_994] {strides = array<i32>} : memref<216x128xf32, #tpu.memory_space<vmem>>, vector<16xf32>,
        %get3A_996 = arith.index_cast %squeeze3A_989 : i32 to index
        %get3A_997 = arith.constant 32 : index
        %get3A_998 = tpu.vector_load %arg16[%get3A_996, %get3A_997] {strides = array<i32>} : memref<216x128xf32, #tpu.memory_space<vmem>>, vector<16xf32>,
        %get3A_999 = arith.index_cast %squeeze3A_989 : i32 to index
        %get3A_1000 = arith.constant 48 : index
        %get3A_1001 = tpu.vector_load %arg16[%get3A_999, %get3A_1000] {strides = array<i32>} : memref<216x128xf32, #tpu.memory_space<vmem>>, vector<16xf32>,
        %get3A_1002 = arith.index_cast %squeeze3A_989 : i32 to index
        %get3A_1003 = arith.constant 64 : index
        %get3A_1004 = tpu.vector_load %arg16[%get3A_1002, %get3A_1003] {strides = array<i32>} : memref<216x128xf32, #tpu.memory_space<vmem>>, vector<16xf32>,
        %get3A_1005 = arith.index_cast %squeeze3A_989 : i32 to index
        %get3A_1006 = arith.constant 80 : index
        %get3A_1007 = tpu.vector_load %arg16[%get3A_1005, %get3A_1006] {strides = array<i32>} : memref<216x128xf32, #tpu.memory_space<vmem>>, vector<16xf32>,
        %get3A_1008 = arith.index_cast %squeeze3A_989 : i32 to index
        %get3A_1009 = arith.constant 96 : index
        %get3A_1010 = tpu.vector_load %arg16[%get3A_1008, %get3A_1009] {strides = array<i32>} : memref<216x128xf32, #tpu.memory_space<vmem>>, vector<16xf32>,
        %get3A_1011 = arith.index_cast %squeeze3A_989 : i32 to index
        %get3A_1012 = arith.constant 112 : index
        %get3A_1013 = tpu.vector_load %arg16[%get3A_1011, %get3A_1012] {strides = array<i32>} : memref<216x128xf32, #tpu.memory_space<vmem>>, vector<16xf32>,
        %add3A_1014 = arith.constant 13 : i32
        %add3A_1015 = arith.addi %mul3A_132, %add3A_1014 : i32
        %swap3A_1016 = arith.index_cast %add3A_1015 : i32 to index
        %swap3A_1017 = arith.constant 0 : index
        %swap3A_1018 = tpu.vector_load %arg17[%swap3A_1016, %swap3A_1017] {strides = array<i32>} : memref<80x128xf32, #tpu.memory_space<vmem>>, vector<16xf32>,
        tpu.vector_store %arg17[%swap3A_1016, %swap3A_1017], %get3A_992 {strides = array<i32>} : memref<80x128xf32, #tpu.memory_space<vmem>>, vector<16xf32>,
        %add3A_1019 = arith.constant 13 : i32
        %add3A_1020 = arith.addi %mul3A_132, %add3A_1019 : i32
        %swap3A_1021 = arith.index_cast %add3A_1020 : i32 to index
        %swap3A_1022 = arith.constant 16 : index
        %swap3A_1023 = tpu.vector_load %arg17[%swap3A_1021, %swap3A_1022] {strides = array<i32>} : memref<80x128xf32, #tpu.memory_space<vmem>>, vector<16xf32>,
        tpu.vector_store %arg17[%swap3A_1021, %swap3A_1022], %get3A_995 {strides = array<i32>} : memref<80x128xf32, #tpu.memory_space<vmem>>, vector<16xf32>,
        %add3A_1024 = arith.constant 13 : i32
        %add3A_1025 = arith.addi %mul3A_132, %add3A_1024 : i32
        %swap3A_1026 = arith.index_cast %add3A_1025 : i32 to index
        %swap3A_1027 = arith.constant 32 : index
        %swap3A_1028 = tpu.vector_load %arg17[%swap3A_1026, %swap3A_1027] {strides = array<i32>} : memref<80x128xf32, #tpu.memory_space<vmem>>, vector<16xf32>,
        tpu.vector_store %arg17[%swap3A_1026, %swap3A_1027], %get3A_998 {strides = array<i32>} : memref<80x128xf32, #tpu.memory_space<vmem>>, vector<16xf32>,
        %add3A_1029 = arith.constant 13 : i32
        %add3A_1030 = arith.addi %mul3A_132, %add3A_1029 : i32
        %swap3A_1031 = arith.index_cast %add3A_1030 : i32 to index
        %swap3A_1032 = arith.constant 48 : index
        %swap3A_1033 = tpu.vector_load %arg17[%swap3A_1031, %swap3A_1032] {strides = array<i32>} : memref<80x128xf32, #tpu.memory_space<vmem>>, vector<16xf32>,
        tpu.vector_store %arg17[%swap3A_1031, %swap3A_1032], %get3A_1001 {strides = array<i32>} : memref<80x128xf32, #tpu.memory_space<vmem>>, vector<16xf32>,
        %add3A_1034 = arith.constant 13 : i32
        %add3A_1035 = arith.addi %mul3A_132, %add3A_1034 : i32
        %swap3A_1036 = arith.index_cast %add3A_1035 : i32 to index
        %swap3A_1037 = arith.constant 64 : index
        %swap3A_1038 = tpu.vector_load %arg17[%swap3A_1036, %swap3A_1037] {strides = array<i32>} : memref<80x128xf32, #tpu.memory_space<vmem>>, vector<16xf32>,
        tpu.vector_store %arg17[%swap3A_1036, %swap3A_1037], %get3A_1004 {strides = array<i32>} : memref<80x128xf32, #tpu.memory_space<vmem>>, vector<16xf32>,
        %add3A_1039 = arith.constant 13 : i32
        %add3A_1040 = arith.addi %mul3A_132, %add3A_1039 : i32
        %swap3A_1041 = arith.index_cast %add3A_1040 : i32 to index
        %swap3A_1042 = arith.constant 80 : index
        %swap3A_1043 = tpu.vector_load %arg17[%swap3A_1041, %swap3A_1042] {strides = array<i32>} : memref<80x128xf32, #tpu.memory_space<vmem>>, vector<16xf32>,
        tpu.vector_store %arg17[%swap3A_1041, %swap3A_1042], %get3A_1007 {strides = array<i32>} : memref<80x128xf32, #tpu.memory_space<vmem>>, vector<16xf32>,
        %add3A_1044 = arith.constant 13 : i32
        %add3A_1045 = arith.addi %mul3A_132, %add3A_1044 : i32
        %swap3A_1046 = arith.index_cast %add3A_1045 : i32 to index
        %swap3A_1047 = arith.constant 96 : index
        %swap3A_1048 = tpu.vector_load %arg17[%swap3A_1046, %swap3A_1047] {strides = array<i32>} : memref<80x128xf32, #tpu.memory_space<vmem>>, vector<16xf32>,
        tpu.vector_store %arg17[%swap3A_1046, %swap3A_1047], %get3A_1010 {strides = array<i32>} : memref<80x128xf32, #tpu.memory_space<vmem>>, vector<16xf32>,
        %add3A_1049 = arith.constant 13 : i32
        %add3A_1050 = arith.addi %mul3A_132, %add3A_1049 : i32
        %swap3A_1051 = arith.index_cast %add3A_1050 : i32 to index
        %swap3A_1052 = arith.constant 112 : index
        %swap3A_1053 = tpu.vector_load %arg17[%swap3A_1051, %swap3A_1052] {strides = array<i32>} : memref<80x128xf32, #tpu.memory_space<vmem>>, vector<16xf32>,
        tpu.vector_store %arg17[%swap3A_1051, %swap3A_1052], %get3A_1013 {strides = array<i32>} : memref<80x128xf32, #tpu.memory_space<vmem>>, vector<16xf32>,
        %slice3A_1054 = vector.extract_strided_slice %add3A_130 {offsets = [14], sizes = [1], strides = [1]} : vector<16xi32> to vector<1xi32>
        %squeeze3A_1055 = vector.extract %slice3A_1054[0] : i32 from vector<1xi32>
        %get3A_1056 = arith.index_cast %squeeze3A_1055 : i32 to index
        %get3A_1057 = arith.constant 0 : index
        %get3A_1058 = tpu.vector_load %arg16[%get3A_1056, %get3A_1057] {strides = array<i32>} : memref<216x128xf32, #tpu.memory_space<vmem>>, vector<16xf32>,
        %get3A_1059 = arith.index_cast %squeeze3A_1055 : i32 to index
        %get3A_1060 = arith.constant 16 : index
        %get3A_1061 = tpu.vector_load %arg16[%get3A_1059, %get3A_1060] {strides = array<i32>} : memref<216x128xf32, #tpu.memory_space<vmem>>, vector<16xf32>,
        %get3A_1062 = arith.index_cast %squeeze3A_1055 : i32 to index
        %get3A_1063 = arith.constant 32 : index
        %get3A_1064 = tpu.vector_load %arg16[%get3A_1062, %get3A_1063] {strides = array<i32>} : memref<216x128xf32, #tpu.memory_space<vmem>>, vector<16xf32>,
        %get3A_1065 = arith.index_cast %squeeze3A_1055 : i32 to index
        %get3A_1066 = arith.constant 48 : index
        %get3A_1067 = tpu.vector_load %arg16[%get3A_1065, %get3A_1066] {strides = array<i32>} : memref<216x128xf32, #tpu.memory_space<vmem>>, vector<16xf32>,
        %get3A_1068 = arith.index_cast %squeeze3A_1055 : i32 to index
        %get3A_1069 = arith.constant 64 : index
        %get3A_1070 = tpu.vector_load %arg16[%get3A_1068, %get3A_1069] {strides = array<i32>} : memref<216x128xf32, #tpu.memory_space<vmem>>, vector<16xf32>,
        %get3A_1071 = arith.index_cast %squeeze3A_1055 : i32 to index
        %get3A_1072 = arith.constant 80 : index
        %get3A_1073 = tpu.vector_load %arg16[%get3A_1071, %get3A_1072] {strides = array<i32>} : memref<216x128xf32, #tpu.memory_space<vmem>>, vector<16xf32>,
        %get3A_1074 = arith.index_cast %squeeze3A_1055 : i32 to index
        %get3A_1075 = arith.constant 96 : index
        %get3A_1076 = tpu.vector_load %arg16[%get3A_1074, %get3A_1075] {strides = array<i32>} : memref<216x128xf32, #tpu.memory_space<vmem>>, vector<16xf32>,
        %get3A_1077 = arith.index_cast %squeeze3A_1055 : i32 to index
        %get3A_1078 = arith.constant 112 : index
        %get3A_1079 = tpu.vector_load %arg16[%get3A_1077, %get3A_1078] {strides = array<i32>} : memref<216x128xf32, #tpu.memory_space<vmem>>, vector<16xf32>,
        %add3A_1080 = arith.constant 14 : i32
        %add3A_1081 = arith.addi %mul3A_132, %add3A_1080 : i32
        %swap3A_1082 = arith.index_cast %add3A_1081 : i32 to index
        %swap3A_1083 = arith.constant 0 : index
        %swap3A_1084 = tpu.vector_load %arg17[%swap3A_1082, %swap3A_1083] {strides = array<i32>} : memref<80x128xf32, #tpu.memory_space<vmem>>, vector<16xf32>,
        tpu.vector_store %arg17[%swap3A_1082, %swap3A_1083], %get3A_1058 {strides = array<i32>} : memref<80x128xf32, #tpu.memory_space<vmem>>, vector<16xf32>,
        %add3A_1085 = arith.constant 14 : i32
        %add3A_1086 = arith.addi %mul3A_132, %add3A_1085 : i32
        %swap3A_1087 = arith.index_cast %add3A_1086 : i32 to index
        %swap3A_1088 = arith.constant 16 : index
        %swap3A_1089 = tpu.vector_load %arg17[%swap3A_1087, %swap3A_1088] {strides = array<i32>} : memref<80x128xf32, #tpu.memory_space<vmem>>, vector<16xf32>,
        tpu.vector_store %arg17[%swap3A_1087, %swap3A_1088], %get3A_1061 {strides = array<i32>} : memref<80x128xf32, #tpu.memory_space<vmem>>, vector<16xf32>,
        %add3A_1090 = arith.constant 14 : i32
        %add3A_1091 = arith.addi %mul3A_132, %add3A_1090 : i32
        %swap3A_1092 = arith.index_cast %add3A_1091 : i32 to index
        %swap3A_1093 = arith.constant 32 : index
        %swap3A_1094 = tpu.vector_load %arg17[%swap3A_1092, %swap3A_1093] {strides = array<i32>} : memref<80x128xf32, #tpu.memory_space<vmem>>, vector<16xf32>,
        tpu.vector_store %arg17[%swap3A_1092, %swap3A_1093], %get3A_1064 {strides = array<i32>} : memref<80x128xf32, #tpu.memory_space<vmem>>, vector<16xf32>,
        %add3A_1095 = arith.constant 14 : i32
        %add3A_1096 = arith.addi %mul3A_132, %add3A_1095 : i32
        %swap3A_1097 = arith.index_cast %add3A_1096 : i32 to index
        %swap3A_1098 = arith.constant 48 : index
        %swap3A_1099 = tpu.vector_load %arg17[%swap3A_1097, %swap3A_1098] {strides = array<i32>} : memref<80x128xf32, #tpu.memory_space<vmem>>, vector<16xf32>,
        tpu.vector_store %arg17[%swap3A_1097, %swap3A_1098], %get3A_1067 {strides = array<i32>} : memref<80x128xf32, #tpu.memory_space<vmem>>, vector<16xf32>,
        %add3A_1100 = arith.constant 14 : i32
        %add3A_1101 = arith.addi %mul3A_132, %add3A_1100 : i32
        %swap3A_1102 = arith.index_cast %add3A_1101 : i32 to index
        %swap3A_1103 = arith.constant 64 : index
        %swap3A_1104 = tpu.vector_load %arg17[%swap3A_1102, %swap3A_1103] {strides = array<i32>} : memref<80x128xf32, #tpu.memory_space<vmem>>, vector<16xf32>,
        tpu.vector_store %arg17[%swap3A_1102, %swap3A_1103], %get3A_1070 {strides = array<i32>} : memref<80x128xf32, #tpu.memory_space<vmem>>, vector<16xf32>,
        %add3A_1105 = arith.constant 14 : i32
        %add3A_1106 = arith.addi %mul3A_132, %add3A_1105 : i32
        %swap3A_1107 = arith.index_cast %add3A_1106 : i32 to index
        %swap3A_1108 = arith.constant 80 : index
        %swap3A_1109 = tpu.vector_load %arg17[%swap3A_1107, %swap3A_1108] {strides = array<i32>} : memref<80x128xf32, #tpu.memory_space<vmem>>, vector<16xf32>,
        tpu.vector_store %arg17[%swap3A_1107, %swap3A_1108], %get3A_1073 {strides = array<i32>} : memref<80x128xf32, #tpu.memory_space<vmem>>, vector<16xf32>,
        %add3A_1110 = arith.constant 14 : i32
        %add3A_1111 = arith.addi %mul3A_132, %add3A_1110 : i32
        %swap3A_1112 = arith.index_cast %add3A_1111 : i32 to index
        %swap3A_1113 = arith.constant 96 : index
        %swap3A_1114 = tpu.vector_load %arg17[%swap3A_1112, %swap3A_1113] {strides = array<i32>} : memref<80x128xf32, #tpu.memory_space<vmem>>, vector<16xf32>,
        tpu.vector_store %arg17[%swap3A_1112, %swap3A_1113], %get3A_1076 {strides = array<i32>} : memref<80x128xf32, #tpu.memory_space<vmem>>, vector<16xf32>,
        %add3A_1115 = arith.constant 14 : i32
        %add3A_1116 = arith.addi %mul3A_132, %add3A_1115 : i32
        %swap3A_1117 = arith.index_cast %add3A_1116 : i32 to index
        %swap3A_1118 = arith.constant 112 : index
        %swap3A_1119 = tpu.vector_load %arg17[%swap3A_1117, %swap3A_1118] {strides = array<i32>} : memref<80x128xf32, #tpu.memory_space<vmem>>, vector<16xf32>,
        tpu.vector_store %arg17[%swap3A_1117, %swap3A_1118], %get3A_1079 {strides = array<i32>} : memref<80x128xf32, #tpu.memory_space<vmem>>, vector<16xf32>,
        %slice3A_1120 = vector.extract_strided_slice %add3A_130 {offsets = [15], sizes = [1], strides = [1]} : vector<16xi32> to vector<1xi32>
        %squeeze3A_1121 = vector.extract %slice3A_1120[0] : i32 from vector<1xi32>
        %get3A_1122 = arith.index_cast %squeeze3A_1121 : i32 to index
        %get3A_1123 = arith.constant 0 : index
        %get3A_1124 = tpu.vector_load %arg16[%get3A_1122, %get3A_1123] {strides = array<i32>} : memref<216x128xf32, #tpu.memory_space<vmem>>, vector<16xf32>,
        %get3A_1125 = arith.index_cast %squeeze3A_1121 : i32 to index
        %get3A_1126 = arith.constant 16 : index
        %get3A_1127 = tpu.vector_load %arg16[%get3A_1125, %get3A_1126] {strides = array<i32>} : memref<216x128xf32, #tpu.memory_space<vmem>>, vector<16xf32>,
        %get3A_1128 = arith.index_cast %squeeze3A_1121 : i32 to index
        %get3A_1129 = arith.constant 32 : index
        %get3A_1130 = tpu.vector_load %arg16[%get3A_1128, %get3A_1129] {strides = array<i32>} : memref<216x128xf32, #tpu.memory_space<vmem>>, vector<16xf32>,
        %get3A_1131 = arith.index_cast %squeeze3A_1121 : i32 to index
        %get3A_1132 = arith.constant 48 : index
        %get3A_1133 = tpu.vector_load %arg16[%get3A_1131, %get3A_1132] {strides = array<i32>} : memref<216x128xf32, #tpu.memory_space<vmem>>, vector<16xf32>,
        %get3A_1134 = arith.index_cast %squeeze3A_1121 : i32 to index
        %get3A_1135 = arith.constant 64 : index
        %get3A_1136 = tpu.vector_load %arg16[%get3A_1134, %get3A_1135] {strides = array<i32>} : memref<216x128xf32, #tpu.memory_space<vmem>>, vector<16xf32>,
        %get3A_1137 = arith.index_cast %squeeze3A_1121 : i32 to index
        %get3A_1138 = arith.constant 80 : index
        %get3A_1139 = tpu.vector_load %arg16[%get3A_1137, %get3A_1138] {strides = array<i32>} : memref<216x128xf32, #tpu.memory_space<vmem>>, vector<16xf32>,
        %get3A_1140 = arith.index_cast %squeeze3A_1121 : i32 to index
        %get3A_1141 = arith.constant 96 : index
        %get3A_1142 = tpu.vector_load %arg16[%get3A_1140, %get3A_1141] {strides = array<i32>} : memref<216x128xf32, #tpu.memory_space<vmem>>, vector<16xf32>,
        %get3A_1143 = arith.index_cast %squeeze3A_1121 : i32 to index
        %get3A_1144 = arith.constant 112 : index
        %get3A_1145 = tpu.vector_load %arg16[%get3A_1143, %get3A_1144] {strides = array<i32>} : memref<216x128xf32, #tpu.memory_space<vmem>>, vector<16xf32>,
        %add3A_1146 = arith.constant 15 : i32
        %add3A_1147 = arith.addi %mul3A_132, %add3A_1146 : i32
        %swap3A_1148 = arith.index_cast %add3A_1147 : i32 to index
        %swap3A_1149 = arith.constant 0 : index
        %swap3A_1150 = tpu.vector_load %arg17[%swap3A_1148, %swap3A_1149] {strides = array<i32>} : memref<80x128xf32, #tpu.memory_space<vmem>>, vector<16xf32>,
        tpu.vector_store %arg17[%swap3A_1148, %swap3A_1149], %get3A_1124 {strides = array<i32>} : memref<80x128xf32, #tpu.memory_space<vmem>>, vector<16xf32>,
        %add3A_1151 = arith.constant 15 : i32
        %add3A_1152 = arith.addi %mul3A_132, %add3A_1151 : i32
        %swap3A_1153 = arith.index_cast %add3A_1152 : i32 to index
        %swap3A_1154 = arith.constant 16 : index
        %swap3A_1155 = tpu.vector_load %arg17[%swap3A_1153, %swap3A_1154] {strides = array<i32>} : memref<80x128xf32, #tpu.memory_space<vmem>>, vector<16xf32>,
        tpu.vector_store %arg17[%swap3A_1153, %swap3A_1154], %get3A_1127 {strides = array<i32>} : memref<80x128xf32, #tpu.memory_space<vmem>>, vector<16xf32>,
        %add3A_1156 = arith.constant 15 : i32
        %add3A_1157 = arith.addi %mul3A_132, %add3A_1156 : i32
        %swap3A_1158 = arith.index_cast %add3A_1157 : i32 to index
        %swap3A_1159 = arith.constant 32 : index
        %swap3A_1160 = tpu.vector_load %arg17[%swap3A_1158, %swap3A_1159] {strides = array<i32>} : memref<80x128xf32, #tpu.memory_space<vmem>>, vector<16xf32>,
        tpu.vector_store %arg17[%swap3A_1158, %swap3A_1159], %get3A_1130 {strides = array<i32>} : memref<80x128xf32, #tpu.memory_space<vmem>>, vector<16xf32>,
        %add3A_1161 = arith.constant 15 : i32
        %add3A_1162 = arith.addi %mul3A_132, %add3A_1161 : i32
        %swap3A_1163 = arith.index_cast %add3A_1162 : i32 to index
        %swap3A_1164 = arith.constant 48 : index
        %swap3A_1165 = tpu.vector_load %arg17[%swap3A_1163, %swap3A_1164] {strides = array<i32>} : memref<80x128xf32, #tpu.memory_space<vmem>>, vector<16xf32>,
        tpu.vector_store %arg17[%swap3A_1163, %swap3A_1164], %get3A_1133 {strides = array<i32>} : memref<80x128xf32, #tpu.memory_space<vmem>>, vector<16xf32>,
        %add3A_1166 = arith.constant 15 : i32
        %add3A_1167 = arith.addi %mul3A_132, %add3A_1166 : i32
        %swap3A_1168 = arith.index_cast %add3A_1167 : i32 to index
        %swap3A_1169 = arith.constant 64 : index
        %swap3A_1170 = tpu.vector_load %arg17[%swap3A_1168, %swap3A_1169] {strides = array<i32>} : memref<80x128xf32, #tpu.memory_space<vmem>>, vector<16xf32>,
        tpu.vector_store %arg17[%swap3A_1168, %swap3A_1169], %get3A_1136 {strides = array<i32>} : memref<80x128xf32, #tpu.memory_space<vmem>>, vector<16xf32>,
        %add3A_1171 = arith.constant 15 : i32
        %add3A_1172 = arith.addi %mul3A_132, %add3A_1171 : i32
        %swap3A_1173 = arith.index_cast %add3A_1172 : i32 to index
        %swap3A_1174 = arith.constant 80 : index
        %swap3A_1175 = tpu.vector_load %arg17[%swap3A_1173, %swap3A_1174] {strides = array<i32>} : memref<80x128xf32, #tpu.memory_space<vmem>>, vector<16xf32>,
        tpu.vector_store %arg17[%swap3A_1173, %swap3A_1174], %get3A_1139 {strides = array<i32>} : memref<80x128xf32, #tpu.memory_space<vmem>>, vector<16xf32>,
        %add3A_1176 = arith.constant 15 : i32
        %add3A_1177 = arith.addi %mul3A_132, %add3A_1176 : i32
        %swap3A_1178 = arith.index_cast %add3A_1177 : i32 to index
        %swap3A_1179 = arith.constant 96 : index
        %swap3A_1180 = tpu.vector_load %arg17[%swap3A_1178, %swap3A_1179] {strides = array<i32>} : memref<80x128xf32, #tpu.memory_space<vmem>>, vector<16xf32>,
        tpu.vector_store %arg17[%swap3A_1178, %swap3A_1179], %get3A_1142 {strides = array<i32>} : memref<80x128xf32, #tpu.memory_space<vmem>>, vector<16xf32>,
        %add3A_1181 = arith.constant 15 : i32
        %add3A_1182 = arith.addi %mul3A_132, %add3A_1181 : i32
        %swap3A_1183 = arith.index_cast %add3A_1182 : i32 to index
        %swap3A_1184 = arith.constant 112 : index
        %swap3A_1185 = tpu.vector_load %arg17[%swap3A_1183, %swap3A_1184] {strides = array<i32>} : memref<80x128xf32, #tpu.memory_space<vmem>>, vector<16xf32>,
        tpu.vector_store %arg17[%swap3A_1183, %swap3A_1184], %get3A_1145 {strides = array<i32>} : memref<80x128xf32, #tpu.memory_space<vmem>>, vector<16xf32>,
        %scan3A_1186 = arith.constant 0 : i32
        scf.yield %scan3A_1186 : i32
      }
      %scan3A_102 = arith.constant 5 : i32
      %mul3A_103 = arith.constant 80 : i32
      %mul3A_104 = arith.muli %add3A_73, %mul3A_103 : i32
      %add3A_105 = arith.addi %mul3A_2, %mul3A_104 : i32
      %dma_start3A_106 = arith.constant 0 : i32
      %dma_start3A_107 = tpu.memref_slice %arg8[%add3A_105, %dma_start3A_106] : memref<320000x128xf32, #tpu.memory_space<hbm>> -> memref<80x128xf32, #tpu.memory_space<hbm>>
      %dma_start3A_108 = arith.constant 0 : i32
      %dma_start3A_109 = tpu.memref_slice %arg8[%add3A_105, %dma_start3A_108] : memref<320000x128xf32, #tpu.memory_space<hbm>> -> memref<80x128xf32, #tpu.memory_space<hbm>>
      tpu.enqueue_dma source(%arg17 : memref<80x128xf32, #tpu.memory_space<vmem>>) target(%dma_start3A_109 : memref<80x128xf32, #tpu.memory_space<hbm>>) target_semaphore(%arg22 : memref<!tpu.dma_semaphore, #tpu.memory_space<semaphore_mem>>)
      %scan3A_110 = arith.constant 0 : i32
      scf.yield %scan3A_110 : i32
    }
    %scan3A_51 = arith.constant 62 : i32
    %dma_wait3A_52 = arith.constant 0 : i32
    %dma_wait3A_53 = arith.constant 0 : i32
    %dma_wait3A_54 = tpu.memref_slice %arg8[%dma_wait3A_52, %dma_wait3A_53] : memref<320000x128xf32, #tpu.memory_space<hbm>> -> memref<80x128xf32, #tpu.memory_space<hbm>>
    %dma_wait3A_55 = arith.constant 0 : i32
    %dma_wait3A_56 = arith.constant 0 : i32
    %dma_wait3A_57 = tpu.memref_slice %arg8[%dma_wait3A_55, %dma_wait3A_56] : memref<320000x128xf32, #tpu.memory_space<hbm>> -> memref<80x128xf32, #tpu.memory_space<hbm>>
    tpu.wait_dma2 semaphore(%arg23 : memref<!tpu.dma_semaphore, #tpu.memory_space<semaphore_mem>>) src(%arg18 : memref<80x128xf32, #tpu.memory_space<vmem>>) dst(%dma_wait3A_57 : memref<80x128xf32, #tpu.memory_space<hbm>>)
    %dma_wait3A_58 = arith.constant 0 : i32
    %dma_wait3A_59 = arith.constant 0 : i32
    %dma_wait3A_60 = tpu.memref_slice %arg8[%dma_wait3A_58, %dma_wait3A_59] : memref<320000x128xf32, #tpu.memory_space<hbm>> -> memref<80x128xf32, #tpu.memory_space<hbm>>
    %dma_wait3A_61 = arith.constant 0 : i32
    %dma_wait3A_62 = arith.constant 0 : i32
    %dma_wait3A_63 = tpu.memref_slice %arg8[%dma_wait3A_61, %dma_wait3A_62] : memref<320000x128xf32, #tpu.memory_space<hbm>> -> memref<80x128xf32, #tpu.memory_space<hbm>>
    tpu.wait_dma2 semaphore(%arg22 : memref<!tpu.dma_semaphore, #tpu.memory_space<semaphore_mem>>) src(%arg17 : memref<80x128xf32, #tpu.memory_space<vmem>>) dst(%dma_wait3A_63 : memref<80x128xf32, #tpu.memory_space<hbm>>)
    return
  }
}

</mosaic_0001>

<sc_bundles>
// kernel: kernel.3.cloned.1.call-start
scs
__scs_entry_jumppad:
0x0: {  	(pc) =	sbr.rel $0x88, $3  }
0x1: {  	(tag) =	ssettag $0x0;
	lr =	simm.s32 $0x1  }
0x2: {  	[smem:$0x3F9D] =	sst lr;
	_ =	strace $0xD0000000  }
0x3: {  	_ = 	snop  }
0x4: {  	_ = 	snop  }
0x5: {  	_ = 	snop  }
0x6: {  	_ = 	snop  }
0x7: {  	_ = 	snop  }
__scs_overlays_trampoline_lowered:
0x8: {  	[smem:$0x3FAC] =	sst s0  }
0x9: {  	[smem:$0x3FAD] =	sst s1  }
0xa: {  	[smem:$0x3FAE] =	sst s2  }
0xb: {  	[smem:$0x3FAF] =	sst s3  }
0xc: {  	[smem:$0x3FB0] =	sst s4  }
0xd: {  	[smem:$0x3FB1] =	sst s5  }
0xe: {  	[smem:$0x3FB2] =	sst s6  }
0xf: {  	[smem:$0x3FB3] =	sst s7  }
0x10: {  	[smem:$0x3FB4] =	sst s8  }
0x11: {  	[smem:$0x3FB5] =	sst s9;
	s0 =	simm.s32 @!p0 $0x0  }
0x12: {  	s1 =	sld [smem:$0x3F9B];
	s0 =	simm.s32 @p0 $0x1  }
0x13: {  	[smem:$0x3FB6] =	sst s0;
	s0 =	simm.s32 @!p1 $0x0  }
0x14: {  	s2 =	sld [smem:$0x3F9A];
	s0 =	simm.s32 @p1 $0x1  }
0x15: {  	[smem:$0x3FB7] =	sst s0;
	s0 =	simm.s32 @!p2 $0x0  }
0x16: {  	s3 =	sld [smem:$0x3FDB];
	s0 =	simm.s32 @p2 $0x1  }
0x17: {  	s4 =	simm.s32 $0x1BF5;
	[smem:$0x3FB9] =	sst s0  }
0x18: {  	s0 =	sld [smem:$0x3F9C];
	_ =	swait.ge [sflag:s4], $0x0  }
0x19: {  	s7 =	sld [smem:$0x3F9D]  }
0x1a: {  	s8 =	sadd.s32 $0xFFFFE003, lr  }
0x1b: {  	s9 =	sadd.s32 $0xFFFFFEF7, lr;
	s5 =	simm.s32 $0xFFFFFFFF;
	p2 =	slt.u32 s8, $0xFFFFF086  }
0x1c: {  	p1 =	slt.u32 s9, $0xF7A;
	s5 =	simm.s32 @!p2 $0x0  }
0x1d: {  	s5 =	simm.s32 @p1 $0x1;
	p0 =	seq.s32 s7, s2  }
0x1e: {  	s7 =	smul.u32 @!p0 $0xF7A, s2;
	p2 =	seq.s32 @!p0 s5, $0x0  }
0x1f: {  	s9 =	smul.u32 $0xF7A, s1;
	s8 =	simm.s32 @!p0 $0x1BF5;
	p2 =	por !p2, p0  }
0x20: {  	[sflag:s8] =	ssyncset.s32 @!p0 $0xFFFFF086;
	s6 =	sadd.s32 @!p0 s3, s7;
	s7 =	simm.s32 @!p0 $0x108  }
0x21: {  	s3 =	sadd.s32 s3, s9;
	s6 =	sadd.s32 @!p0 $0x88, s6;
	s7 =	simm.s32 @p2 $0x1082  }
0x22: {  	[simem:s7], [sflag:s8] =	dma.local @!p0 [hbm:s6], $0xF7A  }
0x23: {  	s9 =	sor.u32 $0xD0000000, s2;
	s6 =	simm.s32 $0x108;
	_ =	swait.ge @!p0 [sflag:s8], $0x0  }
0x24: {  	s3 =	sadd.s32 $0x88, s3;
	s6 =	simm.s32 @!p1 $0x1082;
	[sflag:s4] =	ssyncset.s32 $0xFFFFF086  }
0x25: {  	[simem:s6], [sflag:s4] =	dma.local [hbm:s3], $0xF7A  }
0x26: {  	[smem:$0x3F9D] =	sst s1;
	(tag) =	ssettag s2;
	_ =	strace s9  }
0x27: {  	s1 =	sld [smem:$0x3FAD]  }
0x28: {  	s2 =	sld [smem:$0x3FAE]  }
0x29: {  	s4 =	sld [smem:$0x3FB0]  }
0x2a: {  	p0 =	seq.s32 s5, $0x0;
	s5 =	sld [smem:$0x3FB1]  }
0x2b: {  	s6 =	sld [smem:$0x3FB2]  }
0x2c: {  	s7 =	sld [smem:$0x3FB3]  }
0x2d: {  	s3 =	simm.s32 $0x108;
	s8 =	sld [smem:$0x3FB4]  }
0x2e: {  	s3 =	simm.s32 @!p0 $0x1082;
	s9 =	sld [smem:$0x3FB5]  }
0x2f: {  	lr =	sadd.s32 s0, s3;
	s0 =	sld [smem:$0x3FAC]  }
0x30: {  	s3 =	sld [smem:$0x3FAF]  }
0x31: {  	[smem:$0x3FB8] =	sst s10  }
0x32: {  	s10 =	sld [smem:$0x3FB6];
	_ =	sdelay $0x3  }
0x33: {  	p0 =	seq.s32 s10, $0x1;
	s10 =	sld [smem:$0x3FB8];
	_ =	sdelay $0x3  }
0x34: {  	[smem:$0x3FB8] =	sst s10  }
0x35: {  	s10 =	sld [smem:$0x3FB7];
	_ =	sdelay $0x3  }
0x36: {  	p1 =	seq.s32 s10, $0x1;
	s10 =	sld [smem:$0x3FB8];
	_ =	sdelay $0x3  }
0x37: {  	[smem:$0x3FB8] =	sst s10  }
0x38: {  	s10 =	sld [smem:$0x3FB9]  }
0x39: {  	_ = 	snop;
	(pc) =	sbr.ind lr, $3  }
0x3a: {  	_ = 	snop  }
0x3b: {  	_ = 	snop  }
0x3c: {  	p2 =	seq.s32 s10, $0x1;
	s10 =	sld [smem:$0x3FB8]  }
0x3d: {  	_ =	shalt  }
0x3e: {  	_ =	shalt  }
0x3f: {  	_ =	shalt  }
0x40: {  	_ =	shalt  }
0x41: {  	_ =	shalt  }
0x42: {  	_ =	shalt  }
0x43: {  	_ =	shalt  }
0x44: {  	_ =	shalt  }
0x45: {  	_ =	shalt  }
0x46: {  	_ =	shalt  }
0x47: {  	_ =	shalt  }
0x48: {  	_ =	shalt  }
0x49: {  	_ =	shalt  }
0x4a: {  	_ =	shalt  }
0x4b: {  	_ =	shalt  }
0x4c: {  	_ =	shalt  }
0x4d: {  	_ =	shalt  }
0x4e: {  	_ =	shalt  }
0x4f: {  	_ =	shalt  }
0x50: {  	_ =	shalt  }
0x51: {  	_ =	shalt  }
0x52: {  	_ =	shalt  }
0x53: {  	_ =	shalt  }
0x54: {  	_ =	shalt  }
0x55: {  	_ =	shalt  }
0x56: {  	_ =	shalt  }
0x57: {  	_ =	shalt  }
0x58: {  	_ =	shalt  }
0x59: {  	_ =	shalt  }
0x5a: {  	_ =	shalt  }
0x5b: {  	_ =	shalt  }
0x5c: {  	_ =	shalt  }
0x5d: {  	_ =	shalt  }
0x5e: {  	_ =	shalt  }
0x5f: {  	_ =	shalt  }
0x60: {  	_ =	shalt  }
0x61: {  	_ =	shalt  }
0x62: {  	_ =	shalt  }
0x63: {  	_ =	shalt  }
0x64: {  	_ =	shalt  }
0x65: {  	_ =	shalt  }
0x66: {  	_ =	shalt  }
0x67: {  	_ =	shalt  }
0x68: {  	_ =	shalt  }
0x69: {  	_ =	shalt  }
0x6a: {  	_ =	shalt  }
0x6b: {  	_ =	shalt  }
0x6c: {  	_ =	shalt  }
0x6d: {  	_ =	shalt  }
0x6e: {  	_ =	shalt  }
0x6f: {  	_ =	shalt  }
0x70: {  	_ =	shalt  }
0x71: {  	_ =	shalt  }
0x72: {  	_ =	shalt  }
0x73: {  	_ =	shalt  }
0x74: {  	_ =	shalt  }
0x75: {  	_ =	shalt  }
0x76: {  	_ =	shalt  }
0x77: {  	_ =	shalt  }
0x78: {  	_ =	shalt  }
0x79: {  	_ =	shalt  }
0x7a: {  	_ =	shalt  }
0x7b: {  	_ =	shalt  }
0x7c: {  	_ =	shalt  }
0x7d: {  	_ =	shalt  }
0x7e: {  	_ =	shalt  }
0x7f: {  	_ =	shalt  }
0x80: {  	_ =	shalt  }
0x81: {  	_ =	shalt  }
0x82: {  	_ =	shalt  }
0x83: {  	_ =	shalt  }
0x84: {  	_ =	shalt  }
0x85: {  	_ =	shalt  }
0x86: {  	_ =	shalt  }
0x87: {  	_ =	shalt  }
.Lfunc_end0:
.L_simem_size_0:
called_computation_lowered:
.L_overlay_start_0:
0x88: {  	s2 =	sld [smem:$0x3FD9]  }
0x89: {  	s3 =	sld [smem:$0x3FFE];
	_ =	sdelay $0x1  }
0x8a: {  	s1 =	srdreg.scid  }
0x8b: {  	s0 =	sand.u32 $0x1, s1  }
0x8c: {  	s17 =	sshll.u32 s0, $0xA;
	s2 =	sadd.s32 s3, s2  }
0x8d: {  	s2 =	sadd.s32 s2, s17  }
0x8e: {  	[smem:$0x3FC4] =	sst s2  }
0x8f: {  	_ = 	snop  }
0x90: {  	s2 =	sld [smem:$0x3FC8]  }
0x91: {  	s18 =	sld [smem:$0x3FC7]  }
0x92: {  	s4 =	sld [smem:$0x3FC6]  }
0x93: {  	s5 =	sld [smem:$0x3FD0];
	(tm) =	ssettm $0x1  }
0x94: {  	s6 =	sld [smem:$0x3FFB];
	_ =	sdelay $0x3  }
0x95: {  	_ =	strace s6  }
0x96: {  	s6 =	sld [smem:$0x3FFC];
	_ =	sdelay $0x3  }
0x97: {  	_ =	strace s6  }
0x98: {  	s6 =	sld [smem:$0x3FFD];
	_ =	sdelay $0x3  }
0x99: {  	_ =	strace s6  }
0x9a: {  	_ =	strace $0x8FFFFFFF  }
0x9b: {  	s19 =	sld [smem:$0x3FDB];
	_ =	sdelay $0x1  }
0x9c: {  	s7 =	simm.s32 $_scs_section_size  }
0x9d: {  	s8 =	simm.s32 $_size__tile_overlayer_lowered;
	s9 =	simm.s32 $_tile_overlayer_lowered  }
0x9e: {  	s22 =	simm.s32 $0x1BFF;
	s21 =	sshll.u32 s9, $0x1;
	s6 =	sadd.s32 s7, s19  }
0x9f: {  	s10 =	simm.s32 $0x0;
	s20 =	sshll.u32 s8, $0x1;
	s8 =	sadd.s32 s21, s6  }
0xa0: {  	[timem:s10], [sflag:s22] =	dma.local [hbm:s8], s20  }
0xa1: {  	_ =	swait.ge [sflag:s22], s20  }
0xa2: {  	s7 =	ssub.s32 $0x0, s20;
	[sflag:s22] =	ssyncset.done $0x0  }
0xa3: {  	[sflag:s22] =	ssyncadd.s32 s7;
	_ =	sdelay $0x1  }
0xa4: {  	s23 =	simm.s32 $0x1B8B  }
0xa5: {  	_ =	swait.ge [sflag:s23], $0x1  }
0xa6: {  	[sflag:s23] =	ssyncset.done $0x0  }
0xa7: {  	s25 =	simm.s32 $0x1B8E;
	s24 =	sld [smem:$0x3FFE];
	[sflag:s23] =	ssyncadd.s32 $0xFFFFFFFF  }
0xa8: {  	s26 =	simm.s32 $execute0_lowered;
	[smem:$0x3FD2] =	sst s25  }
0xa9: {  	s8 =	sshll.u32 s26, $0x1;
	_ =	strace $0x80000046;
	[dreg:$0x1] =	wrdreg $0xFFFFFFFF  }
0xaa: {  	s28 =	simm.s32 $_size_execute0_lowered;
	s6 =	sadd.s32 s6, s8;
	[dreg:$0x0] =	wrdreg $0x0  }
0xab: {  	s8 =	sshll.u32 s28, $0x1;
	[dreg:$0x2] =	wrdreg s6  }
0xac: {  	[dreg:$0x3] =	wrdreg s8  }
0xad: {  	[dreg:$0x4] =	wrdreg $0xC0  }
0xae: {  	_ =	task [dreg:s10], $0x5FFFF  }
0xaf: {  	[dreg:$0x1] =	wrdreg $0xFFFFFFFF  }
0xb0: {  	[dreg:$0x0] =	wrdreg $0x60  }
0xb1: {  	[dreg:$0x2] =	wrdreg s24  }
0xb2: {  	[dreg:$0x3] =	wrdreg s2  }
0xb3: {  	[dreg:$0x4] =	wrdreg s18  }
0xb4: {  	[dreg:$0x5] =	wrdreg s4  }
0xb5: {  	[dreg:$0x6] =	wrdreg s5  }
0xb6: {  	[dreg:$0x7] =	wrdreg $0x9  }
0xb7: {  	_ =	task.clear_ibuf [dreg:s10], $0x8FFFF;
	_ =	strace $0x90000046  }
0xb8: {  	s29 =	simm.s32 $0x9;
	_ =	strace $0x80000048  }
0xb9: {  	_ =	swait.ge [sflag:s29], $0x1  }
0xba: {  	[sflag:s29] =	ssyncadd.s32 $0xFFFFFFFF  }
0xbb: {  	_ =	strace $0x90000048  }
0xbc: {  	_ =	sfence  }
0xbd: {  	s30 =	sld [smem:$0x0];
	_ =	sdelay $0x2  }
0xbe: {  	s31 =	sshll.u32 s1, $0xD;
	s1 =	sshrl.u32 s1, $0x2  }
0xbf: {  	s3 =	sand.u32 $0x4000, s31;
	s1 =	sadd.s32 s1, s30  }
0xc0: {  	s0 =	sor.u32 s3, s0;
	s1 =	sshll.u32 s1, $0x11  }
0xc1: {  	s0 =	sor.u32 s1, s0  }
0xc2: {  	s0 =	sadd.s32 $0x8F2B, s0  }
0xc3: {  	[sflag:s0] =	ssyncadd.remote.s32 $0x1  }
0xc4: {  	_ =	sfence.sel $0xFFFF  }
0xc5: {  	[dreg:$0x0] =	wrdreg $0xFFFFFFFF;
	(pc) =	sbr.abs _section_cstart, $3  }
0xc6: {  	[dreg:$0x1] =	wrdreg $0xFFFFFFFF  }
0xc7: {  	_ =	task.clear_ibuf [dreg:s10], $0x2FFFF;
	_ =	strace $0x9FFFFFFF  }
0xc8: {  	(tm) =	ssettm $0x7FFFFFFF  }
0xc9: {  	_ =	shalt  }
tec
execute0_lowered:
.L_overlay_start_1:
0x0: {  	(tag) =	ssettag $0x1  }
0x1: {  	s0 =	rddreg [dreg:$0x0];
	s1 =	srdreg.scid  }
0x2: {  	s2 =	stileid.u32;
	s5 =	rddreg [dreg:$0x4];
	s6 =	simm.s32 $0x0  }
0x3: {  	s16 =	simm.s32 $0x6;
	s17 =	simm.s32 $0x7A80;
	s18 =	simm.s32 $0x7E80  }
0x4: {  	s19 =	simm.s32 $0x1;
	s20 =	simm.s32 $0x2;
	s21 =	simm.s32 $0x3  }
0x5: {  	s22 =	simm.s32 $0x10280;
	s1 =	sand.u32 $0x1, s1;
	s2 =	sshll.u32 s2, $0x1  }
0x6: {  	s23 =	simm.s32 $0x12A80;
	s24 =	simm.s32 $0x4;
	s2 =	sor.u32 s1, s2  }
0x7: {  	s25 =	simm.s32 $0x5;
	s26 =	simm.s32 $0x0;
	s7 =	smul.u32 $0x2710, s2  }
0x8: {  	[smem:$0x7FF] =	sst s6;
	s1 =	ssub.s32 $0x2, s1;
	s2 =	smul.u32 $0x27100, s2  }
0x9: {  	_ =	strace $0x80000047;
	s3 =	sshrl.u32 s1, $0x1;
	s4 =	sshrl.u32 s7, $0x3  }
0xa: {  	s1 =	ssub.s32 s1, s3;
	s11 =	sadd.s32 s5, s2;
	s8 =	sadd.s32 s0, s4  }
0xb: {  	s12 =	smax.u32 s1, $0x1;
	s9 =	sadd.s32 $0x13C00, s8;
	s10 =	sadd.s32 $0x9E00, s8  }
.LBB2_1:
0xc: {  	[tilespmem:s6], [sflag:$0x1] =	stream.linear.gather [hbm4b:s9+s6], $0x2710, $0x38;
	[tilespmem:$0x15280] =	vst v63  }
0xd: {  	s0 =	simm.s32 $0x2780  }
0xe: {  	[tilespmem:s0], [sflag:$0x2] =	stream.linear.gather [hbm4b:s10+s6], $0x2710, $0x38;
	[tilespmem:$0x15280] =	vst v63  }
0xf: {  	s14 =	simm.s32 $0x4F00  }
0x10: {  	[tilespmem:s14], [sflag:$0x3] =	stream.linear.gather [hbm4b:s8+s6], $0x2710, $0x38;
	[tilespmem:$0x15280] =	vst v63  }
0x11: {  	s15 =	rddreg [dreg:$0x1];
	s1 =	simm.s32 $0x7680  }
0x12: {  	[tilespmem:s1], [sflag:$0x6] =	stream.linear.gather [hbm4b:s15+s6], $0x300, $0x38;
	[tilespmem:$0x15280] =	vst v63  }
0x13: {  	_ =	swait.ge [sflag:s16], $0x300  }
0x14: {  	[sflag:s16] =	ssyncset.done $0x0  }
0x15: {  	[sflag:s16] =	ssyncadd.s32 $0xFFFFFD00  }
0x16: {  	s29 =	smul.u32 $0xAB, s6;
	s28 =	rddreg [dreg:$0x2]  }
0x17: {  	[tilespmem:s17], [sflag:$0x6] =	stream.linear.gather [hbm4b:s28+s6], $0x300, $0x38;
	[tilespmem:$0x15280] =	vst v63  }
0x18: {  	_ =	swait.ge [sflag:s16], $0x300  }
0x19: {  	s31 =	sshrl.u32 s29, $0xA;
	[sflag:s16] =	ssyncset.done $0x0  }
0x1a: {  	s1 =	sand.u32 $0x3F, s31;
	[sflag:s16] =	ssyncadd.s32 $0xFFFFFD00  }
0x1b: {  	s1 =	smul.u32 $0x6, s1;
	s30 =	rddreg [dreg:$0x3]  }
0x1c: {  	[tilespmem:s18], [sflag:$0x6] =	stream.linear.gather [hbm4b:s30+s6], $0x300, $0x38;
	[tilespmem:$0x15280] =	vst v63  }
0x1d: {  	_ =	swait.ge [sflag:s16], $0x300  }
0x1e: {  	s0 =	sshrl.u32 s29, $0x3;
	s1 =	ssub.s32 $0x0, s1;
	[sflag:s16] =	ssyncset.done $0x0  }
0x1f: {  	s2 =	sand.u32 $0x1F80, s0;
	s1 =	sand.u32 $0xFF, s1;
	[sflag:s16] =	ssyncadd.s32 $0xFFFFFD00  }
0x20: {  	s3 =	sshll.u32 s1, $0x7;
	v0 =	vld [tilespmem:s2+$0x7A80]  }
0x21: {  	v1 =	vld [tilespmem:s3+$0x7E80];
	_ =	sdelay $0x4  }
0x22: {  	v0 =	vadd.f32 v1, v0  }
0x23: {  	s0 =	simm.s32 $0x82C0  }
0x24: {  	[tilespmem:s0+$0xFFFFFFC0] =	vst v0  }
0x25: {  	v0 =	vld [tilespmem:s2+$0x7A90]  }
0x26: {  	v1 =	vld [tilespmem:s3+$0x7E90];
	_ =	sdelay $0x4  }
0x27: {  	v0 =	vadd.f32 v1, v0;
	_ =	sdelay $0x1  }
0x28: {  	[tilespmem:s0+$0xFFFFFFD0] =	vst v0  }
0x29: {  	v0 =	vld [tilespmem:s2+$0x7AA0]  }
0x2a: {  	v1 =	vld [tilespmem:s3+$0x7EA0];
	_ =	sdelay $0x4  }
0x2b: {  	v0 =	vadd.f32 v1, v0;
	_ =	sdelay $0x1  }
0x2c: {  	[tilespmem:s0+$0xFFFFFFE0] =	vst v0  }
0x2d: {  	v0 =	vld [tilespmem:s2+$0x7AB0]  }
0x2e: {  	v1 =	vld [tilespmem:s3+$0x7EB0];
	_ =	sdelay $0x4  }
0x2f: {  	v0 =	vadd.f32 v1, v0;
	_ =	sdelay $0x1  }
0x30: {  	[tilespmem:s0+$0xFFFFFFF0] =	vst v0  }
0x31: {  	v0 =	vld [tilespmem:s2+$0x7AC0]  }
0x32: {  	v1 =	vld [tilespmem:s3+$0x7EC0];
	_ =	sdelay $0x4  }
0x33: {  	v0 =	vadd.f32 v1, v0;
	_ =	sdelay $0x1  }
0x34: {  	[tilespmem:s0+$0x0] =	vst v0  }
0x35: {  	v0 =	vld [tilespmem:s2+$0x7AD0]  }
0x36: {  	v1 =	vld [tilespmem:s3+$0x7ED0];
	_ =	sdelay $0x4  }
0x37: {  	v0 =	vadd.f32 v1, v0;
	_ =	sdelay $0x1  }
0x38: {  	[tilespmem:s0+$0x10] =	vst v0  }
0x39: {  	v0 =	vld [tilespmem:s2+$0x7AE0]  }
0x3a: {  	v1 =	vld [tilespmem:s3+$0x7EE0];
	_ =	sdelay $0x4  }
0x3b: {  	v0 =	vadd.f32 v1, v0;
	_ =	sdelay $0x1  }
0x3c: {  	[tilespmem:s0+$0x20] =	vst v0  }
0x3d: {  	s13 =	simm.s32 $0x2;
	s1 =	simm.s32 $0x1;
	v0 =	vld [tilespmem:s2+$0x7AF0];
	s2 =	simm.s32 $0x82C0  }
.LBB2_2:
0x3e: {  	s14 =	smul.u32 $0xAB, s1  }
0x3f: {  	v1 =	vld [tilespmem:s3+$0x7EF0];
	s0 =	sadd.s32 $0x80, s0;
	s3 =	smov.u32 s13;
	s4 =	sadd.s32 $0x1, s13  }
0x40: {  	p0 =	sne.s32 s13, $0x23  }
0x41: {  	s13 =	sshrl.u32 s14, $0xA;
	s14 =	sshrl.u32 s14, $0x3  }
0x42: {  	s13 =	sand.u32 $0x3F, s13  }
0x43: {  	s13 =	smul.u32 $0x6, s13  }
0x44: {  	v0 =	vadd.f32 v1, v0  }
0x45: {  	s13 =	ssub.s32 s1, s13;
	s1 =	smov.u32 s3  }
0x46: {  	s3 =	sand.u32 $0xFF, s13;
	s13 =	sand.u32 $0x1F80, s14;
	[tilespmem:s2+$0x30] =	vst v0;
	s2 =	smov.u32 s0  }
0x47: {  	v0 =	vld [tilespmem:s13+$0x7A80];
	s3 =	sshll.u32 s3, $0x7  }
0x48: {  	v1 =	vld [tilespmem:s3+$0x7E80];
	_ =	sdelay $0x4  }
0x49: {  	v0 =	vadd.f32 v1, v0;
	_ =	sdelay $0x1  }
0x4a: {  	[tilespmem:s0+$0xFFFFFFC0] =	vst v0  }
0x4b: {  	v0 =	vld [tilespmem:s13+$0x7A90]  }
0x4c: {  	v1 =	vld [tilespmem:s3+$0x7E90];
	_ =	sdelay $0x4  }
0x4d: {  	v0 =	vadd.f32 v1, v0;
	_ =	sdelay $0x1  }
0x4e: {  	[tilespmem:s0+$0xFFFFFFD0] =	vst v0  }
0x4f: {  	v0 =	vld [tilespmem:s13+$0x7AA0]  }
0x50: {  	v1 =	vld [tilespmem:s3+$0x7EA0];
	_ =	sdelay $0x4  }
0x51: {  	v0 =	vadd.f32 v1, v0;
	_ =	sdelay $0x1  }
0x52: {  	[tilespmem:s0+$0xFFFFFFE0] =	vst v0  }
0x53: {  	v0 =	vld [tilespmem:s13+$0x7AB0]  }
0x54: {  	v1 =	vld [tilespmem:s3+$0x7EB0];
	_ =	sdelay $0x4  }
0x55: {  	v0 =	vadd.f32 v1, v0;
	_ =	sdelay $0x1  }
0x56: {  	[tilespmem:s0+$0xFFFFFFF0] =	vst v0  }
0x57: {  	v0 =	vld [tilespmem:s13+$0x7AC0]  }
0x58: {  	v1 =	vld [tilespmem:s3+$0x7EC0];
	_ =	sdelay $0x4  }
0x59: {  	v0 =	vadd.f32 v1, v0;
	_ =	sdelay $0x1  }
0x5a: {  	[tilespmem:s0+$0x0] =	vst v0  }
0x5b: {  	v0 =	vld [tilespmem:s13+$0x7AD0]  }
0x5c: {  	v1 =	vld [tilespmem:s3+$0x7ED0];
	_ =	sdelay $0x4  }
0x5d: {  	v0 =	vadd.f32 v1, v0;
	_ =	sdelay $0x1  }
0x5e: {  	[tilespmem:s0+$0x10] =	vst v0  }
0x5f: {  	v0 =	vld [tilespmem:s13+$0x7AE0]  }
0x60: {  	v1 =	vld [tilespmem:s3+$0x7EE0];
	_ =	sdelay $0x3  }
.Ltmp0:
0x61: {  	(pc) =	sbr.rel @p0 .LBB2_2-.Ltmp0, $3  }
0x62: {  	v0 =	vadd.f32 v1, v0;
	_ =	sdelay $0x1  }
0x63: {  	[tilespmem:s0+$0x20] =	vst v0  }
0x64: {  	v0 =	vld [tilespmem:s13+$0x7AF0];
	s13 =	smov.u32 s4  }
0x65: {  	s4 =	smul.u32 $0xAB, s1;
	v1 =	vld [tilespmem:s3+$0x7EF0];
	_ =	sdelay $0x1  }
0x66: {  	s13 =	sshrl.u32 s4, $0xA  }
0x67: {  	s3 =	sand.u32 $0x3F, s13  }
0x68: {  	s3 =	smul.u32 $0x6, s3  }
0x69: {  	v0 =	vadd.f32 v1, v0  }
0x6a: {  	s4 =	sshrl.u32 s4, $0x3;
	s14 =	ssub.s32 s1, s3  }
0x6b: {  	s15 =	sand.u32 $0x1F80, s4;
	s1 =	sand.u32 $0xFF, s14;
	[tilespmem:s2+$0x30] =	vst v0  }
0x6c: {  	v0 =	vld [tilespmem:s15+$0x7A80];
	s1 =	sshll.u32 s1, $0x7  }
0x6d: {  	v1 =	vld [tilespmem:s1+$0x7E80];
	_ =	sdelay $0x4  }
0x6e: {  	v0 =	vadd.f32 v1, v0  }
0x6f: {  	s0 =	sadd.s32 $0x80, s0  }
0x70: {  	[tilespmem:s0+$0xFFFFFFC0] =	vst v0  }
0x71: {  	v0 =	vld [tilespmem:s15+$0x7A90]  }
0x72: {  	v1 =	vld [tilespmem:s1+$0x7E90];
	_ =	sdelay $0x4  }
0x73: {  	v0 =	vadd.f32 v1, v0;
	_ =	sdelay $0x1  }
0x74: {  	[tilespmem:s0+$0xFFFFFFD0] =	vst v0  }
0x75: {  	v0 =	vld [tilespmem:s15+$0x7AA0]  }
0x76: {  	v1 =	vld [tilespmem:s1+$0x7EA0];
	_ =	sdelay $0x4  }
0x77: {  	v0 =	vadd.f32 v1, v0;
	_ =	sdelay $0x1  }
0x78: {  	[tilespmem:s0+$0xFFFFFFE0] =	vst v0  }
0x79: {  	v0 =	vld [tilespmem:s15+$0x7AB0]  }
0x7a: {  	v1 =	vld [tilespmem:s1+$0x7EB0];
	_ =	sdelay $0x4  }
0x7b: {  	v0 =	vadd.f32 v1, v0;
	_ =	sdelay $0x1  }
0x7c: {  	[tilespmem:s0+$0xFFFFFFF0] =	vst v0  }
0x7d: {  	v0 =	vld [tilespmem:s15+$0x7AC0]  }
0x7e: {  	v1 =	vld [tilespmem:s1+$0x7EC0];
	_ =	sdelay $0x4  }
0x7f: {  	v0 =	vadd.f32 v1, v0;
	_ =	sdelay $0x1  }
0x80: {  	[tilespmem:s0+$0x0] =	vst v0  }
0x81: {  	v0 =	vld [tilespmem:s15+$0x7AD0]  }
0x82: {  	v1 =	vld [tilespmem:s1+$0x7ED0];
	_ =	sdelay $0x4  }
0x83: {  	v0 =	vadd.f32 v1, v0;
	_ =	sdelay $0x1  }
0x84: {  	[tilespmem:s0+$0x10] =	vst v0  }
0x85: {  	v0 =	vld [tilespmem:s15+$0x7AE0]  }
0x86: {  	v1 =	vld [tilespmem:s1+$0x7EE0];
	_ =	sdelay $0x4  }
0x87: {  	v0 =	vadd.f32 v1, v0;
	_ =	sdelay $0x1  }
0x88: {  	[tilespmem:s0+$0x20] =	vst v0  }
0x89: {  	s28 =	simm.s32 $0x0;
	v0 =	vld [tilespmem:s15+$0x7AF0]  }
0x8a: {  	s29 =	smul.u32 $0x39, s28;
	v1 =	vld [tilespmem:s1+$0x7EF0];
	_ =	sdelay $0x1  }
0x8b: {  	s2 =	sshrl.u32 s29, $0xB  }
0x8c: {  	s2 =	sand.u32 $0x1F, s2  }
0x8d: {  	s2 =	smul.u32 $0x24, s2  }
0x8e: {  	v0 =	vadd.f32 v1, v0  }
0x8f: {  	s2 =	ssub.s32 $0x0, s2;
	s1 =	sshrl.u32 s29, $0x4  }
0x90: {  	s30 =	sand.u32 $0xFF, s2;
	s31 =	sand.u32 $0xF80, s1;
	[tilespmem:s0+$0x30] =	vst v0  }
0x91: {  	s3 =	sshll.u32 s30, $0x7;
	v0 =	vld [tilespmem:s31+$0x7680]  }
0x92: {  	v1 =	vld [tilespmem:s3+$0x8280];
	_ =	sdelay $0x4  }
0x93: {  	v0 =	vadd.f32 v1, v0  }
0x94: {  	s0 =	simm.s32 $0x96C0  }
0x95: {  	[tilespmem:s0+$0xFFFFFFC0] =	vst v0  }
0x96: {  	v0 =	vld [tilespmem:s31+$0x7690]  }
0x97: {  	v1 =	vld [tilespmem:s3+$0x8290];
	_ =	sdelay $0x4  }
0x98: {  	v0 =	vadd.f32 v1, v0;
	_ =	sdelay $0x1  }
0x99: {  	[tilespmem:s0+$0xFFFFFFD0] =	vst v0  }
0x9a: {  	v0 =	vld [tilespmem:s31+$0x76A0]  }
0x9b: {  	v1 =	vld [tilespmem:s3+$0x82A0];
	_ =	sdelay $0x4  }
0x9c: {  	v0 =	vadd.f32 v1, v0;
	_ =	sdelay $0x1  }
0x9d: {  	[tilespmem:s0+$0xFFFFFFE0] =	vst v0  }
0x9e: {  	v0 =	vld [tilespmem:s31+$0x76B0]  }
0x9f: {  	v1 =	vld [tilespmem:s3+$0x82B0];
	_ =	sdelay $0x4  }
0xa0: {  	v0 =	vadd.f32 v1, v0;
	_ =	sdelay $0x1  }
0xa1: {  	[tilespmem:s0+$0xFFFFFFF0] =	vst v0  }
0xa2: {  	v0 =	vld [tilespmem:s31+$0x76C0]  }
0xa3: {  	v1 =	vld [tilespmem:s3+$0x82C0];
	_ =	sdelay $0x4  }
0xa4: {  	v0 =	vadd.f32 v1, v0;
	_ =	sdelay $0x1  }
0xa5: {  	[tilespmem:s0+$0x0] =	vst v0  }
0xa6: {  	v0 =	vld [tilespmem:s31+$0x76D0]  }
0xa7: {  	v1 =	vld [tilespmem:s3+$0x82D0];
	_ =	sdelay $0x4  }
0xa8: {  	v0 =	vadd.f32 v1, v0;
	_ =	sdelay $0x1  }
0xa9: {  	[tilespmem:s0+$0x10] =	vst v0  }
0xaa: {  	v0 =	vld [tilespmem:s31+$0x76E0]  }
0xab: {  	v1 =	vld [tilespmem:s3+$0x82E0];
	_ =	sdelay $0x4  }
0xac: {  	v0 =	vadd.f32 v1, v0;
	_ =	sdelay $0x1  }
0xad: {  	[tilespmem:s0+$0x20] =	vst v0  }
0xae: {  	s13 =	simm.s32 $0x2;
	s2 =	simm.s32 $0x96C0;
	s1 =	simm.s32 $0x1;
	v0 =	vld [tilespmem:s31+$0x76F0]  }
.LBB2_4:
0xaf: {  	s14 =	smul.u32 $0x39, s1  }
0xb0: {  	v1 =	vld [tilespmem:s3+$0x82F0];
	s0 =	sadd.s32 $0x80, s0;
	s3 =	smov.u32 s13;
	s4 =	sadd.s32 $0x1, s13  }
0xb1: {  	p0 =	sne.s32 s13, $0xD7  }
0xb2: {  	s13 =	sshrl.u32 s14, $0xB;
	s14 =	sshrl.u32 s14, $0x4  }
0xb3: {  	s13 =	sand.u32 $0x1F, s13  }
0xb4: {  	s13 =	smul.u32 $0x24, s13  }
0xb5: {  	v0 =	vadd.f32 v1, v0  }
0xb6: {  	s13 =	ssub.s32 s1, s13;
	s1 =	smov.u32 s3  }
0xb7: {  	s3 =	sand.u32 $0xFF, s13;
	s13 =	sand.u32 $0xF80, s14;
	[tilespmem:s2+$0x30] =	vst v0;
	s2 =	smov.u32 s0  }
0xb8: {  	v0 =	vld [tilespmem:s13+$0x7680];
	s3 =	sshll.u32 s3, $0x7  }
0xb9: {  	v1 =	vld [tilespmem:s3+$0x8280];
	_ =	sdelay $0x4  }
0xba: {  	v0 =	vadd.f32 v1, v0;
	_ =	sdelay $0x1  }
0xbb: {  	[tilespmem:s0+$0xFFFFFFC0] =	vst v0  }
0xbc: {  	v0 =	vld [tilespmem:s13+$0x7690]  }
0xbd: {  	v1 =	vld [tilespmem:s3+$0x8290];
	_ =	sdelay $0x4  }
0xbe: {  	v0 =	vadd.f32 v1, v0;
	_ =	sdelay $0x1  }
0xbf: {  	[tilespmem:s0+$0xFFFFFFD0] =	vst v0  }
0xc0: {  	v0 =	vld [tilespmem:s13+$0x76A0]  }
0xc1: {  	v1 =	vld [tilespmem:s3+$0x82A0];
	_ =	sdelay $0x4  }
0xc2: {  	v0 =	vadd.f32 v1, v0;
	_ =	sdelay $0x1  }
0xc3: {  	[tilespmem:s0+$0xFFFFFFE0] =	vst v0  }
0xc4: {  	v0 =	vld [tilespmem:s13+$0x76B0]  }
0xc5: {  	v1 =	vld [tilespmem:s3+$0x82B0];
	_ =	sdelay $0x4  }
0xc6: {  	v0 =	vadd.f32 v1, v0;
	_ =	sdelay $0x1  }
0xc7: {  	[tilespmem:s0+$0xFFFFFFF0] =	vst v0  }
0xc8: {  	v0 =	vld [tilespmem:s13+$0x76C0]  }
0xc9: {  	v1 =	vld [tilespmem:s3+$0x82C0];
	_ =	sdelay $0x4  }
0xca: {  	v0 =	vadd.f32 v1, v0;
	_ =	sdelay $0x1  }
0xcb: {  	[tilespmem:s0+$0x0] =	vst v0  }
0xcc: {  	v0 =	vld [tilespmem:s13+$0x76D0]  }
0xcd: {  	v1 =	vld [tilespmem:s3+$0x82D0];
	_ =	sdelay $0x4  }
0xce: {  	v0 =	vadd.f32 v1, v0;
	_ =	sdelay $0x1  }
0xcf: {  	[tilespmem:s0+$0x10] =	vst v0  }
0xd0: {  	v0 =	vld [tilespmem:s13+$0x76E0]  }
0xd1: {  	v1 =	vld [tilespmem:s3+$0x82E0];
	_ =	sdelay $0x3  }
.Ltmp1:
0xd2: {  	(pc) =	sbr.rel @p0 .LBB2_4-.Ltmp1, $3  }
0xd3: {  	v0 =	vadd.f32 v1, v0;
	_ =	sdelay $0x1  }
0xd4: {  	[tilespmem:s0+$0x20] =	vst v0  }
0xd5: {  	v0 =	vld [tilespmem:s13+$0x76F0];
	s13 =	smov.u32 s4  }
0xd6: {  	s4 =	smul.u32 $0x39, s1;
	v1 =	vld [tilespmem:s3+$0x82F0];
	_ =	sdelay $0x1  }
0xd7: {  	s29 =	sshrl.u32 s4, $0xB  }
0xd8: {  	s3 =	sand.u32 $0x1F, s29  }
0xd9: {  	s3 =	smul.u32 $0x24, s3  }
0xda: {  	v0 =	vadd.f32 v1, v0  }
0xdb: {  	s4 =	sshrl.u32 s4, $0x4;
	s30 =	ssub.s32 s1, s3  }
0xdc: {  	s31 =	sand.u32 $0xF80, s4;
	s1 =	sand.u32 $0xFF, s30;
	[tilespmem:s2+$0x30] =	vst v0  }
0xdd: {  	v0 =	vld [tilespmem:s31+$0x7680];
	s1 =	sshll.u32 s1, $0x7  }
0xde: {  	v56 =	vld [tilespmem:s1+$0x8280];
	_ =	sdelay $0x4  }
0xdf: {  	v0 =	vadd.f32 v56, v0  }
0xe0: {  	s0 =	sadd.s32 $0x80, s0  }
0xe1: {  	[tilespmem:s0+$0xFFFFFFC0] =	vst v0  }
0xe2: {  	v0 =	vld [tilespmem:s31+$0x7690]  }
0xe3: {  	v57 =	vld [tilespmem:s1+$0x8290];
	_ =	sdelay $0x4  }
0xe4: {  	v0 =	vadd.f32 v57, v0;
	_ =	sdelay $0x1  }
0xe5: {  	[tilespmem:s0+$0xFFFFFFD0] =	vst v0  }
0xe6: {  	v0 =	vld [tilespmem:s31+$0x76A0]  }
0xe7: {  	v58 =	vld [tilespmem:s1+$0x82A0];
	_ =	sdelay $0x4  }
0xe8: {  	v0 =	vadd.f32 v58, v0;
	_ =	sdelay $0x1  }
0xe9: {  	[tilespmem:s0+$0xFFFFFFE0] =	vst v0  }
0xea: {  	v0 =	vld [tilespmem:s31+$0x76B0]  }
0xeb: {  	v59 =	vld [tilespmem:s1+$0x82B0];
	_ =	sdelay $0x4  }
0xec: {  	v0 =	vadd.f32 v59, v0;
	_ =	sdelay $0x1  }
0xed: {  	[tilespmem:s0+$0xFFFFFFF0] =	vst v0  }
0xee: {  	v0 =	vld [tilespmem:s31+$0x76C0]  }
0xef: {  	v60 =	vld [tilespmem:s1+$0x82C0];
	_ =	sdelay $0x4  }
0xf0: {  	v0 =	vadd.f32 v60, v0;
	_ =	sdelay $0x1  }
0xf1: {  	[tilespmem:s0+$0x0] =	vst v0  }
0xf2: {  	v0 =	vld [tilespmem:s31+$0x76D0]  }
0xf3: {  	v61 =	vld [tilespmem:s1+$0x82D0];
	_ =	sdelay $0x4  }
0xf4: {  	v0 =	vadd.f32 v61, v0;
	_ =	sdelay $0x1  }
0xf5: {  	[tilespmem:s0+$0x10] =	vst v0  }
0xf6: {  	v0 =	vld [tilespmem:s31+$0x76E0]  }
0xf7: {  	v62 =	vld [tilespmem:s1+$0x82E0];
	_ =	sdelay $0x4  }
0xf8: {  	v0 =	vadd.f32 v62, v0;
	_ =	sdelay $0x1  }
0xf9: {  	[tilespmem:s0+$0x20] =	vst v0  }
0xfa: {  	v0 =	vld [tilespmem:s31+$0x76F0]  }
0xfb: {  	v63 =	vld [tilespmem:s1+$0x82F0];
	_ =	sdelay $0x4  }
0xfc: {  	v0 =	vadd.f32 v63, v0;
	_ =	sdelay $0x1  }
0xfd: {  	[tilespmem:s0+$0x30] =	vst v0  }
0xfe: {  	_ =	swait.ge [sflag:s19], $0x2710  }
0xff: {  	[sflag:s19] =	ssyncset.done $0x0  }
0x100: {  	[sflag:s19] =	ssyncadd.s32 $0xFFFFD8F0  }
0x101: {  	_ =	swait.ge [sflag:s20], $0x2710  }
0x102: {  	[sflag:s20] =	ssyncset.done $0x0  }
0x103: {  	[sflag:s20] =	ssyncadd.s32 $0xFFFFD8F0  }
0x104: {  	_ =	swait.ge [sflag:s21], $0x2710  }
0x105: {  	[sflag:s21] =	ssyncset.done $0x0  }
0x106: {  	s1 =	simm.s32 $0x10680;
	s0 =	simm.s32 $0x0;
	[sflag:s21] =	ssyncadd.s32 $0xFFFFD8F0  }
.LBB2_6:
0x107: {  	s2 =	sshra.s32 s0, $0x2  }
0x108: {  	v0 =	vld [tilespmem:s2+$0x0]  }
0x109: {  	v1 =	vld [tilespmem:s2+$0x2780];
	_ =	sdelay $0x2  }
0x10a: {  	v2 =	vld [tilespmem:s2+$0x4F00];
	_ =	sdelay $0x1  }
0x10b: {  	v0 =	vmul.u32 $0x24, v0;
	v1 =	vmul.u32 $0x6, v1;
	_ =	sdelay $0x1  }
0x10c: {  	v0 =	vadd.s32 v0, v1  }
0x10d: {  	v0 =	vadd.s32 v2, v0  }
0x10e: {  	v0 =	vshll.u32 v0, $0x9  }
0x10f: {  	v0 =	vshra.s32 v0, $0x2  }
0x110: {  	(v2sf) =	vpush v0, $0x0;
	_ =	sdelay $0xe  }
0x111: {  	s13 =	spop (v2sf);
	(v2sf) =	vpush v0, $0x1  }
0x112: {  	v61 =	vld [tilespmem:s13+$0x9680]  }
0x113: {  	v62 =	vld [tilespmem:s13+$0x9690]  }
0x114: {  	v3 =	vld [tilespmem:s13+$0x96A0]  }
0x115: {  	v4 =	vld [tilespmem:s13+$0x96B0]  }
0x116: {  	v5 =	vld [tilespmem:s13+$0x96C0]  }
0x117: {  	v6 =	vld [tilespmem:s13+$0x96D0]  }
0x118: {  	v7 =	vld [tilespmem:s13+$0x96E0]  }
0x119: {  	v8 =	vld [tilespmem:s13+$0x96F0];
	[tilespmem:s1+$0xFFFFFC00] =	vst v61  }
0x11a: {  	[tilespmem:s1+$0xFFFFFC10] =	vst v62  }
0x11b: {  	[tilespmem:s1+$0xFFFFFC20] =	vst v3  }
0x11c: {  	[tilespmem:s1+$0xFFFFFC30] =	vst v4  }
0x11d: {  	[tilespmem:s1+$0xFFFFFC40] =	vst v5  }
0x11e: {  	[tilespmem:s1+$0xFFFFFC50] =	vst v6  }
0x11f: {  	[tilespmem:s1+$0xFFFFFC60] =	vst v7  }
0x120: {  	[tilespmem:s1+$0xFFFFFC70] =	vst v8;
	s14 =	spop (v2sf);
	(v2sf) =	vpush v0, $0x2  }
0x121: {  	v1 =	vld [tilespmem:s14+$0x9680]  }
0x122: {  	v2 =	vld [tilespmem:s14+$0x9690]  }
0x123: {  	v3 =	vld [tilespmem:s14+$0x96A0]  }
0x124: {  	v4 =	vld [tilespmem:s14+$0x96B0]  }
0x125: {  	v5 =	vld [tilespmem:s14+$0x96C0]  }
0x126: {  	v6 =	vld [tilespmem:s14+$0x96D0]  }
0x127: {  	v7 =	vld [tilespmem:s14+$0x96E0]  }
0x128: {  	v8 =	vld [tilespmem:s14+$0x96F0];
	[tilespmem:s1+$0xFFFFFC80] =	vst v1  }
0x129: {  	[tilespmem:s1+$0xFFFFFC90] =	vst v2  }
0x12a: {  	[tilespmem:s1+$0xFFFFFCA0] =	vst v3  }
0x12b: {  	[tilespmem:s1+$0xFFFFFCB0] =	vst v4  }
0x12c: {  	[tilespmem:s1+$0xFFFFFCC0] =	vst v5  }
0x12d: {  	[tilespmem:s1+$0xFFFFFCD0] =	vst v6  }
0x12e: {  	[tilespmem:s1+$0xFFFFFCE0] =	vst v7  }
0x12f: {  	[tilespmem:s1+$0xFFFFFCF0] =	vst v8;
	s15 =	spop (v2sf);
	(v2sf) =	vpush v0, $0x3  }
0x130: {  	v1 =	vld [tilespmem:s15+$0x9680]  }
0x131: {  	v2 =	vld [tilespmem:s15+$0x9690]  }
0x132: {  	v3 =	vld [tilespmem:s15+$0x96A0]  }
0x133: {  	v4 =	vld [tilespmem:s15+$0x96B0]  }
0x134: {  	v5 =	vld [tilespmem:s15+$0x96C0]  }
0x135: {  	v6 =	vld [tilespmem:s15+$0x96D0]  }
0x136: {  	v7 =	vld [tilespmem:s15+$0x96E0]  }
0x137: {  	v8 =	vld [tilespmem:s15+$0x96F0];
	[tilespmem:s1+$0xFFFFFD00] =	vst v1  }
0x138: {  	[tilespmem:s1+$0xFFFFFD10] =	vst v2  }
0x139: {  	[tilespmem:s1+$0xFFFFFD20] =	vst v3  }
0x13a: {  	[tilespmem:s1+$0xFFFFFD30] =	vst v4  }
0x13b: {  	[tilespmem:s1+$0xFFFFFD40] =	vst v5  }
0x13c: {  	[tilespmem:s1+$0xFFFFFD50] =	vst v6  }
0x13d: {  	[tilespmem:s1+$0xFFFFFD60] =	vst v7  }
0x13e: {  	[tilespmem:s1+$0xFFFFFD70] =	vst v8;
	s28 =	spop (v2sf);
	(v2sf) =	vpush v0, $0x4  }
0x13f: {  	v1 =	vld [tilespmem:s28+$0x9680]  }
0x140: {  	v2 =	vld [tilespmem:s28+$0x9690]  }
0x141: {  	v3 =	vld [tilespmem:s28+$0x96A0]  }
0x142: {  	v4 =	vld [tilespmem:s28+$0x96B0]  }
0x143: {  	v5 =	vld [tilespmem:s28+$0x96C0]  }
0x144: {  	v6 =	vld [tilespmem:s28+$0x96D0]  }
0x145: {  	v7 =	vld [tilespmem:s28+$0x96E0]  }
0x146: {  	v8 =	vld [tilespmem:s28+$0x96F0];
	[tilespmem:s1+$0xFFFFFD80] =	vst v1  }
0x147: {  	[tilespmem:s1+$0xFFFFFD90] =	vst v2  }
0x148: {  	[tilespmem:s1+$0xFFFFFDA0] =	vst v3  }
0x149: {  	[tilespmem:s1+$0xFFFFFDB0] =	vst v4  }
0x14a: {  	[tilespmem:s1+$0xFFFFFDC0] =	vst v5  }
0x14b: {  	[tilespmem:s1+$0xFFFFFDD0] =	vst v6  }
0x14c: {  	[tilespmem:s1+$0xFFFFFDE0] =	vst v7  }
0x14d: {  	[tilespmem:s1+$0xFFFFFDF0] =	vst v8;
	s29 =	spop (v2sf);
	(v2sf) =	vpush v0, $0x5  }
0x14e: {  	v1 =	vld [tilespmem:s29+$0x9680]  }
0x14f: {  	v2 =	vld [tilespmem:s29+$0x9690]  }
0x150: {  	v3 =	vld [tilespmem:s29+$0x96A0]  }
0x151: {  	v4 =	vld [tilespmem:s29+$0x96B0]  }
0x152: {  	v5 =	vld [tilespmem:s29+$0x96C0]  }
0x153: {  	v6 =	vld [tilespmem:s29+$0x96D0]  }
0x154: {  	v7 =	vld [tilespmem:s29+$0x96E0]  }
0x155: {  	v8 =	vld [tilespmem:s29+$0x96F0];
	[tilespmem:s1+$0xFFFFFE00] =	vst v1  }
0x156: {  	[tilespmem:s1+$0xFFFFFE10] =	vst v2  }
0x157: {  	[tilespmem:s1+$0xFFFFFE20] =	vst v3  }
0x158: {  	[tilespmem:s1+$0xFFFFFE30] =	vst v4  }
0x159: {  	[tilespmem:s1+$0xFFFFFE40] =	vst v5  }
0x15a: {  	[tilespmem:s1+$0xFFFFFE50] =	vst v6  }
0x15b: {  	[tilespmem:s1+$0xFFFFFE60] =	vst v7  }
0x15c: {  	[tilespmem:s1+$0xFFFFFE70] =	vst v8;
	s30 =	spop (v2sf);
	(v2sf) =	vpush v0, $0x6  }
0x15d: {  	v1 =	vld [tilespmem:s30+$0x9680]  }
0x15e: {  	v2 =	vld [tilespmem:s30+$0x9690]  }
0x15f: {  	v3 =	vld [tilespmem:s30+$0x96A0]  }
0x160: {  	v4 =	vld [tilespmem:s30+$0x96B0]  }
0x161: {  	v5 =	vld [tilespmem:s30+$0x96C0]  }
0x162: {  	v6 =	vld [tilespmem:s30+$0x96D0]  }
0x163: {  	v7 =	vld [tilespmem:s30+$0x96E0]  }
0x164: {  	v8 =	vld [tilespmem:s30+$0x96F0];
	[tilespmem:s1+$0xFFFFFE80] =	vst v1  }
0x165: {  	[tilespmem:s1+$0xFFFFFE90] =	vst v2  }
0x166: {  	[tilespmem:s1+$0xFFFFFEA0] =	vst v3  }
0x167: {  	[tilespmem:s1+$0xFFFFFEB0] =	vst v4  }
0x168: {  	[tilespmem:s1+$0xFFFFFEC0] =	vst v5  }
0x169: {  	[tilespmem:s1+$0xFFFFFED0] =	vst v6  }
0x16a: {  	[tilespmem:s1+$0xFFFFFEE0] =	vst v7  }
0x16b: {  	[tilespmem:s1+$0xFFFFFEF0] =	vst v8;
	s31 =	spop (v2sf);
	(v2sf) =	vpush v0, $0x7  }
0x16c: {  	v1 =	vld [tilespmem:s31+$0x9680]  }
0x16d: {  	v2 =	vld [tilespmem:s31+$0x9690]  }
0x16e: {  	v3 =	vld [tilespmem:s31+$0x96A0]  }
0x16f: {  	v4 =	vld [tilespmem:s31+$0x96B0]  }
0x170: {  	v5 =	vld [tilespmem:s31+$0x96C0]  }
0x171: {  	v6 =	vld [tilespmem:s31+$0x96D0]  }
0x172: {  	v7 =	vld [tilespmem:s31+$0x96E0]  }
0x173: {  	v8 =	vld [tilespmem:s31+$0x96F0];
	[tilespmem:s1+$0xFFFFFF00] =	vst v1  }
0x174: {  	[tilespmem:s1+$0xFFFFFF10] =	vst v2  }
0x175: {  	[tilespmem:s1+$0xFFFFFF20] =	vst v3  }
0x176: {  	[tilespmem:s1+$0xFFFFFF30] =	vst v4  }
0x177: {  	[tilespmem:s1+$0xFFFFFF40] =	vst v5  }
0x178: {  	[tilespmem:s1+$0xFFFFFF50] =	vst v6  }
0x179: {  	[tilespmem:s1+$0xFFFFFF60] =	vst v7  }
0x17a: {  	[tilespmem:s1+$0xFFFFFF70] =	vst v8;
	s3 =	spop (v2sf);
	(v2sf) =	vpush v0, $0x8  }
0x17b: {  	v1 =	vld [tilespmem:s3+$0x9680]  }
0x17c: {  	v2 =	vld [tilespmem:s3+$0x9690]  }
0x17d: {  	v3 =	vld [tilespmem:s3+$0x96A0]  }
0x17e: {  	v4 =	vld [tilespmem:s3+$0x96B0]  }
0x17f: {  	v5 =	vld [tilespmem:s3+$0x96C0]  }
0x180: {  	v6 =	vld [tilespmem:s3+$0x96D0]  }
0x181: {  	v7 =	vld [tilespmem:s3+$0x96E0]  }
0x182: {  	v8 =	vld [tilespmem:s3+$0x96F0];
	[tilespmem:s1+$0xFFFFFF80] =	vst v1  }
0x183: {  	[tilespmem:s1+$0xFFFFFF90] =	vst v2  }
0x184: {  	[tilespmem:s1+$0xFFFFFFA0] =	vst v3  }
0x185: {  	[tilespmem:s1+$0xFFFFFFB0] =	vst v4  }
0x186: {  	[tilespmem:s1+$0xFFFFFFC0] =	vst v5  }
0x187: {  	[tilespmem:s1+$0xFFFFFFD0] =	vst v6  }
0x188: {  	[tilespmem:s1+$0xFFFFFFE0] =	vst v7  }
0x189: {  	[tilespmem:s1+$0xFFFFFFF0] =	vst v8;
	s4 =	spop (v2sf);
	(v2sf) =	vpush v0, $0x9  }
0x18a: {  	v1 =	vld [tilespmem:s4+$0x9680]  }
0x18b: {  	v2 =	vld [tilespmem:s4+$0x9690]  }
0x18c: {  	v3 =	vld [tilespmem:s4+$0x96A0]  }
0x18d: {  	v4 =	vld [tilespmem:s4+$0x96B0]  }
0x18e: {  	v5 =	vld [tilespmem:s4+$0x96C0]  }
0x18f: {  	v6 =	vld [tilespmem:s4+$0x96D0]  }
0x190: {  	v7 =	vld [tilespmem:s4+$0x96E0]  }
0x191: {  	v8 =	vld [tilespmem:s4+$0x96F0];
	[tilespmem:s1+$0x0] =	vst v1  }
0x192: {  	[tilespmem:s1+$0x10] =	vst v2  }
0x193: {  	[tilespmem:s1+$0x20] =	vst v3  }
0x194: {  	[tilespmem:s1+$0x30] =	vst v4  }
0x195: {  	[tilespmem:s1+$0x40] =	vst v5  }
0x196: {  	[tilespmem:s1+$0x50] =	vst v6  }
0x197: {  	[tilespmem:s1+$0x60] =	vst v7  }
0x198: {  	[tilespmem:s1+$0x70] =	vst v8;
	s13 =	spop (v2sf);
	(v2sf) =	vpush v0, $0xA  }
0x199: {  	v1 =	vld [tilespmem:s13+$0x9680]  }
0x19a: {  	v2 =	vld [tilespmem:s13+$0x9690]  }
0x19b: {  	v3 =	vld [tilespmem:s13+$0x96A0]  }
0x19c: {  	v4 =	vld [tilespmem:s13+$0x96B0]  }
0x19d: {  	v5 =	vld [tilespmem:s13+$0x96C0]  }
0x19e: {  	v6 =	vld [tilespmem:s13+$0x96D0]  }
0x19f: {  	v7 =	vld [tilespmem:s13+$0x96E0]  }
0x1a0: {  	v8 =	vld [tilespmem:s13+$0x96F0];
	[tilespmem:s1+$0x80] =	vst v1  }
0x1a1: {  	[tilespmem:s1+$0x90] =	vst v2  }
0x1a2: {  	[tilespmem:s1+$0xA0] =	vst v3  }
0x1a3: {  	[tilespmem:s1+$0xB0] =	vst v4  }
0x1a4: {  	[tilespmem:s1+$0xC0] =	vst v5  }
0x1a5: {  	[tilespmem:s1+$0xD0] =	vst v6  }
0x1a6: {  	[tilespmem:s1+$0xE0] =	vst v7  }
0x1a7: {  	[tilespmem:s1+$0xF0] =	vst v8;
	s14 =	spop (v2sf);
	(v2sf) =	vpush v0, $0xB  }
0x1a8: {  	v1 =	vld [tilespmem:s14+$0x9680]  }
0x1a9: {  	v2 =	vld [tilespmem:s14+$0x9690]  }
0x1aa: {  	v3 =	vld [tilespmem:s14+$0x96A0]  }
0x1ab: {  	v4 =	vld [tilespmem:s14+$0x96B0]  }
0x1ac: {  	v5 =	vld [tilespmem:s14+$0x96C0]  }
0x1ad: {  	v6 =	vld [tilespmem:s14+$0x96D0]  }
0x1ae: {  	v7 =	vld [tilespmem:s14+$0x96E0]  }
0x1af: {  	v8 =	vld [tilespmem:s14+$0x96F0];
	[tilespmem:s1+$0x100] =	vst v1  }
0x1b0: {  	[tilespmem:s1+$0x110] =	vst v2  }
0x1b1: {  	[tilespmem:s1+$0x120] =	vst v3  }
0x1b2: {  	[tilespmem:s1+$0x130] =	vst v4  }
0x1b3: {  	[tilespmem:s1+$0x140] =	vst v5  }
0x1b4: {  	[tilespmem:s1+$0x150] =	vst v6  }
0x1b5: {  	[tilespmem:s1+$0x160] =	vst v7  }
0x1b6: {  	[tilespmem:s1+$0x170] =	vst v8;
	s15 =	spop (v2sf);
	(v2sf) =	vpush v0, $0xC  }
0x1b7: {  	v1 =	vld [tilespmem:s15+$0x9680]  }
0x1b8: {  	v2 =	vld [tilespmem:s15+$0x9690]  }
0x1b9: {  	v3 =	vld [tilespmem:s15+$0x96A0]  }
0x1ba: {  	v4 =	vld [tilespmem:s15+$0x96B0]  }
0x1bb: {  	v5 =	vld [tilespmem:s15+$0x96C0]  }
0x1bc: {  	v6 =	vld [tilespmem:s15+$0x96D0]  }
0x1bd: {  	v7 =	vld [tilespmem:s15+$0x96E0]  }
0x1be: {  	v8 =	vld [tilespmem:s15+$0x96F0];
	[tilespmem:s1+$0x180] =	vst v1  }
0x1bf: {  	[tilespmem:s1+$0x190] =	vst v2  }
0x1c0: {  	[tilespmem:s1+$0x1A0] =	vst v3  }
0x1c1: {  	[tilespmem:s1+$0x1B0] =	vst v4  }
0x1c2: {  	[tilespmem:s1+$0x1C0] =	vst v5  }
0x1c3: {  	[tilespmem:s1+$0x1D0] =	vst v6  }
0x1c4: {  	[tilespmem:s1+$0x1E0] =	vst v7  }
0x1c5: {  	[tilespmem:s1+$0x1F0] =	vst v8;
	s28 =	spop (v2sf);
	(v2sf) =	vpush v0, $0xD  }
0x1c6: {  	v1 =	vld [tilespmem:s28+$0x9680]  }
0x1c7: {  	v2 =	vld [tilespmem:s28+$0x9690]  }
0x1c8: {  	v3 =	vld [tilespmem:s28+$0x96A0]  }
0x1c9: {  	v4 =	vld [tilespmem:s28+$0x96B0]  }
0x1ca: {  	v5 =	vld [tilespmem:s28+$0x96C0]  }
0x1cb: {  	v6 =	vld [tilespmem:s28+$0x96D0]  }
0x1cc: {  	v7 =	vld [tilespmem:s28+$0x96E0]  }
0x1cd: {  	v8 =	vld [tilespmem:s28+$0x96F0];
	[tilespmem:s1+$0x200] =	vst v1  }
0x1ce: {  	[tilespmem:s1+$0x210] =	vst v2  }
0x1cf: {  	[tilespmem:s1+$0x220] =	vst v3  }
0x1d0: {  	[tilespmem:s1+$0x230] =	vst v4  }
0x1d1: {  	[tilespmem:s1+$0x240] =	vst v5  }
0x1d2: {  	[tilespmem:s1+$0x250] =	vst v6  }
0x1d3: {  	[tilespmem:s1+$0x260] =	vst v7  }
0x1d4: {  	[tilespmem:s1+$0x270] =	vst v8;
	s29 =	spop (v2sf);
	(v2sf) =	vpush v0, $0xE  }
0x1d5: {  	v1 =	vld [tilespmem:s29+$0x9680]  }
0x1d6: {  	v2 =	vld [tilespmem:s29+$0x9690]  }
0x1d7: {  	v3 =	vld [tilespmem:s29+$0x96A0]  }
0x1d8: {  	v4 =	vld [tilespmem:s29+$0x96B0]  }
0x1d9: {  	v5 =	vld [tilespmem:s29+$0x96C0]  }
0x1da: {  	v6 =	vld [tilespmem:s29+$0x96D0]  }
0x1db: {  	v7 =	vld [tilespmem:s29+$0x96E0]  }
0x1dc: {  	v8 =	vld [tilespmem:s29+$0x96F0];
	[tilespmem:s1+$0x280] =	vst v1  }
0x1dd: {  	[tilespmem:s1+$0x290] =	vst v2  }
0x1de: {  	[tilespmem:s1+$0x2A0] =	vst v3  }
0x1df: {  	[tilespmem:s1+$0x2B0] =	vst v4  }
0x1e0: {  	[tilespmem:s1+$0x2C0] =	vst v5  }
0x1e1: {  	[tilespmem:s1+$0x2D0] =	vst v6  }
0x1e2: {  	[tilespmem:s1+$0x2E0] =	vst v7  }
0x1e3: {  	[tilespmem:s1+$0x2F0] =	vst v8;
	s30 =	spop (v2sf);
	(v2sf) =	vpush v0, $0xF  }
0x1e4: {  	v1 =	vld [tilespmem:s30+$0x9680]  }
0x1e5: {  	v63 =	vld [tilespmem:s30+$0x9690]  }
0x1e6: {  	v2 =	vld [tilespmem:s30+$0x96A0]  }
0x1e7: {  	v3 =	vld [tilespmem:s30+$0x96B0]  }
0x1e8: {  	v4 =	vld [tilespmem:s30+$0x96C0]  }
0x1e9: {  	v5 =	vld [tilespmem:s30+$0x96D0]  }
0x1ea: {  	v6 =	vld [tilespmem:s30+$0x96E0]  }
0x1eb: {  	v7 =	vld [tilespmem:s30+$0x96F0];
	[tilespmem:s1+$0x300] =	vst v1  }
0x1ec: {  	[tilespmem:s1+$0x310] =	vst v63  }
0x1ed: {  	[tilespmem:s1+$0x320] =	vst v2  }
0x1ee: {  	[tilespmem:s1+$0x330] =	vst v3  }
0x1ef: {  	[tilespmem:s1+$0x340] =	vst v4  }
0x1f0: {  	[tilespmem:s1+$0x350] =	vst v5  }
0x1f1: {  	[tilespmem:s1+$0x360] =	vst v6  }
0x1f2: {  	[tilespmem:s1+$0x370] =	vst v7;
	s31 =	spop (v2sf)  }
0x1f3: {  	v0 =	vld [tilespmem:s31+$0x9680]  }
0x1f4: {  	v1 =	vld [tilespmem:s31+$0x9690]  }
0x1f5: {  	v2 =	vld [tilespmem:s31+$0x96A0]  }
0x1f6: {  	v3 =	vld [tilespmem:s31+$0x96B0]  }
0x1f7: {  	v4 =	vld [tilespmem:s31+$0x96C0]  }
0x1f8: {  	v5 =	vld [tilespmem:s31+$0x96D0]  }
0x1f9: {  	v6 =	vld [tilespmem:s31+$0x96E0]  }
0x1fa: {  	v7 =	vld [tilespmem:s31+$0x96F0];
	[tilespmem:s1+$0x380] =	vst v0  }
0x1fb: {  	[tilespmem:s1+$0x390] =	vst v1  }
0x1fc: {  	p0 =	sne.s32 s0, $0x100;
	[tilespmem:s1+$0x3A0] =	vst v2  }
.Ltmp2:
0x1fd: {  	[tilespmem:s1+$0x3B0] =	vst v3;
	(pc) =	sbr.rel @p0 .LBB2_6-.Ltmp2, $4  }
0x1fe: {  	[tilespmem:s1+$0x3C0] =	vst v4  }
0x1ff: {  	[tilespmem:s1+$0x3D0] =	vst v5  }
0x200: {  	[tilespmem:s1+$0x3E0] =	vst v6  }
0x201: {  	s0 =	sadd.s32 $0x40, s0;
	[tilespmem:s1+$0x3F0] =	vst v7;
	s1 =	sadd.s32 $0x800, s1  }
0x202: {  	s28 =	simm.s32 $0x0  }
0x203: {  	s29 =	simm.s32 $0x50;
	s30 =	simm.s32 $0x27D0;
	s31 =	simm.s32 $0x4F50  }
0x204: {  	s3 =	simm.s32 $0xA0;
	s0 =	simm.s32 $0x2820;
	s1 =	simm.s32 $0x4FA0  }
0x205: {  	[hbm4b:s11+s28] =	stream.linear.scatter [tilespmem:s22], [sflag:$0x4], $0x2800, $0x38;
	[tilespmem:$0x15280] =	vst v63  }
.LBB2_8:
0x206: {  	p0 =	seq.s32 s28, $0x0  }
0x207: {  	v0 =	vmov s29;
	s4 =	simm.s32 @!p0 $0x5  }
0x208: {  	s2 =	smul.u32 $0xA0, s28;
	v1 =	vmov s30;
	_ =	swait.ge @!p0 [sflag:s4], $0x2800  }
0x209: {  	s13 =	simm.s32 $0x12E80;
	[sflag:s4] =	ssyncset.done @!p0 $0x0  }
0x20a: {  	v2 =	vmov s31;
	s14 =	simm.s32 $0x0;
	[sflag:s4] =	ssyncadd.s32 @!p0 $0xFFFFD800;
	s4 =	sadd.s32 $0x50, s2  }
.LBB2_9:
0x20b: {  	s15 =	sshra.s32 s14, $0x2  }
0x20c: {  	v3 =	vld.idx.msk [tilespmem:v0+s15+$0x0 ss:$0x1], $0xffff  }
0x20d: {  	v4 =	vld.idx.msk [tilespmem:v1+s15+$0x0 ss:$0x1], $0xffff;
	_ =	sdelay $0x2  }
0x20e: {  	v5 =	vld.idx.msk [tilespmem:v2+s15+$0x0 ss:$0x1], $0xffff;
	_ =	sdelay $0x1  }
0x20f: {  	v3 =	vmul.u32 $0x24, v3;
	v4 =	vmul.u32 $0x6, v4;
	_ =	sdelay $0x1  }
0x210: {  	v3 =	vadd.s32 v3, v4  }
0x211: {  	v3 =	vadd.s32 v5, v3  }
0x212: {  	v3 =	vshll.u32 v3, $0x9  }
0x213: {  	v3 =	vshra.s32 v3, $0x2  }
0x214: {  	(v2sf) =	vpush v3, $0x0;
	_ =	sdelay $0xe  }
0x215: {  	s15 =	spop (v2sf);
	(v2sf) =	vpush v3, $0x1  }
0x216: {  	v62 =	vld [tilespmem:s15+$0x9680]  }
0x217: {  	v63 =	vld [tilespmem:s15+$0x9690]  }
0x218: {  	v6 =	vld [tilespmem:s15+$0x96A0]  }
0x219: {  	v7 =	vld [tilespmem:s15+$0x96B0]  }
0x21a: {  	v8 =	vld [tilespmem:s15+$0x96C0]  }
0x21b: {  	v9 =	vld [tilespmem:s15+$0x96D0]  }
0x21c: {  	v10 =	vld [tilespmem:s15+$0x96E0]  }
0x21d: {  	v11 =	vld [tilespmem:s15+$0x96F0];
	[tilespmem:s13+$0xFFFFFC00] =	vst v62  }
0x21e: {  	[tilespmem:s13+$0xFFFFFC10] =	vst v63  }
0x21f: {  	[tilespmem:s13+$0xFFFFFC20] =	vst v6  }
0x220: {  	[tilespmem:s13+$0xFFFFFC30] =	vst v7  }
0x221: {  	[tilespmem:s13+$0xFFFFFC40] =	vst v8  }
0x222: {  	[tilespmem:s13+$0xFFFFFC50] =	vst v9  }
0x223: {  	[tilespmem:s13+$0xFFFFFC60] =	vst v10  }
0x224: {  	[tilespmem:s13+$0xFFFFFC70] =	vst v11;
	s15 =	spop (v2sf);
	(v2sf) =	vpush v3, $0x2  }
0x225: {  	v4 =	vld [tilespmem:s15+$0x9680]  }
0x226: {  	v5 =	vld [tilespmem:s15+$0x9690]  }
0x227: {  	v6 =	vld [tilespmem:s15+$0x96A0]  }
0x228: {  	v7 =	vld [tilespmem:s15+$0x96B0]  }
0x229: {  	v8 =	vld [tilespmem:s15+$0x96C0]  }
0x22a: {  	v9 =	vld [tilespmem:s15+$0x96D0]  }
0x22b: {  	v10 =	vld [tilespmem:s15+$0x96E0]  }
0x22c: {  	v11 =	vld [tilespmem:s15+$0x96F0];
	[tilespmem:s13+$0xFFFFFC80] =	vst v4  }
0x22d: {  	[tilespmem:s13+$0xFFFFFC90] =	vst v5  }
0x22e: {  	[tilespmem:s13+$0xFFFFFCA0] =	vst v6  }
0x22f: {  	[tilespmem:s13+$0xFFFFFCB0] =	vst v7  }
0x230: {  	[tilespmem:s13+$0xFFFFFCC0] =	vst v8  }
0x231: {  	[tilespmem:s13+$0xFFFFFCD0] =	vst v9  }
0x232: {  	[tilespmem:s13+$0xFFFFFCE0] =	vst v10  }
0x233: {  	[tilespmem:s13+$0xFFFFFCF0] =	vst v11;
	s15 =	spop (v2sf);
	(v2sf) =	vpush v3, $0x3  }
0x234: {  	v4 =	vld [tilespmem:s15+$0x9680]  }
0x235: {  	v5 =	vld [tilespmem:s15+$0x9690]  }
0x236: {  	v6 =	vld [tilespmem:s15+$0x96A0]  }
0x237: {  	v7 =	vld [tilespmem:s15+$0x96B0]  }
0x238: {  	v8 =	vld [tilespmem:s15+$0x96C0]  }
0x239: {  	v9 =	vld [tilespmem:s15+$0x96D0]  }
0x23a: {  	v10 =	vld [tilespmem:s15+$0x96E0]  }
0x23b: {  	v11 =	vld [tilespmem:s15+$0x96F0];
	[tilespmem:s13+$0xFFFFFD00] =	vst v4  }
0x23c: {  	[tilespmem:s13+$0xFFFFFD10] =	vst v5  }
0x23d: {  	[tilespmem:s13+$0xFFFFFD20] =	vst v6  }
0x23e: {  	[tilespmem:s13+$0xFFFFFD30] =	vst v7  }
0x23f: {  	[tilespmem:s13+$0xFFFFFD40] =	vst v8  }
0x240: {  	[tilespmem:s13+$0xFFFFFD50] =	vst v9  }
0x241: {  	[tilespmem:s13+$0xFFFFFD60] =	vst v10  }
0x242: {  	[tilespmem:s13+$0xFFFFFD70] =	vst v11;
	s15 =	spop (v2sf);
	(v2sf) =	vpush v3, $0x4  }
0x243: {  	v4 =	vld [tilespmem:s15+$0x9680]  }
0x244: {  	v5 =	vld [tilespmem:s15+$0x9690]  }
0x245: {  	v6 =	vld [tilespmem:s15+$0x96A0]  }
0x246: {  	v7 =	vld [tilespmem:s15+$0x96B0]  }
0x247: {  	v8 =	vld [tilespmem:s15+$0x96C0]  }
0x248: {  	v9 =	vld [tilespmem:s15+$0x96D0]  }
0x249: {  	v10 =	vld [tilespmem:s15+$0x96E0]  }
0x24a: {  	v11 =	vld [tilespmem:s15+$0x96F0];
	[tilespmem:s13+$0xFFFFFD80] =	vst v4  }
0x24b: {  	[tilespmem:s13+$0xFFFFFD90] =	vst v5  }
0x24c: {  	[tilespmem:s13+$0xFFFFFDA0] =	vst v6  }
0x24d: {  	[tilespmem:s13+$0xFFFFFDB0] =	vst v7  }
0x24e: {  	[tilespmem:s13+$0xFFFFFDC0] =	vst v8  }
0x24f: {  	[tilespmem:s13+$0xFFFFFDD0] =	vst v9  }
0x250: {  	[tilespmem:s13+$0xFFFFFDE0] =	vst v10  }
0x251: {  	[tilespmem:s13+$0xFFFFFDF0] =	vst v11;
	s15 =	spop (v2sf);
	(v2sf) =	vpush v3, $0x5  }
0x252: {  	v4 =	vld [tilespmem:s15+$0x9680]  }
0x253: {  	v5 =	vld [tilespmem:s15+$0x9690]  }
0x254: {  	v6 =	vld [tilespmem:s15+$0x96A0]  }
0x255: {  	v7 =	vld [tilespmem:s15+$0x96B0]  }
0x256: {  	v8 =	vld [tilespmem:s15+$0x96C0]  }
0x257: {  	v9 =	vld [tilespmem:s15+$0x96D0]  }
0x258: {  	v10 =	vld [tilespmem:s15+$0x96E0]  }
0x259: {  	v11 =	vld [tilespmem:s15+$0x96F0];
	[tilespmem:s13+$0xFFFFFE00] =	vst v4  }
0x25a: {  	[tilespmem:s13+$0xFFFFFE10] =	vst v5  }
0x25b: {  	[tilespmem:s13+$0xFFFFFE20] =	vst v6  }
0x25c: {  	[tilespmem:s13+$0xFFFFFE30] =	vst v7  }
0x25d: {  	[tilespmem:s13+$0xFFFFFE40] =	vst v8  }
0x25e: {  	[tilespmem:s13+$0xFFFFFE50] =	vst v9  }
0x25f: {  	[tilespmem:s13+$0xFFFFFE60] =	vst v10  }
0x260: {  	[tilespmem:s13+$0xFFFFFE70] =	vst v11;
	s15 =	spop (v2sf);
	(v2sf) =	vpush v3, $0x6  }
0x261: {  	v4 =	vld [tilespmem:s15+$0x9680]  }
0x262: {  	v5 =	vld [tilespmem:s15+$0x9690]  }
0x263: {  	v6 =	vld [tilespmem:s15+$0x96A0]  }
0x264: {  	v7 =	vld [tilespmem:s15+$0x96B0]  }
0x265: {  	v8 =	vld [tilespmem:s15+$0x96C0]  }
0x266: {  	v9 =	vld [tilespmem:s15+$0x96D0]  }
0x267: {  	v10 =	vld [tilespmem:s15+$0x96E0]  }
0x268: {  	v11 =	vld [tilespmem:s15+$0x96F0];
	[tilespmem:s13+$0xFFFFFE80] =	vst v4  }
0x269: {  	[tilespmem:s13+$0xFFFFFE90] =	vst v5  }
0x26a: {  	[tilespmem:s13+$0xFFFFFEA0] =	vst v6  }
0x26b: {  	[tilespmem:s13+$0xFFFFFEB0] =	vst v7  }
0x26c: {  	[tilespmem:s13+$0xFFFFFEC0] =	vst v8  }
0x26d: {  	[tilespmem:s13+$0xFFFFFED0] =	vst v9  }
0x26e: {  	[tilespmem:s13+$0xFFFFFEE0] =	vst v10  }
0x26f: {  	[tilespmem:s13+$0xFFFFFEF0] =	vst v11;
	s15 =	spop (v2sf);
	(v2sf) =	vpush v3, $0x7  }
0x270: {  	v4 =	vld [tilespmem:s15+$0x9680]  }
0x271: {  	v5 =	vld [tilespmem:s15+$0x9690]  }
0x272: {  	v6 =	vld [tilespmem:s15+$0x96A0]  }
0x273: {  	v7 =	vld [tilespmem:s15+$0x96B0]  }
0x274: {  	v8 =	vld [tilespmem:s15+$0x96C0]  }
0x275: {  	v9 =	vld [tilespmem:s15+$0x96D0]  }
0x276: {  	v10 =	vld [tilespmem:s15+$0x96E0]  }
0x277: {  	v11 =	vld [tilespmem:s15+$0x96F0];
	[tilespmem:s13+$0xFFFFFF00] =	vst v4  }
0x278: {  	[tilespmem:s13+$0xFFFFFF10] =	vst v5  }
0x279: {  	[tilespmem:s13+$0xFFFFFF20] =	vst v6  }
0x27a: {  	[tilespmem:s13+$0xFFFFFF30] =	vst v7  }
0x27b: {  	[tilespmem:s13+$0xFFFFFF40] =	vst v8  }
0x27c: {  	[tilespmem:s13+$0xFFFFFF50] =	vst v9  }
0x27d: {  	[tilespmem:s13+$0xFFFFFF60] =	vst v10  }
0x27e: {  	[tilespmem:s13+$0xFFFFFF70] =	vst v11;
	s15 =	spop (v2sf);
	(v2sf) =	vpush v3, $0x8  }
0x27f: {  	v4 =	vld [tilespmem:s15+$0x9680]  }
0x280: {  	v5 =	vld [tilespmem:s15+$0x9690]  }
0x281: {  	v6 =	vld [tilespmem:s15+$0x96A0]  }
0x282: {  	v7 =	vld [tilespmem:s15+$0x96B0]  }
0x283: {  	v8 =	vld [tilespmem:s15+$0x96C0]  }
0x284: {  	v9 =	vld [tilespmem:s15+$0x96D0]  }
0x285: {  	v10 =	vld [tilespmem:s15+$0x96E0]  }
0x286: {  	v11 =	vld [tilespmem:s15+$0x96F0];
	[tilespmem:s13+$0xFFFFFF80] =	vst v4  }
0x287: {  	[tilespmem:s13+$0xFFFFFF90] =	vst v5  }
0x288: {  	[tilespmem:s13+$0xFFFFFFA0] =	vst v6  }
0x289: {  	[tilespmem:s13+$0xFFFFFFB0] =	vst v7  }
0x28a: {  	[tilespmem:s13+$0xFFFFFFC0] =	vst v8  }
0x28b: {  	[tilespmem:s13+$0xFFFFFFD0] =	vst v9  }
0x28c: {  	[tilespmem:s13+$0xFFFFFFE0] =	vst v10  }
0x28d: {  	[tilespmem:s13+$0xFFFFFFF0] =	vst v11;
	s15 =	spop (v2sf);
	(v2sf) =	vpush v3, $0x9  }
0x28e: {  	v4 =	vld [tilespmem:s15+$0x9680]  }
0x28f: {  	v5 =	vld [tilespmem:s15+$0x9690]  }
0x290: {  	v6 =	vld [tilespmem:s15+$0x96A0]  }
0x291: {  	v7 =	vld [tilespmem:s15+$0x96B0]  }
0x292: {  	v8 =	vld [tilespmem:s15+$0x96C0]  }
0x293: {  	v9 =	vld [tilespmem:s15+$0x96D0]  }
0x294: {  	v10 =	vld [tilespmem:s15+$0x96E0]  }
0x295: {  	v11 =	vld [tilespmem:s15+$0x96F0];
	[tilespmem:s13+$0x0] =	vst v4  }
0x296: {  	[tilespmem:s13+$0x10] =	vst v5  }
0x297: {  	[tilespmem:s13+$0x20] =	vst v6  }
0x298: {  	[tilespmem:s13+$0x30] =	vst v7  }
0x299: {  	[tilespmem:s13+$0x40] =	vst v8  }
0x29a: {  	[tilespmem:s13+$0x50] =	vst v9  }
0x29b: {  	[tilespmem:s13+$0x60] =	vst v10  }
0x29c: {  	[tilespmem:s13+$0x70] =	vst v11;
	s15 =	spop (v2sf);
	(v2sf) =	vpush v3, $0xA  }
0x29d: {  	v4 =	vld [tilespmem:s15+$0x9680]  }
0x29e: {  	v5 =	vld [tilespmem:s15+$0x9690]  }
0x29f: {  	v6 =	vld [tilespmem:s15+$0x96A0]  }
0x2a0: {  	v7 =	vld [tilespmem:s15+$0x96B0]  }
0x2a1: {  	v8 =	vld [tilespmem:s15+$0x96C0]  }
0x2a2: {  	v9 =	vld [tilespmem:s15+$0x96D0]  }
0x2a3: {  	v10 =	vld [tilespmem:s15+$0x96E0]  }
0x2a4: {  	v11 =	vld [tilespmem:s15+$0x96F0];
	[tilespmem:s13+$0x80] =	vst v4  }
0x2a5: {  	[tilespmem:s13+$0x90] =	vst v5  }
0x2a6: {  	[tilespmem:s13+$0xA0] =	vst v6  }
0x2a7: {  	[tilespmem:s13+$0xB0] =	vst v7  }
0x2a8: {  	[tilespmem:s13+$0xC0] =	vst v8  }
0x2a9: {  	[tilespmem:s13+$0xD0] =	vst v9  }
0x2aa: {  	[tilespmem:s13+$0xE0] =	vst v10  }
0x2ab: {  	[tilespmem:s13+$0xF0] =	vst v11;
	s15 =	spop (v2sf);
	(v2sf) =	vpush v3, $0xB  }
0x2ac: {  	v4 =	vld [tilespmem:s15+$0x9680]  }
0x2ad: {  	v5 =	vld [tilespmem:s15+$0x9690]  }
0x2ae: {  	v6 =	vld [tilespmem:s15+$0x96A0]  }
0x2af: {  	v7 =	vld [tilespmem:s15+$0x96B0]  }
0x2b0: {  	v8 =	vld [tilespmem:s15+$0x96C0]  }
0x2b1: {  	v9 =	vld [tilespmem:s15+$0x96D0]  }
0x2b2: {  	v10 =	vld [tilespmem:s15+$0x96E0]  }
0x2b3: {  	v11 =	vld [tilespmem:s15+$0x96F0];
	[tilespmem:s13+$0x100] =	vst v4  }
0x2b4: {  	[tilespmem:s13+$0x110] =	vst v5  }
0x2b5: {  	[tilespmem:s13+$0x120] =	vst v6  }
0x2b6: {  	[tilespmem:s13+$0x130] =	vst v7  }
0x2b7: {  	[tilespmem:s13+$0x140] =	vst v8  }
0x2b8: {  	[tilespmem:s13+$0x150] =	vst v9  }
0x2b9: {  	[tilespmem:s13+$0x160] =	vst v10  }
0x2ba: {  	[tilespmem:s13+$0x170] =	vst v11;
	s15 =	spop (v2sf);
	(v2sf) =	vpush v3, $0xC  }
0x2bb: {  	v4 =	vld [tilespmem:s15+$0x9680]  }
0x2bc: {  	v5 =	vld [tilespmem:s15+$0x9690]  }
0x2bd: {  	v6 =	vld [tilespmem:s15+$0x96A0]  }
0x2be: {  	v7 =	vld [tilespmem:s15+$0x96B0]  }
0x2bf: {  	v8 =	vld [tilespmem:s15+$0x96C0]  }
0x2c0: {  	v9 =	vld [tilespmem:s15+$0x96D0]  }
0x2c1: {  	v10 =	vld [tilespmem:s15+$0x96E0]  }
0x2c2: {  	v11 =	vld [tilespmem:s15+$0x96F0];
	[tilespmem:s13+$0x180] =	vst v4  }
0x2c3: {  	[tilespmem:s13+$0x190] =	vst v5  }
0x2c4: {  	[tilespmem:s13+$0x1A0] =	vst v6  }
0x2c5: {  	[tilespmem:s13+$0x1B0] =	vst v7  }
0x2c6: {  	[tilespmem:s13+$0x1C0] =	vst v8  }
0x2c7: {  	[tilespmem:s13+$0x1D0] =	vst v9  }
0x2c8: {  	[tilespmem:s13+$0x1E0] =	vst v10  }
0x2c9: {  	[tilespmem:s13+$0x1F0] =	vst v11;
	s15 =	spop (v2sf);
	(v2sf) =	vpush v3, $0xD  }
0x2ca: {  	v4 =	vld [tilespmem:s15+$0x9680]  }
0x2cb: {  	v5 =	vld [tilespmem:s15+$0x9690]  }
0x2cc: {  	v6 =	vld [tilespmem:s15+$0x96A0]  }
0x2cd: {  	v7 =	vld [tilespmem:s15+$0x96B0]  }
0x2ce: {  	v8 =	vld [tilespmem:s15+$0x96C0]  }
0x2cf: {  	v9 =	vld [tilespmem:s15+$0x96D0]  }
0x2d0: {  	v10 =	vld [tilespmem:s15+$0x96E0]  }
0x2d1: {  	v11 =	vld [tilespmem:s15+$0x96F0];
	[tilespmem:s13+$0x200] =	vst v4  }
0x2d2: {  	[tilespmem:s13+$0x210] =	vst v5  }
0x2d3: {  	[tilespmem:s13+$0x220] =	vst v6  }
0x2d4: {  	[tilespmem:s13+$0x230] =	vst v7  }
0x2d5: {  	[tilespmem:s13+$0x240] =	vst v8  }
0x2d6: {  	[tilespmem:s13+$0x250] =	vst v9  }
0x2d7: {  	[tilespmem:s13+$0x260] =	vst v10  }
0x2d8: {  	[tilespmem:s13+$0x270] =	vst v11;
	s15 =	spop (v2sf);
	(v2sf) =	vpush v3, $0xE  }
0x2d9: {  	v4 =	vld [tilespmem:s15+$0x9680]  }
0x2da: {  	v5 =	vld [tilespmem:s15+$0x9690]  }
0x2db: {  	v6 =	vld [tilespmem:s15+$0x96A0]  }
0x2dc: {  	v7 =	vld [tilespmem:s15+$0x96B0]  }
0x2dd: {  	v8 =	vld [tilespmem:s15+$0x96C0]  }
0x2de: {  	v9 =	vld [tilespmem:s15+$0x96D0]  }
0x2df: {  	v10 =	vld [tilespmem:s15+$0x96E0]  }
0x2e0: {  	v11 =	vld [tilespmem:s15+$0x96F0];
	[tilespmem:s13+$0x280] =	vst v4  }
0x2e1: {  	[tilespmem:s13+$0x290] =	vst v5  }
0x2e2: {  	[tilespmem:s13+$0x2A0] =	vst v6  }
0x2e3: {  	[tilespmem:s13+$0x2B0] =	vst v7  }
0x2e4: {  	[tilespmem:s13+$0x2C0] =	vst v8  }
0x2e5: {  	[tilespmem:s13+$0x2D0] =	vst v9  }
0x2e6: {  	[tilespmem:s13+$0x2E0] =	vst v10  }
0x2e7: {  	[tilespmem:s13+$0x2F0] =	vst v11;
	s15 =	spop (v2sf);
	(v2sf) =	vpush v3, $0xF  }
0x2e8: {  	v4 =	vld [tilespmem:s15+$0x9680]  }
0x2e9: {  	v3 =	vld [tilespmem:s15+$0x9690]  }
0x2ea: {  	v5 =	vld [tilespmem:s15+$0x96A0]  }
0x2eb: {  	v6 =	vld [tilespmem:s15+$0x96B0]  }
0x2ec: {  	v7 =	vld [tilespmem:s15+$0x96C0]  }
0x2ed: {  	v8 =	vld [tilespmem:s15+$0x96D0]  }
0x2ee: {  	v9 =	vld [tilespmem:s15+$0x96E0]  }
0x2ef: {  	v10 =	vld [tilespmem:s15+$0x96F0];
	[tilespmem:s13+$0x300] =	vst v4  }
0x2f0: {  	[tilespmem:s13+$0x310] =	vst v3  }
0x2f1: {  	[tilespmem:s13+$0x320] =	vst v5  }
0x2f2: {  	[tilespmem:s13+$0x330] =	vst v6  }
0x2f3: {  	[tilespmem:s13+$0x340] =	vst v7  }
0x2f4: {  	[tilespmem:s13+$0x350] =	vst v8  }
0x2f5: {  	[tilespmem:s13+$0x360] =	vst v9  }
0x2f6: {  	[tilespmem:s13+$0x370] =	vst v10;
	s15 =	spop (v2sf)  }
0x2f7: {  	v3 =	vld [tilespmem:s15+$0x9680]  }
0x2f8: {  	v4 =	vld [tilespmem:s15+$0x9690]  }
0x2f9: {  	v5 =	vld [tilespmem:s15+$0x96A0]  }
0x2fa: {  	v6 =	vld [tilespmem:s15+$0x96B0]  }
0x2fb: {  	v7 =	vld [tilespmem:s15+$0x96C0]  }
0x2fc: {  	v8 =	vld [tilespmem:s15+$0x96D0]  }
0x2fd: {  	v9 =	vld [tilespmem:s15+$0x96E0]  }
0x2fe: {  	v10 =	vld [tilespmem:s15+$0x96F0];
	[tilespmem:s13+$0x380] =	vst v3  }
0x2ff: {  	[tilespmem:s13+$0x390] =	vst v4  }
0x300: {  	p0 =	sne.s32 s14, $0x100;
	[tilespmem:s13+$0x3A0] =	vst v5  }
.Ltmp3:
0x301: {  	[tilespmem:s13+$0x3B0] =	vst v6;
	(pc) =	sbr.rel @p0 .LBB2_9-.Ltmp3, $4  }
0x302: {  	[tilespmem:s13+$0x3C0] =	vst v7  }
0x303: {  	[tilespmem:s13+$0x3D0] =	vst v8  }
0x304: {  	[tilespmem:s13+$0x3E0] =	vst v9  }
0x305: {  	s14 =	sadd.s32 $0x40, s14;
	[tilespmem:s13+$0x3F0] =	vst v10;
	s13 =	sadd.s32 $0x800, s13  }
0x306: {  	s4 =	sadd.s32 s7, s4  }
0x307: {  	s4 =	sshll.u32 s4, $0x4  }
0x308: {  	s13 =	sadd.s32 s5, s4;
	s4 =	simm.s32 $0x0  }
0x309: {  	v0 =	vmov s3;
	[hbm4b:s13+s4] =	stream.linear.scatter [tilespmem:s23], [sflag:$0x5], $0x2800, $0x38;
	[tilespmem:$0x15280] =	vst v63  }
0x30a: {  	v1 =	vmov s0;
	_ =	swait.ge [sflag:s24], $0x2800  }
0x30b: {  	[sflag:s24] =	ssyncset.done $0x0  }
0x30c: {  	s2 =	sadd.s32 $0xA0, s2;
	v2 =	vmov s1;
	s13 =	simm.s32 $0x10680;
	[sflag:s24] =	ssyncadd.s32 $0xFFFFD800  }
.LBB2_11:
0x30d: {  	s14 =	sshra.s32 s4, $0x2  }
0x30e: {  	v3 =	vld.idx.msk [tilespmem:v0+s14+$0x0 ss:$0x1], $0xffff  }
0x30f: {  	v4 =	vld.idx.msk [tilespmem:v1+s14+$0x0 ss:$0x1], $0xffff;
	_ =	sdelay $0x2  }
0x310: {  	v5 =	vld.idx.msk [tilespmem:v2+s14+$0x0 ss:$0x1], $0xffff;
	_ =	sdelay $0x1  }
0x311: {  	v3 =	vmul.u32 $0x24, v3;
	v4 =	vmul.u32 $0x6, v4;
	_ =	sdelay $0x1  }
0x312: {  	v3 =	vadd.s32 v3, v4  }
0x313: {  	v3 =	vadd.s32 v5, v3  }
0x314: {  	v3 =	vshll.u32 v3, $0x9  }
0x315: {  	v3 =	vshra.s32 v3, $0x2  }
0x316: {  	(v2sf) =	vpush v3, $0x0;
	_ =	sdelay $0xe  }
0x317: {  	s15 =	spop (v2sf);
	(v2sf) =	vpush v3, $0x1  }
0x318: {  	v62 =	vld [tilespmem:s15+$0x9680]  }
0x319: {  	v63 =	vld [tilespmem:s15+$0x9690]  }
0x31a: {  	v6 =	vld [tilespmem:s15+$0x96A0]  }
0x31b: {  	v7 =	vld [tilespmem:s15+$0x96B0]  }
0x31c: {  	v8 =	vld [tilespmem:s15+$0x96C0]  }
0x31d: {  	v9 =	vld [tilespmem:s15+$0x96D0]  }
0x31e: {  	v10 =	vld [tilespmem:s15+$0x96E0]  }
0x31f: {  	v11 =	vld [tilespmem:s15+$0x96F0];
	[tilespmem:s13+$0xFFFFFC00] =	vst v62  }
0x320: {  	[tilespmem:s13+$0xFFFFFC10] =	vst v63  }
0x321: {  	[tilespmem:s13+$0xFFFFFC20] =	vst v6  }
0x322: {  	[tilespmem:s13+$0xFFFFFC30] =	vst v7  }
0x323: {  	[tilespmem:s13+$0xFFFFFC40] =	vst v8  }
0x324: {  	[tilespmem:s13+$0xFFFFFC50] =	vst v9  }
0x325: {  	[tilespmem:s13+$0xFFFFFC60] =	vst v10  }
0x326: {  	[tilespmem:s13+$0xFFFFFC70] =	vst v11;
	s15 =	spop (v2sf);
	(v2sf) =	vpush v3, $0x2  }
0x327: {  	v4 =	vld [tilespmem:s15+$0x9680]  }
0x328: {  	v5 =	vld [tilespmem:s15+$0x9690]  }
0x329: {  	v6 =	vld [tilespmem:s15+$0x96A0]  }
0x32a: {  	v7 =	vld [tilespmem:s15+$0x96B0]  }
0x32b: {  	v8 =	vld [tilespmem:s15+$0x96C0]  }
0x32c: {  	v9 =	vld [tilespmem:s15+$0x96D0]  }
0x32d: {  	v10 =	vld [tilespmem:s15+$0x96E0]  }
0x32e: {  	v11 =	vld [tilespmem:s15+$0x96F0];
	[tilespmem:s13+$0xFFFFFC80] =	vst v4  }
0x32f: {  	[tilespmem:s13+$0xFFFFFC90] =	vst v5  }
0x330: {  	[tilespmem:s13+$0xFFFFFCA0] =	vst v6  }
0x331: {  	[tilespmem:s13+$0xFFFFFCB0] =	vst v7  }
0x332: {  	[tilespmem:s13+$0xFFFFFCC0] =	vst v8  }
0x333: {  	[tilespmem:s13+$0xFFFFFCD0] =	vst v9  }
0x334: {  	[tilespmem:s13+$0xFFFFFCE0] =	vst v10  }
0x335: {  	[tilespmem:s13+$0xFFFFFCF0] =	vst v11;
	s15 =	spop (v2sf);
	(v2sf) =	vpush v3, $0x3  }
0x336: {  	v4 =	vld [tilespmem:s15+$0x9680]  }
0x337: {  	v5 =	vld [tilespmem:s15+$0x9690]  }
0x338: {  	v6 =	vld [tilespmem:s15+$0x96A0]  }
0x339: {  	v7 =	vld [tilespmem:s15+$0x96B0]  }
0x33a: {  	v8 =	vld [tilespmem:s15+$0x96C0]  }
0x33b: {  	v9 =	vld [tilespmem:s15+$0x96D0]  }
0x33c: {  	v10 =	vld [tilespmem:s15+$0x96E0]  }
0x33d: {  	v11 =	vld [tilespmem:s15+$0x96F0];
	[tilespmem:s13+$0xFFFFFD00] =	vst v4  }
0x33e: {  	[tilespmem:s13+$0xFFFFFD10] =	vst v5  }
0x33f: {  	[tilespmem:s13+$0xFFFFFD20] =	vst v6  }
0x340: {  	[tilespmem:s13+$0xFFFFFD30] =	vst v7  }
0x341: {  	[tilespmem:s13+$0xFFFFFD40] =	vst v8  }
0x342: {  	[tilespmem:s13+$0xFFFFFD50] =	vst v9  }
0x343: {  	[tilespmem:s13+$0xFFFFFD60] =	vst v10  }
0x344: {  	[tilespmem:s13+$0xFFFFFD70] =	vst v11;
	s15 =	spop (v2sf);
	(v2sf) =	vpush v3, $0x4  }
0x345: {  	v4 =	vld [tilespmem:s15+$0x9680]  }
0x346: {  	v5 =	vld [tilespmem:s15+$0x9690]  }
0x347: {  	v6 =	vld [tilespmem:s15+$0x96A0]  }
0x348: {  	v7 =	vld [tilespmem:s15+$0x96B0]  }
0x349: {  	v8 =	vld [tilespmem:s15+$0x96C0]  }
0x34a: {  	v9 =	vld [tilespmem:s15+$0x96D0]  }
0x34b: {  	v10 =	vld [tilespmem:s15+$0x96E0]  }
0x34c: {  	v11 =	vld [tilespmem:s15+$0x96F0];
	[tilespmem:s13+$0xFFFFFD80] =	vst v4  }
0x34d: {  	[tilespmem:s13+$0xFFFFFD90] =	vst v5  }
0x34e: {  	[tilespmem:s13+$0xFFFFFDA0] =	vst v6  }
0x34f: {  	[tilespmem:s13+$0xFFFFFDB0] =	vst v7  }
0x350: {  	[tilespmem:s13+$0xFFFFFDC0] =	vst v8  }
0x351: {  	[tilespmem:s13+$0xFFFFFDD0] =	vst v9  }
0x352: {  	[tilespmem:s13+$0xFFFFFDE0] =	vst v10  }
0x353: {  	[tilespmem:s13+$0xFFFFFDF0] =	vst v11;
	s15 =	spop (v2sf);
	(v2sf) =	vpush v3, $0x5  }
0x354: {  	v4 =	vld [tilespmem:s15+$0x9680]  }
0x355: {  	v5 =	vld [tilespmem:s15+$0x9690]  }
0x356: {  	v6 =	vld [tilespmem:s15+$0x96A0]  }
0x357: {  	v7 =	vld [tilespmem:s15+$0x96B0]  }
0x358: {  	v8 =	vld [tilespmem:s15+$0x96C0]  }
0x359: {  	v9 =	vld [tilespmem:s15+$0x96D0]  }
0x35a: {  	v10 =	vld [tilespmem:s15+$0x96E0]  }
0x35b: {  	v11 =	vld [tilespmem:s15+$0x96F0];
	[tilespmem:s13+$0xFFFFFE00] =	vst v4  }
0x35c: {  	[tilespmem:s13+$0xFFFFFE10] =	vst v5  }
0x35d: {  	[tilespmem:s13+$0xFFFFFE20] =	vst v6  }
0x35e: {  	[tilespmem:s13+$0xFFFFFE30] =	vst v7  }
0x35f: {  	[tilespmem:s13+$0xFFFFFE40] =	vst v8  }
0x360: {  	[tilespmem:s13+$0xFFFFFE50] =	vst v9  }
0x361: {  	[tilespmem:s13+$0xFFFFFE60] =	vst v10  }
0x362: {  	[tilespmem:s13+$0xFFFFFE70] =	vst v11;
	s15 =	spop (v2sf);
	(v2sf) =	vpush v3, $0x6  }
0x363: {  	v4 =	vld [tilespmem:s15+$0x9680]  }
0x364: {  	v5 =	vld [tilespmem:s15+$0x9690]  }
0x365: {  	v6 =	vld [tilespmem:s15+$0x96A0]  }
0x366: {  	v7 =	vld [tilespmem:s15+$0x96B0]  }
0x367: {  	v8 =	vld [tilespmem:s15+$0x96C0]  }
0x368: {  	v9 =	vld [tilespmem:s15+$0x96D0]  }
0x369: {  	v10 =	vld [tilespmem:s15+$0x96E0]  }
0x36a: {  	v11 =	vld [tilespmem:s15+$0x96F0];
	[tilespmem:s13+$0xFFFFFE80] =	vst v4  }
0x36b: {  	[tilespmem:s13+$0xFFFFFE90] =	vst v5  }
0x36c: {  	[tilespmem:s13+$0xFFFFFEA0] =	vst v6  }
0x36d: {  	[tilespmem:s13+$0xFFFFFEB0] =	vst v7  }
0x36e: {  	[tilespmem:s13+$0xFFFFFEC0] =	vst v8  }
0x36f: {  	[tilespmem:s13+$0xFFFFFED0] =	vst v9  }
0x370: {  	[tilespmem:s13+$0xFFFFFEE0] =	vst v10  }
0x371: {  	[tilespmem:s13+$0xFFFFFEF0] =	vst v11;
	s15 =	spop (v2sf);
	(v2sf) =	vpush v3, $0x7  }
0x372: {  	v4 =	vld [tilespmem:s15+$0x9680]  }
0x373: {  	v5 =	vld [tilespmem:s15+$0x9690]  }
0x374: {  	v6 =	vld [tilespmem:s15+$0x96A0]  }
0x375: {  	v7 =	vld [tilespmem:s15+$0x96B0]  }
0x376: {  	v8 =	vld [tilespmem:s15+$0x96C0]  }
0x377: {  	v9 =	vld [tilespmem:s15+$0x96D0]  }
0x378: {  	v10 =	vld [tilespmem:s15+$0x96E0]  }
0x379: {  	v11 =	vld [tilespmem:s15+$0x96F0];
	[tilespmem:s13+$0xFFFFFF00] =	vst v4  }
0x37a: {  	[tilespmem:s13+$0xFFFFFF10] =	vst v5  }
0x37b: {  	[tilespmem:s13+$0xFFFFFF20] =	vst v6  }
0x37c: {  	[tilespmem:s13+$0xFFFFFF30] =	vst v7  }
0x37d: {  	[tilespmem:s13+$0xFFFFFF40] =	vst v8  }
0x37e: {  	[tilespmem:s13+$0xFFFFFF50] =	vst v9  }
0x37f: {  	[tilespmem:s13+$0xFFFFFF60] =	vst v10  }
0x380: {  	[tilespmem:s13+$0xFFFFFF70] =	vst v11;
	s15 =	spop (v2sf);
	(v2sf) =	vpush v3, $0x8  }
0x381: {  	v4 =	vld [tilespmem:s15+$0x9680]  }
0x382: {  	v5 =	vld [tilespmem:s15+$0x9690]  }
0x383: {  	v6 =	vld [tilespmem:s15+$0x96A0]  }
0x384: {  	v7 =	vld [tilespmem:s15+$0x96B0]  }
0x385: {  	v8 =	vld [tilespmem:s15+$0x96C0]  }
0x386: {  	v9 =	vld [tilespmem:s15+$0x96D0]  }
0x387: {  	v10 =	vld [tilespmem:s15+$0x96E0]  }
0x388: {  	v11 =	vld [tilespmem:s15+$0x96F0];
	[tilespmem:s13+$0xFFFFFF80] =	vst v4  }
0x389: {  	[tilespmem:s13+$0xFFFFFF90] =	vst v5  }
0x38a: {  	[tilespmem:s13+$0xFFFFFFA0] =	vst v6  }
0x38b: {  	[tilespmem:s13+$0xFFFFFFB0] =	vst v7  }
0x38c: {  	[tilespmem:s13+$0xFFFFFFC0] =	vst v8  }
0x38d: {  	[tilespmem:s13+$0xFFFFFFD0] =	vst v9  }
0x38e: {  	[tilespmem:s13+$0xFFFFFFE0] =	vst v10  }
0x38f: {  	[tilespmem:s13+$0xFFFFFFF0] =	vst v11;
	s15 =	spop (v2sf);
	(v2sf) =	vpush v3, $0x9  }
0x390: {  	v4 =	vld [tilespmem:s15+$0x9680]  }
0x391: {  	v5 =	vld [tilespmem:s15+$0x9690]  }
0x392: {  	v6 =	vld [tilespmem:s15+$0x96A0]  }
0x393: {  	v7 =	vld [tilespmem:s15+$0x96B0]  }
0x394: {  	v8 =	vld [tilespmem:s15+$0x96C0]  }
0x395: {  	v9 =	vld [tilespmem:s15+$0x96D0]  }
0x396: {  	v10 =	vld [tilespmem:s15+$0x96E0]  }
0x397: {  	v11 =	vld [tilespmem:s15+$0x96F0];
	[tilespmem:s13+$0x0] =	vst v4  }
0x398: {  	[tilespmem:s13+$0x10] =	vst v5  }
0x399: {  	[tilespmem:s13+$0x20] =	vst v6  }
0x39a: {  	[tilespmem:s13+$0x30] =	vst v7  }
0x39b: {  	[tilespmem:s13+$0x40] =	vst v8  }
0x39c: {  	[tilespmem:s13+$0x50] =	vst v9  }
0x39d: {  	[tilespmem:s13+$0x60] =	vst v10  }
0x39e: {  	[tilespmem:s13+$0x70] =	vst v11;
	s15 =	spop (v2sf);
	(v2sf) =	vpush v3, $0xA  }
0x39f: {  	v4 =	vld [tilespmem:s15+$0x9680]  }
0x3a0: {  	v5 =	vld [tilespmem:s15+$0x9690]  }
0x3a1: {  	v6 =	vld [tilespmem:s15+$0x96A0]  }
0x3a2: {  	v7 =	vld [tilespmem:s15+$0x96B0]  }
0x3a3: {  	v8 =	vld [tilespmem:s15+$0x96C0]  }
0x3a4: {  	v9 =	vld [tilespmem:s15+$0x96D0]  }
0x3a5: {  	v10 =	vld [tilespmem:s15+$0x96E0]  }
0x3a6: {  	v11 =	vld [tilespmem:s15+$0x96F0];
	[tilespmem:s13+$0x80] =	vst v4  }
0x3a7: {  	[tilespmem:s13+$0x90] =	vst v5  }
0x3a8: {  	[tilespmem:s13+$0xA0] =	vst v6  }
0x3a9: {  	[tilespmem:s13+$0xB0] =	vst v7  }
0x3aa: {  	[tilespmem:s13+$0xC0] =	vst v8  }
0x3ab: {  	[tilespmem:s13+$0xD0] =	vst v9  }
0x3ac: {  	[tilespmem:s13+$0xE0] =	vst v10  }
0x3ad: {  	[tilespmem:s13+$0xF0] =	vst v11;
	s15 =	spop (v2sf);
	(v2sf) =	vpush v3, $0xB  }
0x3ae: {  	v4 =	vld [tilespmem:s15+$0x9680]  }
0x3af: {  	v5 =	vld [tilespmem:s15+$0x9690]  }
0x3b0: {  	v6 =	vld [tilespmem:s15+$0x96A0]  }
0x3b1: {  	v7 =	vld [tilespmem:s15+$0x96B0]  }
0x3b2: {  	v8 =	vld [tilespmem:s15+$0x96C0]  }
0x3b3: {  	v9 =	vld [tilespmem:s15+$0x96D0]  }
0x3b4: {  	v10 =	vld [tilespmem:s15+$0x96E0]  }
0x3b5: {  	v11 =	vld [tilespmem:s15+$0x96F0];
	[tilespmem:s13+$0x100] =	vst v4  }
0x3b6: {  	[tilespmem:s13+$0x110] =	vst v5  }
0x3b7: {  	[tilespmem:s13+$0x120] =	vst v6  }
0x3b8: {  	[tilespmem:s13+$0x130] =	vst v7  }
0x3b9: {  	[tilespmem:s13+$0x140] =	vst v8  }
0x3ba: {  	[tilespmem:s13+$0x150] =	vst v9  }
0x3bb: {  	[tilespmem:s13+$0x160] =	vst v10  }
0x3bc: {  	[tilespmem:s13+$0x170] =	vst v11;
	s15 =	spop (v2sf);
	(v2sf) =	vpush v3, $0xC  }
0x3bd: {  	v4 =	vld [tilespmem:s15+$0x9680]  }
0x3be: {  	v5 =	vld [tilespmem:s15+$0x9690]  }
0x3bf: {  	v6 =	vld [tilespmem:s15+$0x96A0]  }
0x3c0: {  	v7 =	vld [tilespmem:s15+$0x96B0]  }
0x3c1: {  	v8 =	vld [tilespmem:s15+$0x96C0]  }
0x3c2: {  	v9 =	vld [tilespmem:s15+$0x96D0]  }
0x3c3: {  	v10 =	vld [tilespmem:s15+$0x96E0]  }
0x3c4: {  	v11 =	vld [tilespmem:s15+$0x96F0];
	[tilespmem:s13+$0x180] =	vst v4  }
0x3c5: {  	[tilespmem:s13+$0x190] =	vst v5  }
0x3c6: {  	[tilespmem:s13+$0x1A0] =	vst v6  }
0x3c7: {  	[tilespmem:s13+$0x1B0] =	vst v7  }
0x3c8: {  	[tilespmem:s13+$0x1C0] =	vst v8  }
0x3c9: {  	[tilespmem:s13+$0x1D0] =	vst v9  }
0x3ca: {  	[tilespmem:s13+$0x1E0] =	vst v10  }
0x3cb: {  	[tilespmem:s13+$0x1F0] =	vst v11;
	s15 =	spop (v2sf);
	(v2sf) =	vpush v3, $0xD  }
0x3cc: {  	v4 =	vld [tilespmem:s15+$0x9680]  }
0x3cd: {  	v5 =	vld [tilespmem:s15+$0x9690]  }
0x3ce: {  	v6 =	vld [tilespmem:s15+$0x96A0]  }
0x3cf: {  	v7 =	vld [tilespmem:s15+$0x96B0]  }
0x3d0: {  	v8 =	vld [tilespmem:s15+$0x96C0]  }
0x3d1: {  	v9 =	vld [tilespmem:s15+$0x96D0]  }
0x3d2: {  	v10 =	vld [tilespmem:s15+$0x96E0]  }
0x3d3: {  	v11 =	vld [tilespmem:s15+$0x96F0];
	[tilespmem:s13+$0x200] =	vst v4  }
0x3d4: {  	[tilespmem:s13+$0x210] =	vst v5  }
0x3d5: {  	[tilespmem:s13+$0x220] =	vst v6  }
0x3d6: {  	[tilespmem:s13+$0x230] =	vst v7  }
0x3d7: {  	[tilespmem:s13+$0x240] =	vst v8  }
0x3d8: {  	[tilespmem:s13+$0x250] =	vst v9  }
0x3d9: {  	[tilespmem:s13+$0x260] =	vst v10  }
0x3da: {  	[tilespmem:s13+$0x270] =	vst v11;
	s15 =	spop (v2sf);
	(v2sf) =	vpush v3, $0xE  }
0x3db: {  	v4 =	vld [tilespmem:s15+$0x9680]  }
0x3dc: {  	v5 =	vld [tilespmem:s15+$0x9690]  }
0x3dd: {  	v6 =	vld [tilespmem:s15+$0x96A0]  }
0x3de: {  	v7 =	vld [tilespmem:s15+$0x96B0]  }
0x3df: {  	v8 =	vld [tilespmem:s15+$0x96C0]  }
0x3e0: {  	v9 =	vld [tilespmem:s15+$0x96D0]  }
0x3e1: {  	v10 =	vld [tilespmem:s15+$0x96E0]  }
0x3e2: {  	v11 =	vld [tilespmem:s15+$0x96F0];
	[tilespmem:s13+$0x280] =	vst v4  }
0x3e3: {  	[tilespmem:s13+$0x290] =	vst v5  }
0x3e4: {  	[tilespmem:s13+$0x2A0] =	vst v6  }
0x3e5: {  	[tilespmem:s13+$0x2B0] =	vst v7  }
0x3e6: {  	[tilespmem:s13+$0x2C0] =	vst v8  }
0x3e7: {  	[tilespmem:s13+$0x2D0] =	vst v9  }
0x3e8: {  	[tilespmem:s13+$0x2E0] =	vst v10  }
0x3e9: {  	[tilespmem:s13+$0x2F0] =	vst v11;
	s15 =	spop (v2sf);
	(v2sf) =	vpush v3, $0xF  }
0x3ea: {  	v4 =	vld [tilespmem:s15+$0x9680]  }
0x3eb: {  	v3 =	vld [tilespmem:s15+$0x9690]  }
0x3ec: {  	v5 =	vld [tilespmem:s15+$0x96A0]  }
0x3ed: {  	v6 =	vld [tilespmem:s15+$0x96B0]  }
0x3ee: {  	v7 =	vld [tilespmem:s15+$0x96C0]  }
0x3ef: {  	v8 =	vld [tilespmem:s15+$0x96D0]  }
0x3f0: {  	v9 =	vld [tilespmem:s15+$0x96E0]  }
0x3f1: {  	v10 =	vld [tilespmem:s15+$0x96F0];
	[tilespmem:s13+$0x300] =	vst v4  }
0x3f2: {  	[tilespmem:s13+$0x310] =	vst v3  }
0x3f3: {  	[tilespmem:s13+$0x320] =	vst v5  }
0x3f4: {  	[tilespmem:s13+$0x330] =	vst v6  }
0x3f5: {  	[tilespmem:s13+$0x340] =	vst v7  }
0x3f6: {  	[tilespmem:s13+$0x350] =	vst v8  }
0x3f7: {  	[tilespmem:s13+$0x360] =	vst v9  }
0x3f8: {  	[tilespmem:s13+$0x370] =	vst v10;
	s15 =	spop (v2sf)  }
0x3f9: {  	v3 =	vld [tilespmem:s15+$0x9680]  }
0x3fa: {  	v4 =	vld [tilespmem:s15+$0x9690]  }
0x3fb: {  	v5 =	vld [tilespmem:s15+$0x96A0]  }
0x3fc: {  	v6 =	vld [tilespmem:s15+$0x96B0]  }
0x3fd: {  	v7 =	vld [tilespmem:s15+$0x96C0]  }
0x3fe: {  	v8 =	vld [tilespmem:s15+$0x96D0]  }
0x3ff: {  	v9 =	vld [tilespmem:s15+$0x96E0]  }
0x400: {  	v10 =	vld [tilespmem:s15+$0x96F0];
	[tilespmem:s13+$0x380] =	vst v3  }
0x401: {  	[tilespmem:s13+$0x390] =	vst v4  }
0x402: {  	p0 =	sne.s32 s4, $0x100;
	[tilespmem:s13+$0x3A0] =	vst v5  }
.Ltmp4:
0x403: {  	[tilespmem:s13+$0x3B0] =	vst v6;
	(pc) =	sbr.rel @p0 .LBB2_11-.Ltmp4, $4  }
0x404: {  	[tilespmem:s13+$0x3C0] =	vst v7  }
0x405: {  	[tilespmem:s13+$0x3D0] =	vst v8  }
0x406: {  	[tilespmem:s13+$0x3E0] =	vst v9  }
0x407: {  	s4 =	sadd.s32 $0x40, s4;
	[tilespmem:s13+$0x3F0] =	vst v10;
	s13 =	sadd.s32 $0x800, s13  }
0x408: {  	s28 =	sadd.s32 $0x1, s28  }
0x409: {  	p0 =	sne.s32 s28, $0x3E  }
.Ltmp5:
0x40a: {  	_ = 	snop;
	(pc) =	sbr.rel @p0 .LBB2_8-.Ltmp5, $4  }
0x40b: {  	s2 =	sadd.s32 s7, s2;
	s29 =	sadd.s32 $0xA0, s29;
	s30 =	sadd.s32 $0xA0, s30  }
0x40c: {  	s31 =	sadd.s32 $0xA0, s31;
	s3 =	sadd.s32 $0xA0, s3;
	s2 =	sshll.u32 s2, $0x4  }
0x40d: {  	s0 =	sadd.s32 $0xA0, s0;
	s1 =	sadd.s32 $0xA0, s1;
	s2 =	sadd.s32 s5, s2  }
0x40e: {  	[hbm4b:s2+s6] =	stream.linear.scatter [tilespmem:s22], [sflag:$0x4], $0x2800, $0x38;
	[tilespmem:$0x15280] =	vst v63  }
0x40f: {  	s26 =	sadd.s32 $0x1, s26  }
0x410: {  	_ =	swait.ge [sflag:s25], $0x2800;
	p0 =	sne.s32 s26, s12  }
.Ltmp6:
0x411: {  	[sflag:s25] =	ssyncset.done $0x0;
	(pc) =	sbr.rel @p0 .LBB2_1-.Ltmp6, $4  }
0x412: {  	[sflag:s25] =	ssyncadd.s32 $0xFFFFD800  }
0x413: {  	_ =	swait.ge [sflag:s24], $0x2800  }
0x414: {  	[sflag:s24] =	ssyncset.done $0x0  }
0x415: {  	[sflag:s24] =	ssyncadd.s32 $0xFFFFD800  }
0x416: {  	_ =	sfence.sel $0x180000  }
0x417: {  	[bflag:$0x0] =	sbarrier.arrive $0xFFFF  }
0x418: {  	_ =	strace $0x90000047  }
0x419: {  	s0 =	stileid.u32;
	[bflag:$0x2] =	sbarrier.arrive $0xFFFF  }
0x41a: {  	p0 =	sne.s32 s0, $0x0;
	s0 =	rddreg [dreg:$0x5]  }
0x41b: {  	s0 =	sadd.s32 @!p0 $0x100000, s0  }
0x41c: {  	[sflag:s0] =	ssyncadd.tile.s32 @!p0 $0x1;
	_ =	shalt  }
.Lfunc_end2:
_tile_overlayer_lowered:
.L_overlay_start_2:
0x41d: {  	(tag) =	ssettag $0x2  }
0x41e: {  	s0 =	rddreg [dreg:$0x0];
	s2 =	stileid.u32  }
0x41f: {  	s1 =	rddreg [dreg:$0x1];
	p0 =	sne.s32 s2, $0x0  }
0x420: {  	s3 =	rddreg [dreg:$0x2];
	[bflag:$0x3] =	sbarrier.arrive $0xFFFF;
	s2 =	simm.s32 @!p0 $0x1C06  }
0x421: {  	[timem:s3], [sflag:s2] =	dma.local @!p0 [hbm:s0], s1  }
0x422: {  	s0 =	simm.s32 @!p0 $0x6  }
0x423: {  	_ =	swait.ge @!p0 [sflag:s0], s1  }
0x424: {  	s1 =	ssub.s32 @!p0 $0x0, s1;
	[sflag:s0] =	ssyncset.done @!p0 $0x0  }
0x425: {  	[sflag:s0] =	ssyncadd.s32 @!p0 s1  }
0x426: {  	[bflag:$0x3] =	sbarrier.arrive $0xFFFF  }
0x427: {  	_ =	shalt  }

</sc_bundles>
